<compile_context>
chip_gen: v7x
topology: tpu7x:2x2x1
jax: 0.10.2.dev20260603
libtpu: 0.0.44.dev20260713+nightly
codegen_flags: <defaults>
</compile_context>

<pallas_src>
import functools

import jax
import jax.numpy as jnp
from jax import lax
from jax.experimental import pallas as pl
from jax.experimental.pallas import tpu as pltpu
from jax.experimental.pallas import tpu_sc as plsc

NC = 2
NS = 16
NW = NC * NS
CHUNK = 128
IR = 6


def _deg_body(npad, nch, dst1_hbm, degp_hbm, dstc, xtra_v, ones_v, zero_v,
              *rest):
    isems = rest[:IR]
    deg_sh = rest[IR]
    c = lax.axis_index("c")
    s = lax.axis_index("s")
    wid = s * NC + c
    rpt = npad // NS
    base_e = wid * nch * CHUNK

    def idxload(j, u):
        pltpu.async_copy(dst1_hbm.at[pl.ds(base_e + j * CHUNK, CHUNK)],
                         dstc.at[u], isems[u])

    def wait_idx(u):
        pltpu.make_async_copy(dst1_hbm.at[pl.ds(0, CHUNK)], dstc.at[u],
                              isems[u]).wait()

    for i in range(rpt // 16):
        zero_v[pl.ds(i * 16, 16)] = jnp.zeros((16,), jnp.float32)
    pltpu.sync_copy(zero_v, deg_sh.at[pl.ds(s * rpt, rpt)])
    for i in range(CHUNK // 16):
        ones_v[pl.ds(i * 16, 16)] = jnp.ones((16,), jnp.float32)
    for u in range(IR):
        idxload(u, u)
    plsc.subcore_barrier()

    def body(t, _):
        base = t * IR
        for u in range(IR):
            wait_idx(u)
            pltpu.sync_copy(ones_v, deg_sh.at[dstc.at[u]], add=True)
            idxload(base + u + IR, u)
        return _

    lax.fori_loop(0, nch // IR - 1, body, 0)
    for u in range(IR):
        wait_idx(u)
        pltpu.sync_copy(ones_v, deg_sh.at[dstc.at[u]], add=True)

    @pl.when(s == 0)
    def _():
        for e in range(NXTRA):
            off = (NW * nch + NXTRA * c + e) * CHUNK
            pltpu.sync_copy(dst1_hbm.at[pl.ds(off, CHUNK)], xtra_v)
            pltpu.sync_copy(ones_v, deg_sh.at[xtra_v], add=True)

    plsc.subcore_barrier()
    pltpu.sync_copy(deg_sh.at[pl.ds(s * rpt, rpt)],
                    degp_hbm.at[c].at[pl.ds(s * rpt, rpt)])


NXTRA = 2
SCHUNK = 128
SNBUF = 2
SIR = 6
SXTRA = 2


def _scat_body(npad, nch, y_hbm, src1_hbm, dst1_hbm, outp_hbm, srcc, dstc,
               rows_v, *rest):
    gsems = rest[:SNBUF]
    ssems = rest[SNBUF:2 * SNBUF]
    isems = rest[2 * SNBUF:2 * SNBUF + SIR]
    accum_sh = rest[2 * SNBUF + SIR]
    c = lax.axis_index("c")
    s = lax.axis_index("s")
    wid = s * NC + c
    rpt = npad // NS
    base_e = wid * nch * SCHUNK

    pltpu.sync_copy(y_hbm.at[pl.ds(s * rpt, rpt)],
                    accum_sh.at[pl.ds(s * rpt, rpt)])
    plsc.subcore_barrier()

    def idxload(j, u):
        off = base_e + j * SCHUNK
        pltpu.async_copy(src1_hbm.at[pl.ds(off, SCHUNK)], srcc.at[u],
                         isems[u])
        pltpu.async_copy(dst1_hbm.at[pl.ds(off, SCHUNK)], dstc.at[u],
                         isems[u])

    def wait_idx(u):
        pltpu.make_async_copy(src1_hbm.at[pl.ds(0, SCHUNK)], srcc.at[u],
                              isems[u]).wait()
        pltpu.make_async_copy(dst1_hbm.at[pl.ds(0, SCHUNK)], dstc.at[u],
                              isems[u]).wait()

    def gather(u, b):
        pltpu.async_copy(y_hbm.at[srcc.at[u]], rows_v.at[b], gsems[b])

    def wait_gather(b):
        pltpu.make_async_copy(y_hbm.at[srcc.at[0]], rows_v.at[b],
                              gsems[b]).wait()

    def scat(u, b):
        pltpu.async_copy(rows_v.at[b], accum_sh.at[dstc.at[u]], ssems[b],
                         add=True)

    def wait_scat(b):
        pltpu.make_async_copy(rows_v.at[b], accum_sh.at[dstc.at[0]],
                              ssems[b]).wait()

    for u in range(SIR):
        idxload(u, u)
    for j in range(SNBUF):
        wait_idx(j)
        gather(j, j)

    def body(t, _):
        base = t * SIR
        for u in range(SIR):
            j = base + u
            b = u % SNBUF
            wait_gather(b)
            scat(u, b)
            wait_scat(b)
            idxload(j + SIR, u)
            wait_idx((u + SNBUF) % SIR)
            gather((u + SNBUF) % SIR, b)
        return _

    lax.fori_loop(0, nch // SIR - 1, body, 0)

    for u in range(SIR):
        b = u % SNBUF
        wait_gather(b)
        scat(u, b)
        wait_scat(b)
        if u + SNBUF < SIR:
            wait_idx(u + SNBUF)
            gather(u + SNBUF, b)

    @pl.when(s == 0)
    def _():
        for e in range(SXTRA):
            off = (NW * nch + SXTRA * c + e) * SCHUNK
            pltpu.sync_copy(src1_hbm.at[pl.ds(off, SCHUNK)], srcc.at[0])
            pltpu.sync_copy(dst1_hbm.at[pl.ds(off, SCHUNK)], dstc.at[0])
            pltpu.sync_copy(y_hbm.at[srcc.at[0]],
                            rows_v.at[0, pl.ds(0, SCHUNK)])
            pltpu.sync_copy(rows_v.at[0, pl.ds(0, SCHUNK)],
                            accum_sh.at[dstc.at[0]], add=True)

    plsc.subcore_barrier()
    pltpu.sync_copy(accum_sh.at[pl.ds(s * rpt, rpt)],
                    outp_hbm.at[c].at[pl.ds(s * rpt, rpt)])


def _split_body(ei_ref, src_ref, dst_ref):
    src_ref[...] = ei_ref[0]
    dst_ref[...] = ei_ref[1]


def _xw_body(x_ref, w_ref, xw_ref):
    xw_ref[...] = jnp.dot(x_ref[...], w_ref[...],
                          preferred_element_type=jnp.float32)


def _scale_body(xw_ref, degp_ref, y_ref, dinv_ref):
    deg = degp_ref[0] + degp_ref[1] + 1.0
    dinv = lax.rsqrt(deg)[:, None]
    y_ref[...] = xw_ref[...] * dinv
    dinv_ref[...] = dinv


def _fin_body(outp_ref, y_ref, dinv_ref, b_ref, out_ref):
    acc = outp_ref[0] + outp_ref[1] - y_ref[...]
    out_ref[...] = jnp.maximum(acc * dinv_ref[...] + b_ref[...], 0.0)


def kernel(x, edge_index, W, b):
    N, D = x.shape
    E = edge_index.shape[1]
    NPAD = ((N + NS * 16 - 1) // (NS * 16)) * (NS * 16)
    NPAD = max(NPAD, ((N + 127) // 128) * 128)
    NROWS = E // CHUNK
    nch = (NROWS // NW) // IR * IR
    assert NROWS - NW * nch == NC * NXTRA
    SROWS = E // SCHUNK
    nchs = (SROWS // NW) // SIR * SIR
    assert SROWS - NW * nchs == NC * SXTRA
    assert nchs // SIR >= 3

    ei32 = edge_index.astype(jnp.int32)
    EB = 32768
    src1, dst1 = pl.pallas_call(
        _split_body,
        grid=(-(-E // EB),),
        in_specs=[pl.BlockSpec((2, EB), lambda i: (0, i))],
        out_specs=[
            pl.BlockSpec((EB,), lambda i: (i,)),
            pl.BlockSpec((EB,), lambda i: (i,)),
        ],
        out_shape=[
            jax.ShapeDtypeStruct((E,), jnp.int32),
            jax.ShapeDtypeStruct((E,), jnp.int32),
        ],
    )(ei32)

    mesh = plsc.VectorSubcoreMesh(core_axis_name="c", subcore_axis_name="s",
                                  num_cores=NC, num_subcores=NS)

    degp = pl.kernel(
        functools.partial(_deg_body, NPAD, nch),
        out_type=jax.ShapeDtypeStruct((NC, NPAD), jnp.float32),
        mesh=mesh,
        scratch_types=[
            pltpu.VMEM((IR, CHUNK), jnp.int32),
            pltpu.VMEM((CHUNK,), jnp.int32),
            pltpu.VMEM((CHUNK,), jnp.float32),
            pltpu.VMEM((NPAD // NS,), jnp.float32),
        ] + [pltpu.SemaphoreType.DMA] * IR + [
            pltpu.VMEM_SHARED((NPAD,), jnp.float32),
        ],
    )(dst1)

    BR = NPAD // 8
    xw = pl.pallas_call(
        _xw_body,
        grid=(8,),
        in_specs=[
            pl.BlockSpec((BR, D), lambda i: (i, 0)),
            pl.BlockSpec((D, D), lambda i: (0, 0)),
        ],
        out_specs=pl.BlockSpec((BR, D), lambda i: (i, 0)),
        out_shape=jax.ShapeDtypeStruct((NPAD, D), jnp.float32),
    )(x, W)

    y_pad, dinv = pl.pallas_call(
        _scale_body,
        grid=(8,),
        in_specs=[
            pl.BlockSpec((BR, D), lambda i: (i, 0)),
            pl.BlockSpec((NC, BR), lambda i: (0, i)),
        ],
        out_specs=[
            pl.BlockSpec((BR, D), lambda i: (i, 0)),
            pl.BlockSpec((BR, 1), lambda i: (i, 0)),
        ],
        out_shape=[
            jax.ShapeDtypeStruct((NPAD, D), jnp.float32),
            jax.ShapeDtypeStruct((NPAD, 1), jnp.float32),
        ],
    )(xw, degp)

    outp = pl.kernel(
        functools.partial(_scat_body, NPAD, nchs),
        out_type=jax.ShapeDtypeStruct((NC, NPAD, D), jnp.float32),
        mesh=mesh,
        scratch_types=[
            pltpu.VMEM((SIR, SCHUNK), jnp.int32),
            pltpu.VMEM((SIR, SCHUNK), jnp.int32),
            pltpu.VMEM((SNBUF, SCHUNK, D), jnp.float32),
        ] + [pltpu.SemaphoreType.DMA] * (2 * SNBUF + SIR) + [
            pltpu.VMEM_SHARED((NPAD, D), jnp.float32),
        ],
    )(y_pad, src1, dst1)

    RB = 2000
    out = pl.pallas_call(
        _fin_body,
        grid=(N // RB,),
        in_specs=[
            pl.BlockSpec((NC, RB, D), lambda i: (0, i, 0)),
            pl.BlockSpec((RB, D), lambda i: (i, 0)),
            pl.BlockSpec((RB, 1), lambda i: (i, 0)),
            pl.BlockSpec((1, D), lambda i: (0, 0)),
        ],
        out_specs=pl.BlockSpec((RB, D), lambda i: (i, 0)),
        out_shape=jax.ShapeDtypeStruct((N, D), jnp.float32),
    )(outp, y_pad, dinv, b.reshape(1, D))
    return out

# --- scband reference (transcript-rebuilt; emitter-appended) ---
"""Pipeline reference for scband-gcnlayer-7000796693164 (READ-ONLY COPY).

The authoritative reference and input builder live on the scoring server;
editing this copy changes nothing except your own understanding.
"""

import jax, jax.numpy as jnp
import numpy as np

N_NODES = 10000
N_EDGES = 320000
D_IN = 128
D_OUT = 128

def setup_inputs(seed: int = 0) -> dict:
    key = jax.random.key(seed)
    k1, k2, k3, k4 = jax.random.split(key, 4)
    x = jax.random.normal(k1, (N_NODES, D_IN), dtype=jnp.float32)
    edge_index = jax.random.randint(k2, (2, N_EDGES), 0, N_NODES, dtype=jnp.int64)
    # GCNConv linear weight (in_dim, out_dim) and bias, glorot-ish init
    W = jax.random.normal(k3, (D_IN, D_OUT), dtype=jnp.float32) * (1.0 / np.sqrt(D_IN))
    b = jnp.zeros((D_OUT,), dtype=jnp.float32)
    return {"x": x, "edge_index": edge_index, "W": W, "b": b}

def reference(x, edge_index, W, b):
    # Faithful GCNConv (add self-loops, symmetric normalization) + bias + ReLU.
    # Dropout is identity in eval/inference.
    N = x.shape[0]
    src = edge_index[0]
    dst = edge_index[1]
    loop = jnp.arange(N, dtype=src.dtype)
    src = jnp.concatenate([src, loop])
    dst = jnp.concatenate([dst, loop])
    ew = jnp.ones((src.shape[0],), dtype=x.dtype)
    # degree on target nodes
    deg = jnp.zeros((N,), dtype=x.dtype).at[dst].add(ew)
    deg_inv_sqrt = jnp.where(deg > 0, jax.lax.rsqrt(jnp.maximum(deg, 1e-12)), 0.0)
    norm = deg_inv_sqrt[src] * ew * deg_inv_sqrt[dst]
    xw = x @ W
    msg = xw[src] * norm[:, None]
    out = jnp.zeros((N, W.shape[1]), dtype=x.dtype).at[dst].add(msg)
    out = out + b
    out = jax.nn.relu(out)
    return out

if __name__ == "__main__":
    import jax
    _d = setup_inputs()
    print(jax.jit(kernel)(*tuple(_d.values())))

</pallas_src>

<mosaic_0001>
#map = affine_map<(d0, d1) -> (0)>
#map1 = affine_map<(d0, d1) -> (0, 0)>
module attributes {stable_mosaic.version = 14 : i64} {
  func.func @_deg_body(%arg0: i32, %arg1: i32, %arg2: memref<320000xi32, #tpu.memory_space<hbm>>, %arg3: memref<2x10240xf32, #tpu.memory_space<hbm>>, %arg4: memref<6x128xi32, #tpu.memory_space<vmem>>, %arg5: memref<128xi32, #tpu.memory_space<vmem>>, %arg6: memref<128xf32, #tpu.memory_space<vmem>>, %arg7: memref<640xf32, #tpu.memory_space<vmem>>, %arg8: memref<!tpu.dma_semaphore, #tpu.memory_space<semaphore_mem>>, %arg9: memref<!tpu.dma_semaphore, #tpu.memory_space<semaphore_mem>>, %arg10: memref<!tpu.dma_semaphore, #tpu.memory_space<semaphore_mem>>, %arg11: memref<!tpu.dma_semaphore, #tpu.memory_space<semaphore_mem>>, %arg12: memref<!tpu.dma_semaphore, #tpu.memory_space<semaphore_mem>>, %arg13: memref<!tpu.dma_semaphore, #tpu.memory_space<semaphore_mem>>, %arg14: memref<10240xf32, #tpu.memory_space<vmem_shared>>) attributes {dimension_semantics = [#tpu.dimension_semantics<core_parallel>, #tpu.dimension_semantics<subcore_parallel>], iteration_bounds = array<i64: 2, 16>, scalar_prefetch = 0 : i64, scratch_operands = 11 : i64, tpu.core_type = #tpu.core_type<sc_vector_subcore>, window_params = [{transform_indices = #map}, {transform_indices = #map1}]} {
    %mul3A = arith.constant 2 : i32
    %mul3A_0 = arith.muli %arg1, %mul3A : i32
    %add3A = arith.addi %mul3A_0, %arg0 : i32
    %mul3A_1 = arith.constant 78 : i32
    %mul3A_2 = arith.muli %add3A, %mul3A_1 : i32
    %mul3A_3 = arith.constant 128 : i32
    %mul3A_4 = arith.muli %mul3A_2, %mul3A_3 : i32
    %broadcast_in_dim3A = arith.constant 0.000000e+00 : f32
    %broadcast_in_dim3A_5 = vector.broadcast %broadcast_in_dim3A : f32 to vector<16xf32>
    %swap3A = arith.constant 0 : index
    %swap3A_6 = tpu.vector_load %arg7[%swap3A] {strides = array<i32>} : memref<640xf32, #tpu.memory_space<vmem>>, vector<16xf32>,
    %swap3A_7 = vector.shape_cast %swap3A_6 : vector<16xf32> to vector<16xf32>
    %swap3A_8 = vector.shape_cast %broadcast_in_dim3A_5 : vector<16xf32> to vector<16xf32>
    tpu.vector_store %arg7[%swap3A], %swap3A_8 {strides = array<i32>} : memref<640xf32, #tpu.memory_space<vmem>>, vector<16xf32>,
    %broadcast_in_dim3A_9 = arith.constant 0.000000e+00 : f32
    %broadcast_in_dim3A_10 = vector.broadcast %broadcast_in_dim3A_9 : f32 to vector<16xf32>
    %swap3A_11 = arith.constant 16 : index
    %swap3A_12 = tpu.vector_load %arg7[%swap3A_11] {strides = array<i32>} : memref<640xf32, #tpu.memory_space<vmem>>, vector<16xf32>,
    %swap3A_13 = vector.shape_cast %swap3A_12 : vector<16xf32> to vector<16xf32>
    %swap3A_14 = vector.shape_cast %broadcast_in_dim3A_10 : vector<16xf32> to vector<16xf32>
    tpu.vector_store %arg7[%swap3A_11], %swap3A_14 {strides = array<i32>} : memref<640xf32, #tpu.memory_space<vmem>>, vector<16xf32>,
    %broadcast_in_dim3A_15 = arith.constant 0.000000e+00 : f32
    %broadcast_in_dim3A_16 = vector.broadcast %broadcast_in_dim3A_15 : f32 to vector<16xf32>
    %swap3A_17 = arith.constant 32 : index
    %swap3A_18 = tpu.vector_load %arg7[%swap3A_17] {strides = array<i32>} : memref<640xf32, #tpu.memory_space<vmem>>, vector<16xf32>,
    %swap3A_19 = vector.shape_cast %swap3A_18 : vector<16xf32> to vector<16xf32>
    %swap3A_20 = vector.shape_cast %broadcast_in_dim3A_16 : vector<16xf32> to vector<16xf32>
    tpu.vector_store %arg7[%swap3A_17], %swap3A_20 {strides = array<i32>} : memref<640xf32, #tpu.memory_space<vmem>>, vector<16xf32>,
    %broadcast_in_dim3A_21 = arith.constant 0.000000e+00 : f32
    %broadcast_in_dim3A_22 = vector.broadcast %broadcast_in_dim3A_21 : f32 to vector<16xf32>
    %swap3A_23 = arith.constant 48 : index
    %swap3A_24 = tpu.vector_load %arg7[%swap3A_23] {strides = array<i32>} : memref<640xf32, #tpu.memory_space<vmem>>, vector<16xf32>,
    %swap3A_25 = vector.shape_cast %swap3A_24 : vector<16xf32> to vector<16xf32>
    %swap3A_26 = vector.shape_cast %broadcast_in_dim3A_22 : vector<16xf32> to vector<16xf32>
    tpu.vector_store %arg7[%swap3A_23], %swap3A_26 {strides = array<i32>} : memref<640xf32, #tpu.memory_space<vmem>>, vector<16xf32>,
    %broadcast_in_dim3A_27 = arith.constant 0.000000e+00 : f32
    %broadcast_in_dim3A_28 = vector.broadcast %broadcast_in_dim3A_27 : f32 to vector<16xf32>
    %swap3A_29 = arith.constant 64 : index
    %swap3A_30 = tpu.vector_load %arg7[%swap3A_29] {strides = array<i32>} : memref<640xf32, #tpu.memory_space<vmem>>, vector<16xf32>,
    %swap3A_31 = vector.shape_cast %swap3A_30 : vector<16xf32> to vector<16xf32>
    %swap3A_32 = vector.shape_cast %broadcast_in_dim3A_28 : vector<16xf32> to vector<16xf32>
    tpu.vector_store %arg7[%swap3A_29], %swap3A_32 {strides = array<i32>} : memref<640xf32, #tpu.memory_space<vmem>>, vector<16xf32>,
    %broadcast_in_dim3A_33 = arith.constant 0.000000e+00 : f32
    %broadcast_in_dim3A_34 = vector.broadcast %broadcast_in_dim3A_33 : f32 to vector<16xf32>
    %swap3A_35 = arith.constant 80 : index
    %swap3A_36 = tpu.vector_load %arg7[%swap3A_35] {strides = array<i32>} : memref<640xf32, #tpu.memory_space<vmem>>, vector<16xf32>,
    %swap3A_37 = vector.shape_cast %swap3A_36 : vector<16xf32> to vector<16xf32>
    %swap3A_38 = vector.shape_cast %broadcast_in_dim3A_34 : vector<16xf32> to vector<16xf32>
    tpu.vector_store %arg7[%swap3A_35], %swap3A_38 {strides = array<i32>} : memref<640xf32, #tpu.memory_space<vmem>>, vector<16xf32>,
    %broadcast_in_dim3A_39 = arith.constant 0.000000e+00 : f32
    %broadcast_in_dim3A_40 = vector.broadcast %broadcast_in_dim3A_39 : f32 to vector<16xf32>
    %swap3A_41 = arith.constant 96 : index
    %swap3A_42 = tpu.vector_load %arg7[%swap3A_41] {strides = array<i32>} : memref<640xf32, #tpu.memory_space<vmem>>, vector<16xf32>,
    %swap3A_43 = vector.shape_cast %swap3A_42 : vector<16xf32> to vector<16xf32>
    %swap3A_44 = vector.shape_cast %broadcast_in_dim3A_40 : vector<16xf32> to vector<16xf32>
    tpu.vector_store %arg7[%swap3A_41], %swap3A_44 {strides = array<i32>} : memref<640xf32, #tpu.memory_space<vmem>>, vector<16xf32>,
    %broadcast_in_dim3A_45 = arith.constant 0.000000e+00 : f32
    %broadcast_in_dim3A_46 = vector.broadcast %broadcast_in_dim3A_45 : f32 to vector<16xf32>
    %swap3A_47 = arith.constant 112 : index
    %swap3A_48 = tpu.vector_load %arg7[%swap3A_47] {strides = array<i32>} : memref<640xf32, #tpu.memory_space<vmem>>, vector<16xf32>,
    %swap3A_49 = vector.shape_cast %swap3A_48 : vector<16xf32> to vector<16xf32>
    %swap3A_50 = vector.shape_cast %broadcast_in_dim3A_46 : vector<16xf32> to vector<16xf32>
    tpu.vector_store %arg7[%swap3A_47], %swap3A_50 {strides = array<i32>} : memref<640xf32, #tpu.memory_space<vmem>>, vector<16xf32>,
    %broadcast_in_dim3A_51 = arith.constant 0.000000e+00 : f32
    %broadcast_in_dim3A_52 = vector.broadcast %broadcast_in_dim3A_51 : f32 to vector<16xf32>
    %swap3A_53 = arith.constant 128 : index
    %swap3A_54 = tpu.vector_load %arg7[%swap3A_53] {strides = array<i32>} : memref<640xf32, #tpu.memory_space<vmem>>, vector<16xf32>,
    %swap3A_55 = vector.shape_cast %swap3A_54 : vector<16xf32> to vector<16xf32>
    %swap3A_56 = vector.shape_cast %broadcast_in_dim3A_52 : vector<16xf32> to vector<16xf32>
    tpu.vector_store %arg7[%swap3A_53], %swap3A_56 {strides = array<i32>} : memref<640xf32, #tpu.memory_space<vmem>>, vector<16xf32>,
    %broadcast_in_dim3A_57 = arith.constant 0.000000e+00 : f32
    %broadcast_in_dim3A_58 = vector.broadcast %broadcast_in_dim3A_57 : f32 to vector<16xf32>
    %swap3A_59 = arith.constant 144 : index
    %swap3A_60 = tpu.vector_load %arg7[%swap3A_59] {strides = array<i32>} : memref<640xf32, #tpu.memory_space<vmem>>, vector<16xf32>,
    %swap3A_61 = vector.shape_cast %swap3A_60 : vector<16xf32> to vector<16xf32>
    %swap3A_62 = vector.shape_cast %broadcast_in_dim3A_58 : vector<16xf32> to vector<16xf32>
    tpu.vector_store %arg7[%swap3A_59], %swap3A_62 {strides = array<i32>} : memref<640xf32, #tpu.memory_space<vmem>>, vector<16xf32>,
    %broadcast_in_dim3A_63 = arith.constant 0.000000e+00 : f32
    %broadcast_in_dim3A_64 = vector.broadcast %broadcast_in_dim3A_63 : f32 to vector<16xf32>
    %swap3A_65 = arith.constant 160 : index
    %swap3A_66 = tpu.vector_load %arg7[%swap3A_65] {strides = array<i32>} : memref<640xf32, #tpu.memory_space<vmem>>, vector<16xf32>,
    %swap3A_67 = vector.shape_cast %swap3A_66 : vector<16xf32> to vector<16xf32>
    %swap3A_68 = vector.shape_cast %broadcast_in_dim3A_64 : vector<16xf32> to vector<16xf32>
    tpu.vector_store %arg7[%swap3A_65], %swap3A_68 {strides = array<i32>} : memref<640xf32, #tpu.memory_space<vmem>>, vector<16xf32>,
    %broadcast_in_dim3A_69 = arith.constant 0.000000e+00 : f32
    %broadcast_in_dim3A_70 = vector.broadcast %broadcast_in_dim3A_69 : f32 to vector<16xf32>
    %swap3A_71 = arith.constant 176 : index
    %swap3A_72 = tpu.vector_load %arg7[%swap3A_71] {strides = array<i32>} : memref<640xf32, #tpu.memory_space<vmem>>, vector<16xf32>,
    %swap3A_73 = vector.shape_cast %swap3A_72 : vector<16xf32> to vector<16xf32>
    %swap3A_74 = vector.shape_cast %broadcast_in_dim3A_70 : vector<16xf32> to vector<16xf32>
    tpu.vector_store %arg7[%swap3A_71], %swap3A_74 {strides = array<i32>} : memref<640xf32, #tpu.memory_space<vmem>>, vector<16xf32>,
    %broadcast_in_dim3A_75 = arith.constant 0.000000e+00 : f32
    %broadcast_in_dim3A_76 = vector.broadcast %broadcast_in_dim3A_75 : f32 to vector<16xf32>
    %swap3A_77 = arith.constant 192 : index
    %swap3A_78 = tpu.vector_load %arg7[%swap3A_77] {strides = array<i32>} : memref<640xf32, #tpu.memory_space<vmem>>, vector<16xf32>,
    %swap3A_79 = vector.shape_cast %swap3A_78 : vector<16xf32> to vector<16xf32>
    %swap3A_80 = vector.shape_cast %broadcast_in_dim3A_76 : vector<16xf32> to vector<16xf32>
    tpu.vector_store %arg7[%swap3A_77], %swap3A_80 {strides = array<i32>} : memref<640xf32, #tpu.memory_space<vmem>>, vector<16xf32>,
    %broadcast_in_dim3A_81 = arith.constant 0.000000e+00 : f32
    %broadcast_in_dim3A_82 = vector.broadcast %broadcast_in_dim3A_81 : f32 to vector<16xf32>
    %swap3A_83 = arith.constant 208 : index
    %swap3A_84 = tpu.vector_load %arg7[%swap3A_83] {strides = array<i32>} : memref<640xf32, #tpu.memory_space<vmem>>, vector<16xf32>,
    %swap3A_85 = vector.shape_cast %swap3A_84 : vector<16xf32> to vector<16xf32>
    %swap3A_86 = vector.shape_cast %broadcast_in_dim3A_82 : vector<16xf32> to vector<16xf32>
    tpu.vector_store %arg7[%swap3A_83], %swap3A_86 {strides = array<i32>} : memref<640xf32, #tpu.memory_space<vmem>>, vector<16xf32>,
    %broadcast_in_dim3A_87 = arith.constant 0.000000e+00 : f32
    %broadcast_in_dim3A_88 = vector.broadcast %broadcast_in_dim3A_87 : f32 to vector<16xf32>
    %swap3A_89 = arith.constant 224 : index
    %swap3A_90 = tpu.vector_load %arg7[%swap3A_89] {strides = array<i32>} : memref<640xf32, #tpu.memory_space<vmem>>, vector<16xf32>,
    %swap3A_91 = vector.shape_cast %swap3A_90 : vector<16xf32> to vector<16xf32>
    %swap3A_92 = vector.shape_cast %broadcast_in_dim3A_88 : vector<16xf32> to vector<16xf32>
    tpu.vector_store %arg7[%swap3A_89], %swap3A_92 {strides = array<i32>} : memref<640xf32, #tpu.memory_space<vmem>>, vector<16xf32>,
    %broadcast_in_dim3A_93 = arith.constant 0.000000e+00 : f32
    %broadcast_in_dim3A_94 = vector.broadcast %broadcast_in_dim3A_93 : f32 to vector<16xf32>
    %swap3A_95 = arith.constant 240 : index
    %swap3A_96 = tpu.vector_load %arg7[%swap3A_95] {strides = array<i32>} : memref<640xf32, #tpu.memory_space<vmem>>, vector<16xf32>,
    %swap3A_97 = vector.shape_cast %swap3A_96 : vector<16xf32> to vector<16xf32>
    %swap3A_98 = vector.shape_cast %broadcast_in_dim3A_94 : vector<16xf32> to vector<16xf32>
    tpu.vector_store %arg7[%swap3A_95], %swap3A_98 {strides = array<i32>} : memref<640xf32, #tpu.memory_space<vmem>>, vector<16xf32>,
    %broadcast_in_dim3A_99 = arith.constant 0.000000e+00 : f32
    %broadcast_in_dim3A_100 = vector.broadcast %broadcast_in_dim3A_99 : f32 to vector<16xf32>
    %swap3A_101 = arith.constant 256 : index
    %swap3A_102 = tpu.vector_load %arg7[%swap3A_101] {strides = array<i32>} : memref<640xf32, #tpu.memory_space<vmem>>, vector<16xf32>,
    %swap3A_103 = vector.shape_cast %swap3A_102 : vector<16xf32> to vector<16xf32>
    %swap3A_104 = vector.shape_cast %broadcast_in_dim3A_100 : vector<16xf32> to vector<16xf32>
    tpu.vector_store %arg7[%swap3A_101], %swap3A_104 {strides = array<i32>} : memref<640xf32, #tpu.memory_space<vmem>>, vector<16xf32>,
    %broadcast_in_dim3A_105 = arith.constant 0.000000e+00 : f32
    %broadcast_in_dim3A_106 = vector.broadcast %broadcast_in_dim3A_105 : f32 to vector<16xf32>
    %swap3A_107 = arith.constant 272 : index
    %swap3A_108 = tpu.vector_load %arg7[%swap3A_107] {strides = array<i32>} : memref<640xf32, #tpu.memory_space<vmem>>, vector<16xf32>,
    %swap3A_109 = vector.shape_cast %swap3A_108 : vector<16xf32> to vector<16xf32>
    %swap3A_110 = vector.shape_cast %broadcast_in_dim3A_106 : vector<16xf32> to vector<16xf32>
    tpu.vector_store %arg7[%swap3A_107], %swap3A_110 {strides = array<i32>} : memref<640xf32, #tpu.memory_space<vmem>>, vector<16xf32>,
    %broadcast_in_dim3A_111 = arith.constant 0.000000e+00 : f32
    %broadcast_in_dim3A_112 = vector.broadcast %broadcast_in_dim3A_111 : f32 to vector<16xf32>
    %swap3A_113 = arith.constant 288 : index
    %swap3A_114 = tpu.vector_load %arg7[%swap3A_113] {strides = array<i32>} : memref<640xf32, #tpu.memory_space<vmem>>, vector<16xf32>,
    %swap3A_115 = vector.shape_cast %swap3A_114 : vector<16xf32> to vector<16xf32>
    %swap3A_116 = vector.shape_cast %broadcast_in_dim3A_112 : vector<16xf32> to vector<16xf32>
    tpu.vector_store %arg7[%swap3A_113], %swap3A_116 {strides = array<i32>} : memref<640xf32, #tpu.memory_space<vmem>>, vector<16xf32>,
    %broadcast_in_dim3A_117 = arith.constant 0.000000e+00 : f32
    %broadcast_in_dim3A_118 = vector.broadcast %broadcast_in_dim3A_117 : f32 to vector<16xf32>
    %swap3A_119 = arith.constant 304 : index
    %swap3A_120 = tpu.vector_load %arg7[%swap3A_119] {strides = array<i32>} : memref<640xf32, #tpu.memory_space<vmem>>, vector<16xf32>,
    %swap3A_121 = vector.shape_cast %swap3A_120 : vector<16xf32> to vector<16xf32>
    %swap3A_122 = vector.shape_cast %broadcast_in_dim3A_118 : vector<16xf32> to vector<16xf32>
    tpu.vector_store %arg7[%swap3A_119], %swap3A_122 {strides = array<i32>} : memref<640xf32, #tpu.memory_space<vmem>>, vector<16xf32>,
    %broadcast_in_dim3A_123 = arith.constant 0.000000e+00 : f32
    %broadcast_in_dim3A_124 = vector.broadcast %broadcast_in_dim3A_123 : f32 to vector<16xf32>
    %swap3A_125 = arith.constant 320 : index
    %swap3A_126 = tpu.vector_load %arg7[%swap3A_125] {strides = array<i32>} : memref<640xf32, #tpu.memory_space<vmem>>, vector<16xf32>,
    %swap3A_127 = vector.shape_cast %swap3A_126 : vector<16xf32> to vector<16xf32>
    %swap3A_128 = vector.shape_cast %broadcast_in_dim3A_124 : vector<16xf32> to vector<16xf32>
    tpu.vector_store %arg7[%swap3A_125], %swap3A_128 {strides = array<i32>} : memref<640xf32, #tpu.memory_space<vmem>>, vector<16xf32>,
    %broadcast_in_dim3A_129 = arith.constant 0.000000e+00 : f32
    %broadcast_in_dim3A_130 = vector.broadcast %broadcast_in_dim3A_129 : f32 to vector<16xf32>
    %swap3A_131 = arith.constant 336 : index
    %swap3A_132 = tpu.vector_load %arg7[%swap3A_131] {strides = array<i32>} : memref<640xf32, #tpu.memory_space<vmem>>, vector<16xf32>,
    %swap3A_133 = vector.shape_cast %swap3A_132 : vector<16xf32> to vector<16xf32>
    %swap3A_134 = vector.shape_cast %broadcast_in_dim3A_130 : vector<16xf32> to vector<16xf32>
    tpu.vector_store %arg7[%swap3A_131], %swap3A_134 {strides = array<i32>} : memref<640xf32, #tpu.memory_space<vmem>>, vector<16xf32>,
    %broadcast_in_dim3A_135 = arith.constant 0.000000e+00 : f32
    %broadcast_in_dim3A_136 = vector.broadcast %broadcast_in_dim3A_135 : f32 to vector<16xf32>
    %swap3A_137 = arith.constant 352 : index
    %swap3A_138 = tpu.vector_load %arg7[%swap3A_137] {strides = array<i32>} : memref<640xf32, #tpu.memory_space<vmem>>, vector<16xf32>,
    %swap3A_139 = vector.shape_cast %swap3A_138 : vector<16xf32> to vector<16xf32>
    %swap3A_140 = vector.shape_cast %broadcast_in_dim3A_136 : vector<16xf32> to vector<16xf32>
    tpu.vector_store %arg7[%swap3A_137], %swap3A_140 {strides = array<i32>} : memref<640xf32, #tpu.memory_space<vmem>>, vector<16xf32>,
    %broadcast_in_dim3A_141 = arith.constant 0.000000e+00 : f32
    %broadcast_in_dim3A_142 = vector.broadcast %broadcast_in_dim3A_141 : f32 to vector<16xf32>
    %swap3A_143 = arith.constant 368 : index
    %swap3A_144 = tpu.vector_load %arg7[%swap3A_143] {strides = array<i32>} : memref<640xf32, #tpu.memory_space<vmem>>, vector<16xf32>,
    %swap3A_145 = vector.shape_cast %swap3A_144 : vector<16xf32> to vector<16xf32>
    %swap3A_146 = vector.shape_cast %broadcast_in_dim3A_142 : vector<16xf32> to vector<16xf32>
    tpu.vector_store %arg7[%swap3A_143], %swap3A_146 {strides = array<i32>} : memref<640xf32, #tpu.memory_space<vmem>>, vector<16xf32>,
    %broadcast_in_dim3A_147 = arith.constant 0.000000e+00 : f32
    %broadcast_in_dim3A_148 = vector.broadcast %broadcast_in_dim3A_147 : f32 to vector<16xf32>
    %swap3A_149 = arith.constant 384 : index
    %swap3A_150 = tpu.vector_load %arg7[%swap3A_149] {strides = array<i32>} : memref<640xf32, #tpu.memory_space<vmem>>, vector<16xf32>,
    %swap3A_151 = vector.shape_cast %swap3A_150 : vector<16xf32> to vector<16xf32>
    %swap3A_152 = vector.shape_cast %broadcast_in_dim3A_148 : vector<16xf32> to vector<16xf32>
    tpu.vector_store %arg7[%swap3A_149], %swap3A_152 {strides = array<i32>} : memref<640xf32, #tpu.memory_space<vmem>>, vector<16xf32>,
    %broadcast_in_dim3A_153 = arith.constant 0.000000e+00 : f32
    %broadcast_in_dim3A_154 = vector.broadcast %broadcast_in_dim3A_153 : f32 to vector<16xf32>
    %swap3A_155 = arith.constant 400 : index
    %swap3A_156 = tpu.vector_load %arg7[%swap3A_155] {strides = array<i32>} : memref<640xf32, #tpu.memory_space<vmem>>, vector<16xf32>,
    %swap3A_157 = vector.shape_cast %swap3A_156 : vector<16xf32> to vector<16xf32>
    %swap3A_158 = vector.shape_cast %broadcast_in_dim3A_154 : vector<16xf32> to vector<16xf32>
    tpu.vector_store %arg7[%swap3A_155], %swap3A_158 {strides = array<i32>} : memref<640xf32, #tpu.memory_space<vmem>>, vector<16xf32>,
    %broadcast_in_dim3A_159 = arith.constant 0.000000e+00 : f32
    %broadcast_in_dim3A_160 = vector.broadcast %broadcast_in_dim3A_159 : f32 to vector<16xf32>
    %swap3A_161 = arith.constant 416 : index
    %swap3A_162 = tpu.vector_load %arg7[%swap3A_161] {strides = array<i32>} : memref<640xf32, #tpu.memory_space<vmem>>, vector<16xf32>,
    %swap3A_163 = vector.shape_cast %swap3A_162 : vector<16xf32> to vector<16xf32>
    %swap3A_164 = vector.shape_cast %broadcast_in_dim3A_160 : vector<16xf32> to vector<16xf32>
    tpu.vector_store %arg7[%swap3A_161], %swap3A_164 {strides = array<i32>} : memref<640xf32, #tpu.memory_space<vmem>>, vector<16xf32>,
    %broadcast_in_dim3A_165 = arith.constant 0.000000e+00 : f32
    %broadcast_in_dim3A_166 = vector.broadcast %broadcast_in_dim3A_165 : f32 to vector<16xf32>
    %swap3A_167 = arith.constant 432 : index
    %swap3A_168 = tpu.vector_load %arg7[%swap3A_167] {strides = array<i32>} : memref<640xf32, #tpu.memory_space<vmem>>, vector<16xf32>,
    %swap3A_169 = vector.shape_cast %swap3A_168 : vector<16xf32> to vector<16xf32>
    %swap3A_170 = vector.shape_cast %broadcast_in_dim3A_166 : vector<16xf32> to vector<16xf32>
    tpu.vector_store %arg7[%swap3A_167], %swap3A_170 {strides = array<i32>} : memref<640xf32, #tpu.memory_space<vmem>>, vector<16xf32>,
    %broadcast_in_dim3A_171 = arith.constant 0.000000e+00 : f32
    %broadcast_in_dim3A_172 = vector.broadcast %broadcast_in_dim3A_171 : f32 to vector<16xf32>
    %swap3A_173 = arith.constant 448 : index
    %swap3A_174 = tpu.vector_load %arg7[%swap3A_173] {strides = array<i32>} : memref<640xf32, #tpu.memory_space<vmem>>, vector<16xf32>,
    %swap3A_175 = vector.shape_cast %swap3A_174 : vector<16xf32> to vector<16xf32>
    %swap3A_176 = vector.shape_cast %broadcast_in_dim3A_172 : vector<16xf32> to vector<16xf32>
    tpu.vector_store %arg7[%swap3A_173], %swap3A_176 {strides = array<i32>} : memref<640xf32, #tpu.memory_space<vmem>>, vector<16xf32>,
    %broadcast_in_dim3A_177 = arith.constant 0.000000e+00 : f32
    %broadcast_in_dim3A_178 = vector.broadcast %broadcast_in_dim3A_177 : f32 to vector<16xf32>
    %swap3A_179 = arith.constant 464 : index
    %swap3A_180 = tpu.vector_load %arg7[%swap3A_179] {strides = array<i32>} : memref<640xf32, #tpu.memory_space<vmem>>, vector<16xf32>,
    %swap3A_181 = vector.shape_cast %swap3A_180 : vector<16xf32> to vector<16xf32>
    %swap3A_182 = vector.shape_cast %broadcast_in_dim3A_178 : vector<16xf32> to vector<16xf32>
    tpu.vector_store %arg7[%swap3A_179], %swap3A_182 {strides = array<i32>} : memref<640xf32, #tpu.memory_space<vmem>>, vector<16xf32>,
    %broadcast_in_dim3A_183 = arith.constant 0.000000e+00 : f32
    %broadcast_in_dim3A_184 = vector.broadcast %broadcast_in_dim3A_183 : f32 to vector<16xf32>
    %swap3A_185 = arith.constant 480 : index
    %swap3A_186 = tpu.vector_load %arg7[%swap3A_185] {strides = array<i32>} : memref<640xf32, #tpu.memory_space<vmem>>, vector<16xf32>,
    %swap3A_187 = vector.shape_cast %swap3A_186 : vector<16xf32> to vector<16xf32>
    %swap3A_188 = vector.shape_cast %broadcast_in_dim3A_184 : vector<16xf32> to vector<16xf32>
    tpu.vector_store %arg7[%swap3A_185], %swap3A_188 {strides = array<i32>} : memref<640xf32, #tpu.memory_space<vmem>>, vector<16xf32>,
    %broadcast_in_dim3A_189 = arith.constant 0.000000e+00 : f32
    %broadcast_in_dim3A_190 = vector.broadcast %broadcast_in_dim3A_189 : f32 to vector<16xf32>
    %swap3A_191 = arith.constant 496 : index
    %swap3A_192 = tpu.vector_load %arg7[%swap3A_191] {strides = array<i32>} : memref<640xf32, #tpu.memory_space<vmem>>, vector<16xf32>,
    %swap3A_193 = vector.shape_cast %swap3A_192 : vector<16xf32> to vector<16xf32>
    %swap3A_194 = vector.shape_cast %broadcast_in_dim3A_190 : vector<16xf32> to vector<16xf32>
    tpu.vector_store %arg7[%swap3A_191], %swap3A_194 {strides = array<i32>} : memref<640xf32, #tpu.memory_space<vmem>>, vector<16xf32>,
    %broadcast_in_dim3A_195 = arith.constant 0.000000e+00 : f32
    %broadcast_in_dim3A_196 = vector.broadcast %broadcast_in_dim3A_195 : f32 to vector<16xf32>
    %swap3A_197 = arith.constant 512 : index
    %swap3A_198 = tpu.vector_load %arg7[%swap3A_197] {strides = array<i32>} : memref<640xf32, #tpu.memory_space<vmem>>, vector<16xf32>,
    %swap3A_199 = vector.shape_cast %swap3A_198 : vector<16xf32> to vector<16xf32>
    %swap3A_200 = vector.shape_cast %broadcast_in_dim3A_196 : vector<16xf32> to vector<16xf32>
    tpu.vector_store %arg7[%swap3A_197], %swap3A_200 {strides = array<i32>} : memref<640xf32, #tpu.memory_space<vmem>>, vector<16xf32>,
    %broadcast_in_dim3A_201 = arith.constant 0.000000e+00 : f32
    %broadcast_in_dim3A_202 = vector.broadcast %broadcast_in_dim3A_201 : f32 to vector<16xf32>
    %swap3A_203 = arith.constant 528 : index
    %swap3A_204 = tpu.vector_load %arg7[%swap3A_203] {strides = array<i32>} : memref<640xf32, #tpu.memory_space<vmem>>, vector<16xf32>,
    %swap3A_205 = vector.shape_cast %swap3A_204 : vector<16xf32> to vector<16xf32>
    %swap3A_206 = vector.shape_cast %broadcast_in_dim3A_202 : vector<16xf32> to vector<16xf32>
    tpu.vector_store %arg7[%swap3A_203], %swap3A_206 {strides = array<i32>} : memref<640xf32, #tpu.memory_space<vmem>>, vector<16xf32>,
    %broadcast_in_dim3A_207 = arith.constant 0.000000e+00 : f32
    %broadcast_in_dim3A_208 = vector.broadcast %broadcast_in_dim3A_207 : f32 to vector<16xf32>
    %swap3A_209 = arith.constant 544 : index
    %swap3A_210 = tpu.vector_load %arg7[%swap3A_209] {strides = array<i32>} : memref<640xf32, #tpu.memory_space<vmem>>, vector<16xf32>,
    %swap3A_211 = vector.shape_cast %swap3A_210 : vector<16xf32> to vector<16xf32>
    %swap3A_212 = vector.shape_cast %broadcast_in_dim3A_208 : vector<16xf32> to vector<16xf32>
    tpu.vector_store %arg7[%swap3A_209], %swap3A_212 {strides = array<i32>} : memref<640xf32, #tpu.memory_space<vmem>>, vector<16xf32>,
    %broadcast_in_dim3A_213 = arith.constant 0.000000e+00 : f32
    %broadcast_in_dim3A_214 = vector.broadcast %broadcast_in_dim3A_213 : f32 to vector<16xf32>
    %swap3A_215 = arith.constant 560 : index
    %swap3A_216 = tpu.vector_load %arg7[%swap3A_215] {strides = array<i32>} : memref<640xf32, #tpu.memory_space<vmem>>, vector<16xf32>,
    %swap3A_217 = vector.shape_cast %swap3A_216 : vector<16xf32> to vector<16xf32>
    %swap3A_218 = vector.shape_cast %broadcast_in_dim3A_214 : vector<16xf32> to vector<16xf32>
    tpu.vector_store %arg7[%swap3A_215], %swap3A_218 {strides = array<i32>} : memref<640xf32, #tpu.memory_space<vmem>>, vector<16xf32>,
    %broadcast_in_dim3A_219 = arith.constant 0.000000e+00 : f32
    %broadcast_in_dim3A_220 = vector.broadcast %broadcast_in_dim3A_219 : f32 to vector<16xf32>
    %swap3A_221 = arith.constant 576 : index
    %swap3A_222 = tpu.vector_load %arg7[%swap3A_221] {strides = array<i32>} : memref<640xf32, #tpu.memory_space<vmem>>, vector<16xf32>,
    %swap3A_223 = vector.shape_cast %swap3A_222 : vector<16xf32> to vector<16xf32>
    %swap3A_224 = vector.shape_cast %broadcast_in_dim3A_220 : vector<16xf32> to vector<16xf32>
    tpu.vector_store %arg7[%swap3A_221], %swap3A_224 {strides = array<i32>} : memref<640xf32, #tpu.memory_space<vmem>>, vector<16xf32>,
    %broadcast_in_dim3A_225 = arith.constant 0.000000e+00 : f32
    %broadcast_in_dim3A_226 = vector.broadcast %broadcast_in_dim3A_225 : f32 to vector<16xf32>
    %swap3A_227 = arith.constant 592 : index
    %swap3A_228 = tpu.vector_load %arg7[%swap3A_227] {strides = array<i32>} : memref<640xf32, #tpu.memory_space<vmem>>, vector<16xf32>,
    %swap3A_229 = vector.shape_cast %swap3A_228 : vector<16xf32> to vector<16xf32>
    %swap3A_230 = vector.shape_cast %broadcast_in_dim3A_226 : vector<16xf32> to vector<16xf32>
    tpu.vector_store %arg7[%swap3A_227], %swap3A_230 {strides = array<i32>} : memref<640xf32, #tpu.memory_space<vmem>>, vector<16xf32>,
    %broadcast_in_dim3A_231 = arith.constant 0.000000e+00 : f32
    %broadcast_in_dim3A_232 = vector.broadcast %broadcast_in_dim3A_231 : f32 to vector<16xf32>
    %swap3A_233 = arith.constant 608 : index
    %swap3A_234 = tpu.vector_load %arg7[%swap3A_233] {strides = array<i32>} : memref<640xf32, #tpu.memory_space<vmem>>, vector<16xf32>,
    %swap3A_235 = vector.shape_cast %swap3A_234 : vector<16xf32> to vector<16xf32>
    %swap3A_236 = vector.shape_cast %broadcast_in_dim3A_232 : vector<16xf32> to vector<16xf32>
    tpu.vector_store %arg7[%swap3A_233], %swap3A_236 {strides = array<i32>} : memref<640xf32, #tpu.memory_space<vmem>>, vector<16xf32>,
    %broadcast_in_dim3A_237 = arith.constant 0.000000e+00 : f32
    %broadcast_in_dim3A_238 = vector.broadcast %broadcast_in_dim3A_237 : f32 to vector<16xf32>
    %swap3A_239 = arith.constant 624 : index
    %swap3A_240 = tpu.vector_load %arg7[%swap3A_239] {strides = array<i32>} : memref<640xf32, #tpu.memory_space<vmem>>, vector<16xf32>,
    %swap3A_241 = vector.shape_cast %swap3A_240 : vector<16xf32> to vector<16xf32>
    %swap3A_242 = vector.shape_cast %broadcast_in_dim3A_238 : vector<16xf32> to vector<16xf32>
    tpu.vector_store %arg7[%swap3A_239], %swap3A_242 {strides = array<i32>} : memref<640xf32, #tpu.memory_space<vmem>>, vector<16xf32>,
    %mul3A_243 = arith.constant 640 : i32
    %mul3A_244 = arith.muli %arg1, %mul3A_243 : i32
    "tpu.region"() ({
      %run_scoped3A_440 = tpu.sem_alloc : memref<!tpu.dma_semaphore, #tpu.memory_space<semaphore_mem>>
      %dma_start3A_441 = tpu.memref_slice %arg14[%mul3A_244] : memref<10240xf32, #tpu.memory_space<vmem_shared>> -> memref<640xf32, #tpu.memory_space<vmem_shared>>
      %dma_start3A_442 = tpu.memref_slice %arg14[%mul3A_244] : memref<10240xf32, #tpu.memory_space<vmem_shared>> -> memref<640xf32, #tpu.memory_space<vmem_shared>>
      tpu.enqueue_dma source(%arg7 : memref<640xf32, #tpu.memory_space<vmem>>) target(%dma_start3A_442 : memref<640xf32, #tpu.memory_space<vmem_shared>>) target_semaphore(%run_scoped3A_440 : memref<!tpu.dma_semaphore, #tpu.memory_space<semaphore_mem>>)
      %dma_wait3A_443 = tpu.memref_slice %arg14[%mul3A_244] : memref<10240xf32, #tpu.memory_space<vmem_shared>> -> memref<640xf32, #tpu.memory_space<vmem_shared>>
      %dma_wait3A_444 = tpu.memref_slice %arg14[%mul3A_244] : memref<10240xf32, #tpu.memory_space<vmem_shared>> -> memref<640xf32, #tpu.memory_space<vmem_shared>>
      tpu.wait_dma2 semaphore(%run_scoped3A_440 : memref<!tpu.dma_semaphore, #tpu.memory_space<semaphore_mem>>) src(%arg7 : memref<640xf32, #tpu.memory_space<vmem>>) dst(%dma_wait3A_444 : memref<640xf32, #tpu.memory_space<vmem_shared>>)
      tpu.yield
    }) : () -> ()
    %broadcast_in_dim3A_245 = arith.constant 1.000000e+00 : f32
    %broadcast_in_dim3A_246 = vector.broadcast %broadcast_in_dim3A_245 : f32 to vector<16xf32>
    %swap3A_247 = arith.constant 0 : index
    %swap3A_248 = tpu.vector_load %arg6[%swap3A_247] {strides = array<i32>} : memref<128xf32, #tpu.memory_space<vmem>>, vector<16xf32>,
    %swap3A_249 = vector.shape_cast %swap3A_248 : vector<16xf32> to vector<16xf32>
    %swap3A_250 = vector.shape_cast %broadcast_in_dim3A_246 : vector<16xf32> to vector<16xf32>
    tpu.vector_store %arg6[%swap3A_247], %swap3A_250 {strides = array<i32>} : memref<128xf32, #tpu.memory_space<vmem>>, vector<16xf32>,
    %broadcast_in_dim3A_251 = arith.constant 1.000000e+00 : f32
    %broadcast_in_dim3A_252 = vector.broadcast %broadcast_in_dim3A_251 : f32 to vector<16xf32>
    %swap3A_253 = arith.constant 16 : index
    %swap3A_254 = tpu.vector_load %arg6[%swap3A_253] {strides = array<i32>} : memref<128xf32, #tpu.memory_space<vmem>>, vector<16xf32>,
    %swap3A_255 = vector.shape_cast %swap3A_254 : vector<16xf32> to vector<16xf32>
    %swap3A_256 = vector.shape_cast %broadcast_in_dim3A_252 : vector<16xf32> to vector<16xf32>
    tpu.vector_store %arg6[%swap3A_253], %swap3A_256 {strides = array<i32>} : memref<128xf32, #tpu.memory_space<vmem>>, vector<16xf32>,
    %broadcast_in_dim3A_257 = arith.constant 1.000000e+00 : f32
    %broadcast_in_dim3A_258 = vector.broadcast %broadcast_in_dim3A_257 : f32 to vector<16xf32>
    %swap3A_259 = arith.constant 32 : index
    %swap3A_260 = tpu.vector_load %arg6[%swap3A_259] {strides = array<i32>} : memref<128xf32, #tpu.memory_space<vmem>>, vector<16xf32>,
    %swap3A_261 = vector.shape_cast %swap3A_260 : vector<16xf32> to vector<16xf32>
    %swap3A_262 = vector.shape_cast %broadcast_in_dim3A_258 : vector<16xf32> to vector<16xf32>
    tpu.vector_store %arg6[%swap3A_259], %swap3A_262 {strides = array<i32>} : memref<128xf32, #tpu.memory_space<vmem>>, vector<16xf32>,
    %broadcast_in_dim3A_263 = arith.constant 1.000000e+00 : f32
    %broadcast_in_dim3A_264 = vector.broadcast %broadcast_in_dim3A_263 : f32 to vector<16xf32>
    %swap3A_265 = arith.constant 48 : index
    %swap3A_266 = tpu.vector_load %arg6[%swap3A_265] {strides = array<i32>} : memref<128xf32, #tpu.memory_space<vmem>>, vector<16xf32>,
    %swap3A_267 = vector.shape_cast %swap3A_266 : vector<16xf32> to vector<16xf32>
    %swap3A_268 = vector.shape_cast %broadcast_in_dim3A_264 : vector<16xf32> to vector<16xf32>
    tpu.vector_store %arg6[%swap3A_265], %swap3A_268 {strides = array<i32>} : memref<128xf32, #tpu.memory_space<vmem>>, vector<16xf32>,
    %broadcast_in_dim3A_269 = arith.constant 1.000000e+00 : f32
    %broadcast_in_dim3A_270 = vector.broadcast %broadcast_in_dim3A_269 : f32 to vector<16xf32>
    %swap3A_271 = arith.constant 64 : index
    %swap3A_272 = tpu.vector_load %arg6[%swap3A_271] {strides = array<i32>} : memref<128xf32, #tpu.memory_space<vmem>>, vector<16xf32>,
    %swap3A_273 = vector.shape_cast %swap3A_272 : vector<16xf32> to vector<16xf32>
    %swap3A_274 = vector.shape_cast %broadcast_in_dim3A_270 : vector<16xf32> to vector<16xf32>
    tpu.vector_store %arg6[%swap3A_271], %swap3A_274 {strides = array<i32>} : memref<128xf32, #tpu.memory_space<vmem>>, vector<16xf32>,
    %broadcast_in_dim3A_275 = arith.constant 1.000000e+00 : f32
    %broadcast_in_dim3A_276 = vector.broadcast %broadcast_in_dim3A_275 : f32 to vector<16xf32>
    %swap3A_277 = arith.constant 80 : index
    %swap3A_278 = tpu.vector_load %arg6[%swap3A_277] {strides = array<i32>} : memref<128xf32, #tpu.memory_space<vmem>>, vector<16xf32>,
    %swap3A_279 = vector.shape_cast %swap3A_278 : vector<16xf32> to vector<16xf32>
    %swap3A_280 = vector.shape_cast %broadcast_in_dim3A_276 : vector<16xf32> to vector<16xf32>
    tpu.vector_store %arg6[%swap3A_277], %swap3A_280 {strides = array<i32>} : memref<128xf32, #tpu.memory_space<vmem>>, vector<16xf32>,
    %broadcast_in_dim3A_281 = arith.constant 1.000000e+00 : f32
    %broadcast_in_dim3A_282 = vector.broadcast %broadcast_in_dim3A_281 : f32 to vector<16xf32>
    %swap3A_283 = arith.constant 96 : index
    %swap3A_284 = tpu.vector_load %arg6[%swap3A_283] {strides = array<i32>} : memref<128xf32, #tpu.memory_space<vmem>>, vector<16xf32>,
    %swap3A_285 = vector.shape_cast %swap3A_284 : vector<16xf32> to vector<16xf32>
    %swap3A_286 = vector.shape_cast %broadcast_in_dim3A_282 : vector<16xf32> to vector<16xf32>
    tpu.vector_store %arg6[%swap3A_283], %swap3A_286 {strides = array<i32>} : memref<128xf32, #tpu.memory_space<vmem>>, vector<16xf32>,
    %broadcast_in_dim3A_287 = arith.constant 1.000000e+00 : f32
    %broadcast_in_dim3A_288 = vector.broadcast %broadcast_in_dim3A_287 : f32 to vector<16xf32>
    %swap3A_289 = arith.constant 112 : index
    %swap3A_290 = tpu.vector_load %arg6[%swap3A_289] {strides = array<i32>} : memref<128xf32, #tpu.memory_space<vmem>>, vector<16xf32>,
    %swap3A_291 = vector.shape_cast %swap3A_290 : vector<16xf32> to vector<16xf32>
    %swap3A_292 = vector.shape_cast %broadcast_in_dim3A_288 : vector<16xf32> to vector<16xf32>
    tpu.vector_store %arg6[%swap3A_289], %swap3A_292 {strides = array<i32>} : memref<128xf32, #tpu.memory_space<vmem>>, vector<16xf32>,
    %add3A_293 = arith.constant 0 : i32
    %add3A_294 = arith.addi %mul3A_4, %add3A_293 : i32
    %dma_start3A = arith.constant 0 : i32
    %dma_start3A_295 = arith.constant 0 : i32
    %dma_start3A_296 = tpu.memref_slice %arg4[%dma_start3A, %dma_start3A_295] : memref<6x128xi32, #tpu.memory_space<vmem>> -> memref<1x128xi32, #tpu.memory_space<vmem>>
    %dma_start3A_297 = tpu.memref_squeeze %dma_start3A_296 : memref<1x128xi32, #tpu.memory_space<vmem>> -> memref<128xi32, #tpu.memory_space<vmem>>
    %dma_start3A_298 = tpu.memref_slice %arg2[%add3A_294] : memref<320000xi32, #tpu.memory_space<hbm>> -> memref<128xi32, #tpu.memory_space<hbm>>
    %dma_start3A_299 = arith.constant 0 : i32
    %dma_start3A_300 = tpu.memref_slice %arg4[%dma_start3A, %dma_start3A_299] : memref<6x128xi32, #tpu.memory_space<vmem>> -> memref<1x128xi32, #tpu.memory_space<vmem>>
    %dma_start3A_301 = tpu.memref_squeeze %dma_start3A_300 : memref<1x128xi32, #tpu.memory_space<vmem>> -> memref<128xi32, #tpu.memory_space<vmem>>
    %dma_start3A_302 = tpu.memref_slice %arg2[%add3A_294] : memref<320000xi32, #tpu.memory_space<hbm>> -> memref<128xi32, #tpu.memory_space<hbm>>
    tpu.enqueue_dma source(%dma_start3A_302 : memref<128xi32, #tpu.memory_space<hbm>>) target(%dma_start3A_301 : memref<128xi32, #tpu.memory_space<vmem>>) target_semaphore(%arg8 : memref<!tpu.dma_semaphore, #tpu.memory_space<semaphore_mem>>)
    %add3A_303 = arith.constant 128 : i32
    %add3A_304 = arith.addi %mul3A_4, %add3A_303 : i32
    %dma_start3A_305 = arith.constant 1 : i32
    %dma_start3A_306 = arith.constant 0 : i32
    %dma_start3A_307 = tpu.memref_slice %arg4[%dma_start3A_305, %dma_start3A_306] : memref<6x128xi32, #tpu.memory_space<vmem>> -> memref<1x128xi32, #tpu.memory_space<vmem>>
    %dma_start3A_308 = tpu.memref_squeeze %dma_start3A_307 : memref<1x128xi32, #tpu.memory_space<vmem>> -> memref<128xi32, #tpu.memory_space<vmem>>
    %dma_start3A_309 = tpu.memref_slice %arg2[%add3A_304] : memref<320000xi32, #tpu.memory_space<hbm>> -> memref<128xi32, #tpu.memory_space<hbm>>
    %dma_start3A_310 = arith.constant 0 : i32
    %dma_start3A_311 = tpu.memref_slice %arg4[%dma_start3A_305, %dma_start3A_310] : memref<6x128xi32, #tpu.memory_space<vmem>> -> memref<1x128xi32, #tpu.memory_space<vmem>>
    %dma_start3A_312 = tpu.memref_squeeze %dma_start3A_311 : memref<1x128xi32, #tpu.memory_space<vmem>> -> memref<128xi32, #tpu.memory_space<vmem>>
    %dma_start3A_313 = tpu.memref_slice %arg2[%add3A_304] : memref<320000xi32, #tpu.memory_space<hbm>> -> memref<128xi32, #tpu.memory_space<hbm>>
    tpu.enqueue_dma source(%dma_start3A_313 : memref<128xi32, #tpu.memory_space<hbm>>) target(%dma_start3A_312 : memref<128xi32, #tpu.memory_space<vmem>>) target_semaphore(%arg9 : memref<!tpu.dma_semaphore, #tpu.memory_space<semaphore_mem>>)
    %add3A_314 = arith.constant 256 : i32
    %add3A_315 = arith.addi %mul3A_4, %add3A_314 : i32
    %dma_start3A_316 = arith.constant 2 : i32
    %dma_start3A_317 = arith.constant 0 : i32
    %dma_start3A_318 = tpu.memref_slice %arg4[%dma_start3A_316, %dma_start3A_317] : memref<6x128xi32, #tpu.memory_space<vmem>> -> memref<1x128xi32, #tpu.memory_space<vmem>>
    %dma_start3A_319 = tpu.memref_squeeze %dma_start3A_318 : memref<1x128xi32, #tpu.memory_space<vmem>> -> memref<128xi32, #tpu.memory_space<vmem>>
    %dma_start3A_320 = tpu.memref_slice %arg2[%add3A_315] : memref<320000xi32, #tpu.memory_space<hbm>> -> memref<128xi32, #tpu.memory_space<hbm>>
    %dma_start3A_321 = arith.constant 0 : i32
    %dma_start3A_322 = tpu.memref_slice %arg4[%dma_start3A_316, %dma_start3A_321] : memref<6x128xi32, #tpu.memory_space<vmem>> -> memref<1x128xi32, #tpu.memory_space<vmem>>
    %dma_start3A_323 = tpu.memref_squeeze %dma_start3A_322 : memref<1x128xi32, #tpu.memory_space<vmem>> -> memref<128xi32, #tpu.memory_space<vmem>>
    %dma_start3A_324 = tpu.memref_slice %arg2[%add3A_315] : memref<320000xi32, #tpu.memory_space<hbm>> -> memref<128xi32, #tpu.memory_space<hbm>>
    tpu.enqueue_dma source(%dma_start3A_324 : memref<128xi32, #tpu.memory_space<hbm>>) target(%dma_start3A_323 : memref<128xi32, #tpu.memory_space<vmem>>) target_semaphore(%arg10 : memref<!tpu.dma_semaphore, #tpu.memory_space<semaphore_mem>>)
    %add3A_325 = arith.constant 384 : i32
    %add3A_326 = arith.addi %mul3A_4, %add3A_325 : i32
    %dma_start3A_327 = arith.constant 3 : i32
    %dma_start3A_328 = arith.constant 0 : i32
    %dma_start3A_329 = tpu.memref_slice %arg4[%dma_start3A_327, %dma_start3A_328] : memref<6x128xi32, #tpu.memory_space<vmem>> -> memref<1x128xi32, #tpu.memory_space<vmem>>
    %dma_start3A_330 = tpu.memref_squeeze %dma_start3A_329 : memref<1x128xi32, #tpu.memory_space<vmem>> -> memref<128xi32, #tpu.memory_space<vmem>>
    %dma_start3A_331 = tpu.memref_slice %arg2[%add3A_326] : memref<320000xi32, #tpu.memory_space<hbm>> -> memref<128xi32, #tpu.memory_space<hbm>>
    %dma_start3A_332 = arith.constant 0 : i32
    %dma_start3A_333 = tpu.memref_slice %arg4[%dma_start3A_327, %dma_start3A_332] : memref<6x128xi32, #tpu.memory_space<vmem>> -> memref<1x128xi32, #tpu.memory_space<vmem>>
    %dma_start3A_334 = tpu.memref_squeeze %dma_start3A_333 : memref<1x128xi32, #tpu.memory_space<vmem>> -> memref<128xi32, #tpu.memory_space<vmem>>
    %dma_start3A_335 = tpu.memref_slice %arg2[%add3A_326] : memref<320000xi32, #tpu.memory_space<hbm>> -> memref<128xi32, #tpu.memory_space<hbm>>
    tpu.enqueue_dma source(%dma_start3A_335 : memref<128xi32, #tpu.memory_space<hbm>>) target(%dma_start3A_334 : memref<128xi32, #tpu.memory_space<vmem>>) target_semaphore(%arg11 : memref<!tpu.dma_semaphore, #tpu.memory_space<semaphore_mem>>)
    %add3A_336 = arith.constant 512 : i32
    %add3A_337 = arith.addi %mul3A_4, %add3A_336 : i32
    %dma_start3A_338 = arith.constant 4 : i32
    %dma_start3A_339 = arith.constant 0 : i32
    %dma_start3A_340 = tpu.memref_slice %arg4[%dma_start3A_338, %dma_start3A_339] : memref<6x128xi32, #tpu.memory_space<vmem>> -> memref<1x128xi32, #tpu.memory_space<vmem>>
    %dma_start3A_341 = tpu.memref_squeeze %dma_start3A_340 : memref<1x128xi32, #tpu.memory_space<vmem>> -> memref<128xi32, #tpu.memory_space<vmem>>
    %dma_start3A_342 = tpu.memref_slice %arg2[%add3A_337] : memref<320000xi32, #tpu.memory_space<hbm>> -> memref<128xi32, #tpu.memory_space<hbm>>
    %dma_start3A_343 = arith.constant 0 : i32
    %dma_start3A_344 = tpu.memref_slice %arg4[%dma_start3A_338, %dma_start3A_343] : memref<6x128xi32, #tpu.memory_space<vmem>> -> memref<1x128xi32, #tpu.memory_space<vmem>>
    %dma_start3A_345 = tpu.memref_squeeze %dma_start3A_344 : memref<1x128xi32, #tpu.memory_space<vmem>> -> memref<128xi32, #tpu.memory_space<vmem>>
    %dma_start3A_346 = tpu.memref_slice %arg2[%add3A_337] : memref<320000xi32, #tpu.memory_space<hbm>> -> memref<128xi32, #tpu.memory_space<hbm>>
    tpu.enqueue_dma source(%dma_start3A_346 : memref<128xi32, #tpu.memory_space<hbm>>) target(%dma_start3A_345 : memref<128xi32, #tpu.memory_space<vmem>>) target_semaphore(%arg12 : memref<!tpu.dma_semaphore, #tpu.memory_space<semaphore_mem>>)
    %add3A_347 = arith.constant 640 : i32
    %add3A_348 = arith.addi %mul3A_4, %add3A_347 : i32
    %dma_start3A_349 = arith.constant 5 : i32
    %dma_start3A_350 = arith.constant 0 : i32
    %dma_start3A_351 = tpu.memref_slice %arg4[%dma_start3A_349, %dma_start3A_350] : memref<6x128xi32, #tpu.memory_space<vmem>> -> memref<1x128xi32, #tpu.memory_space<vmem>>
    %dma_start3A_352 = tpu.memref_squeeze %dma_start3A_351 : memref<1x128xi32, #tpu.memory_space<vmem>> -> memref<128xi32, #tpu.memory_space<vmem>>
    %dma_start3A_353 = tpu.memref_slice %arg2[%add3A_348] : memref<320000xi32, #tpu.memory_space<hbm>> -> memref<128xi32, #tpu.memory_space<hbm>>
    %dma_start3A_354 = arith.constant 0 : i32
    %dma_start3A_355 = tpu.memref_slice %arg4[%dma_start3A_349, %dma_start3A_354] : memref<6x128xi32, #tpu.memory_space<vmem>> -> memref<1x128xi32, #tpu.memory_space<vmem>>
    %dma_start3A_356 = tpu.memref_squeeze %dma_start3A_355 : memref<1x128xi32, #tpu.memory_space<vmem>> -> memref<128xi32, #tpu.memory_space<vmem>>
    %dma_start3A_357 = tpu.memref_slice %arg2[%add3A_348] : memref<320000xi32, #tpu.memory_space<hbm>> -> memref<128xi32, #tpu.memory_space<hbm>>
    tpu.enqueue_dma source(%dma_start3A_357 : memref<128xi32, #tpu.memory_space<hbm>>) target(%dma_start3A_356 : memref<128xi32, #tpu.memory_space<vmem>>) target_semaphore(%arg13 : memref<!tpu.dma_semaphore, #tpu.memory_space<semaphore_mem>>)
    %barrier3A = arith.constant 0 : index
    tpu.barrier barrier_id(%barrier3A)
    %scan3A = arith.constant 0 : i32
    %scan3A_358 = arith.constant 0 : i32
    %scan3A_359 = arith.constant 12 : i32
    %scan3A_360 = arith.addi %scan3A_358, %scan3A_359 : i32
    %scan3A_361 = arith.constant 1 : i32
    scf.for %scan3A_440 = %scan3A_358 to %scan3A_360 step %scan3A_361  : i32 {
      %mul3A_441 = arith.constant 6 : i32
      %mul3A_442 = arith.muli %scan3A_440, %mul3A_441 : i32
      %dma_wait3A_443 = arith.constant 0 : i32
      %dma_wait3A_444 = arith.constant 0 : i32
      %dma_wait3A_445 = tpu.memref_slice %arg4[%dma_wait3A_443, %dma_wait3A_444] : memref<6x128xi32, #tpu.memory_space<vmem>> -> memref<1x128xi32, #tpu.memory_space<vmem>>
      %dma_wait3A_446 = tpu.memref_squeeze %dma_wait3A_445 : memref<1x128xi32, #tpu.memory_space<vmem>> -> memref<128xi32, #tpu.memory_space<vmem>>
      %dma_wait3A_447 = arith.constant 0 : i32
      %dma_wait3A_448 = tpu.memref_slice %arg2[%dma_wait3A_447] : memref<320000xi32, #tpu.memory_space<hbm>> -> memref<128xi32, #tpu.memory_space<hbm>>
      %dma_wait3A_449 = arith.constant 0 : i32
      %dma_wait3A_450 = tpu.memref_slice %arg4[%dma_wait3A_443, %dma_wait3A_449] : memref<6x128xi32, #tpu.memory_space<vmem>> -> memref<1x128xi32, #tpu.memory_space<vmem>>
      %dma_wait3A_451 = tpu.memref_squeeze %dma_wait3A_450 : memref<1x128xi32, #tpu.memory_space<vmem>> -> memref<128xi32, #tpu.memory_space<vmem>>
      %dma_wait3A_452 = arith.constant 0 : i32
      %dma_wait3A_453 = tpu.memref_slice %arg2[%dma_wait3A_452] : memref<320000xi32, #tpu.memory_space<hbm>> -> memref<128xi32, #tpu.memory_space<hbm>>
      tpu.wait_dma2 semaphore(%arg8 : memref<!tpu.dma_semaphore, #tpu.memory_space<semaphore_mem>>) src(%dma_wait3A_453 : memref<128xi32, #tpu.memory_space<hbm>>) dst(%dma_wait3A_451 : memref<128xi32, #tpu.memory_space<vmem>>)
      %run_scoped3A_454 = arith.constant 0 : i32
      "tpu.region"() ({
        %run_scoped3A_611 = tpu.sem_alloc : memref<!tpu.dma_semaphore, #tpu.memory_space<semaphore_mem>>
        %dma_start3A_612 = arith.constant 0 : i32
        %dma_start3A_613 = tpu.memref_slice %arg4[%run_scoped3A_454, %dma_start3A_612] : memref<6x128xi32, #tpu.memory_space<vmem>> -> memref<1x128xi32, #tpu.memory_space<vmem>>
        %dma_start3A_614 = tpu.memref_squeeze %dma_start3A_613 : memref<1x128xi32, #tpu.memory_space<vmem>> -> memref<128xi32, #tpu.memory_space<vmem>>
        %dma_start3A_615 = arith.constant 0 : i32
        %dma_start3A_616 = tpu.memref_slice %arg14[%dma_start3A_615] : memref<10240xf32, #tpu.memory_space<vmem_shared>> -> memref<10240xf32, #tpu.memory_space<vmem_shared>>
        tpu.enqueue_indirect_dma source(%arg6 : memref<128xf32, #tpu.memory_space<vmem>>) target(%dma_start3A_616 : memref<10240xf32, #tpu.memory_space<vmem_shared>>) offsets(%dma_start3A_614 : memref<128xi32, #tpu.memory_space<vmem>>) semaphore(%run_scoped3A_611 : memref<!tpu.dma_semaphore, #tpu.memory_space<semaphore_mem>>) {add = true}
        %dma_wait3A_617 = arith.constant 0 : i32
        %dma_wait3A_618 = tpu.memref_slice %arg4[%run_scoped3A_454, %dma_wait3A_617] : memref<6x128xi32, #tpu.memory_space<vmem>> -> memref<1x128xi32, #tpu.memory_space<vmem>>
        %dma_wait3A_619 = tpu.memref_squeeze %dma_wait3A_618 : memref<1x128xi32, #tpu.memory_space<vmem>> -> memref<128xi32, #tpu.memory_space<vmem>>
        %dma_wait3A_620 = arith.constant 0 : i32
        %dma_wait3A_621 = tpu.memref_slice %arg14[%dma_wait3A_620] : memref<10240xf32, #tpu.memory_space<vmem_shared>> -> memref<10240xf32, #tpu.memory_space<vmem_shared>>
        tpu.wait_indirect_dma semaphore(%run_scoped3A_611 : memref<!tpu.dma_semaphore, #tpu.memory_space<semaphore_mem>>) src(%arg6 : memref<128xf32, #tpu.memory_space<vmem>>) dst(%dma_wait3A_621 : memref<10240xf32, #tpu.memory_space<vmem_shared>>)
        tpu.yield
      }) : () -> ()
      %add3A_455 = arith.constant 0 : i32
      %add3A_456 = arith.addi %mul3A_442, %add3A_455 : i32
      %add3A_457 = arith.constant 6 : i32
      %add3A_458 = arith.addi %add3A_456, %add3A_457 : i32
      %mul3A_459 = arith.constant 128 : i32
      %mul3A_460 = arith.muli %add3A_458, %mul3A_459 : i32
      %add3A_461 = arith.addi %mul3A_4, %mul3A_460 : i32
      %dma_start3A_462 = arith.constant 0 : i32
      %dma_start3A_463 = arith.constant 0 : i32
      %dma_start3A_464 = tpu.memref_slice %arg4[%dma_start3A_462, %dma_start3A_463] : memref<6x128xi32, #tpu.memory_space<vmem>> -> memref<1x128xi32, #tpu.memory_space<vmem>>
      %dma_start3A_465 = tpu.memref_squeeze %dma_start3A_464 : memref<1x128xi32, #tpu.memory_space<vmem>> -> memref<128xi32, #tpu.memory_space<vmem>>
      %dma_start3A_466 = tpu.memref_slice %arg2[%add3A_461] : memref<320000xi32, #tpu.memory_space<hbm>> -> memref<128xi32, #tpu.memory_space<hbm>>
      %dma_start3A_467 = arith.constant 0 : i32
      %dma_start3A_468 = tpu.memref_slice %arg4[%dma_start3A_462, %dma_start3A_467] : memref<6x128xi32, #tpu.memory_space<vmem>> -> memref<1x128xi32, #tpu.memory_space<vmem>>
      %dma_start3A_469 = tpu.memref_squeeze %dma_start3A_468 : memref<1x128xi32, #tpu.memory_space<vmem>> -> memref<128xi32, #tpu.memory_space<vmem>>
      %dma_start3A_470 = tpu.memref_slice %arg2[%add3A_461] : memref<320000xi32, #tpu.memory_space<hbm>> -> memref<128xi32, #tpu.memory_space<hbm>>
      tpu.enqueue_dma source(%dma_start3A_470 : memref<128xi32, #tpu.memory_space<hbm>>) target(%dma_start3A_469 : memref<128xi32, #tpu.memory_space<vmem>>) target_semaphore(%arg8 : memref<!tpu.dma_semaphore, #tpu.memory_space<semaphore_mem>>)
      %dma_wait3A_471 = arith.constant 1 : i32
      %dma_wait3A_472 = arith.constant 0 : i32
      %dma_wait3A_473 = tpu.memref_slice %arg4[%dma_wait3A_471, %dma_wait3A_472] : memref<6x128xi32, #tpu.memory_space<vmem>> -> memref<1x128xi32, #tpu.memory_space<vmem>>
      %dma_wait3A_474 = tpu.memref_squeeze %dma_wait3A_473 : memref<1x128xi32, #tpu.memory_space<vmem>> -> memref<128xi32, #tpu.memory_space<vmem>>
      %dma_wait3A_475 = arith.constant 0 : i32
      %dma_wait3A_476 = tpu.memref_slice %arg2[%dma_wait3A_475] : memref<320000xi32, #tpu.memory_space<hbm>> -> memref<128xi32, #tpu.memory_space<hbm>>
      %dma_wait3A_477 = arith.constant 0 : i32
      %dma_wait3A_478 = tpu.memref_slice %arg4[%dma_wait3A_471, %dma_wait3A_477] : memref<6x128xi32, #tpu.memory_space<vmem>> -> memref<1x128xi32, #tpu.memory_space<vmem>>
      %dma_wait3A_479 = tpu.memref_squeeze %dma_wait3A_478 : memref<1x128xi32, #tpu.memory_space<vmem>> -> memref<128xi32, #tpu.memory_space<vmem>>
      %dma_wait3A_480 = arith.constant 0 : i32
      %dma_wait3A_481 = tpu.memref_slice %arg2[%dma_wait3A_480] : memref<320000xi32, #tpu.memory_space<hbm>> -> memref<128xi32, #tpu.memory_space<hbm>>
      tpu.wait_dma2 semaphore(%arg9 : memref<!tpu.dma_semaphore, #tpu.memory_space<semaphore_mem>>) src(%dma_wait3A_481 : memref<128xi32, #tpu.memory_space<hbm>>) dst(%dma_wait3A_479 : memref<128xi32, #tpu.memory_space<vmem>>)
      %run_scoped3A_482 = arith.constant 1 : i32
      "tpu.region"() ({
        %run_scoped3A_611 = tpu.sem_alloc : memref<!tpu.dma_semaphore, #tpu.memory_space<semaphore_mem>>
        %dma_start3A_612 = arith.constant 0 : i32
        %dma_start3A_613 = tpu.memref_slice %arg4[%run_scoped3A_482, %dma_start3A_612] : memref<6x128xi32, #tpu.memory_space<vmem>> -> memref<1x128xi32, #tpu.memory_space<vmem>>
        %dma_start3A_614 = tpu.memref_squeeze %dma_start3A_613 : memref<1x128xi32, #tpu.memory_space<vmem>> -> memref<128xi32, #tpu.memory_space<vmem>>
        %dma_start3A_615 = arith.constant 0 : i32
        %dma_start3A_616 = tpu.memref_slice %arg14[%dma_start3A_615] : memref<10240xf32, #tpu.memory_space<vmem_shared>> -> memref<10240xf32, #tpu.memory_space<vmem_shared>>
        tpu.enqueue_indirect_dma source(%arg6 : memref<128xf32, #tpu.memory_space<vmem>>) target(%dma_start3A_616 : memref<10240xf32, #tpu.memory_space<vmem_shared>>) offsets(%dma_start3A_614 : memref<128xi32, #tpu.memory_space<vmem>>) semaphore(%run_scoped3A_611 : memref<!tpu.dma_semaphore, #tpu.memory_space<semaphore_mem>>) {add = true}
        %dma_wait3A_617 = arith.constant 0 : i32
        %dma_wait3A_618 = tpu.memref_slice %arg4[%run_scoped3A_482, %dma_wait3A_617] : memref<6x128xi32, #tpu.memory_space<vmem>> -> memref<1x128xi32, #tpu.memory_space<vmem>>
        %dma_wait3A_619 = tpu.memref_squeeze %dma_wait3A_618 : memref<1x128xi32, #tpu.memory_space<vmem>> -> memref<128xi32, #tpu.memory_space<vmem>>
        %dma_wait3A_620 = arith.constant 0 : i32
        %dma_wait3A_621 = tpu.memref_slice %arg14[%dma_wait3A_620] : memref<10240xf32, #tpu.memory_space<vmem_shared>> -> memref<10240xf32, #tpu.memory_space<vmem_shared>>
        tpu.wait_indirect_dma semaphore(%run_scoped3A_611 : memref<!tpu.dma_semaphore, #tpu.memory_space<semaphore_mem>>) src(%arg6 : memref<128xf32, #tpu.memory_space<vmem>>) dst(%dma_wait3A_621 : memref<10240xf32, #tpu.memory_space<vmem_shared>>)
        tpu.yield
      }) : () -> ()
      %add3A_483 = arith.constant 1 : i32
      %add3A_484 = arith.addi %mul3A_442, %add3A_483 : i32
      %add3A_485 = arith.constant 6 : i32
      %add3A_486 = arith.addi %add3A_484, %add3A_485 : i32
      %mul3A_487 = arith.constant 128 : i32
      %mul3A_488 = arith.muli %add3A_486, %mul3A_487 : i32
      %add3A_489 = arith.addi %mul3A_4, %mul3A_488 : i32
      %dma_start3A_490 = arith.constant 1 : i32
      %dma_start3A_491 = arith.constant 0 : i32
      %dma_start3A_492 = tpu.memref_slice %arg4[%dma_start3A_490, %dma_start3A_491] : memref<6x128xi32, #tpu.memory_space<vmem>> -> memref<1x128xi32, #tpu.memory_space<vmem>>
      %dma_start3A_493 = tpu.memref_squeeze %dma_start3A_492 : memref<1x128xi32, #tpu.memory_space<vmem>> -> memref<128xi32, #tpu.memory_space<vmem>>
      %dma_start3A_494 = tpu.memref_slice %arg2[%add3A_489] : memref<320000xi32, #tpu.memory_space<hbm>> -> memref<128xi32, #tpu.memory_space<hbm>>
      %dma_start3A_495 = arith.constant 0 : i32
      %dma_start3A_496 = tpu.memref_slice %arg4[%dma_start3A_490, %dma_start3A_495] : memref<6x128xi32, #tpu.memory_space<vmem>> -> memref<1x128xi32, #tpu.memory_space<vmem>>
      %dma_start3A_497 = tpu.memref_squeeze %dma_start3A_496 : memref<1x128xi32, #tpu.memory_space<vmem>> -> memref<128xi32, #tpu.memory_space<vmem>>
      %dma_start3A_498 = tpu.memref_slice %arg2[%add3A_489] : memref<320000xi32, #tpu.memory_space<hbm>> -> memref<128xi32, #tpu.memory_space<hbm>>
      tpu.enqueue_dma source(%dma_start3A_498 : memref<128xi32, #tpu.memory_space<hbm>>) target(%dma_start3A_497 : memref<128xi32, #tpu.memory_space<vmem>>) target_semaphore(%arg9 : memref<!tpu.dma_semaphore, #tpu.memory_space<semaphore_mem>>)
      %dma_wait3A_499 = arith.constant 2 : i32
      %dma_wait3A_500 = arith.constant 0 : i32
      %dma_wait3A_501 = tpu.memref_slice %arg4[%dma_wait3A_499, %dma_wait3A_500] : memref<6x128xi32, #tpu.memory_space<vmem>> -> memref<1x128xi32, #tpu.memory_space<vmem>>
      %dma_wait3A_502 = tpu.memref_squeeze %dma_wait3A_501 : memref<1x128xi32, #tpu.memory_space<vmem>> -> memref<128xi32, #tpu.memory_space<vmem>>
      %dma_wait3A_503 = arith.constant 0 : i32
      %dma_wait3A_504 = tpu.memref_slice %arg2[%dma_wait3A_503] : memref<320000xi32, #tpu.memory_space<hbm>> -> memref<128xi32, #tpu.memory_space<hbm>>
      %dma_wait3A_505 = arith.constant 0 : i32
      %dma_wait3A_506 = tpu.memref_slice %arg4[%dma_wait3A_499, %dma_wait3A_505] : memref<6x128xi32, #tpu.memory_space<vmem>> -> memref<1x128xi32, #tpu.memory_space<vmem>>
      %dma_wait3A_507 = tpu.memref_squeeze %dma_wait3A_506 : memref<1x128xi32, #tpu.memory_space<vmem>> -> memref<128xi32, #tpu.memory_space<vmem>>
      %dma_wait3A_508 = arith.constant 0 : i32
      %dma_wait3A_509 = tpu.memref_slice %arg2[%dma_wait3A_508] : memref<320000xi32, #tpu.memory_space<hbm>> -> memref<128xi32, #tpu.memory_space<hbm>>
      tpu.wait_dma2 semaphore(%arg10 : memref<!tpu.dma_semaphore, #tpu.memory_space<semaphore_mem>>) src(%dma_wait3A_509 : memref<128xi32, #tpu.memory_space<hbm>>) dst(%dma_wait3A_507 : memref<128xi32, #tpu.memory_space<vmem>>)
      %run_scoped3A_510 = arith.constant 2 : i32
      "tpu.region"() ({
        %run_scoped3A_611 = tpu.sem_alloc : memref<!tpu.dma_semaphore, #tpu.memory_space<semaphore_mem>>
        %dma_start3A_612 = arith.constant 0 : i32
        %dma_start3A_613 = tpu.memref_slice %arg4[%run_scoped3A_510, %dma_start3A_612] : memref<6x128xi32, #tpu.memory_space<vmem>> -> memref<1x128xi32, #tpu.memory_space<vmem>>
        %dma_start3A_614 = tpu.memref_squeeze %dma_start3A_613 : memref<1x128xi32, #tpu.memory_space<vmem>> -> memref<128xi32, #tpu.memory_space<vmem>>
        %dma_start3A_615 = arith.constant 0 : i32
        %dma_start3A_616 = tpu.memref_slice %arg14[%dma_start3A_615] : memref<10240xf32, #tpu.memory_space<vmem_shared>> -> memref<10240xf32, #tpu.memory_space<vmem_shared>>
        tpu.enqueue_indirect_dma source(%arg6 : memref<128xf32, #tpu.memory_space<vmem>>) target(%dma_start3A_616 : memref<10240xf32, #tpu.memory_space<vmem_shared>>) offsets(%dma_start3A_614 : memref<128xi32, #tpu.memory_space<vmem>>) semaphore(%run_scoped3A_611 : memref<!tpu.dma_semaphore, #tpu.memory_space<semaphore_mem>>) {add = true}
        %dma_wait3A_617 = arith.constant 0 : i32
        %dma_wait3A_618 = tpu.memref_slice %arg4[%run_scoped3A_510, %dma_wait3A_617] : memref<6x128xi32, #tpu.memory_space<vmem>> -> memref<1x128xi32, #tpu.memory_space<vmem>>
        %dma_wait3A_619 = tpu.memref_squeeze %dma_wait3A_618 : memref<1x128xi32, #tpu.memory_space<vmem>> -> memref<128xi32, #tpu.memory_space<vmem>>
        %dma_wait3A_620 = arith.constant 0 : i32
        %dma_wait3A_621 = tpu.memref_slice %arg14[%dma_wait3A_620] : memref<10240xf32, #tpu.memory_space<vmem_shared>> -> memref<10240xf32, #tpu.memory_space<vmem_shared>>
        tpu.wait_indirect_dma semaphore(%run_scoped3A_611 : memref<!tpu.dma_semaphore, #tpu.memory_space<semaphore_mem>>) src(%arg6 : memref<128xf32, #tpu.memory_space<vmem>>) dst(%dma_wait3A_621 : memref<10240xf32, #tpu.memory_space<vmem_shared>>)
        tpu.yield
      }) : () -> ()
      %add3A_511 = arith.constant 2 : i32
      %add3A_512 = arith.addi %mul3A_442, %add3A_511 : i32
      %add3A_513 = arith.constant 6 : i32
      %add3A_514 = arith.addi %add3A_512, %add3A_513 : i32
      %mul3A_515 = arith.constant 128 : i32
      %mul3A_516 = arith.muli %add3A_514, %mul3A_515 : i32
      %add3A_517 = arith.addi %mul3A_4, %mul3A_516 : i32
      %dma_start3A_518 = arith.constant 2 : i32
      %dma_start3A_519 = arith.constant 0 : i32
      %dma_start3A_520 = tpu.memref_slice %arg4[%dma_start3A_518, %dma_start3A_519] : memref<6x128xi32, #tpu.memory_space<vmem>> -> memref<1x128xi32, #tpu.memory_space<vmem>>
      %dma_start3A_521 = tpu.memref_squeeze %dma_start3A_520 : memref<1x128xi32, #tpu.memory_space<vmem>> -> memref<128xi32, #tpu.memory_space<vmem>>
      %dma_start3A_522 = tpu.memref_slice %arg2[%add3A_517] : memref<320000xi32, #tpu.memory_space<hbm>> -> memref<128xi32, #tpu.memory_space<hbm>>
      %dma_start3A_523 = arith.constant 0 : i32
      %dma_start3A_524 = tpu.memref_slice %arg4[%dma_start3A_518, %dma_start3A_523] : memref<6x128xi32, #tpu.memory_space<vmem>> -> memref<1x128xi32, #tpu.memory_space<vmem>>
      %dma_start3A_525 = tpu.memref_squeeze %dma_start3A_524 : memref<1x128xi32, #tpu.memory_space<vmem>> -> memref<128xi32, #tpu.memory_space<vmem>>
      %dma_start3A_526 = tpu.memref_slice %arg2[%add3A_517] : memref<320000xi32, #tpu.memory_space<hbm>> -> memref<128xi32, #tpu.memory_space<hbm>>
      tpu.enqueue_dma source(%dma_start3A_526 : memref<128xi32, #tpu.memory_space<hbm>>) target(%dma_start3A_525 : memref<128xi32, #tpu.memory_space<vmem>>) target_semaphore(%arg10 : memref<!tpu.dma_semaphore, #tpu.memory_space<semaphore_mem>>)
      %dma_wait3A_527 = arith.constant 3 : i32
      %dma_wait3A_528 = arith.constant 0 : i32
      %dma_wait3A_529 = tpu.memref_slice %arg4[%dma_wait3A_527, %dma_wait3A_528] : memref<6x128xi32, #tpu.memory_space<vmem>> -> memref<1x128xi32, #tpu.memory_space<vmem>>
      %dma_wait3A_530 = tpu.memref_squeeze %dma_wait3A_529 : memref<1x128xi32, #tpu.memory_space<vmem>> -> memref<128xi32, #tpu.memory_space<vmem>>
      %dma_wait3A_531 = arith.constant 0 : i32
      %dma_wait3A_532 = tpu.memref_slice %arg2[%dma_wait3A_531] : memref<320000xi32, #tpu.memory_space<hbm>> -> memref<128xi32, #tpu.memory_space<hbm>>
      %dma_wait3A_533 = arith.constant 0 : i32
      %dma_wait3A_534 = tpu.memref_slice %arg4[%dma_wait3A_527, %dma_wait3A_533] : memref<6x128xi32, #tpu.memory_space<vmem>> -> memref<1x128xi32, #tpu.memory_space<vmem>>
      %dma_wait3A_535 = tpu.memref_squeeze %dma_wait3A_534 : memref<1x128xi32, #tpu.memory_space<vmem>> -> memref<128xi32, #tpu.memory_space<vmem>>
      %dma_wait3A_536 = arith.constant 0 : i32
      %dma_wait3A_537 = tpu.memref_slice %arg2[%dma_wait3A_536] : memref<320000xi32, #tpu.memory_space<hbm>> -> memref<128xi32, #tpu.memory_space<hbm>>
      tpu.wait_dma2 semaphore(%arg11 : memref<!tpu.dma_semaphore, #tpu.memory_space<semaphore_mem>>) src(%dma_wait3A_537 : memref<128xi32, #tpu.memory_space<hbm>>) dst(%dma_wait3A_535 : memref<128xi32, #tpu.memory_space<vmem>>)
      %run_scoped3A_538 = arith.constant 3 : i32
      "tpu.region"() ({
        %run_scoped3A_611 = tpu.sem_alloc : memref<!tpu.dma_semaphore, #tpu.memory_space<semaphore_mem>>
        %dma_start3A_612 = arith.constant 0 : i32
        %dma_start3A_613 = tpu.memref_slice %arg4[%run_scoped3A_538, %dma_start3A_612] : memref<6x128xi32, #tpu.memory_space<vmem>> -> memref<1x128xi32, #tpu.memory_space<vmem>>
        %dma_start3A_614 = tpu.memref_squeeze %dma_start3A_613 : memref<1x128xi32, #tpu.memory_space<vmem>> -> memref<128xi32, #tpu.memory_space<vmem>>
        %dma_start3A_615 = arith.constant 0 : i32
        %dma_start3A_616 = tpu.memref_slice %arg14[%dma_start3A_615] : memref<10240xf32, #tpu.memory_space<vmem_shared>> -> memref<10240xf32, #tpu.memory_space<vmem_shared>>
        tpu.enqueue_indirect_dma source(%arg6 : memref<128xf32, #tpu.memory_space<vmem>>) target(%dma_start3A_616 : memref<10240xf32, #tpu.memory_space<vmem_shared>>) offsets(%dma_start3A_614 : memref<128xi32, #tpu.memory_space<vmem>>) semaphore(%run_scoped3A_611 : memref<!tpu.dma_semaphore, #tpu.memory_space<semaphore_mem>>) {add = true}
        %dma_wait3A_617 = arith.constant 0 : i32
        %dma_wait3A_618 = tpu.memref_slice %arg4[%run_scoped3A_538, %dma_wait3A_617] : memref<6x128xi32, #tpu.memory_space<vmem>> -> memref<1x128xi32, #tpu.memory_space<vmem>>
        %dma_wait3A_619 = tpu.memref_squeeze %dma_wait3A_618 : memref<1x128xi32, #tpu.memory_space<vmem>> -> memref<128xi32, #tpu.memory_space<vmem>>
        %dma_wait3A_620 = arith.constant 0 : i32
        %dma_wait3A_621 = tpu.memref_slice %arg14[%dma_wait3A_620] : memref<10240xf32, #tpu.memory_space<vmem_shared>> -> memref<10240xf32, #tpu.memory_space<vmem_shared>>
        tpu.wait_indirect_dma semaphore(%run_scoped3A_611 : memref<!tpu.dma_semaphore, #tpu.memory_space<semaphore_mem>>) src(%arg6 : memref<128xf32, #tpu.memory_space<vmem>>) dst(%dma_wait3A_621 : memref<10240xf32, #tpu.memory_space<vmem_shared>>)
        tpu.yield
      }) : () -> ()
      %add3A_539 = arith.constant 3 : i32
      %add3A_540 = arith.addi %mul3A_442, %add3A_539 : i32
      %add3A_541 = arith.constant 6 : i32
      %add3A_542 = arith.addi %add3A_540, %add3A_541 : i32
      %mul3A_543 = arith.constant 128 : i32
      %mul3A_544 = arith.muli %add3A_542, %mul3A_543 : i32
      %add3A_545 = arith.addi %mul3A_4, %mul3A_544 : i32
      %dma_start3A_546 = arith.constant 3 : i32
      %dma_start3A_547 = arith.constant 0 : i32
      %dma_start3A_548 = tpu.memref_slice %arg4[%dma_start3A_546, %dma_start3A_547] : memref<6x128xi32, #tpu.memory_space<vmem>> -> memref<1x128xi32, #tpu.memory_space<vmem>>
      %dma_start3A_549 = tpu.memref_squeeze %dma_start3A_548 : memref<1x128xi32, #tpu.memory_space<vmem>> -> memref<128xi32, #tpu.memory_space<vmem>>
      %dma_start3A_550 = tpu.memref_slice %arg2[%add3A_545] : memref<320000xi32, #tpu.memory_space<hbm>> -> memref<128xi32, #tpu.memory_space<hbm>>
      %dma_start3A_551 = arith.constant 0 : i32
      %dma_start3A_552 = tpu.memref_slice %arg4[%dma_start3A_546, %dma_start3A_551] : memref<6x128xi32, #tpu.memory_space<vmem>> -> memref<1x128xi32, #tpu.memory_space<vmem>>
      %dma_start3A_553 = tpu.memref_squeeze %dma_start3A_552 : memref<1x128xi32, #tpu.memory_space<vmem>> -> memref<128xi32, #tpu.memory_space<vmem>>
      %dma_start3A_554 = tpu.memref_slice %arg2[%add3A_545] : memref<320000xi32, #tpu.memory_space<hbm>> -> memref<128xi32, #tpu.memory_space<hbm>>
      tpu.enqueue_dma source(%dma_start3A_554 : memref<128xi32, #tpu.memory_space<hbm>>) target(%dma_start3A_553 : memref<128xi32, #tpu.memory_space<vmem>>) target_semaphore(%arg11 : memref<!tpu.dma_semaphore, #tpu.memory_space<semaphore_mem>>)
      %dma_wait3A_555 = arith.constant 4 : i32
      %dma_wait3A_556 = arith.constant 0 : i32
      %dma_wait3A_557 = tpu.memref_slice %arg4[%dma_wait3A_555, %dma_wait3A_556] : memref<6x128xi32, #tpu.memory_space<vmem>> -> memref<1x128xi32, #tpu.memory_space<vmem>>
      %dma_wait3A_558 = tpu.memref_squeeze %dma_wait3A_557 : memref<1x128xi32, #tpu.memory_space<vmem>> -> memref<128xi32, #tpu.memory_space<vmem>>
      %dma_wait3A_559 = arith.constant 0 : i32
      %dma_wait3A_560 = tpu.memref_slice %arg2[%dma_wait3A_559] : memref<320000xi32, #tpu.memory_space<hbm>> -> memref<128xi32, #tpu.memory_space<hbm>>
      %dma_wait3A_561 = arith.constant 0 : i32
      %dma_wait3A_562 = tpu.memref_slice %arg4[%dma_wait3A_555, %dma_wait3A_561] : memref<6x128xi32, #tpu.memory_space<vmem>> -> memref<1x128xi32, #tpu.memory_space<vmem>>
      %dma_wait3A_563 = tpu.memref_squeeze %dma_wait3A_562 : memref<1x128xi32, #tpu.memory_space<vmem>> -> memref<128xi32, #tpu.memory_space<vmem>>
      %dma_wait3A_564 = arith.constant 0 : i32
      %dma_wait3A_565 = tpu.memref_slice %arg2[%dma_wait3A_564] : memref<320000xi32, #tpu.memory_space<hbm>> -> memref<128xi32, #tpu.memory_space<hbm>>
      tpu.wait_dma2 semaphore(%arg12 : memref<!tpu.dma_semaphore, #tpu.memory_space<semaphore_mem>>) src(%dma_wait3A_565 : memref<128xi32, #tpu.memory_space<hbm>>) dst(%dma_wait3A_563 : memref<128xi32, #tpu.memory_space<vmem>>)
      %run_scoped3A_566 = arith.constant 4 : i32
      "tpu.region"() ({
        %run_scoped3A_611 = tpu.sem_alloc : memref<!tpu.dma_semaphore, #tpu.memory_space<semaphore_mem>>
        %dma_start3A_612 = arith.constant 0 : i32
        %dma_start3A_613 = tpu.memref_slice %arg4[%run_scoped3A_566, %dma_start3A_612] : memref<6x128xi32, #tpu.memory_space<vmem>> -> memref<1x128xi32, #tpu.memory_space<vmem>>
        %dma_start3A_614 = tpu.memref_squeeze %dma_start3A_613 : memref<1x128xi32, #tpu.memory_space<vmem>> -> memref<128xi32, #tpu.memory_space<vmem>>
        %dma_start3A_615 = arith.constant 0 : i32
        %dma_start3A_616 = tpu.memref_slice %arg14[%dma_start3A_615] : memref<10240xf32, #tpu.memory_space<vmem_shared>> -> memref<10240xf32, #tpu.memory_space<vmem_shared>>
        tpu.enqueue_indirect_dma source(%arg6 : memref<128xf32, #tpu.memory_space<vmem>>) target(%dma_start3A_616 : memref<10240xf32, #tpu.memory_space<vmem_shared>>) offsets(%dma_start3A_614 : memref<128xi32, #tpu.memory_space<vmem>>) semaphore(%run_scoped3A_611 : memref<!tpu.dma_semaphore, #tpu.memory_space<semaphore_mem>>) {add = true}
        %dma_wait3A_617 = arith.constant 0 : i32
        %dma_wait3A_618 = tpu.memref_slice %arg4[%run_scoped3A_566, %dma_wait3A_617] : memref<6x128xi32, #tpu.memory_space<vmem>> -> memref<1x128xi32, #tpu.memory_space<vmem>>
        %dma_wait3A_619 = tpu.memref_squeeze %dma_wait3A_618 : memref<1x128xi32, #tpu.memory_space<vmem>> -> memref<128xi32, #tpu.memory_space<vmem>>
        %dma_wait3A_620 = arith.constant 0 : i32
        %dma_wait3A_621 = tpu.memref_slice %arg14[%dma_wait3A_620] : memref<10240xf32, #tpu.memory_space<vmem_shared>> -> memref<10240xf32, #tpu.memory_space<vmem_shared>>
        tpu.wait_indirect_dma semaphore(%run_scoped3A_611 : memref<!tpu.dma_semaphore, #tpu.memory_space<semaphore_mem>>) src(%arg6 : memref<128xf32, #tpu.memory_space<vmem>>) dst(%dma_wait3A_621 : memref<10240xf32, #tpu.memory_space<vmem_shared>>)
        tpu.yield
      }) : () -> ()
      %add3A_567 = arith.constant 4 : i32
      %add3A_568 = arith.addi %mul3A_442, %add3A_567 : i32
      %add3A_569 = arith.constant 6 : i32
      %add3A_570 = arith.addi %add3A_568, %add3A_569 : i32
      %mul3A_571 = arith.constant 128 : i32
      %mul3A_572 = arith.muli %add3A_570, %mul3A_571 : i32
      %add3A_573 = arith.addi %mul3A_4, %mul3A_572 : i32
      %dma_start3A_574 = arith.constant 4 : i32
      %dma_start3A_575 = arith.constant 0 : i32
      %dma_start3A_576 = tpu.memref_slice %arg4[%dma_start3A_574, %dma_start3A_575] : memref<6x128xi32, #tpu.memory_space<vmem>> -> memref<1x128xi32, #tpu.memory_space<vmem>>
      %dma_start3A_577 = tpu.memref_squeeze %dma_start3A_576 : memref<1x128xi32, #tpu.memory_space<vmem>> -> memref<128xi32, #tpu.memory_space<vmem>>
      %dma_start3A_578 = tpu.memref_slice %arg2[%add3A_573] : memref<320000xi32, #tpu.memory_space<hbm>> -> memref<128xi32, #tpu.memory_space<hbm>>
      %dma_start3A_579 = arith.constant 0 : i32
      %dma_start3A_580 = tpu.memref_slice %arg4[%dma_start3A_574, %dma_start3A_579] : memref<6x128xi32, #tpu.memory_space<vmem>> -> memref<1x128xi32, #tpu.memory_space<vmem>>
      %dma_start3A_581 = tpu.memref_squeeze %dma_start3A_580 : memref<1x128xi32, #tpu.memory_space<vmem>> -> memref<128xi32, #tpu.memory_space<vmem>>
      %dma_start3A_582 = tpu.memref_slice %arg2[%add3A_573] : memref<320000xi32, #tpu.memory_space<hbm>> -> memref<128xi32, #tpu.memory_space<hbm>>
      tpu.enqueue_dma source(%dma_start3A_582 : memref<128xi32, #tpu.memory_space<hbm>>) target(%dma_start3A_581 : memref<128xi32, #tpu.memory_space<vmem>>) target_semaphore(%arg12 : memref<!tpu.dma_semaphore, #tpu.memory_space<semaphore_mem>>)
      %dma_wait3A_583 = arith.constant 5 : i32
      %dma_wait3A_584 = arith.constant 0 : i32
      %dma_wait3A_585 = tpu.memref_slice %arg4[%dma_wait3A_583, %dma_wait3A_584] : memref<6x128xi32, #tpu.memory_space<vmem>> -> memref<1x128xi32, #tpu.memory_space<vmem>>
      %dma_wait3A_586 = tpu.memref_squeeze %dma_wait3A_585 : memref<1x128xi32, #tpu.memory_space<vmem>> -> memref<128xi32, #tpu.memory_space<vmem>>
      %dma_wait3A_587 = arith.constant 0 : i32
      %dma_wait3A_588 = tpu.memref_slice %arg2[%dma_wait3A_587] : memref<320000xi32, #tpu.memory_space<hbm>> -> memref<128xi32, #tpu.memory_space<hbm>>
      %dma_wait3A_589 = arith.constant 0 : i32
      %dma_wait3A_590 = tpu.memref_slice %arg4[%dma_wait3A_583, %dma_wait3A_589] : memref<6x128xi32, #tpu.memory_space<vmem>> -> memref<1x128xi32, #tpu.memory_space<vmem>>
      %dma_wait3A_591 = tpu.memref_squeeze %dma_wait3A_590 : memref<1x128xi32, #tpu.memory_space<vmem>> -> memref<128xi32, #tpu.memory_space<vmem>>
      %dma_wait3A_592 = arith.constant 0 : i32
      %dma_wait3A_593 = tpu.memref_slice %arg2[%dma_wait3A_592] : memref<320000xi32, #tpu.memory_space<hbm>> -> memref<128xi32, #tpu.memory_space<hbm>>
      tpu.wait_dma2 semaphore(%arg13 : memref<!tpu.dma_semaphore, #tpu.memory_space<semaphore_mem>>) src(%dma_wait3A_593 : memref<128xi32, #tpu.memory_space<hbm>>) dst(%dma_wait3A_591 : memref<128xi32, #tpu.memory_space<vmem>>)
      %run_scoped3A_594 = arith.constant 5 : i32
      "tpu.region"() ({
        %run_scoped3A_611 = tpu.sem_alloc : memref<!tpu.dma_semaphore, #tpu.memory_space<semaphore_mem>>
        %dma_start3A_612 = arith.constant 0 : i32
        %dma_start3A_613 = tpu.memref_slice %arg4[%run_scoped3A_594, %dma_start3A_612] : memref<6x128xi32, #tpu.memory_space<vmem>> -> memref<1x128xi32, #tpu.memory_space<vmem>>
        %dma_start3A_614 = tpu.memref_squeeze %dma_start3A_613 : memref<1x128xi32, #tpu.memory_space<vmem>> -> memref<128xi32, #tpu.memory_space<vmem>>
        %dma_start3A_615 = arith.constant 0 : i32
        %dma_start3A_616 = tpu.memref_slice %arg14[%dma_start3A_615] : memref<10240xf32, #tpu.memory_space<vmem_shared>> -> memref<10240xf32, #tpu.memory_space<vmem_shared>>
        tpu.enqueue_indirect_dma source(%arg6 : memref<128xf32, #tpu.memory_space<vmem>>) target(%dma_start3A_616 : memref<10240xf32, #tpu.memory_space<vmem_shared>>) offsets(%dma_start3A_614 : memref<128xi32, #tpu.memory_space<vmem>>) semaphore(%run_scoped3A_611 : memref<!tpu.dma_semaphore, #tpu.memory_space<semaphore_mem>>) {add = true}
        %dma_wait3A_617 = arith.constant 0 : i32
        %dma_wait3A_618 = tpu.memref_slice %arg4[%run_scoped3A_594, %dma_wait3A_617] : memref<6x128xi32, #tpu.memory_space<vmem>> -> memref<1x128xi32, #tpu.memory_space<vmem>>
        %dma_wait3A_619 = tpu.memref_squeeze %dma_wait3A_618 : memref<1x128xi32, #tpu.memory_space<vmem>> -> memref<128xi32, #tpu.memory_space<vmem>>
        %dma_wait3A_620 = arith.constant 0 : i32
        %dma_wait3A_621 = tpu.memref_slice %arg14[%dma_wait3A_620] : memref<10240xf32, #tpu.memory_space<vmem_shared>> -> memref<10240xf32, #tpu.memory_space<vmem_shared>>
        tpu.wait_indirect_dma semaphore(%run_scoped3A_611 : memref<!tpu.dma_semaphore, #tpu.memory_space<semaphore_mem>>) src(%arg6 : memref<128xf32, #tpu.memory_space<vmem>>) dst(%dma_wait3A_621 : memref<10240xf32, #tpu.memory_space<vmem_shared>>)
        tpu.yield
      }) : () -> ()
      %add3A_595 = arith.constant 5 : i32
      %add3A_596 = arith.addi %mul3A_442, %add3A_595 : i32
      %add3A_597 = arith.constant 6 : i32
      %add3A_598 = arith.addi %add3A_596, %add3A_597 : i32
      %mul3A_599 = arith.constant 128 : i32
      %mul3A_600 = arith.muli %add3A_598, %mul3A_599 : i32
      %add3A_601 = arith.addi %mul3A_4, %mul3A_600 : i32
      %dma_start3A_602 = arith.constant 5 : i32
      %dma_start3A_603 = arith.constant 0 : i32
      %dma_start3A_604 = tpu.memref_slice %arg4[%dma_start3A_602, %dma_start3A_603] : memref<6x128xi32, #tpu.memory_space<vmem>> -> memref<1x128xi32, #tpu.memory_space<vmem>>
      %dma_start3A_605 = tpu.memref_squeeze %dma_start3A_604 : memref<1x128xi32, #tpu.memory_space<vmem>> -> memref<128xi32, #tpu.memory_space<vmem>>
      %dma_start3A_606 = tpu.memref_slice %arg2[%add3A_601] : memref<320000xi32, #tpu.memory_space<hbm>> -> memref<128xi32, #tpu.memory_space<hbm>>
      %dma_start3A_607 = arith.constant 0 : i32
      %dma_start3A_608 = tpu.memref_slice %arg4[%dma_start3A_602, %dma_start3A_607] : memref<6x128xi32, #tpu.memory_space<vmem>> -> memref<1x128xi32, #tpu.memory_space<vmem>>
      %dma_start3A_609 = tpu.memref_squeeze %dma_start3A_608 : memref<1x128xi32, #tpu.memory_space<vmem>> -> memref<128xi32, #tpu.memory_space<vmem>>
      %dma_start3A_610 = tpu.memref_slice %arg2[%add3A_601] : memref<320000xi32, #tpu.memory_space<hbm>> -> memref<128xi32, #tpu.memory_space<hbm>>
      tpu.enqueue_dma source(%dma_start3A_610 : memref<128xi32, #tpu.memory_space<hbm>>) target(%dma_start3A_609 : memref<128xi32, #tpu.memory_space<vmem>>) target_semaphore(%arg13 : memref<!tpu.dma_semaphore, #tpu.memory_space<semaphore_mem>>)
    }
    %scan3A_362 = arith.constant 12 : i32
    %dma_wait3A = arith.constant 0 : i32
    %dma_wait3A_363 = arith.constant 0 : i32
    %dma_wait3A_364 = tpu.memref_slice %arg4[%dma_wait3A, %dma_wait3A_363] : memref<6x128xi32, #tpu.memory_space<vmem>> -> memref<1x128xi32, #tpu.memory_space<vmem>>
    %dma_wait3A_365 = tpu.memref_squeeze %dma_wait3A_364 : memref<1x128xi32, #tpu.memory_space<vmem>> -> memref<128xi32, #tpu.memory_space<vmem>>
    %dma_wait3A_366 = arith.constant 0 : i32
    %dma_wait3A_367 = tpu.memref_slice %arg2[%dma_wait3A_366] : memref<320000xi32, #tpu.memory_space<hbm>> -> memref<128xi32, #tpu.memory_space<hbm>>
    %dma_wait3A_368 = arith.constant 0 : i32
    %dma_wait3A_369 = tpu.memref_slice %arg4[%dma_wait3A, %dma_wait3A_368] : memref<6x128xi32, #tpu.memory_space<vmem>> -> memref<1x128xi32, #tpu.memory_space<vmem>>
    %dma_wait3A_370 = tpu.memref_squeeze %dma_wait3A_369 : memref<1x128xi32, #tpu.memory_space<vmem>> -> memref<128xi32, #tpu.memory_space<vmem>>
    %dma_wait3A_371 = arith.constant 0 : i32
    %dma_wait3A_372 = tpu.memref_slice %arg2[%dma_wait3A_371] : memref<320000xi32, #tpu.memory_space<hbm>> -> memref<128xi32, #tpu.memory_space<hbm>>
    tpu.wait_dma2 semaphore(%arg8 : memref<!tpu.dma_semaphore, #tpu.memory_space<semaphore_mem>>) src(%dma_wait3A_372 : memref<128xi32, #tpu.memory_space<hbm>>) dst(%dma_wait3A_370 : memref<128xi32, #tpu.memory_space<vmem>>)
    %run_scoped3A = arith.constant 0 : i32
    "tpu.region"() ({
      %run_scoped3A_440 = tpu.sem_alloc : memref<!tpu.dma_semaphore, #tpu.memory_space<semaphore_mem>>
      %dma_start3A_441 = arith.constant 0 : i32
      %dma_start3A_442 = tpu.memref_slice %arg4[%run_scoped3A, %dma_start3A_441] : memref<6x128xi32, #tpu.memory_space<vmem>> -> memref<1x128xi32, #tpu.memory_space<vmem>>
      %dma_start3A_443 = tpu.memref_squeeze %dma_start3A_442 : memref<1x128xi32, #tpu.memory_space<vmem>> -> memref<128xi32, #tpu.memory_space<vmem>>
      %dma_start3A_444 = arith.constant 0 : i32
      %dma_start3A_445 = tpu.memref_slice %arg14[%dma_start3A_444] : memref<10240xf32, #tpu.memory_space<vmem_shared>> -> memref<10240xf32, #tpu.memory_space<vmem_shared>>
      tpu.enqueue_indirect_dma source(%arg6 : memref<128xf32, #tpu.memory_space<vmem>>) target(%dma_start3A_445 : memref<10240xf32, #tpu.memory_space<vmem_shared>>) offsets(%dma_start3A_443 : memref<128xi32, #tpu.memory_space<vmem>>) semaphore(%run_scoped3A_440 : memref<!tpu.dma_semaphore, #tpu.memory_space<semaphore_mem>>) {add = true}
      %dma_wait3A_446 = arith.constant 0 : i32
      %dma_wait3A_447 = tpu.memref_slice %arg4[%run_scoped3A, %dma_wait3A_446] : memref<6x128xi32, #tpu.memory_space<vmem>> -> memref<1x128xi32, #tpu.memory_space<vmem>>
      %dma_wait3A_448 = tpu.memref_squeeze %dma_wait3A_447 : memref<1x128xi32, #tpu.memory_space<vmem>> -> memref<128xi32, #tpu.memory_space<vmem>>
      %dma_wait3A_449 = arith.constant 0 : i32
      %dma_wait3A_450 = tpu.memref_slice %arg14[%dma_wait3A_449] : memref<10240xf32, #tpu.memory_space<vmem_shared>> -> memref<10240xf32, #tpu.memory_space<vmem_shared>>
      tpu.wait_indirect_dma semaphore(%run_scoped3A_440 : memref<!tpu.dma_semaphore, #tpu.memory_space<semaphore_mem>>) src(%arg6 : memref<128xf32, #tpu.memory_space<vmem>>) dst(%dma_wait3A_450 : memref<10240xf32, #tpu.memory_space<vmem_shared>>)
      tpu.yield
    }) : () -> ()
    %dma_wait3A_373 = arith.constant 1 : i32
    %dma_wait3A_374 = arith.constant 0 : i32
    %dma_wait3A_375 = tpu.memref_slice %arg4[%dma_wait3A_373, %dma_wait3A_374] : memref<6x128xi32, #tpu.memory_space<vmem>> -> memref<1x128xi32, #tpu.memory_space<vmem>>
    %dma_wait3A_376 = tpu.memref_squeeze %dma_wait3A_375 : memref<1x128xi32, #tpu.memory_space<vmem>> -> memref<128xi32, #tpu.memory_space<vmem>>
    %dma_wait3A_377 = arith.constant 0 : i32
    %dma_wait3A_378 = tpu.memref_slice %arg2[%dma_wait3A_377] : memref<320000xi32, #tpu.memory_space<hbm>> -> memref<128xi32, #tpu.memory_space<hbm>>
    %dma_wait3A_379 = arith.constant 0 : i32
    %dma_wait3A_380 = tpu.memref_slice %arg4[%dma_wait3A_373, %dma_wait3A_379] : memref<6x128xi32, #tpu.memory_space<vmem>> -> memref<1x128xi32, #tpu.memory_space<vmem>>
    %dma_wait3A_381 = tpu.memref_squeeze %dma_wait3A_380 : memref<1x128xi32, #tpu.memory_space<vmem>> -> memref<128xi32, #tpu.memory_space<vmem>>
    %dma_wait3A_382 = arith.constant 0 : i32
    %dma_wait3A_383 = tpu.memref_slice %arg2[%dma_wait3A_382] : memref<320000xi32, #tpu.memory_space<hbm>> -> memref<128xi32, #tpu.memory_space<hbm>>
    tpu.wait_dma2 semaphore(%arg9 : memref<!tpu.dma_semaphore, #tpu.memory_space<semaphore_mem>>) src(%dma_wait3A_383 : memref<128xi32, #tpu.memory_space<hbm>>) dst(%dma_wait3A_381 : memref<128xi32, #tpu.memory_space<vmem>>)
    %run_scoped3A_384 = arith.constant 1 : i32
    "tpu.region"() ({
      %run_scoped3A_440 = tpu.sem_alloc : memref<!tpu.dma_semaphore, #tpu.memory_space<semaphore_mem>>
      %dma_start3A_441 = arith.constant 0 : i32
      %dma_start3A_442 = tpu.memref_slice %arg4[%run_scoped3A_384, %dma_start3A_441] : memref<6x128xi32, #tpu.memory_space<vmem>> -> memref<1x128xi32, #tpu.memory_space<vmem>>
      %dma_start3A_443 = tpu.memref_squeeze %dma_start3A_442 : memref<1x128xi32, #tpu.memory_space<vmem>> -> memref<128xi32, #tpu.memory_space<vmem>>
      %dma_start3A_444 = arith.constant 0 : i32
      %dma_start3A_445 = tpu.memref_slice %arg14[%dma_start3A_444] : memref<10240xf32, #tpu.memory_space<vmem_shared>> -> memref<10240xf32, #tpu.memory_space<vmem_shared>>
      tpu.enqueue_indirect_dma source(%arg6 : memref<128xf32, #tpu.memory_space<vmem>>) target(%dma_start3A_445 : memref<10240xf32, #tpu.memory_space<vmem_shared>>) offsets(%dma_start3A_443 : memref<128xi32, #tpu.memory_space<vmem>>) semaphore(%run_scoped3A_440 : memref<!tpu.dma_semaphore, #tpu.memory_space<semaphore_mem>>) {add = true}
      %dma_wait3A_446 = arith.constant 0 : i32
      %dma_wait3A_447 = tpu.memref_slice %arg4[%run_scoped3A_384, %dma_wait3A_446] : memref<6x128xi32, #tpu.memory_space<vmem>> -> memref<1x128xi32, #tpu.memory_space<vmem>>
      %dma_wait3A_448 = tpu.memref_squeeze %dma_wait3A_447 : memref<1x128xi32, #tpu.memory_space<vmem>> -> memref<128xi32, #tpu.memory_space<vmem>>
      %dma_wait3A_449 = arith.constant 0 : i32
      %dma_wait3A_450 = tpu.memref_slice %arg14[%dma_wait3A_449] : memref<10240xf32, #tpu.memory_space<vmem_shared>> -> memref<10240xf32, #tpu.memory_space<vmem_shared>>
      tpu.wait_indirect_dma semaphore(%run_scoped3A_440 : memref<!tpu.dma_semaphore, #tpu.memory_space<semaphore_mem>>) src(%arg6 : memref<128xf32, #tpu.memory_space<vmem>>) dst(%dma_wait3A_450 : memref<10240xf32, #tpu.memory_space<vmem_shared>>)
      tpu.yield
    }) : () -> ()
    %dma_wait3A_385 = arith.constant 2 : i32
    %dma_wait3A_386 = arith.constant 0 : i32
    %dma_wait3A_387 = tpu.memref_slice %arg4[%dma_wait3A_385, %dma_wait3A_386] : memref<6x128xi32, #tpu.memory_space<vmem>> -> memref<1x128xi32, #tpu.memory_space<vmem>>
    %dma_wait3A_388 = tpu.memref_squeeze %dma_wait3A_387 : memref<1x128xi32, #tpu.memory_space<vmem>> -> memref<128xi32, #tpu.memory_space<vmem>>
    %dma_wait3A_389 = arith.constant 0 : i32
    %dma_wait3A_390 = tpu.memref_slice %arg2[%dma_wait3A_389] : memref<320000xi32, #tpu.memory_space<hbm>> -> memref<128xi32, #tpu.memory_space<hbm>>
    %dma_wait3A_391 = arith.constant 0 : i32
    %dma_wait3A_392 = tpu.memref_slice %arg4[%dma_wait3A_385, %dma_wait3A_391] : memref<6x128xi32, #tpu.memory_space<vmem>> -> memref<1x128xi32, #tpu.memory_space<vmem>>
    %dma_wait3A_393 = tpu.memref_squeeze %dma_wait3A_392 : memref<1x128xi32, #tpu.memory_space<vmem>> -> memref<128xi32, #tpu.memory_space<vmem>>
    %dma_wait3A_394 = arith.constant 0 : i32
    %dma_wait3A_395 = tpu.memref_slice %arg2[%dma_wait3A_394] : memref<320000xi32, #tpu.memory_space<hbm>> -> memref<128xi32, #tpu.memory_space<hbm>>
    tpu.wait_dma2 semaphore(%arg10 : memref<!tpu.dma_semaphore, #tpu.memory_space<semaphore_mem>>) src(%dma_wait3A_395 : memref<128xi32, #tpu.memory_space<hbm>>) dst(%dma_wait3A_393 : memref<128xi32, #tpu.memory_space<vmem>>)
    %run_scoped3A_396 = arith.constant 2 : i32
    "tpu.region"() ({
      %run_scoped3A_440 = tpu.sem_alloc : memref<!tpu.dma_semaphore, #tpu.memory_space<semaphore_mem>>
      %dma_start3A_441 = arith.constant 0 : i32
      %dma_start3A_442 = tpu.memref_slice %arg4[%run_scoped3A_396, %dma_start3A_441] : memref<6x128xi32, #tpu.memory_space<vmem>> -> memref<1x128xi32, #tpu.memory_space<vmem>>
      %dma_start3A_443 = tpu.memref_squeeze %dma_start3A_442 : memref<1x128xi32, #tpu.memory_space<vmem>> -> memref<128xi32, #tpu.memory_space<vmem>>
      %dma_start3A_444 = arith.constant 0 : i32
      %dma_start3A_445 = tpu.memref_slice %arg14[%dma_start3A_444] : memref<10240xf32, #tpu.memory_space<vmem_shared>> -> memref<10240xf32, #tpu.memory_space<vmem_shared>>
      tpu.enqueue_indirect_dma source(%arg6 : memref<128xf32, #tpu.memory_space<vmem>>) target(%dma_start3A_445 : memref<10240xf32, #tpu.memory_space<vmem_shared>>) offsets(%dma_start3A_443 : memref<128xi32, #tpu.memory_space<vmem>>) semaphore(%run_scoped3A_440 : memref<!tpu.dma_semaphore, #tpu.memory_space<semaphore_mem>>) {add = true}
      %dma_wait3A_446 = arith.constant 0 : i32
      %dma_wait3A_447 = tpu.memref_slice %arg4[%run_scoped3A_396, %dma_wait3A_446] : memref<6x128xi32, #tpu.memory_space<vmem>> -> memref<1x128xi32, #tpu.memory_space<vmem>>
      %dma_wait3A_448 = tpu.memref_squeeze %dma_wait3A_447 : memref<1x128xi32, #tpu.memory_space<vmem>> -> memref<128xi32, #tpu.memory_space<vmem>>
      %dma_wait3A_449 = arith.constant 0 : i32
      %dma_wait3A_450 = tpu.memref_slice %arg14[%dma_wait3A_449] : memref<10240xf32, #tpu.memory_space<vmem_shared>> -> memref<10240xf32, #tpu.memory_space<vmem_shared>>
      tpu.wait_indirect_dma semaphore(%run_scoped3A_440 : memref<!tpu.dma_semaphore, #tpu.memory_space<semaphore_mem>>) src(%arg6 : memref<128xf32, #tpu.memory_space<vmem>>) dst(%dma_wait3A_450 : memref<10240xf32, #tpu.memory_space<vmem_shared>>)
      tpu.yield
    }) : () -> ()
    %dma_wait3A_397 = arith.constant 3 : i32
    %dma_wait3A_398 = arith.constant 0 : i32
    %dma_wait3A_399 = tpu.memref_slice %arg4[%dma_wait3A_397, %dma_wait3A_398] : memref<6x128xi32, #tpu.memory_space<vmem>> -> memref<1x128xi32, #tpu.memory_space<vmem>>
    %dma_wait3A_400 = tpu.memref_squeeze %dma_wait3A_399 : memref<1x128xi32, #tpu.memory_space<vmem>> -> memref<128xi32, #tpu.memory_space<vmem>>
    %dma_wait3A_401 = arith.constant 0 : i32
    %dma_wait3A_402 = tpu.memref_slice %arg2[%dma_wait3A_401] : memref<320000xi32, #tpu.memory_space<hbm>> -> memref<128xi32, #tpu.memory_space<hbm>>
    %dma_wait3A_403 = arith.constant 0 : i32
    %dma_wait3A_404 = tpu.memref_slice %arg4[%dma_wait3A_397, %dma_wait3A_403] : memref<6x128xi32, #tpu.memory_space<vmem>> -> memref<1x128xi32, #tpu.memory_space<vmem>>
    %dma_wait3A_405 = tpu.memref_squeeze %dma_wait3A_404 : memref<1x128xi32, #tpu.memory_space<vmem>> -> memref<128xi32, #tpu.memory_space<vmem>>
    %dma_wait3A_406 = arith.constant 0 : i32
    %dma_wait3A_407 = tpu.memref_slice %arg2[%dma_wait3A_406] : memref<320000xi32, #tpu.memory_space<hbm>> -> memref<128xi32, #tpu.memory_space<hbm>>
    tpu.wait_dma2 semaphore(%arg11 : memref<!tpu.dma_semaphore, #tpu.memory_space<semaphore_mem>>) src(%dma_wait3A_407 : memref<128xi32, #tpu.memory_space<hbm>>) dst(%dma_wait3A_405 : memref<128xi32, #tpu.memory_space<vmem>>)
    %run_scoped3A_408 = arith.constant 3 : i32
    "tpu.region"() ({
      %run_scoped3A_440 = tpu.sem_alloc : memref<!tpu.dma_semaphore, #tpu.memory_space<semaphore_mem>>
      %dma_start3A_441 = arith.constant 0 : i32
      %dma_start3A_442 = tpu.memref_slice %arg4[%run_scoped3A_408, %dma_start3A_441] : memref<6x128xi32, #tpu.memory_space<vmem>> -> memref<1x128xi32, #tpu.memory_space<vmem>>
      %dma_start3A_443 = tpu.memref_squeeze %dma_start3A_442 : memref<1x128xi32, #tpu.memory_space<vmem>> -> memref<128xi32, #tpu.memory_space<vmem>>
      %dma_start3A_444 = arith.constant 0 : i32
      %dma_start3A_445 = tpu.memref_slice %arg14[%dma_start3A_444] : memref<10240xf32, #tpu.memory_space<vmem_shared>> -> memref<10240xf32, #tpu.memory_space<vmem_shared>>
      tpu.enqueue_indirect_dma source(%arg6 : memref<128xf32, #tpu.memory_space<vmem>>) target(%dma_start3A_445 : memref<10240xf32, #tpu.memory_space<vmem_shared>>) offsets(%dma_start3A_443 : memref<128xi32, #tpu.memory_space<vmem>>) semaphore(%run_scoped3A_440 : memref<!tpu.dma_semaphore, #tpu.memory_space<semaphore_mem>>) {add = true}
      %dma_wait3A_446 = arith.constant 0 : i32
      %dma_wait3A_447 = tpu.memref_slice %arg4[%run_scoped3A_408, %dma_wait3A_446] : memref<6x128xi32, #tpu.memory_space<vmem>> -> memref<1x128xi32, #tpu.memory_space<vmem>>
      %dma_wait3A_448 = tpu.memref_squeeze %dma_wait3A_447 : memref<1x128xi32, #tpu.memory_space<vmem>> -> memref<128xi32, #tpu.memory_space<vmem>>
      %dma_wait3A_449 = arith.constant 0 : i32
      %dma_wait3A_450 = tpu.memref_slice %arg14[%dma_wait3A_449] : memref<10240xf32, #tpu.memory_space<vmem_shared>> -> memref<10240xf32, #tpu.memory_space<vmem_shared>>
      tpu.wait_indirect_dma semaphore(%run_scoped3A_440 : memref<!tpu.dma_semaphore, #tpu.memory_space<semaphore_mem>>) src(%arg6 : memref<128xf32, #tpu.memory_space<vmem>>) dst(%dma_wait3A_450 : memref<10240xf32, #tpu.memory_space<vmem_shared>>)
      tpu.yield
    }) : () -> ()
    %dma_wait3A_409 = arith.constant 4 : i32
    %dma_wait3A_410 = arith.constant 0 : i32
    %dma_wait3A_411 = tpu.memref_slice %arg4[%dma_wait3A_409, %dma_wait3A_410] : memref<6x128xi32, #tpu.memory_space<vmem>> -> memref<1x128xi32, #tpu.memory_space<vmem>>
    %dma_wait3A_412 = tpu.memref_squeeze %dma_wait3A_411 : memref<1x128xi32, #tpu.memory_space<vmem>> -> memref<128xi32, #tpu.memory_space<vmem>>
    %dma_wait3A_413 = arith.constant 0 : i32
    %dma_wait3A_414 = tpu.memref_slice %arg2[%dma_wait3A_413] : memref<320000xi32, #tpu.memory_space<hbm>> -> memref<128xi32, #tpu.memory_space<hbm>>
    %dma_wait3A_415 = arith.constant 0 : i32
    %dma_wait3A_416 = tpu.memref_slice %arg4[%dma_wait3A_409, %dma_wait3A_415] : memref<6x128xi32, #tpu.memory_space<vmem>> -> memref<1x128xi32, #tpu.memory_space<vmem>>
    %dma_wait3A_417 = tpu.memref_squeeze %dma_wait3A_416 : memref<1x128xi32, #tpu.memory_space<vmem>> -> memref<128xi32, #tpu.memory_space<vmem>>
    %dma_wait3A_418 = arith.constant 0 : i32
    %dma_wait3A_419 = tpu.memref_slice %arg2[%dma_wait3A_418] : memref<320000xi32, #tpu.memory_space<hbm>> -> memref<128xi32, #tpu.memory_space<hbm>>
    tpu.wait_dma2 semaphore(%arg12 : memref<!tpu.dma_semaphore, #tpu.memory_space<semaphore_mem>>) src(%dma_wait3A_419 : memref<128xi32, #tpu.memory_space<hbm>>) dst(%dma_wait3A_417 : memref<128xi32, #tpu.memory_space<vmem>>)
    %run_scoped3A_420 = arith.constant 4 : i32
    "tpu.region"() ({
      %run_scoped3A_440 = tpu.sem_alloc : memref<!tpu.dma_semaphore, #tpu.memory_space<semaphore_mem>>
      %dma_start3A_441 = arith.constant 0 : i32
      %dma_start3A_442 = tpu.memref_slice %arg4[%run_scoped3A_420, %dma_start3A_441] : memref<6x128xi32, #tpu.memory_space<vmem>> -> memref<1x128xi32, #tpu.memory_space<vmem>>
      %dma_start3A_443 = tpu.memref_squeeze %dma_start3A_442 : memref<1x128xi32, #tpu.memory_space<vmem>> -> memref<128xi32, #tpu.memory_space<vmem>>
      %dma_start3A_444 = arith.constant 0 : i32
      %dma_start3A_445 = tpu.memref_slice %arg14[%dma_start3A_444] : memref<10240xf32, #tpu.memory_space<vmem_shared>> -> memref<10240xf32, #tpu.memory_space<vmem_shared>>
      tpu.enqueue_indirect_dma source(%arg6 : memref<128xf32, #tpu.memory_space<vmem>>) target(%dma_start3A_445 : memref<10240xf32, #tpu.memory_space<vmem_shared>>) offsets(%dma_start3A_443 : memref<128xi32, #tpu.memory_space<vmem>>) semaphore(%run_scoped3A_440 : memref<!tpu.dma_semaphore, #tpu.memory_space<semaphore_mem>>) {add = true}
      %dma_wait3A_446 = arith.constant 0 : i32
      %dma_wait3A_447 = tpu.memref_slice %arg4[%run_scoped3A_420, %dma_wait3A_446] : memref<6x128xi32, #tpu.memory_space<vmem>> -> memref<1x128xi32, #tpu.memory_space<vmem>>
      %dma_wait3A_448 = tpu.memref_squeeze %dma_wait3A_447 : memref<1x128xi32, #tpu.memory_space<vmem>> -> memref<128xi32, #tpu.memory_space<vmem>>
      %dma_wait3A_449 = arith.constant 0 : i32
      %dma_wait3A_450 = tpu.memref_slice %arg14[%dma_wait3A_449] : memref<10240xf32, #tpu.memory_space<vmem_shared>> -> memref<10240xf32, #tpu.memory_space<vmem_shared>>
      tpu.wait_indirect_dma semaphore(%run_scoped3A_440 : memref<!tpu.dma_semaphore, #tpu.memory_space<semaphore_mem>>) src(%arg6 : memref<128xf32, #tpu.memory_space<vmem>>) dst(%dma_wait3A_450 : memref<10240xf32, #tpu.memory_space<vmem_shared>>)
      tpu.yield
    }) : () -> ()
    %dma_wait3A_421 = arith.constant 5 : i32
    %dma_wait3A_422 = arith.constant 0 : i32
    %dma_wait3A_423 = tpu.memref_slice %arg4[%dma_wait3A_421, %dma_wait3A_422] : memref<6x128xi32, #tpu.memory_space<vmem>> -> memref<1x128xi32, #tpu.memory_space<vmem>>
    %dma_wait3A_424 = tpu.memref_squeeze %dma_wait3A_423 : memref<1x128xi32, #tpu.memory_space<vmem>> -> memref<128xi32, #tpu.memory_space<vmem>>
    %dma_wait3A_425 = arith.constant 0 : i32
    %dma_wait3A_426 = tpu.memref_slice %arg2[%dma_wait3A_425] : memref<320000xi32, #tpu.memory_space<hbm>> -> memref<128xi32, #tpu.memory_space<hbm>>
    %dma_wait3A_427 = arith.constant 0 : i32
    %dma_wait3A_428 = tpu.memref_slice %arg4[%dma_wait3A_421, %dma_wait3A_427] : memref<6x128xi32, #tpu.memory_space<vmem>> -> memref<1x128xi32, #tpu.memory_space<vmem>>
    %dma_wait3A_429 = tpu.memref_squeeze %dma_wait3A_428 : memref<1x128xi32, #tpu.memory_space<vmem>> -> memref<128xi32, #tpu.memory_space<vmem>>
    %dma_wait3A_430 = arith.constant 0 : i32
    %dma_wait3A_431 = tpu.memref_slice %arg2[%dma_wait3A_430] : memref<320000xi32, #tpu.memory_space<hbm>> -> memref<128xi32, #tpu.memory_space<hbm>>
    tpu.wait_dma2 semaphore(%arg13 : memref<!tpu.dma_semaphore, #tpu.memory_space<semaphore_mem>>) src(%dma_wait3A_431 : memref<128xi32, #tpu.memory_space<hbm>>) dst(%dma_wait3A_429 : memref<128xi32, #tpu.memory_space<vmem>>)
    %run_scoped3A_432 = arith.constant 5 : i32
    "tpu.region"() ({
      %run_scoped3A_440 = tpu.sem_alloc : memref<!tpu.dma_semaphore, #tpu.memory_space<semaphore_mem>>
      %dma_start3A_441 = arith.constant 0 : i32
      %dma_start3A_442 = tpu.memref_slice %arg4[%run_scoped3A_432, %dma_start3A_441] : memref<6x128xi32, #tpu.memory_space<vmem>> -> memref<1x128xi32, #tpu.memory_space<vmem>>
      %dma_start3A_443 = tpu.memref_squeeze %dma_start3A_442 : memref<1x128xi32, #tpu.memory_space<vmem>> -> memref<128xi32, #tpu.memory_space<vmem>>
      %dma_start3A_444 = arith.constant 0 : i32
      %dma_start3A_445 = tpu.memref_slice %arg14[%dma_start3A_444] : memref<10240xf32, #tpu.memory_space<vmem_shared>> -> memref<10240xf32, #tpu.memory_space<vmem_shared>>
      tpu.enqueue_indirect_dma source(%arg6 : memref<128xf32, #tpu.memory_space<vmem>>) target(%dma_start3A_445 : memref<10240xf32, #tpu.memory_space<vmem_shared>>) offsets(%dma_start3A_443 : memref<128xi32, #tpu.memory_space<vmem>>) semaphore(%run_scoped3A_440 : memref<!tpu.dma_semaphore, #tpu.memory_space<semaphore_mem>>) {add = true}
      %dma_wait3A_446 = arith.constant 0 : i32
      %dma_wait3A_447 = tpu.memref_slice %arg4[%run_scoped3A_432, %dma_wait3A_446] : memref<6x128xi32, #tpu.memory_space<vmem>> -> memref<1x128xi32, #tpu.memory_space<vmem>>
      %dma_wait3A_448 = tpu.memref_squeeze %dma_wait3A_447 : memref<1x128xi32, #tpu.memory_space<vmem>> -> memref<128xi32, #tpu.memory_space<vmem>>
      %dma_wait3A_449 = arith.constant 0 : i32
      %dma_wait3A_450 = tpu.memref_slice %arg14[%dma_wait3A_449] : memref<10240xf32, #tpu.memory_space<vmem_shared>> -> memref<10240xf32, #tpu.memory_space<vmem_shared>>
      tpu.wait_indirect_dma semaphore(%run_scoped3A_440 : memref<!tpu.dma_semaphore, #tpu.memory_space<semaphore_mem>>) src(%arg6 : memref<128xf32, #tpu.memory_space<vmem>>) dst(%dma_wait3A_450 : memref<10240xf32, #tpu.memory_space<vmem_shared>>)
      tpu.yield
    }) : () -> ()
    %eq3A = arith.constant 0 : i32
    %eq3A_433 = arith.cmpi eq, %arg1, %eq3A : i32
    %convert_element_type3A = arith.extui %eq3A_433 : i1 to i32
    %cond3A = arith.constant 0 : i32
    %cond3A_434 = arith.cmpi ne, %convert_element_type3A, %cond3A : i32
    scf.if %cond3A_434 {
      %mul3A_440 = arith.constant 2 : i32
      %mul3A_441 = arith.muli %mul3A_440, %arg0 : i32
      %add3A_442 = arith.constant 2496 : i32
      %add3A_443 = arith.addi %add3A_442, %mul3A_441 : i32
      %add3A_444 = arith.constant 0 : i32
      %add3A_445 = arith.addi %add3A_443, %add3A_444 : i32
      %mul3A_446 = arith.constant 128 : i32
      %mul3A_447 = arith.muli %add3A_445, %mul3A_446 : i32
      "tpu.region"() ({
        %run_scoped3A_456 = tpu.sem_alloc : memref<!tpu.dma_semaphore, #tpu.memory_space<semaphore_mem>>
        %dma_start3A_457 = tpu.memref_slice %arg2[%mul3A_447] : memref<320000xi32, #tpu.memory_space<hbm>> -> memref<128xi32, #tpu.memory_space<hbm>>
        %dma_start3A_458 = tpu.memref_slice %arg2[%mul3A_447] : memref<320000xi32, #tpu.memory_space<hbm>> -> memref<128xi32, #tpu.memory_space<hbm>>
        tpu.enqueue_dma source(%dma_start3A_458 : memref<128xi32, #tpu.memory_space<hbm>>) target(%arg5 : memref<128xi32, #tpu.memory_space<vmem>>) target_semaphore(%run_scoped3A_456 : memref<!tpu.dma_semaphore, #tpu.memory_space<semaphore_mem>>)
        %dma_wait3A_459 = tpu.memref_slice %arg2[%mul3A_447] : memref<320000xi32, #tpu.memory_space<hbm>> -> memref<128xi32, #tpu.memory_space<hbm>>
        %dma_wait3A_460 = tpu.memref_slice %arg2[%mul3A_447] : memref<320000xi32, #tpu.memory_space<hbm>> -> memref<128xi32, #tpu.memory_space<hbm>>
        tpu.wait_dma2 semaphore(%run_scoped3A_456 : memref<!tpu.dma_semaphore, #tpu.memory_space<semaphore_mem>>) src(%dma_wait3A_460 : memref<128xi32, #tpu.memory_space<hbm>>) dst(%arg5 : memref<128xi32, #tpu.memory_space<vmem>>)
        tpu.yield
      }) : () -> ()
      "tpu.region"() ({
        %run_scoped3A_456 = tpu.sem_alloc : memref<!tpu.dma_semaphore, #tpu.memory_space<semaphore_mem>>
        %dma_start3A_457 = arith.constant 0 : i32
        %dma_start3A_458 = tpu.memref_slice %arg14[%dma_start3A_457] : memref<10240xf32, #tpu.memory_space<vmem_shared>> -> memref<10240xf32, #tpu.memory_space<vmem_shared>>
        tpu.enqueue_indirect_dma source(%arg6 : memref<128xf32, #tpu.memory_space<vmem>>) target(%dma_start3A_458 : memref<10240xf32, #tpu.memory_space<vmem_shared>>) offsets(%arg5 : memref<128xi32, #tpu.memory_space<vmem>>) semaphore(%run_scoped3A_456 : memref<!tpu.dma_semaphore, #tpu.memory_space<semaphore_mem>>) {add = true}
        %dma_wait3A_459 = arith.constant 0 : i32
        %dma_wait3A_460 = tpu.memref_slice %arg14[%dma_wait3A_459] : memref<10240xf32, #tpu.memory_space<vmem_shared>> -> memref<10240xf32, #tpu.memory_space<vmem_shared>>
        tpu.wait_indirect_dma semaphore(%run_scoped3A_456 : memref<!tpu.dma_semaphore, #tpu.memory_space<semaphore_mem>>) src(%arg6 : memref<128xf32, #tpu.memory_space<vmem>>) dst(%dma_wait3A_460 : memref<10240xf32, #tpu.memory_space<vmem_shared>>)
        tpu.yield
      }) : () -> ()
      %mul3A_448 = arith.constant 2 : i32
      %mul3A_449 = arith.muli %mul3A_448, %arg0 : i32
      %add3A_450 = arith.constant 2496 : i32
      %add3A_451 = arith.addi %add3A_450, %mul3A_449 : i32
      %add3A_452 = arith.constant 1 : i32
      %add3A_453 = arith.addi %add3A_451, %add3A_452 : i32
      %mul3A_454 = arith.constant 128 : i32
      %mul3A_455 = arith.muli %add3A_453, %mul3A_454 : i32
      "tpu.region"() ({
        %run_scoped3A_456 = tpu.sem_alloc : memref<!tpu.dma_semaphore, #tpu.memory_space<semaphore_mem>>
        %dma_start3A_457 = tpu.memref_slice %arg2[%mul3A_455] : memref<320000xi32, #tpu.memory_space<hbm>> -> memref<128xi32, #tpu.memory_space<hbm>>
        %dma_start3A_458 = tpu.memref_slice %arg2[%mul3A_455] : memref<320000xi32, #tpu.memory_space<hbm>> -> memref<128xi32, #tpu.memory_space<hbm>>
        tpu.enqueue_dma source(%dma_start3A_458 : memref<128xi32, #tpu.memory_space<hbm>>) target(%arg5 : memref<128xi32, #tpu.memory_space<vmem>>) target_semaphore(%run_scoped3A_456 : memref<!tpu.dma_semaphore, #tpu.memory_space<semaphore_mem>>)
        %dma_wait3A_459 = tpu.memref_slice %arg2[%mul3A_455] : memref<320000xi32, #tpu.memory_space<hbm>> -> memref<128xi32, #tpu.memory_space<hbm>>
        %dma_wait3A_460 = tpu.memref_slice %arg2[%mul3A_455] : memref<320000xi32, #tpu.memory_space<hbm>> -> memref<128xi32, #tpu.memory_space<hbm>>
        tpu.wait_dma2 semaphore(%run_scoped3A_456 : memref<!tpu.dma_semaphore, #tpu.memory_space<semaphore_mem>>) src(%dma_wait3A_460 : memref<128xi32, #tpu.memory_space<hbm>>) dst(%arg5 : memref<128xi32, #tpu.memory_space<vmem>>)
        tpu.yield
      }) : () -> ()
      "tpu.region"() ({
        %run_scoped3A_456 = tpu.sem_alloc : memref<!tpu.dma_semaphore, #tpu.memory_space<semaphore_mem>>
        %dma_start3A_457 = arith.constant 0 : i32
        %dma_start3A_458 = tpu.memref_slice %arg14[%dma_start3A_457] : memref<10240xf32, #tpu.memory_space<vmem_shared>> -> memref<10240xf32, #tpu.memory_space<vmem_shared>>
        tpu.enqueue_indirect_dma source(%arg6 : memref<128xf32, #tpu.memory_space<vmem>>) target(%dma_start3A_458 : memref<10240xf32, #tpu.memory_space<vmem_shared>>) offsets(%arg5 : memref<128xi32, #tpu.memory_space<vmem>>) semaphore(%run_scoped3A_456 : memref<!tpu.dma_semaphore, #tpu.memory_space<semaphore_mem>>) {add = true}
        %dma_wait3A_459 = arith.constant 0 : i32
        %dma_wait3A_460 = tpu.memref_slice %arg14[%dma_wait3A_459] : memref<10240xf32, #tpu.memory_space<vmem_shared>> -> memref<10240xf32, #tpu.memory_space<vmem_shared>>
        tpu.wait_indirect_dma semaphore(%run_scoped3A_456 : memref<!tpu.dma_semaphore, #tpu.memory_space<semaphore_mem>>) src(%arg6 : memref<128xf32, #tpu.memory_space<vmem>>) dst(%dma_wait3A_460 : memref<10240xf32, #tpu.memory_space<vmem_shared>>)
        tpu.yield
      }) : () -> ()
    } else {
    }
    %barrier3A_435 = arith.constant 0 : index
    tpu.barrier barrier_id(%barrier3A_435)
    %mul3A_436 = arith.constant 640 : i32
    %mul3A_437 = arith.muli %arg1, %mul3A_436 : i32
    %mul3A_438 = arith.constant 640 : i32
    %mul3A_439 = arith.muli %arg1, %mul3A_438 : i32
    "tpu.region"() ({
      %run_scoped3A_440 = tpu.sem_alloc : memref<!tpu.dma_semaphore, #tpu.memory_space<semaphore_mem>>
      %dma_start3A_441 = arith.constant 0 : i32
      %dma_start3A_442 = tpu.memref_slice %arg3[%arg0, %dma_start3A_441] : memref<2x10240xf32, #tpu.memory_space<hbm>> -> memref<1x10240xf32, #tpu.memory_space<hbm>>
      %dma_start3A_443 = tpu.memref_squeeze %dma_start3A_442 : memref<1x10240xf32, #tpu.memory_space<hbm>> -> memref<10240xf32, #tpu.memory_space<hbm>>
      %dma_start3A_444 = tpu.memref_slice %dma_start3A_443[%mul3A_439] : memref<10240xf32, #tpu.memory_space<hbm>> -> memref<640xf32, #tpu.memory_space<hbm>>
      %dma_start3A_445 = tpu.memref_slice %arg14[%mul3A_437] : memref<10240xf32, #tpu.memory_space<vmem_shared>> -> memref<640xf32, #tpu.memory_space<vmem_shared>>
      tpu.enqueue_dma source(%dma_start3A_445 : memref<640xf32, #tpu.memory_space<vmem_shared>>) target(%dma_start3A_444 : memref<640xf32, #tpu.memory_space<hbm>>) target_semaphore(%run_scoped3A_440 : memref<!tpu.dma_semaphore, #tpu.memory_space<semaphore_mem>>)
      %dma_wait3A_446 = arith.constant 0 : i32
      %dma_wait3A_447 = tpu.memref_slice %arg3[%arg0, %dma_wait3A_446] : memref<2x10240xf32, #tpu.memory_space<hbm>> -> memref<1x10240xf32, #tpu.memory_space<hbm>>
      %dma_wait3A_448 = tpu.memref_squeeze %dma_wait3A_447 : memref<1x10240xf32, #tpu.memory_space<hbm>> -> memref<10240xf32, #tpu.memory_space<hbm>>
      %dma_wait3A_449 = tpu.memref_slice %dma_wait3A_448[%mul3A_439] : memref<10240xf32, #tpu.memory_space<hbm>> -> memref<640xf32, #tpu.memory_space<hbm>>
      %dma_wait3A_450 = tpu.memref_slice %arg14[%mul3A_437] : memref<10240xf32, #tpu.memory_space<vmem_shared>> -> memref<640xf32, #tpu.memory_space<vmem_shared>>
      tpu.wait_dma2 semaphore(%run_scoped3A_440 : memref<!tpu.dma_semaphore, #tpu.memory_space<semaphore_mem>>) src(%dma_wait3A_450 : memref<640xf32, #tpu.memory_space<vmem_shared>>) dst(%dma_wait3A_449 : memref<640xf32, #tpu.memory_space<hbm>>)
      tpu.yield
    }) : () -> ()
    return
  }
}

#map = affine_map<(d0, d1) -> (0, 0)>
#map1 = affine_map<(d0, d1) -> (0)>
#map2 = affine_map<(d0, d1) -> (0, 0, 0)>
module attributes {stable_mosaic.version = 14 : i64} {
  func.func @_scat_body(%arg0: i32, %arg1: i32, %arg2: memref<10240x128xf32, #tpu.memory_space<hbm>>, %arg3: memref<320000xi32, #tpu.memory_space<hbm>>, %arg4: memref<320000xi32, #tpu.memory_space<hbm>>, %arg5: memref<2x10240x128xf32, #tpu.memory_space<hbm>>, %arg6: memref<6x128xi32, #tpu.memory_space<vmem>>, %arg7: memref<6x128xi32, #tpu.memory_space<vmem>>, %arg8: memref<2x128x128xf32, #tpu.memory_space<vmem>>, %arg9: memref<!tpu.dma_semaphore, #tpu.memory_space<semaphore_mem>>, %arg10: memref<!tpu.dma_semaphore, #tpu.memory_space<semaphore_mem>>, %arg11: memref<!tpu.dma_semaphore, #tpu.memory_space<semaphore_mem>>, %arg12: memref<!tpu.dma_semaphore, #tpu.memory_space<semaphore_mem>>, %arg13: memref<!tpu.dma_semaphore, #tpu.memory_space<semaphore_mem>>, %arg14: memref<!tpu.dma_semaphore, #tpu.memory_space<semaphore_mem>>, %arg15: memref<!tpu.dma_semaphore, #tpu.memory_space<semaphore_mem>>, %arg16: memref<!tpu.dma_semaphore, #tpu.memory_space<semaphore_mem>>, %arg17: memref<!tpu.dma_semaphore, #tpu.memory_space<semaphore_mem>>, %arg18: memref<!tpu.dma_semaphore, #tpu.memory_space<semaphore_mem>>, %arg19: memref<10240x128xf32, #tpu.memory_space<vmem_shared>>) attributes {dimension_semantics = [#tpu.dimension_semantics<core_parallel>, #tpu.dimension_semantics<subcore_parallel>], iteration_bounds = array<i64: 2, 16>, scalar_prefetch = 0 : i64, scratch_operands = 14 : i64, tpu.core_type = #tpu.core_type<sc_vector_subcore>, window_params = [{transform_indices = #map}, {transform_indices = #map1}, {transform_indices = #map1}, {transform_indices = #map2}]} {
    %mul3A = arith.constant 2 : i32
    %mul3A_0 = arith.muli %arg1, %mul3A : i32
    %add3A = arith.addi %mul3A_0, %arg0 : i32
    %mul3A_1 = arith.constant 78 : i32
    %mul3A_2 = arith.muli %add3A, %mul3A_1 : i32
    %mul3A_3 = arith.constant 128 : i32
    %mul3A_4 = arith.muli %mul3A_2, %mul3A_3 : i32
    %mul3A_5 = arith.constant 640 : i32
    %mul3A_6 = arith.muli %arg1, %mul3A_5 : i32
    %mul3A_7 = arith.constant 640 : i32
    %mul3A_8 = arith.muli %arg1, %mul3A_7 : i32
    "tpu.region"() ({
      %run_scoped3A = tpu.sem_alloc : memref<!tpu.dma_semaphore, #tpu.memory_space<semaphore_mem>>
      %dma_start3A_559 = arith.constant 0 : i32
      %dma_start3A_560 = tpu.memref_slice %arg19[%mul3A_8, %dma_start3A_559] : memref<10240x128xf32, #tpu.memory_space<vmem_shared>> -> memref<640x128xf32, #tpu.memory_space<vmem_shared>>
      %dma_start3A_561 = arith.constant 0 : i32
      %dma_start3A_562 = tpu.memref_slice %arg2[%mul3A_6, %dma_start3A_561] : memref<10240x128xf32, #tpu.memory_space<hbm>> -> memref<640x128xf32, #tpu.memory_space<hbm>>
      tpu.enqueue_dma source(%dma_start3A_562 : memref<640x128xf32, #tpu.memory_space<hbm>>) target(%dma_start3A_560 : memref<640x128xf32, #tpu.memory_space<vmem_shared>>) target_semaphore(%run_scoped3A : memref<!tpu.dma_semaphore, #tpu.memory_space<semaphore_mem>>)
      %dma_wait3A_563 = arith.constant 0 : i32
      %dma_wait3A_564 = tpu.memref_slice %arg19[%mul3A_8, %dma_wait3A_563] : memref<10240x128xf32, #tpu.memory_space<vmem_shared>> -> memref<640x128xf32, #tpu.memory_space<vmem_shared>>
      %dma_wait3A_565 = arith.constant 0 : i32
      %dma_wait3A_566 = tpu.memref_slice %arg2[%mul3A_6, %dma_wait3A_565] : memref<10240x128xf32, #tpu.memory_space<hbm>> -> memref<640x128xf32, #tpu.memory_space<hbm>>
      tpu.wait_dma2 semaphore(%run_scoped3A : memref<!tpu.dma_semaphore, #tpu.memory_space<semaphore_mem>>) src(%dma_wait3A_566 : memref<640x128xf32, #tpu.memory_space<hbm>>) dst(%dma_wait3A_564 : memref<640x128xf32, #tpu.memory_space<vmem_shared>>)
      tpu.yield
    }) : () -> ()
    %barrier3A = arith.constant 0 : index
    tpu.barrier barrier_id(%barrier3A)
    %add3A_9 = arith.constant 0 : i32
    %add3A_10 = arith.addi %mul3A_4, %add3A_9 : i32
    %dma_start3A = arith.constant 0 : i32
    %dma_start3A_11 = arith.constant 0 : i32
    %dma_start3A_12 = tpu.memref_slice %arg6[%dma_start3A, %dma_start3A_11] : memref<6x128xi32, #tpu.memory_space<vmem>> -> memref<1x128xi32, #tpu.memory_space<vmem>>
    %dma_start3A_13 = tpu.memref_squeeze %dma_start3A_12 : memref<1x128xi32, #tpu.memory_space<vmem>> -> memref<128xi32, #tpu.memory_space<vmem>>
    %dma_start3A_14 = tpu.memref_slice %arg3[%add3A_10] : memref<320000xi32, #tpu.memory_space<hbm>> -> memref<128xi32, #tpu.memory_space<hbm>>
    %dma_start3A_15 = arith.constant 0 : i32
    %dma_start3A_16 = tpu.memref_slice %arg6[%dma_start3A, %dma_start3A_15] : memref<6x128xi32, #tpu.memory_space<vmem>> -> memref<1x128xi32, #tpu.memory_space<vmem>>
    %dma_start3A_17 = tpu.memref_squeeze %dma_start3A_16 : memref<1x128xi32, #tpu.memory_space<vmem>> -> memref<128xi32, #tpu.memory_space<vmem>>
    %dma_start3A_18 = tpu.memref_slice %arg3[%add3A_10] : memref<320000xi32, #tpu.memory_space<hbm>> -> memref<128xi32, #tpu.memory_space<hbm>>
    tpu.enqueue_dma source(%dma_start3A_18 : memref<128xi32, #tpu.memory_space<hbm>>) target(%dma_start3A_17 : memref<128xi32, #tpu.memory_space<vmem>>) target_semaphore(%arg13 : memref<!tpu.dma_semaphore, #tpu.memory_space<semaphore_mem>>)
    %dma_start3A_19 = arith.constant 0 : i32
    %dma_start3A_20 = arith.constant 0 : i32
    %dma_start3A_21 = tpu.memref_slice %arg7[%dma_start3A_19, %dma_start3A_20] : memref<6x128xi32, #tpu.memory_space<vmem>> -> memref<1x128xi32, #tpu.memory_space<vmem>>
    %dma_start3A_22 = tpu.memref_squeeze %dma_start3A_21 : memref<1x128xi32, #tpu.memory_space<vmem>> -> memref<128xi32, #tpu.memory_space<vmem>>
    %dma_start3A_23 = tpu.memref_slice %arg4[%add3A_10] : memref<320000xi32, #tpu.memory_space<hbm>> -> memref<128xi32, #tpu.memory_space<hbm>>
    %dma_start3A_24 = arith.constant 0 : i32
    %dma_start3A_25 = tpu.memref_slice %arg7[%dma_start3A_19, %dma_start3A_24] : memref<6x128xi32, #tpu.memory_space<vmem>> -> memref<1x128xi32, #tpu.memory_space<vmem>>
    %dma_start3A_26 = tpu.memref_squeeze %dma_start3A_25 : memref<1x128xi32, #tpu.memory_space<vmem>> -> memref<128xi32, #tpu.memory_space<vmem>>
    %dma_start3A_27 = tpu.memref_slice %arg4[%add3A_10] : memref<320000xi32, #tpu.memory_space<hbm>> -> memref<128xi32, #tpu.memory_space<hbm>>
    tpu.enqueue_dma source(%dma_start3A_27 : memref<128xi32, #tpu.memory_space<hbm>>) target(%dma_start3A_26 : memref<128xi32, #tpu.memory_space<vmem>>) target_semaphore(%arg13 : memref<!tpu.dma_semaphore, #tpu.memory_space<semaphore_mem>>)
    %add3A_28 = arith.constant 128 : i32
    %add3A_29 = arith.addi %mul3A_4, %add3A_28 : i32
    %dma_start3A_30 = arith.constant 1 : i32
    %dma_start3A_31 = arith.constant 0 : i32
    %dma_start3A_32 = tpu.memref_slice %arg6[%dma_start3A_30, %dma_start3A_31] : memref<6x128xi32, #tpu.memory_space<vmem>> -> memref<1x128xi32, #tpu.memory_space<vmem>>
    %dma_start3A_33 = tpu.memref_squeeze %dma_start3A_32 : memref<1x128xi32, #tpu.memory_space<vmem>> -> memref<128xi32, #tpu.memory_space<vmem>>
    %dma_start3A_34 = tpu.memref_slice %arg3[%add3A_29] : memref<320000xi32, #tpu.memory_space<hbm>> -> memref<128xi32, #tpu.memory_space<hbm>>
    %dma_start3A_35 = arith.constant 0 : i32
    %dma_start3A_36 = tpu.memref_slice %arg6[%dma_start3A_30, %dma_start3A_35] : memref<6x128xi32, #tpu.memory_space<vmem>> -> memref<1x128xi32, #tpu.memory_space<vmem>>
    %dma_start3A_37 = tpu.memref_squeeze %dma_start3A_36 : memref<1x128xi32, #tpu.memory_space<vmem>> -> memref<128xi32, #tpu.memory_space<vmem>>
    %dma_start3A_38 = tpu.memref_slice %arg3[%add3A_29] : memref<320000xi32, #tpu.memory_space<hbm>> -> memref<128xi32, #tpu.memory_space<hbm>>
    tpu.enqueue_dma source(%dma_start3A_38 : memref<128xi32, #tpu.memory_space<hbm>>) target(%dma_start3A_37 : memref<128xi32, #tpu.memory_space<vmem>>) target_semaphore(%arg14 : memref<!tpu.dma_semaphore, #tpu.memory_space<semaphore_mem>>)
    %dma_start3A_39 = arith.constant 1 : i32
    %dma_start3A_40 = arith.constant 0 : i32
    %dma_start3A_41 = tpu.memref_slice %arg7[%dma_start3A_39, %dma_start3A_40] : memref<6x128xi32, #tpu.memory_space<vmem>> -> memref<1x128xi32, #tpu.memory_space<vmem>>
    %dma_start3A_42 = tpu.memref_squeeze %dma_start3A_41 : memref<1x128xi32, #tpu.memory_space<vmem>> -> memref<128xi32, #tpu.memory_space<vmem>>
    %dma_start3A_43 = tpu.memref_slice %arg4[%add3A_29] : memref<320000xi32, #tpu.memory_space<hbm>> -> memref<128xi32, #tpu.memory_space<hbm>>
    %dma_start3A_44 = arith.constant 0 : i32
    %dma_start3A_45 = tpu.memref_slice %arg7[%dma_start3A_39, %dma_start3A_44] : memref<6x128xi32, #tpu.memory_space<vmem>> -> memref<1x128xi32, #tpu.memory_space<vmem>>
    %dma_start3A_46 = tpu.memref_squeeze %dma_start3A_45 : memref<1x128xi32, #tpu.memory_space<vmem>> -> memref<128xi32, #tpu.memory_space<vmem>>
    %dma_start3A_47 = tpu.memref_slice %arg4[%add3A_29] : memref<320000xi32, #tpu.memory_space<hbm>> -> memref<128xi32, #tpu.memory_space<hbm>>
    tpu.enqueue_dma source(%dma_start3A_47 : memref<128xi32, #tpu.memory_space<hbm>>) target(%dma_start3A_46 : memref<128xi32, #tpu.memory_space<vmem>>) target_semaphore(%arg14 : memref<!tpu.dma_semaphore, #tpu.memory_space<semaphore_mem>>)
    %add3A_48 = arith.constant 256 : i32
    %add3A_49 = arith.addi %mul3A_4, %add3A_48 : i32
    %dma_start3A_50 = arith.constant 2 : i32
    %dma_start3A_51 = arith.constant 0 : i32
    %dma_start3A_52 = tpu.memref_slice %arg6[%dma_start3A_50, %dma_start3A_51] : memref<6x128xi32, #tpu.memory_space<vmem>> -> memref<1x128xi32, #tpu.memory_space<vmem>>
    %dma_start3A_53 = tpu.memref_squeeze %dma_start3A_52 : memref<1x128xi32, #tpu.memory_space<vmem>> -> memref<128xi32, #tpu.memory_space<vmem>>
    %dma_start3A_54 = tpu.memref_slice %arg3[%add3A_49] : memref<320000xi32, #tpu.memory_space<hbm>> -> memref<128xi32, #tpu.memory_space<hbm>>
    %dma_start3A_55 = arith.constant 0 : i32
    %dma_start3A_56 = tpu.memref_slice %arg6[%dma_start3A_50, %dma_start3A_55] : memref<6x128xi32, #tpu.memory_space<vmem>> -> memref<1x128xi32, #tpu.memory_space<vmem>>
    %dma_start3A_57 = tpu.memref_squeeze %dma_start3A_56 : memref<1x128xi32, #tpu.memory_space<vmem>> -> memref<128xi32, #tpu.memory_space<vmem>>
    %dma_start3A_58 = tpu.memref_slice %arg3[%add3A_49] : memref<320000xi32, #tpu.memory_space<hbm>> -> memref<128xi32, #tpu.memory_space<hbm>>
    tpu.enqueue_dma source(%dma_start3A_58 : memref<128xi32, #tpu.memory_space<hbm>>) target(%dma_start3A_57 : memref<128xi32, #tpu.memory_space<vmem>>) target_semaphore(%arg15 : memref<!tpu.dma_semaphore, #tpu.memory_space<semaphore_mem>>)
    %dma_start3A_59 = arith.constant 2 : i32
    %dma_start3A_60 = arith.constant 0 : i32
    %dma_start3A_61 = tpu.memref_slice %arg7[%dma_start3A_59, %dma_start3A_60] : memref<6x128xi32, #tpu.memory_space<vmem>> -> memref<1x128xi32, #tpu.memory_space<vmem>>
    %dma_start3A_62 = tpu.memref_squeeze %dma_start3A_61 : memref<1x128xi32, #tpu.memory_space<vmem>> -> memref<128xi32, #tpu.memory_space<vmem>>
    %dma_start3A_63 = tpu.memref_slice %arg4[%add3A_49] : memref<320000xi32, #tpu.memory_space<hbm>> -> memref<128xi32, #tpu.memory_space<hbm>>
    %dma_start3A_64 = arith.constant 0 : i32
    %dma_start3A_65 = tpu.memref_slice %arg7[%dma_start3A_59, %dma_start3A_64] : memref<6x128xi32, #tpu.memory_space<vmem>> -> memref<1x128xi32, #tpu.memory_space<vmem>>
    %dma_start3A_66 = tpu.memref_squeeze %dma_start3A_65 : memref<1x128xi32, #tpu.memory_space<vmem>> -> memref<128xi32, #tpu.memory_space<vmem>>
    %dma_start3A_67 = tpu.memref_slice %arg4[%add3A_49] : memref<320000xi32, #tpu.memory_space<hbm>> -> memref<128xi32, #tpu.memory_space<hbm>>
    tpu.enqueue_dma source(%dma_start3A_67 : memref<128xi32, #tpu.memory_space<hbm>>) target(%dma_start3A_66 : memref<128xi32, #tpu.memory_space<vmem>>) target_semaphore(%arg15 : memref<!tpu.dma_semaphore, #tpu.memory_space<semaphore_mem>>)
    %add3A_68 = arith.constant 384 : i32
    %add3A_69 = arith.addi %mul3A_4, %add3A_68 : i32
    %dma_start3A_70 = arith.constant 3 : i32
    %dma_start3A_71 = arith.constant 0 : i32
    %dma_start3A_72 = tpu.memref_slice %arg6[%dma_start3A_70, %dma_start3A_71] : memref<6x128xi32, #tpu.memory_space<vmem>> -> memref<1x128xi32, #tpu.memory_space<vmem>>
    %dma_start3A_73 = tpu.memref_squeeze %dma_start3A_72 : memref<1x128xi32, #tpu.memory_space<vmem>> -> memref<128xi32, #tpu.memory_space<vmem>>
    %dma_start3A_74 = tpu.memref_slice %arg3[%add3A_69] : memref<320000xi32, #tpu.memory_space<hbm>> -> memref<128xi32, #tpu.memory_space<hbm>>
    %dma_start3A_75 = arith.constant 0 : i32
    %dma_start3A_76 = tpu.memref_slice %arg6[%dma_start3A_70, %dma_start3A_75] : memref<6x128xi32, #tpu.memory_space<vmem>> -> memref<1x128xi32, #tpu.memory_space<vmem>>
    %dma_start3A_77 = tpu.memref_squeeze %dma_start3A_76 : memref<1x128xi32, #tpu.memory_space<vmem>> -> memref<128xi32, #tpu.memory_space<vmem>>
    %dma_start3A_78 = tpu.memref_slice %arg3[%add3A_69] : memref<320000xi32, #tpu.memory_space<hbm>> -> memref<128xi32, #tpu.memory_space<hbm>>
    tpu.enqueue_dma source(%dma_start3A_78 : memref<128xi32, #tpu.memory_space<hbm>>) target(%dma_start3A_77 : memref<128xi32, #tpu.memory_space<vmem>>) target_semaphore(%arg16 : memref<!tpu.dma_semaphore, #tpu.memory_space<semaphore_mem>>)
    %dma_start3A_79 = arith.constant 3 : i32
    %dma_start3A_80 = arith.constant 0 : i32
    %dma_start3A_81 = tpu.memref_slice %arg7[%dma_start3A_79, %dma_start3A_80] : memref<6x128xi32, #tpu.memory_space<vmem>> -> memref<1x128xi32, #tpu.memory_space<vmem>>
    %dma_start3A_82 = tpu.memref_squeeze %dma_start3A_81 : memref<1x128xi32, #tpu.memory_space<vmem>> -> memref<128xi32, #tpu.memory_space<vmem>>
    %dma_start3A_83 = tpu.memref_slice %arg4[%add3A_69] : memref<320000xi32, #tpu.memory_space<hbm>> -> memref<128xi32, #tpu.memory_space<hbm>>
    %dma_start3A_84 = arith.constant 0 : i32
    %dma_start3A_85 = tpu.memref_slice %arg7[%dma_start3A_79, %dma_start3A_84] : memref<6x128xi32, #tpu.memory_space<vmem>> -> memref<1x128xi32, #tpu.memory_space<vmem>>
    %dma_start3A_86 = tpu.memref_squeeze %dma_start3A_85 : memref<1x128xi32, #tpu.memory_space<vmem>> -> memref<128xi32, #tpu.memory_space<vmem>>
    %dma_start3A_87 = tpu.memref_slice %arg4[%add3A_69] : memref<320000xi32, #tpu.memory_space<hbm>> -> memref<128xi32, #tpu.memory_space<hbm>>
    tpu.enqueue_dma source(%dma_start3A_87 : memref<128xi32, #tpu.memory_space<hbm>>) target(%dma_start3A_86 : memref<128xi32, #tpu.memory_space<vmem>>) target_semaphore(%arg16 : memref<!tpu.dma_semaphore, #tpu.memory_space<semaphore_mem>>)
    %add3A_88 = arith.constant 512 : i32
    %add3A_89 = arith.addi %mul3A_4, %add3A_88 : i32
    %dma_start3A_90 = arith.constant 4 : i32
    %dma_start3A_91 = arith.constant 0 : i32
    %dma_start3A_92 = tpu.memref_slice %arg6[%dma_start3A_90, %dma_start3A_91] : memref<6x128xi32, #tpu.memory_space<vmem>> -> memref<1x128xi32, #tpu.memory_space<vmem>>
    %dma_start3A_93 = tpu.memref_squeeze %dma_start3A_92 : memref<1x128xi32, #tpu.memory_space<vmem>> -> memref<128xi32, #tpu.memory_space<vmem>>
    %dma_start3A_94 = tpu.memref_slice %arg3[%add3A_89] : memref<320000xi32, #tpu.memory_space<hbm>> -> memref<128xi32, #tpu.memory_space<hbm>>
    %dma_start3A_95 = arith.constant 0 : i32
    %dma_start3A_96 = tpu.memref_slice %arg6[%dma_start3A_90, %dma_start3A_95] : memref<6x128xi32, #tpu.memory_space<vmem>> -> memref<1x128xi32, #tpu.memory_space<vmem>>
    %dma_start3A_97 = tpu.memref_squeeze %dma_start3A_96 : memref<1x128xi32, #tpu.memory_space<vmem>> -> memref<128xi32, #tpu.memory_space<vmem>>
    %dma_start3A_98 = tpu.memref_slice %arg3[%add3A_89] : memref<320000xi32, #tpu.memory_space<hbm>> -> memref<128xi32, #tpu.memory_space<hbm>>
    tpu.enqueue_dma source(%dma_start3A_98 : memref<128xi32, #tpu.memory_space<hbm>>) target(%dma_start3A_97 : memref<128xi32, #tpu.memory_space<vmem>>) target_semaphore(%arg17 : memref<!tpu.dma_semaphore, #tpu.memory_space<semaphore_mem>>)
    %dma_start3A_99 = arith.constant 4 : i32
    %dma_start3A_100 = arith.constant 0 : i32
    %dma_start3A_101 = tpu.memref_slice %arg7[%dma_start3A_99, %dma_start3A_100] : memref<6x128xi32, #tpu.memory_space<vmem>> -> memref<1x128xi32, #tpu.memory_space<vmem>>
    %dma_start3A_102 = tpu.memref_squeeze %dma_start3A_101 : memref<1x128xi32, #tpu.memory_space<vmem>> -> memref<128xi32, #tpu.memory_space<vmem>>
    %dma_start3A_103 = tpu.memref_slice %arg4[%add3A_89] : memref<320000xi32, #tpu.memory_space<hbm>> -> memref<128xi32, #tpu.memory_space<hbm>>
    %dma_start3A_104 = arith.constant 0 : i32
    %dma_start3A_105 = tpu.memref_slice %arg7[%dma_start3A_99, %dma_start3A_104] : memref<6x128xi32, #tpu.memory_space<vmem>> -> memref<1x128xi32, #tpu.memory_space<vmem>>
    %dma_start3A_106 = tpu.memref_squeeze %dma_start3A_105 : memref<1x128xi32, #tpu.memory_space<vmem>> -> memref<128xi32, #tpu.memory_space<vmem>>
    %dma_start3A_107 = tpu.memref_slice %arg4[%add3A_89] : memref<320000xi32, #tpu.memory_space<hbm>> -> memref<128xi32, #tpu.memory_space<hbm>>
    tpu.enqueue_dma source(%dma_start3A_107 : memref<128xi32, #tpu.memory_space<hbm>>) target(%dma_start3A_106 : memref<128xi32, #tpu.memory_space<vmem>>) target_semaphore(%arg17 : memref<!tpu.dma_semaphore, #tpu.memory_space<semaphore_mem>>)
    %add3A_108 = arith.constant 640 : i32
    %add3A_109 = arith.addi %mul3A_4, %add3A_108 : i32
    %dma_start3A_110 = arith.constant 5 : i32
    %dma_start3A_111 = arith.constant 0 : i32
    %dma_start3A_112 = tpu.memref_slice %arg6[%dma_start3A_110, %dma_start3A_111] : memref<6x128xi32, #tpu.memory_space<vmem>> -> memref<1x128xi32, #tpu.memory_space<vmem>>
    %dma_start3A_113 = tpu.memref_squeeze %dma_start3A_112 : memref<1x128xi32, #tpu.memory_space<vmem>> -> memref<128xi32, #tpu.memory_space<vmem>>
    %dma_start3A_114 = tpu.memref_slice %arg3[%add3A_109] : memref<320000xi32, #tpu.memory_space<hbm>> -> memref<128xi32, #tpu.memory_space<hbm>>
    %dma_start3A_115 = arith.constant 0 : i32
    %dma_start3A_116 = tpu.memref_slice %arg6[%dma_start3A_110, %dma_start3A_115] : memref<6x128xi32, #tpu.memory_space<vmem>> -> memref<1x128xi32, #tpu.memory_space<vmem>>
    %dma_start3A_117 = tpu.memref_squeeze %dma_start3A_116 : memref<1x128xi32, #tpu.memory_space<vmem>> -> memref<128xi32, #tpu.memory_space<vmem>>
    %dma_start3A_118 = tpu.memref_slice %arg3[%add3A_109] : memref<320000xi32, #tpu.memory_space<hbm>> -> memref<128xi32, #tpu.memory_space<hbm>>
    tpu.enqueue_dma source(%dma_start3A_118 : memref<128xi32, #tpu.memory_space<hbm>>) target(%dma_start3A_117 : memref<128xi32, #tpu.memory_space<vmem>>) target_semaphore(%arg18 : memref<!tpu.dma_semaphore, #tpu.memory_space<semaphore_mem>>)
    %dma_start3A_119 = arith.constant 5 : i32
    %dma_start3A_120 = arith.constant 0 : i32
    %dma_start3A_121 = tpu.memref_slice %arg7[%dma_start3A_119, %dma_start3A_120] : memref<6x128xi32, #tpu.memory_space<vmem>> -> memref<1x128xi32, #tpu.memory_space<vmem>>
    %dma_start3A_122 = tpu.memref_squeeze %dma_start3A_121 : memref<1x128xi32, #tpu.memory_space<vmem>> -> memref<128xi32, #tpu.memory_space<vmem>>
    %dma_start3A_123 = tpu.memref_slice %arg4[%add3A_109] : memref<320000xi32, #tpu.memory_space<hbm>> -> memref<128xi32, #tpu.memory_space<hbm>>
    %dma_start3A_124 = arith.constant 0 : i32
    %dma_start3A_125 = tpu.memref_slice %arg7[%dma_start3A_119, %dma_start3A_124] : memref<6x128xi32, #tpu.memory_space<vmem>> -> memref<1x128xi32, #tpu.memory_space<vmem>>
    %dma_start3A_126 = tpu.memref_squeeze %dma_start3A_125 : memref<1x128xi32, #tpu.memory_space<vmem>> -> memref<128xi32, #tpu.memory_space<vmem>>
    %dma_start3A_127 = tpu.memref_slice %arg4[%add3A_109] : memref<320000xi32, #tpu.memory_space<hbm>> -> memref<128xi32, #tpu.memory_space<hbm>>
    tpu.enqueue_dma source(%dma_start3A_127 : memref<128xi32, #tpu.memory_space<hbm>>) target(%dma_start3A_126 : memref<128xi32, #tpu.memory_space<vmem>>) target_semaphore(%arg18 : memref<!tpu.dma_semaphore, #tpu.memory_space<semaphore_mem>>)
    %dma_wait3A = arith.constant 0 : i32
    %dma_wait3A_128 = arith.constant 0 : i32
    %dma_wait3A_129 = tpu.memref_slice %arg6[%dma_wait3A, %dma_wait3A_128] : memref<6x128xi32, #tpu.memory_space<vmem>> -> memref<1x128xi32, #tpu.memory_space<vmem>>
    %dma_wait3A_130 = tpu.memref_squeeze %dma_wait3A_129 : memref<1x128xi32, #tpu.memory_space<vmem>> -> memref<128xi32, #tpu.memory_space<vmem>>
    %dma_wait3A_131 = arith.constant 0 : i32
    %dma_wait3A_132 = tpu.memref_slice %arg3[%dma_wait3A_131] : memref<320000xi32, #tpu.memory_space<hbm>> -> memref<128xi32, #tpu.memory_space<hbm>>
    %dma_wait3A_133 = arith.constant 0 : i32
    %dma_wait3A_134 = tpu.memref_slice %arg6[%dma_wait3A, %dma_wait3A_133] : memref<6x128xi32, #tpu.memory_space<vmem>> -> memref<1x128xi32, #tpu.memory_space<vmem>>
    %dma_wait3A_135 = tpu.memref_squeeze %dma_wait3A_134 : memref<1x128xi32, #tpu.memory_space<vmem>> -> memref<128xi32, #tpu.memory_space<vmem>>
    %dma_wait3A_136 = arith.constant 0 : i32
    %dma_wait3A_137 = tpu.memref_slice %arg3[%dma_wait3A_136] : memref<320000xi32, #tpu.memory_space<hbm>> -> memref<128xi32, #tpu.memory_space<hbm>>
    tpu.wait_dma2 semaphore(%arg13 : memref<!tpu.dma_semaphore, #tpu.memory_space<semaphore_mem>>) src(%dma_wait3A_137 : memref<128xi32, #tpu.memory_space<hbm>>) dst(%dma_wait3A_135 : memref<128xi32, #tpu.memory_space<vmem>>)
    %dma_wait3A_138 = arith.constant 0 : i32
    %dma_wait3A_139 = arith.constant 0 : i32
    %dma_wait3A_140 = tpu.memref_slice %arg7[%dma_wait3A_138, %dma_wait3A_139] : memref<6x128xi32, #tpu.memory_space<vmem>> -> memref<1x128xi32, #tpu.memory_space<vmem>>
    %dma_wait3A_141 = tpu.memref_squeeze %dma_wait3A_140 : memref<1x128xi32, #tpu.memory_space<vmem>> -> memref<128xi32, #tpu.memory_space<vmem>>
    %dma_wait3A_142 = arith.constant 0 : i32
    %dma_wait3A_143 = tpu.memref_slice %arg4[%dma_wait3A_142] : memref<320000xi32, #tpu.memory_space<hbm>> -> memref<128xi32, #tpu.memory_space<hbm>>
    %dma_wait3A_144 = arith.constant 0 : i32
    %dma_wait3A_145 = tpu.memref_slice %arg7[%dma_wait3A_138, %dma_wait3A_144] : memref<6x128xi32, #tpu.memory_space<vmem>> -> memref<1x128xi32, #tpu.memory_space<vmem>>
    %dma_wait3A_146 = tpu.memref_squeeze %dma_wait3A_145 : memref<1x128xi32, #tpu.memory_space<vmem>> -> memref<128xi32, #tpu.memory_space<vmem>>
    %dma_wait3A_147 = arith.constant 0 : i32
    %dma_wait3A_148 = tpu.memref_slice %arg4[%dma_wait3A_147] : memref<320000xi32, #tpu.memory_space<hbm>> -> memref<128xi32, #tpu.memory_space<hbm>>
    tpu.wait_dma2 semaphore(%arg13 : memref<!tpu.dma_semaphore, #tpu.memory_space<semaphore_mem>>) src(%dma_wait3A_148 : memref<128xi32, #tpu.memory_space<hbm>>) dst(%dma_wait3A_146 : memref<128xi32, #tpu.memory_space<vmem>>)
    %dma_start3A_149 = arith.constant 0 : i32
    %dma_start3A_150 = arith.constant 0 : i32
    %dma_start3A_151 = arith.constant 0 : i32
    %dma_start3A_152 = arith.constant 0 : i32
    %dma_start3A_153 = tpu.memref_slice %arg8[%dma_start3A_150, %dma_start3A_151, %dma_start3A_152] : memref<2x128x128xf32, #tpu.memory_space<vmem>> -> memref<1x128x128xf32, #tpu.memory_space<vmem>>
    %dma_start3A_154 = tpu.memref_squeeze %dma_start3A_153 : memref<1x128x128xf32, #tpu.memory_space<vmem>> -> memref<128x128xf32, #tpu.memory_space<vmem>>
    %dma_start3A_155 = arith.constant 0 : i32
    %dma_start3A_156 = tpu.memref_slice %arg6[%dma_start3A_149, %dma_start3A_155] : memref<6x128xi32, #tpu.memory_space<vmem>> -> memref<1x128xi32, #tpu.memory_space<vmem>>
    %dma_start3A_157 = tpu.memref_squeeze %dma_start3A_156 : memref<1x128xi32, #tpu.memory_space<vmem>> -> memref<128xi32, #tpu.memory_space<vmem>>
    %dma_start3A_158 = arith.constant 0 : i32
    %dma_start3A_159 = arith.constant 0 : i32
    %dma_start3A_160 = tpu.memref_slice %arg2[%dma_start3A_158, %dma_start3A_159] : memref<10240x128xf32, #tpu.memory_space<hbm>> -> memref<10240x128xf32, #tpu.memory_space<hbm>>
    tpu.enqueue_indirect_dma source(%dma_start3A_160 : memref<10240x128xf32, #tpu.memory_space<hbm>>) target(%dma_start3A_154 : memref<128x128xf32, #tpu.memory_space<vmem>>) offsets(%dma_start3A_157 : memref<128xi32, #tpu.memory_space<vmem>>) semaphore(%arg9 : memref<!tpu.dma_semaphore, #tpu.memory_space<semaphore_mem>>)
    %dma_wait3A_161 = arith.constant 1 : i32
    %dma_wait3A_162 = arith.constant 0 : i32
    %dma_wait3A_163 = tpu.memref_slice %arg6[%dma_wait3A_161, %dma_wait3A_162] : memref<6x128xi32, #tpu.memory_space<vmem>> -> memref<1x128xi32, #tpu.memory_space<vmem>>
    %dma_wait3A_164 = tpu.memref_squeeze %dma_wait3A_163 : memref<1x128xi32, #tpu.memory_space<vmem>> -> memref<128xi32, #tpu.memory_space<vmem>>
    %dma_wait3A_165 = arith.constant 0 : i32
    %dma_wait3A_166 = tpu.memref_slice %arg3[%dma_wait3A_165] : memref<320000xi32, #tpu.memory_space<hbm>> -> memref<128xi32, #tpu.memory_space<hbm>>
    %dma_wait3A_167 = arith.constant 0 : i32
    %dma_wait3A_168 = tpu.memref_slice %arg6[%dma_wait3A_161, %dma_wait3A_167] : memref<6x128xi32, #tpu.memory_space<vmem>> -> memref<1x128xi32, #tpu.memory_space<vmem>>
    %dma_wait3A_169 = tpu.memref_squeeze %dma_wait3A_168 : memref<1x128xi32, #tpu.memory_space<vmem>> -> memref<128xi32, #tpu.memory_space<vmem>>
    %dma_wait3A_170 = arith.constant 0 : i32
    %dma_wait3A_171 = tpu.memref_slice %arg3[%dma_wait3A_170] : memref<320000xi32, #tpu.memory_space<hbm>> -> memref<128xi32, #tpu.memory_space<hbm>>
    tpu.wait_dma2 semaphore(%arg14 : memref<!tpu.dma_semaphore, #tpu.memory_space<semaphore_mem>>) src(%dma_wait3A_171 : memref<128xi32, #tpu.memory_space<hbm>>) dst(%dma_wait3A_169 : memref<128xi32, #tpu.memory_space<vmem>>)
    %dma_wait3A_172 = arith.constant 1 : i32
    %dma_wait3A_173 = arith.constant 0 : i32
    %dma_wait3A_174 = tpu.memref_slice %arg7[%dma_wait3A_172, %dma_wait3A_173] : memref<6x128xi32, #tpu.memory_space<vmem>> -> memref<1x128xi32, #tpu.memory_space<vmem>>
    %dma_wait3A_175 = tpu.memref_squeeze %dma_wait3A_174 : memref<1x128xi32, #tpu.memory_space<vmem>> -> memref<128xi32, #tpu.memory_space<vmem>>
    %dma_wait3A_176 = arith.constant 0 : i32
    %dma_wait3A_177 = tpu.memref_slice %arg4[%dma_wait3A_176] : memref<320000xi32, #tpu.memory_space<hbm>> -> memref<128xi32, #tpu.memory_space<hbm>>
    %dma_wait3A_178 = arith.constant 0 : i32
    %dma_wait3A_179 = tpu.memref_slice %arg7[%dma_wait3A_172, %dma_wait3A_178] : memref<6x128xi32, #tpu.memory_space<vmem>> -> memref<1x128xi32, #tpu.memory_space<vmem>>
    %dma_wait3A_180 = tpu.memref_squeeze %dma_wait3A_179 : memref<1x128xi32, #tpu.memory_space<vmem>> -> memref<128xi32, #tpu.memory_space<vmem>>
    %dma_wait3A_181 = arith.constant 0 : i32
    %dma_wait3A_182 = tpu.memref_slice %arg4[%dma_wait3A_181] : memref<320000xi32, #tpu.memory_space<hbm>> -> memref<128xi32, #tpu.memory_space<hbm>>
    tpu.wait_dma2 semaphore(%arg14 : memref<!tpu.dma_semaphore, #tpu.memory_space<semaphore_mem>>) src(%dma_wait3A_182 : memref<128xi32, #tpu.memory_space<hbm>>) dst(%dma_wait3A_180 : memref<128xi32, #tpu.memory_space<vmem>>)
    %dma_start3A_183 = arith.constant 1 : i32
    %dma_start3A_184 = arith.constant 1 : i32
    %dma_start3A_185 = arith.constant 0 : i32
    %dma_start3A_186 = arith.constant 0 : i32
    %dma_start3A_187 = tpu.memref_slice %arg8[%dma_start3A_184, %dma_start3A_185, %dma_start3A_186] : memref<2x128x128xf32, #tpu.memory_space<vmem>> -> memref<1x128x128xf32, #tpu.memory_space<vmem>>
    %dma_start3A_188 = tpu.memref_squeeze %dma_start3A_187 : memref<1x128x128xf32, #tpu.memory_space<vmem>> -> memref<128x128xf32, #tpu.memory_space<vmem>>
    %dma_start3A_189 = arith.constant 0 : i32
    %dma_start3A_190 = tpu.memref_slice %arg6[%dma_start3A_183, %dma_start3A_189] : memref<6x128xi32, #tpu.memory_space<vmem>> -> memref<1x128xi32, #tpu.memory_space<vmem>>
    %dma_start3A_191 = tpu.memref_squeeze %dma_start3A_190 : memref<1x128xi32, #tpu.memory_space<vmem>> -> memref<128xi32, #tpu.memory_space<vmem>>
    %dma_start3A_192 = arith.constant 0 : i32
    %dma_start3A_193 = arith.constant 0 : i32
    %dma_start3A_194 = tpu.memref_slice %arg2[%dma_start3A_192, %dma_start3A_193] : memref<10240x128xf32, #tpu.memory_space<hbm>> -> memref<10240x128xf32, #tpu.memory_space<hbm>>
    tpu.enqueue_indirect_dma source(%dma_start3A_194 : memref<10240x128xf32, #tpu.memory_space<hbm>>) target(%dma_start3A_188 : memref<128x128xf32, #tpu.memory_space<vmem>>) offsets(%dma_start3A_191 : memref<128xi32, #tpu.memory_space<vmem>>) semaphore(%arg10 : memref<!tpu.dma_semaphore, #tpu.memory_space<semaphore_mem>>)
    %scan3A = arith.constant 0 : i32
    %scan3A_195 = arith.constant 0 : i32
    %scan3A_196 = arith.constant 12 : i32
    %scan3A_197 = arith.addi %scan3A_195, %scan3A_196 : i32
    %scan3A_198 = arith.constant 1 : i32
    scf.for %scan3A_559 = %scan3A_195 to %scan3A_197 step %scan3A_198  : i32 {
      %mul3A_560 = arith.constant 6 : i32
      %mul3A_561 = arith.muli %scan3A_559, %mul3A_560 : i32
      %add3A_562 = arith.constant 0 : i32
      %add3A_563 = arith.addi %mul3A_561, %add3A_562 : i32
      %dma_wait3A_564 = arith.constant 0 : i32
      %dma_wait3A_565 = arith.constant 0 : i32
      %dma_wait3A_566 = arith.constant 0 : i32
      %dma_wait3A_567 = arith.constant 0 : i32
      %dma_wait3A_568 = tpu.memref_slice %arg8[%dma_wait3A_565, %dma_wait3A_566, %dma_wait3A_567] : memref<2x128x128xf32, #tpu.memory_space<vmem>> -> memref<1x128x128xf32, #tpu.memory_space<vmem>>
      %dma_wait3A_569 = tpu.memref_squeeze %dma_wait3A_568 : memref<1x128x128xf32, #tpu.memory_space<vmem>> -> memref<128x128xf32, #tpu.memory_space<vmem>>
      %dma_wait3A_570 = arith.constant 0 : i32
      %dma_wait3A_571 = tpu.memref_slice %arg6[%dma_wait3A_564, %dma_wait3A_570] : memref<6x128xi32, #tpu.memory_space<vmem>> -> memref<1x128xi32, #tpu.memory_space<vmem>>
      %dma_wait3A_572 = tpu.memref_squeeze %dma_wait3A_571 : memref<1x128xi32, #tpu.memory_space<vmem>> -> memref<128xi32, #tpu.memory_space<vmem>>
      %dma_wait3A_573 = arith.constant 0 : i32
      %dma_wait3A_574 = arith.constant 0 : i32
      %dma_wait3A_575 = tpu.memref_slice %arg2[%dma_wait3A_573, %dma_wait3A_574] : memref<10240x128xf32, #tpu.memory_space<hbm>> -> memref<10240x128xf32, #tpu.memory_space<hbm>>
      tpu.wait_indirect_dma semaphore(%arg9 : memref<!tpu.dma_semaphore, #tpu.memory_space<semaphore_mem>>) src(%dma_wait3A_575 : memref<10240x128xf32, #tpu.memory_space<hbm>>) dst(%dma_wait3A_569 : memref<128x128xf32, #tpu.memory_space<vmem>>)
      %dma_start3A_576 = arith.constant 0 : i32
      %dma_start3A_577 = arith.constant 0 : i32
      %dma_start3A_578 = arith.constant 0 : i32
      %dma_start3A_579 = arith.constant 0 : i32
      %dma_start3A_580 = tpu.memref_slice %arg8[%dma_start3A_576, %dma_start3A_578, %dma_start3A_579] : memref<2x128x128xf32, #tpu.memory_space<vmem>> -> memref<1x128x128xf32, #tpu.memory_space<vmem>>
      %dma_start3A_581 = tpu.memref_squeeze %dma_start3A_580 : memref<1x128x128xf32, #tpu.memory_space<vmem>> -> memref<128x128xf32, #tpu.memory_space<vmem>>
      %dma_start3A_582 = arith.constant 0 : i32
      %dma_start3A_583 = tpu.memref_slice %arg7[%dma_start3A_577, %dma_start3A_582] : memref<6x128xi32, #tpu.memory_space<vmem>> -> memref<1x128xi32, #tpu.memory_space<vmem>>
      %dma_start3A_584 = tpu.memref_squeeze %dma_start3A_583 : memref<1x128xi32, #tpu.memory_space<vmem>> -> memref<128xi32, #tpu.memory_space<vmem>>
      %dma_start3A_585 = arith.constant 0 : i32
      %dma_start3A_586 = arith.constant 0 : i32
      %dma_start3A_587 = tpu.memref_slice %arg19[%dma_start3A_585, %dma_start3A_586] : memref<10240x128xf32, #tpu.memory_space<vmem_shared>> -> memref<10240x128xf32, #tpu.memory_space<vmem_shared>>
      tpu.enqueue_indirect_dma source(%dma_start3A_581 : memref<128x128xf32, #tpu.memory_space<vmem>>) target(%dma_start3A_587 : memref<10240x128xf32, #tpu.memory_space<vmem_shared>>) offsets(%dma_start3A_584 : memref<128xi32, #tpu.memory_space<vmem>>) semaphore(%arg11 : memref<!tpu.dma_semaphore, #tpu.memory_space<semaphore_mem>>) {add = true}
      %dma_wait3A_588 = arith.constant 0 : i32
      %dma_wait3A_589 = arith.constant 0 : i32
      %dma_wait3A_590 = arith.constant 0 : i32
      %dma_wait3A_591 = arith.constant 0 : i32
      %dma_wait3A_592 = tpu.memref_slice %arg8[%dma_wait3A_588, %dma_wait3A_590, %dma_wait3A_591] : memref<2x128x128xf32, #tpu.memory_space<vmem>> -> memref<1x128x128xf32, #tpu.memory_space<vmem>>
      %dma_wait3A_593 = tpu.memref_squeeze %dma_wait3A_592 : memref<1x128x128xf32, #tpu.memory_space<vmem>> -> memref<128x128xf32, #tpu.memory_space<vmem>>
      %dma_wait3A_594 = arith.constant 0 : i32
      %dma_wait3A_595 = tpu.memref_slice %arg7[%dma_wait3A_589, %dma_wait3A_594] : memref<6x128xi32, #tpu.memory_space<vmem>> -> memref<1x128xi32, #tpu.memory_space<vmem>>
      %dma_wait3A_596 = tpu.memref_squeeze %dma_wait3A_595 : memref<1x128xi32, #tpu.memory_space<vmem>> -> memref<128xi32, #tpu.memory_space<vmem>>
      %dma_wait3A_597 = arith.constant 0 : i32
      %dma_wait3A_598 = arith.constant 0 : i32
      %dma_wait3A_599 = tpu.memref_slice %arg19[%dma_wait3A_597, %dma_wait3A_598] : memref<10240x128xf32, #tpu.memory_space<vmem_shared>> -> memref<10240x128xf32, #tpu.memory_space<vmem_shared>>
      tpu.wait_indirect_dma semaphore(%arg11 : memref<!tpu.dma_semaphore, #tpu.memory_space<semaphore_mem>>) src(%dma_wait3A_593 : memref<128x128xf32, #tpu.memory_space<vmem>>) dst(%dma_wait3A_599 : memref<10240x128xf32, #tpu.memory_space<vmem_shared>>)
      %add3A_600 = arith.constant 6 : i32
      %add3A_601 = arith.addi %add3A_563, %add3A_600 : i32
      %mul3A_602 = arith.constant 128 : i32
      %mul3A_603 = arith.muli %add3A_601, %mul3A_602 : i32
      %add3A_604 = arith.addi %mul3A_4, %mul3A_603 : i32
      %dma_start3A_605 = arith.constant 0 : i32
      %dma_start3A_606 = arith.constant 0 : i32
      %dma_start3A_607 = tpu.memref_slice %arg6[%dma_start3A_605, %dma_start3A_606] : memref<6x128xi32, #tpu.memory_space<vmem>> -> memref<1x128xi32, #tpu.memory_space<vmem>>
      %dma_start3A_608 = tpu.memref_squeeze %dma_start3A_607 : memref<1x128xi32, #tpu.memory_space<vmem>> -> memref<128xi32, #tpu.memory_space<vmem>>
      %dma_start3A_609 = tpu.memref_slice %arg3[%add3A_604] : memref<320000xi32, #tpu.memory_space<hbm>> -> memref<128xi32, #tpu.memory_space<hbm>>
      %dma_start3A_610 = arith.constant 0 : i32
      %dma_start3A_611 = tpu.memref_slice %arg6[%dma_start3A_605, %dma_start3A_610] : memref<6x128xi32, #tpu.memory_space<vmem>> -> memref<1x128xi32, #tpu.memory_space<vmem>>
      %dma_start3A_612 = tpu.memref_squeeze %dma_start3A_611 : memref<1x128xi32, #tpu.memory_space<vmem>> -> memref<128xi32, #tpu.memory_space<vmem>>
      %dma_start3A_613 = tpu.memref_slice %arg3[%add3A_604] : memref<320000xi32, #tpu.memory_space<hbm>> -> memref<128xi32, #tpu.memory_space<hbm>>
      tpu.enqueue_dma source(%dma_start3A_613 : memref<128xi32, #tpu.memory_space<hbm>>) target(%dma_start3A_612 : memref<128xi32, #tpu.memory_space<vmem>>) target_semaphore(%arg13 : memref<!tpu.dma_semaphore, #tpu.memory_space<semaphore_mem>>)
      %dma_start3A_614 = arith.constant 0 : i32
      %dma_start3A_615 = arith.constant 0 : i32
      %dma_start3A_616 = tpu.memref_slice %arg7[%dma_start3A_614, %dma_start3A_615] : memref<6x128xi32, #tpu.memory_space<vmem>> -> memref<1x128xi32, #tpu.memory_space<vmem>>
      %dma_start3A_617 = tpu.memref_squeeze %dma_start3A_616 : memref<1x128xi32, #tpu.memory_space<vmem>> -> memref<128xi32, #tpu.memory_space<vmem>>
      %dma_start3A_618 = tpu.memref_slice %arg4[%add3A_604] : memref<320000xi32, #tpu.memory_space<hbm>> -> memref<128xi32, #tpu.memory_space<hbm>>
      %dma_start3A_619 = arith.constant 0 : i32
      %dma_start3A_620 = tpu.memref_slice %arg7[%dma_start3A_614, %dma_start3A_619] : memref<6x128xi32, #tpu.memory_space<vmem>> -> memref<1x128xi32, #tpu.memory_space<vmem>>
      %dma_start3A_621 = tpu.memref_squeeze %dma_start3A_620 : memref<1x128xi32, #tpu.memory_space<vmem>> -> memref<128xi32, #tpu.memory_space<vmem>>
      %dma_start3A_622 = tpu.memref_slice %arg4[%add3A_604] : memref<320000xi32, #tpu.memory_space<hbm>> -> memref<128xi32, #tpu.memory_space<hbm>>
      tpu.enqueue_dma source(%dma_start3A_622 : memref<128xi32, #tpu.memory_space<hbm>>) target(%dma_start3A_621 : memref<128xi32, #tpu.memory_space<vmem>>) target_semaphore(%arg13 : memref<!tpu.dma_semaphore, #tpu.memory_space<semaphore_mem>>)
      %dma_wait3A_623 = arith.constant 2 : i32
      %dma_wait3A_624 = arith.constant 0 : i32
      %dma_wait3A_625 = tpu.memref_slice %arg6[%dma_wait3A_623, %dma_wait3A_624] : memref<6x128xi32, #tpu.memory_space<vmem>> -> memref<1x128xi32, #tpu.memory_space<vmem>>
      %dma_wait3A_626 = tpu.memref_squeeze %dma_wait3A_625 : memref<1x128xi32, #tpu.memory_space<vmem>> -> memref<128xi32, #tpu.memory_space<vmem>>
      %dma_wait3A_627 = arith.constant 0 : i32
      %dma_wait3A_628 = tpu.memref_slice %arg3[%dma_wait3A_627] : memref<320000xi32, #tpu.memory_space<hbm>> -> memref<128xi32, #tpu.memory_space<hbm>>
      %dma_wait3A_629 = arith.constant 0 : i32
      %dma_wait3A_630 = tpu.memref_slice %arg6[%dma_wait3A_623, %dma_wait3A_629] : memref<6x128xi32, #tpu.memory_space<vmem>> -> memref<1x128xi32, #tpu.memory_space<vmem>>
      %dma_wait3A_631 = tpu.memref_squeeze %dma_wait3A_630 : memref<1x128xi32, #tpu.memory_space<vmem>> -> memref<128xi32, #tpu.memory_space<vmem>>
      %dma_wait3A_632 = arith.constant 0 : i32
      %dma_wait3A_633 = tpu.memref_slice %arg3[%dma_wait3A_632] : memref<320000xi32, #tpu.memory_space<hbm>> -> memref<128xi32, #tpu.memory_space<hbm>>
      tpu.wait_dma2 semaphore(%arg15 : memref<!tpu.dma_semaphore, #tpu.memory_space<semaphore_mem>>) src(%dma_wait3A_633 : memref<128xi32, #tpu.memory_space<hbm>>) dst(%dma_wait3A_631 : memref<128xi32, #tpu.memory_space<vmem>>)
      %dma_wait3A_634 = arith.constant 2 : i32
      %dma_wait3A_635 = arith.constant 0 : i32
      %dma_wait3A_636 = tpu.memref_slice %arg7[%dma_wait3A_634, %dma_wait3A_635] : memref<6x128xi32, #tpu.memory_space<vmem>> -> memref<1x128xi32, #tpu.memory_space<vmem>>
      %dma_wait3A_637 = tpu.memref_squeeze %dma_wait3A_636 : memref<1x128xi32, #tpu.memory_space<vmem>> -> memref<128xi32, #tpu.memory_space<vmem>>
      %dma_wait3A_638 = arith.constant 0 : i32
      %dma_wait3A_639 = tpu.memref_slice %arg4[%dma_wait3A_638] : memref<320000xi32, #tpu.memory_space<hbm>> -> memref<128xi32, #tpu.memory_space<hbm>>
      %dma_wait3A_640 = arith.constant 0 : i32
      %dma_wait3A_641 = tpu.memref_slice %arg7[%dma_wait3A_634, %dma_wait3A_640] : memref<6x128xi32, #tpu.memory_space<vmem>> -> memref<1x128xi32, #tpu.memory_space<vmem>>
      %dma_wait3A_642 = tpu.memref_squeeze %dma_wait3A_641 : memref<1x128xi32, #tpu.memory_space<vmem>> -> memref<128xi32, #tpu.memory_space<vmem>>
      %dma_wait3A_643 = arith.constant 0 : i32
      %dma_wait3A_644 = tpu.memref_slice %arg4[%dma_wait3A_643] : memref<320000xi32, #tpu.memory_space<hbm>> -> memref<128xi32, #tpu.memory_space<hbm>>
      tpu.wait_dma2 semaphore(%arg15 : memref<!tpu.dma_semaphore, #tpu.memory_space<semaphore_mem>>) src(%dma_wait3A_644 : memref<128xi32, #tpu.memory_space<hbm>>) dst(%dma_wait3A_642 : memref<128xi32, #tpu.memory_space<vmem>>)
      %dma_start3A_645 = arith.constant 2 : i32
      %dma_start3A_646 = arith.constant 0 : i32
      %dma_start3A_647 = arith.constant 0 : i32
      %dma_start3A_648 = arith.constant 0 : i32
      %dma_start3A_649 = tpu.memref_slice %arg8[%dma_start3A_646, %dma_start3A_647, %dma_start3A_648] : memref<2x128x128xf32, #tpu.memory_space<vmem>> -> memref<1x128x128xf32, #tpu.memory_space<vmem>>
      %dma_start3A_650 = tpu.memref_squeeze %dma_start3A_649 : memref<1x128x128xf32, #tpu.memory_space<vmem>> -> memref<128x128xf32, #tpu.memory_space<vmem>>
      %dma_start3A_651 = arith.constant 0 : i32
      %dma_start3A_652 = tpu.memref_slice %arg6[%dma_start3A_645, %dma_start3A_651] : memref<6x128xi32, #tpu.memory_space<vmem>> -> memref<1x128xi32, #tpu.memory_space<vmem>>
      %dma_start3A_653 = tpu.memref_squeeze %dma_start3A_652 : memref<1x128xi32, #tpu.memory_space<vmem>> -> memref<128xi32, #tpu.memory_space<vmem>>
      %dma_start3A_654 = arith.constant 0 : i32
      %dma_start3A_655 = arith.constant 0 : i32
      %dma_start3A_656 = tpu.memref_slice %arg2[%dma_start3A_654, %dma_start3A_655] : memref<10240x128xf32, #tpu.memory_space<hbm>> -> memref<10240x128xf32, #tpu.memory_space<hbm>>
      tpu.enqueue_indirect_dma source(%dma_start3A_656 : memref<10240x128xf32, #tpu.memory_space<hbm>>) target(%dma_start3A_650 : memref<128x128xf32, #tpu.memory_space<vmem>>) offsets(%dma_start3A_653 : memref<128xi32, #tpu.memory_space<vmem>>) semaphore(%arg9 : memref<!tpu.dma_semaphore, #tpu.memory_space<semaphore_mem>>)
      %add3A_657 = arith.constant 1 : i32
      %add3A_658 = arith.addi %mul3A_561, %add3A_657 : i32
      %dma_wait3A_659 = arith.constant 0 : i32
      %dma_wait3A_660 = arith.constant 1 : i32
      %dma_wait3A_661 = arith.constant 0 : i32
      %dma_wait3A_662 = arith.constant 0 : i32
      %dma_wait3A_663 = tpu.memref_slice %arg8[%dma_wait3A_660, %dma_wait3A_661, %dma_wait3A_662] : memref<2x128x128xf32, #tpu.memory_space<vmem>> -> memref<1x128x128xf32, #tpu.memory_space<vmem>>
      %dma_wait3A_664 = tpu.memref_squeeze %dma_wait3A_663 : memref<1x128x128xf32, #tpu.memory_space<vmem>> -> memref<128x128xf32, #tpu.memory_space<vmem>>
      %dma_wait3A_665 = arith.constant 0 : i32
      %dma_wait3A_666 = tpu.memref_slice %arg6[%dma_wait3A_659, %dma_wait3A_665] : memref<6x128xi32, #tpu.memory_space<vmem>> -> memref<1x128xi32, #tpu.memory_space<vmem>>
      %dma_wait3A_667 = tpu.memref_squeeze %dma_wait3A_666 : memref<1x128xi32, #tpu.memory_space<vmem>> -> memref<128xi32, #tpu.memory_space<vmem>>
      %dma_wait3A_668 = arith.constant 0 : i32
      %dma_wait3A_669 = arith.constant 0 : i32
      %dma_wait3A_670 = tpu.memref_slice %arg2[%dma_wait3A_668, %dma_wait3A_669] : memref<10240x128xf32, #tpu.memory_space<hbm>> -> memref<10240x128xf32, #tpu.memory_space<hbm>>
      tpu.wait_indirect_dma semaphore(%arg10 : memref<!tpu.dma_semaphore, #tpu.memory_space<semaphore_mem>>) src(%dma_wait3A_670 : memref<10240x128xf32, #tpu.memory_space<hbm>>) dst(%dma_wait3A_664 : memref<128x128xf32, #tpu.memory_space<vmem>>)
      %dma_start3A_671 = arith.constant 1 : i32
      %dma_start3A_672 = arith.constant 1 : i32
      %dma_start3A_673 = arith.constant 0 : i32
      %dma_start3A_674 = arith.constant 0 : i32
      %dma_start3A_675 = tpu.memref_slice %arg8[%dma_start3A_671, %dma_start3A_673, %dma_start3A_674] : memref<2x128x128xf32, #tpu.memory_space<vmem>> -> memref<1x128x128xf32, #tpu.memory_space<vmem>>
      %dma_start3A_676 = tpu.memref_squeeze %dma_start3A_675 : memref<1x128x128xf32, #tpu.memory_space<vmem>> -> memref<128x128xf32, #tpu.memory_space<vmem>>
      %dma_start3A_677 = arith.constant 0 : i32
      %dma_start3A_678 = tpu.memref_slice %arg7[%dma_start3A_672, %dma_start3A_677] : memref<6x128xi32, #tpu.memory_space<vmem>> -> memref<1x128xi32, #tpu.memory_space<vmem>>
      %dma_start3A_679 = tpu.memref_squeeze %dma_start3A_678 : memref<1x128xi32, #tpu.memory_space<vmem>> -> memref<128xi32, #tpu.memory_space<vmem>>
      %dma_start3A_680 = arith.constant 0 : i32
      %dma_start3A_681 = arith.constant 0 : i32
      %dma_start3A_682 = tpu.memref_slice %arg19[%dma_start3A_680, %dma_start3A_681] : memref<10240x128xf32, #tpu.memory_space<vmem_shared>> -> memref<10240x128xf32, #tpu.memory_space<vmem_shared>>
      tpu.enqueue_indirect_dma source(%dma_start3A_676 : memref<128x128xf32, #tpu.memory_space<vmem>>) target(%dma_start3A_682 : memref<10240x128xf32, #tpu.memory_space<vmem_shared>>) offsets(%dma_start3A_679 : memref<128xi32, #tpu.memory_space<vmem>>) semaphore(%arg12 : memref<!tpu.dma_semaphore, #tpu.memory_space<semaphore_mem>>) {add = true}
      %dma_wait3A_683 = arith.constant 1 : i32
      %dma_wait3A_684 = arith.constant 0 : i32
      %dma_wait3A_685 = arith.constant 0 : i32
      %dma_wait3A_686 = arith.constant 0 : i32
      %dma_wait3A_687 = tpu.memref_slice %arg8[%dma_wait3A_683, %dma_wait3A_685, %dma_wait3A_686] : memref<2x128x128xf32, #tpu.memory_space<vmem>> -> memref<1x128x128xf32, #tpu.memory_space<vmem>>
      %dma_wait3A_688 = tpu.memref_squeeze %dma_wait3A_687 : memref<1x128x128xf32, #tpu.memory_space<vmem>> -> memref<128x128xf32, #tpu.memory_space<vmem>>
      %dma_wait3A_689 = arith.constant 0 : i32
      %dma_wait3A_690 = tpu.memref_slice %arg7[%dma_wait3A_684, %dma_wait3A_689] : memref<6x128xi32, #tpu.memory_space<vmem>> -> memref<1x128xi32, #tpu.memory_space<vmem>>
      %dma_wait3A_691 = tpu.memref_squeeze %dma_wait3A_690 : memref<1x128xi32, #tpu.memory_space<vmem>> -> memref<128xi32, #tpu.memory_space<vmem>>
      %dma_wait3A_692 = arith.constant 0 : i32
      %dma_wait3A_693 = arith.constant 0 : i32
      %dma_wait3A_694 = tpu.memref_slice %arg19[%dma_wait3A_692, %dma_wait3A_693] : memref<10240x128xf32, #tpu.memory_space<vmem_shared>> -> memref<10240x128xf32, #tpu.memory_space<vmem_shared>>
      tpu.wait_indirect_dma semaphore(%arg12 : memref<!tpu.dma_semaphore, #tpu.memory_space<semaphore_mem>>) src(%dma_wait3A_688 : memref<128x128xf32, #tpu.memory_space<vmem>>) dst(%dma_wait3A_694 : memref<10240x128xf32, #tpu.memory_space<vmem_shared>>)
      %add3A_695 = arith.constant 6 : i32
      %add3A_696 = arith.addi %add3A_658, %add3A_695 : i32
      %mul3A_697 = arith.constant 128 : i32
      %mul3A_698 = arith.muli %add3A_696, %mul3A_697 : i32
      %add3A_699 = arith.addi %mul3A_4, %mul3A_698 : i32
      %dma_start3A_700 = arith.constant 1 : i32
      %dma_start3A_701 = arith.constant 0 : i32
      %dma_start3A_702 = tpu.memref_slice %arg6[%dma_start3A_700, %dma_start3A_701] : memref<6x128xi32, #tpu.memory_space<vmem>> -> memref<1x128xi32, #tpu.memory_space<vmem>>
      %dma_start3A_703 = tpu.memref_squeeze %dma_start3A_702 : memref<1x128xi32, #tpu.memory_space<vmem>> -> memref<128xi32, #tpu.memory_space<vmem>>
      %dma_start3A_704 = tpu.memref_slice %arg3[%add3A_699] : memref<320000xi32, #tpu.memory_space<hbm>> -> memref<128xi32, #tpu.memory_space<hbm>>
      %dma_start3A_705 = arith.constant 0 : i32
      %dma_start3A_706 = tpu.memref_slice %arg6[%dma_start3A_700, %dma_start3A_705] : memref<6x128xi32, #tpu.memory_space<vmem>> -> memref<1x128xi32, #tpu.memory_space<vmem>>
      %dma_start3A_707 = tpu.memref_squeeze %dma_start3A_706 : memref<1x128xi32, #tpu.memory_space<vmem>> -> memref<128xi32, #tpu.memory_space<vmem>>
      %dma_start3A_708 = tpu.memref_slice %arg3[%add3A_699] : memref<320000xi32, #tpu.memory_space<hbm>> -> memref<128xi32, #tpu.memory_space<hbm>>
      tpu.enqueue_dma source(%dma_start3A_708 : memref<128xi32, #tpu.memory_space<hbm>>) target(%dma_start3A_707 : memref<128xi32, #tpu.memory_space<vmem>>) target_semaphore(%arg14 : memref<!tpu.dma_semaphore, #tpu.memory_space<semaphore_mem>>)
      %dma_start3A_709 = arith.constant 1 : i32
      %dma_start3A_710 = arith.constant 0 : i32
      %dma_start3A_711 = tpu.memref_slice %arg7[%dma_start3A_709, %dma_start3A_710] : memref<6x128xi32, #tpu.memory_space<vmem>> -> memref<1x128xi32, #tpu.memory_space<vmem>>
      %dma_start3A_712 = tpu.memref_squeeze %dma_start3A_711 : memref<1x128xi32, #tpu.memory_space<vmem>> -> memref<128xi32, #tpu.memory_space<vmem>>
      %dma_start3A_713 = tpu.memref_slice %arg4[%add3A_699] : memref<320000xi32, #tpu.memory_space<hbm>> -> memref<128xi32, #tpu.memory_space<hbm>>
      %dma_start3A_714 = arith.constant 0 : i32
      %dma_start3A_715 = tpu.memref_slice %arg7[%dma_start3A_709, %dma_start3A_714] : memref<6x128xi32, #tpu.memory_space<vmem>> -> memref<1x128xi32, #tpu.memory_space<vmem>>
      %dma_start3A_716 = tpu.memref_squeeze %dma_start3A_715 : memref<1x128xi32, #tpu.memory_space<vmem>> -> memref<128xi32, #tpu.memory_space<vmem>>
      %dma_start3A_717 = tpu.memref_slice %arg4[%add3A_699] : memref<320000xi32, #tpu.memory_space<hbm>> -> memref<128xi32, #tpu.memory_space<hbm>>
      tpu.enqueue_dma source(%dma_start3A_717 : memref<128xi32, #tpu.memory_space<hbm>>) target(%dma_start3A_716 : memref<128xi32, #tpu.memory_space<vmem>>) target_semaphore(%arg14 : memref<!tpu.dma_semaphore, #tpu.memory_space<semaphore_mem>>)
      %dma_wait3A_718 = arith.constant 3 : i32
      %dma_wait3A_719 = arith.constant 0 : i32
      %dma_wait3A_720 = tpu.memref_slice %arg6[%dma_wait3A_718, %dma_wait3A_719] : memref<6x128xi32, #tpu.memory_space<vmem>> -> memref<1x128xi32, #tpu.memory_space<vmem>>
      %dma_wait3A_721 = tpu.memref_squeeze %dma_wait3A_720 : memref<1x128xi32, #tpu.memory_space<vmem>> -> memref<128xi32, #tpu.memory_space<vmem>>
      %dma_wait3A_722 = arith.constant 0 : i32
      %dma_wait3A_723 = tpu.memref_slice %arg3[%dma_wait3A_722] : memref<320000xi32, #tpu.memory_space<hbm>> -> memref<128xi32, #tpu.memory_space<hbm>>
      %dma_wait3A_724 = arith.constant 0 : i32
      %dma_wait3A_725 = tpu.memref_slice %arg6[%dma_wait3A_718, %dma_wait3A_724] : memref<6x128xi32, #tpu.memory_space<vmem>> -> memref<1x128xi32, #tpu.memory_space<vmem>>
      %dma_wait3A_726 = tpu.memref_squeeze %dma_wait3A_725 : memref<1x128xi32, #tpu.memory_space<vmem>> -> memref<128xi32, #tpu.memory_space<vmem>>
      %dma_wait3A_727 = arith.constant 0 : i32
      %dma_wait3A_728 = tpu.memref_slice %arg3[%dma_wait3A_727] : memref<320000xi32, #tpu.memory_space<hbm>> -> memref<128xi32, #tpu.memory_space<hbm>>
      tpu.wait_dma2 semaphore(%arg16 : memref<!tpu.dma_semaphore, #tpu.memory_space<semaphore_mem>>) src(%dma_wait3A_728 : memref<128xi32, #tpu.memory_space<hbm>>) dst(%dma_wait3A_726 : memref<128xi32, #tpu.memory_space<vmem>>)
      %dma_wait3A_729 = arith.constant 3 : i32
      %dma_wait3A_730 = arith.constant 0 : i32
      %dma_wait3A_731 = tpu.memref_slice %arg7[%dma_wait3A_729, %dma_wait3A_730] : memref<6x128xi32, #tpu.memory_space<vmem>> -> memref<1x128xi32, #tpu.memory_space<vmem>>
      %dma_wait3A_732 = tpu.memref_squeeze %dma_wait3A_731 : memref<1x128xi32, #tpu.memory_space<vmem>> -> memref<128xi32, #tpu.memory_space<vmem>>
      %dma_wait3A_733 = arith.constant 0 : i32
      %dma_wait3A_734 = tpu.memref_slice %arg4[%dma_wait3A_733] : memref<320000xi32, #tpu.memory_space<hbm>> -> memref<128xi32, #tpu.memory_space<hbm>>
      %dma_wait3A_735 = arith.constant 0 : i32
      %dma_wait3A_736 = tpu.memref_slice %arg7[%dma_wait3A_729, %dma_wait3A_735] : memref<6x128xi32, #tpu.memory_space<vmem>> -> memref<1x128xi32, #tpu.memory_space<vmem>>
      %dma_wait3A_737 = tpu.memref_squeeze %dma_wait3A_736 : memref<1x128xi32, #tpu.memory_space<vmem>> -> memref<128xi32, #tpu.memory_space<vmem>>
      %dma_wait3A_738 = arith.constant 0 : i32
      %dma_wait3A_739 = tpu.memref_slice %arg4[%dma_wait3A_738] : memref<320000xi32, #tpu.memory_space<hbm>> -> memref<128xi32, #tpu.memory_space<hbm>>
      tpu.wait_dma2 semaphore(%arg16 : memref<!tpu.dma_semaphore, #tpu.memory_space<semaphore_mem>>) src(%dma_wait3A_739 : memref<128xi32, #tpu.memory_space<hbm>>) dst(%dma_wait3A_737 : memref<128xi32, #tpu.memory_space<vmem>>)
      %dma_start3A_740 = arith.constant 3 : i32
      %dma_start3A_741 = arith.constant 1 : i32
      %dma_start3A_742 = arith.constant 0 : i32
      %dma_start3A_743 = arith.constant 0 : i32
      %dma_start3A_744 = tpu.memref_slice %arg8[%dma_start3A_741, %dma_start3A_742, %dma_start3A_743] : memref<2x128x128xf32, #tpu.memory_space<vmem>> -> memref<1x128x128xf32, #tpu.memory_space<vmem>>
      %dma_start3A_745 = tpu.memref_squeeze %dma_start3A_744 : memref<1x128x128xf32, #tpu.memory_space<vmem>> -> memref<128x128xf32, #tpu.memory_space<vmem>>
      %dma_start3A_746 = arith.constant 0 : i32
      %dma_start3A_747 = tpu.memref_slice %arg6[%dma_start3A_740, %dma_start3A_746] : memref<6x128xi32, #tpu.memory_space<vmem>> -> memref<1x128xi32, #tpu.memory_space<vmem>>
      %dma_start3A_748 = tpu.memref_squeeze %dma_start3A_747 : memref<1x128xi32, #tpu.memory_space<vmem>> -> memref<128xi32, #tpu.memory_space<vmem>>
      %dma_start3A_749 = arith.constant 0 : i32
      %dma_start3A_750 = arith.constant 0 : i32
      %dma_start3A_751 = tpu.memref_slice %arg2[%dma_start3A_749, %dma_start3A_750] : memref<10240x128xf32, #tpu.memory_space<hbm>> -> memref<10240x128xf32, #tpu.memory_space<hbm>>
      tpu.enqueue_indirect_dma source(%dma_start3A_751 : memref<10240x128xf32, #tpu.memory_space<hbm>>) target(%dma_start3A_745 : memref<128x128xf32, #tpu.memory_space<vmem>>) offsets(%dma_start3A_748 : memref<128xi32, #tpu.memory_space<vmem>>) semaphore(%arg10 : memref<!tpu.dma_semaphore, #tpu.memory_space<semaphore_mem>>)
      %add3A_752 = arith.constant 2 : i32
      %add3A_753 = arith.addi %mul3A_561, %add3A_752 : i32
      %dma_wait3A_754 = arith.constant 0 : i32
      %dma_wait3A_755 = arith.constant 0 : i32
      %dma_wait3A_756 = arith.constant 0 : i32
      %dma_wait3A_757 = arith.constant 0 : i32
      %dma_wait3A_758 = tpu.memref_slice %arg8[%dma_wait3A_755, %dma_wait3A_756, %dma_wait3A_757] : memref<2x128x128xf32, #tpu.memory_space<vmem>> -> memref<1x128x128xf32, #tpu.memory_space<vmem>>
      %dma_wait3A_759 = tpu.memref_squeeze %dma_wait3A_758 : memref<1x128x128xf32, #tpu.memory_space<vmem>> -> memref<128x128xf32, #tpu.memory_space<vmem>>
      %dma_wait3A_760 = arith.constant 0 : i32
      %dma_wait3A_761 = tpu.memref_slice %arg6[%dma_wait3A_754, %dma_wait3A_760] : memref<6x128xi32, #tpu.memory_space<vmem>> -> memref<1x128xi32, #tpu.memory_space<vmem>>
      %dma_wait3A_762 = tpu.memref_squeeze %dma_wait3A_761 : memref<1x128xi32, #tpu.memory_space<vmem>> -> memref<128xi32, #tpu.memory_space<vmem>>
      %dma_wait3A_763 = arith.constant 0 : i32
      %dma_wait3A_764 = arith.constant 0 : i32
      %dma_wait3A_765 = tpu.memref_slice %arg2[%dma_wait3A_763, %dma_wait3A_764] : memref<10240x128xf32, #tpu.memory_space<hbm>> -> memref<10240x128xf32, #tpu.memory_space<hbm>>
      tpu.wait_indirect_dma semaphore(%arg9 : memref<!tpu.dma_semaphore, #tpu.memory_space<semaphore_mem>>) src(%dma_wait3A_765 : memref<10240x128xf32, #tpu.memory_space<hbm>>) dst(%dma_wait3A_759 : memref<128x128xf32, #tpu.memory_space<vmem>>)
      %dma_start3A_766 = arith.constant 0 : i32
      %dma_start3A_767 = arith.constant 2 : i32
      %dma_start3A_768 = arith.constant 0 : i32
      %dma_start3A_769 = arith.constant 0 : i32
      %dma_start3A_770 = tpu.memref_slice %arg8[%dma_start3A_766, %dma_start3A_768, %dma_start3A_769] : memref<2x128x128xf32, #tpu.memory_space<vmem>> -> memref<1x128x128xf32, #tpu.memory_space<vmem>>
      %dma_start3A_771 = tpu.memref_squeeze %dma_start3A_770 : memref<1x128x128xf32, #tpu.memory_space<vmem>> -> memref<128x128xf32, #tpu.memory_space<vmem>>
      %dma_start3A_772 = arith.constant 0 : i32
      %dma_start3A_773 = tpu.memref_slice %arg7[%dma_start3A_767, %dma_start3A_772] : memref<6x128xi32, #tpu.memory_space<vmem>> -> memref<1x128xi32, #tpu.memory_space<vmem>>
      %dma_start3A_774 = tpu.memref_squeeze %dma_start3A_773 : memref<1x128xi32, #tpu.memory_space<vmem>> -> memref<128xi32, #tpu.memory_space<vmem>>
      %dma_start3A_775 = arith.constant 0 : i32
      %dma_start3A_776 = arith.constant 0 : i32
      %dma_start3A_777 = tpu.memref_slice %arg19[%dma_start3A_775, %dma_start3A_776] : memref<10240x128xf32, #tpu.memory_space<vmem_shared>> -> memref<10240x128xf32, #tpu.memory_space<vmem_shared>>
      tpu.enqueue_indirect_dma source(%dma_start3A_771 : memref<128x128xf32, #tpu.memory_space<vmem>>) target(%dma_start3A_777 : memref<10240x128xf32, #tpu.memory_space<vmem_shared>>) offsets(%dma_start3A_774 : memref<128xi32, #tpu.memory_space<vmem>>) semaphore(%arg11 : memref<!tpu.dma_semaphore, #tpu.memory_space<semaphore_mem>>) {add = true}
      %dma_wait3A_778 = arith.constant 0 : i32
      %dma_wait3A_779 = arith.constant 0 : i32
      %dma_wait3A_780 = arith.constant 0 : i32
      %dma_wait3A_781 = arith.constant 0 : i32
      %dma_wait3A_782 = tpu.memref_slice %arg8[%dma_wait3A_778, %dma_wait3A_780, %dma_wait3A_781] : memref<2x128x128xf32, #tpu.memory_space<vmem>> -> memref<1x128x128xf32, #tpu.memory_space<vmem>>
      %dma_wait3A_783 = tpu.memref_squeeze %dma_wait3A_782 : memref<1x128x128xf32, #tpu.memory_space<vmem>> -> memref<128x128xf32, #tpu.memory_space<vmem>>
      %dma_wait3A_784 = arith.constant 0 : i32
      %dma_wait3A_785 = tpu.memref_slice %arg7[%dma_wait3A_779, %dma_wait3A_784] : memref<6x128xi32, #tpu.memory_space<vmem>> -> memref<1x128xi32, #tpu.memory_space<vmem>>
      %dma_wait3A_786 = tpu.memref_squeeze %dma_wait3A_785 : memref<1x128xi32, #tpu.memory_space<vmem>> -> memref<128xi32, #tpu.memory_space<vmem>>
      %dma_wait3A_787 = arith.constant 0 : i32
      %dma_wait3A_788 = arith.constant 0 : i32
      %dma_wait3A_789 = tpu.memref_slice %arg19[%dma_wait3A_787, %dma_wait3A_788] : memref<10240x128xf32, #tpu.memory_space<vmem_shared>> -> memref<10240x128xf32, #tpu.memory_space<vmem_shared>>
      tpu.wait_indirect_dma semaphore(%arg11 : memref<!tpu.dma_semaphore, #tpu.memory_space<semaphore_mem>>) src(%dma_wait3A_783 : memref<128x128xf32, #tpu.memory_space<vmem>>) dst(%dma_wait3A_789 : memref<10240x128xf32, #tpu.memory_space<vmem_shared>>)
      %add3A_790 = arith.constant 6 : i32
      %add3A_791 = arith.addi %add3A_753, %add3A_790 : i32
      %mul3A_792 = arith.constant 128 : i32
      %mul3A_793 = arith.muli %add3A_791, %mul3A_792 : i32
      %add3A_794 = arith.addi %mul3A_4, %mul3A_793 : i32
      %dma_start3A_795 = arith.constant 2 : i32
      %dma_start3A_796 = arith.constant 0 : i32
      %dma_start3A_797 = tpu.memref_slice %arg6[%dma_start3A_795, %dma_start3A_796] : memref<6x128xi32, #tpu.memory_space<vmem>> -> memref<1x128xi32, #tpu.memory_space<vmem>>
      %dma_start3A_798 = tpu.memref_squeeze %dma_start3A_797 : memref<1x128xi32, #tpu.memory_space<vmem>> -> memref<128xi32, #tpu.memory_space<vmem>>
      %dma_start3A_799 = tpu.memref_slice %arg3[%add3A_794] : memref<320000xi32, #tpu.memory_space<hbm>> -> memref<128xi32, #tpu.memory_space<hbm>>
      %dma_start3A_800 = arith.constant 0 : i32
      %dma_start3A_801 = tpu.memref_slice %arg6[%dma_start3A_795, %dma_start3A_800] : memref<6x128xi32, #tpu.memory_space<vmem>> -> memref<1x128xi32, #tpu.memory_space<vmem>>
      %dma_start3A_802 = tpu.memref_squeeze %dma_start3A_801 : memref<1x128xi32, #tpu.memory_space<vmem>> -> memref<128xi32, #tpu.memory_space<vmem>>
      %dma_start3A_803 = tpu.memref_slice %arg3[%add3A_794] : memref<320000xi32, #tpu.memory_space<hbm>> -> memref<128xi32, #tpu.memory_space<hbm>>
      tpu.enqueue_dma source(%dma_start3A_803 : memref<128xi32, #tpu.memory_space<hbm>>) target(%dma_start3A_802 : memref<128xi32, #tpu.memory_space<vmem>>) target_semaphore(%arg15 : memref<!tpu.dma_semaphore, #tpu.memory_space<semaphore_mem>>)
      %dma_start3A_804 = arith.constant 2 : i32
      %dma_start3A_805 = arith.constant 0 : i32
      %dma_start3A_806 = tpu.memref_slice %arg7[%dma_start3A_804, %dma_start3A_805] : memref<6x128xi32, #tpu.memory_space<vmem>> -> memref<1x128xi32, #tpu.memory_space<vmem>>
      %dma_start3A_807 = tpu.memref_squeeze %dma_start3A_806 : memref<1x128xi32, #tpu.memory_space<vmem>> -> memref<128xi32, #tpu.memory_space<vmem>>
      %dma_start3A_808 = tpu.memref_slice %arg4[%add3A_794] : memref<320000xi32, #tpu.memory_space<hbm>> -> memref<128xi32, #tpu.memory_space<hbm>>
      %dma_start3A_809 = arith.constant 0 : i32
      %dma_start3A_810 = tpu.memref_slice %arg7[%dma_start3A_804, %dma_start3A_809] : memref<6x128xi32, #tpu.memory_space<vmem>> -> memref<1x128xi32, #tpu.memory_space<vmem>>
      %dma_start3A_811 = tpu.memref_squeeze %dma_start3A_810 : memref<1x128xi32, #tpu.memory_space<vmem>> -> memref<128xi32, #tpu.memory_space<vmem>>
      %dma_start3A_812 = tpu.memref_slice %arg4[%add3A_794] : memref<320000xi32, #tpu.memory_space<hbm>> -> memref<128xi32, #tpu.memory_space<hbm>>
      tpu.enqueue_dma source(%dma_start3A_812 : memref<128xi32, #tpu.memory_space<hbm>>) target(%dma_start3A_811 : memref<128xi32, #tpu.memory_space<vmem>>) target_semaphore(%arg15 : memref<!tpu.dma_semaphore, #tpu.memory_space<semaphore_mem>>)
      %dma_wait3A_813 = arith.constant 4 : i32
      %dma_wait3A_814 = arith.constant 0 : i32
      %dma_wait3A_815 = tpu.memref_slice %arg6[%dma_wait3A_813, %dma_wait3A_814] : memref<6x128xi32, #tpu.memory_space<vmem>> -> memref<1x128xi32, #tpu.memory_space<vmem>>
      %dma_wait3A_816 = tpu.memref_squeeze %dma_wait3A_815 : memref<1x128xi32, #tpu.memory_space<vmem>> -> memref<128xi32, #tpu.memory_space<vmem>>
      %dma_wait3A_817 = arith.constant 0 : i32
      %dma_wait3A_818 = tpu.memref_slice %arg3[%dma_wait3A_817] : memref<320000xi32, #tpu.memory_space<hbm>> -> memref<128xi32, #tpu.memory_space<hbm>>
      %dma_wait3A_819 = arith.constant 0 : i32
      %dma_wait3A_820 = tpu.memref_slice %arg6[%dma_wait3A_813, %dma_wait3A_819] : memref<6x128xi32, #tpu.memory_space<vmem>> -> memref<1x128xi32, #tpu.memory_space<vmem>>
      %dma_wait3A_821 = tpu.memref_squeeze %dma_wait3A_820 : memref<1x128xi32, #tpu.memory_space<vmem>> -> memref<128xi32, #tpu.memory_space<vmem>>
      %dma_wait3A_822 = arith.constant 0 : i32
      %dma_wait3A_823 = tpu.memref_slice %arg3[%dma_wait3A_822] : memref<320000xi32, #tpu.memory_space<hbm>> -> memref<128xi32, #tpu.memory_space<hbm>>
      tpu.wait_dma2 semaphore(%arg17 : memref<!tpu.dma_semaphore, #tpu.memory_space<semaphore_mem>>) src(%dma_wait3A_823 : memref<128xi32, #tpu.memory_space<hbm>>) dst(%dma_wait3A_821 : memref<128xi32, #tpu.memory_space<vmem>>)
      %dma_wait3A_824 = arith.constant 4 : i32
      %dma_wait3A_825 = arith.constant 0 : i32
      %dma_wait3A_826 = tpu.memref_slice %arg7[%dma_wait3A_824, %dma_wait3A_825] : memref<6x128xi32, #tpu.memory_space<vmem>> -> memref<1x128xi32, #tpu.memory_space<vmem>>
      %dma_wait3A_827 = tpu.memref_squeeze %dma_wait3A_826 : memref<1x128xi32, #tpu.memory_space<vmem>> -> memref<128xi32, #tpu.memory_space<vmem>>
      %dma_wait3A_828 = arith.constant 0 : i32
      %dma_wait3A_829 = tpu.memref_slice %arg4[%dma_wait3A_828] : memref<320000xi32, #tpu.memory_space<hbm>> -> memref<128xi32, #tpu.memory_space<hbm>>
      %dma_wait3A_830 = arith.constant 0 : i32
      %dma_wait3A_831 = tpu.memref_slice %arg7[%dma_wait3A_824, %dma_wait3A_830] : memref<6x128xi32, #tpu.memory_space<vmem>> -> memref<1x128xi32, #tpu.memory_space<vmem>>
      %dma_wait3A_832 = tpu.memref_squeeze %dma_wait3A_831 : memref<1x128xi32, #tpu.memory_space<vmem>> -> memref<128xi32, #tpu.memory_space<vmem>>
      %dma_wait3A_833 = arith.constant 0 : i32
      %dma_wait3A_834 = tpu.memref_slice %arg4[%dma_wait3A_833] : memref<320000xi32, #tpu.memory_space<hbm>> -> memref<128xi32, #tpu.memory_space<hbm>>
      tpu.wait_dma2 semaphore(%arg17 : memref<!tpu.dma_semaphore, #tpu.memory_space<semaphore_mem>>) src(%dma_wait3A_834 : memref<128xi32, #tpu.memory_space<hbm>>) dst(%dma_wait3A_832 : memref<128xi32, #tpu.memory_space<vmem>>)
      %dma_start3A_835 = arith.constant 4 : i32
      %dma_start3A_836 = arith.constant 0 : i32
      %dma_start3A_837 = arith.constant 0 : i32
      %dma_start3A_838 = arith.constant 0 : i32
      %dma_start3A_839 = tpu.memref_slice %arg8[%dma_start3A_836, %dma_start3A_837, %dma_start3A_838] : memref<2x128x128xf32, #tpu.memory_space<vmem>> -> memref<1x128x128xf32, #tpu.memory_space<vmem>>
      %dma_start3A_840 = tpu.memref_squeeze %dma_start3A_839 : memref<1x128x128xf32, #tpu.memory_space<vmem>> -> memref<128x128xf32, #tpu.memory_space<vmem>>
      %dma_start3A_841 = arith.constant 0 : i32
      %dma_start3A_842 = tpu.memref_slice %arg6[%dma_start3A_835, %dma_start3A_841] : memref<6x128xi32, #tpu.memory_space<vmem>> -> memref<1x128xi32, #tpu.memory_space<vmem>>
      %dma_start3A_843 = tpu.memref_squeeze %dma_start3A_842 : memref<1x128xi32, #tpu.memory_space<vmem>> -> memref<128xi32, #tpu.memory_space<vmem>>
      %dma_start3A_844 = arith.constant 0 : i32
      %dma_start3A_845 = arith.constant 0 : i32
      %dma_start3A_846 = tpu.memref_slice %arg2[%dma_start3A_844, %dma_start3A_845] : memref<10240x128xf32, #tpu.memory_space<hbm>> -> memref<10240x128xf32, #tpu.memory_space<hbm>>
      tpu.enqueue_indirect_dma source(%dma_start3A_846 : memref<10240x128xf32, #tpu.memory_space<hbm>>) target(%dma_start3A_840 : memref<128x128xf32, #tpu.memory_space<vmem>>) offsets(%dma_start3A_843 : memref<128xi32, #tpu.memory_space<vmem>>) semaphore(%arg9 : memref<!tpu.dma_semaphore, #tpu.memory_space<semaphore_mem>>)
      %add3A_847 = arith.constant 3 : i32
      %add3A_848 = arith.addi %mul3A_561, %add3A_847 : i32
      %dma_wait3A_849 = arith.constant 0 : i32
      %dma_wait3A_850 = arith.constant 1 : i32
      %dma_wait3A_851 = arith.constant 0 : i32
      %dma_wait3A_852 = arith.constant 0 : i32
      %dma_wait3A_853 = tpu.memref_slice %arg8[%dma_wait3A_850, %dma_wait3A_851, %dma_wait3A_852] : memref<2x128x128xf32, #tpu.memory_space<vmem>> -> memref<1x128x128xf32, #tpu.memory_space<vmem>>
      %dma_wait3A_854 = tpu.memref_squeeze %dma_wait3A_853 : memref<1x128x128xf32, #tpu.memory_space<vmem>> -> memref<128x128xf32, #tpu.memory_space<vmem>>
      %dma_wait3A_855 = arith.constant 0 : i32
      %dma_wait3A_856 = tpu.memref_slice %arg6[%dma_wait3A_849, %dma_wait3A_855] : memref<6x128xi32, #tpu.memory_space<vmem>> -> memref<1x128xi32, #tpu.memory_space<vmem>>
      %dma_wait3A_857 = tpu.memref_squeeze %dma_wait3A_856 : memref<1x128xi32, #tpu.memory_space<vmem>> -> memref<128xi32, #tpu.memory_space<vmem>>
      %dma_wait3A_858 = arith.constant 0 : i32
      %dma_wait3A_859 = arith.constant 0 : i32
      %dma_wait3A_860 = tpu.memref_slice %arg2[%dma_wait3A_858, %dma_wait3A_859] : memref<10240x128xf32, #tpu.memory_space<hbm>> -> memref<10240x128xf32, #tpu.memory_space<hbm>>
      tpu.wait_indirect_dma semaphore(%arg10 : memref<!tpu.dma_semaphore, #tpu.memory_space<semaphore_mem>>) src(%dma_wait3A_860 : memref<10240x128xf32, #tpu.memory_space<hbm>>) dst(%dma_wait3A_854 : memref<128x128xf32, #tpu.memory_space<vmem>>)
      %dma_start3A_861 = arith.constant 1 : i32
      %dma_start3A_862 = arith.constant 3 : i32
      %dma_start3A_863 = arith.constant 0 : i32
      %dma_start3A_864 = arith.constant 0 : i32
      %dma_start3A_865 = tpu.memref_slice %arg8[%dma_start3A_861, %dma_start3A_863, %dma_start3A_864] : memref<2x128x128xf32, #tpu.memory_space<vmem>> -> memref<1x128x128xf32, #tpu.memory_space<vmem>>
      %dma_start3A_866 = tpu.memref_squeeze %dma_start3A_865 : memref<1x128x128xf32, #tpu.memory_space<vmem>> -> memref<128x128xf32, #tpu.memory_space<vmem>>
      %dma_start3A_867 = arith.constant 0 : i32
      %dma_start3A_868 = tpu.memref_slice %arg7[%dma_start3A_862, %dma_start3A_867] : memref<6x128xi32, #tpu.memory_space<vmem>> -> memref<1x128xi32, #tpu.memory_space<vmem>>
      %dma_start3A_869 = tpu.memref_squeeze %dma_start3A_868 : memref<1x128xi32, #tpu.memory_space<vmem>> -> memref<128xi32, #tpu.memory_space<vmem>>
      %dma_start3A_870 = arith.constant 0 : i32
      %dma_start3A_871 = arith.constant 0 : i32
      %dma_start3A_872 = tpu.memref_slice %arg19[%dma_start3A_870, %dma_start3A_871] : memref<10240x128xf32, #tpu.memory_space<vmem_shared>> -> memref<10240x128xf32, #tpu.memory_space<vmem_shared>>
      tpu.enqueue_indirect_dma source(%dma_start3A_866 : memref<128x128xf32, #tpu.memory_space<vmem>>) target(%dma_start3A_872 : memref<10240x128xf32, #tpu.memory_space<vmem_shared>>) offsets(%dma_start3A_869 : memref<128xi32, #tpu.memory_space<vmem>>) semaphore(%arg12 : memref<!tpu.dma_semaphore, #tpu.memory_space<semaphore_mem>>) {add = true}
      %dma_wait3A_873 = arith.constant 1 : i32
      %dma_wait3A_874 = arith.constant 0 : i32
      %dma_wait3A_875 = arith.constant 0 : i32
      %dma_wait3A_876 = arith.constant 0 : i32
      %dma_wait3A_877 = tpu.memref_slice %arg8[%dma_wait3A_873, %dma_wait3A_875, %dma_wait3A_876] : memref<2x128x128xf32, #tpu.memory_space<vmem>> -> memref<1x128x128xf32, #tpu.memory_space<vmem>>
      %dma_wait3A_878 = tpu.memref_squeeze %dma_wait3A_877 : memref<1x128x128xf32, #tpu.memory_space<vmem>> -> memref<128x128xf32, #tpu.memory_space<vmem>>
      %dma_wait3A_879 = arith.constant 0 : i32
      %dma_wait3A_880 = tpu.memref_slice %arg7[%dma_wait3A_874, %dma_wait3A_879] : memref<6x128xi32, #tpu.memory_space<vmem>> -> memref<1x128xi32, #tpu.memory_space<vmem>>
      %dma_wait3A_881 = tpu.memref_squeeze %dma_wait3A_880 : memref<1x128xi32, #tpu.memory_space<vmem>> -> memref<128xi32, #tpu.memory_space<vmem>>
      %dma_wait3A_882 = arith.constant 0 : i32
      %dma_wait3A_883 = arith.constant 0 : i32
      %dma_wait3A_884 = tpu.memref_slice %arg19[%dma_wait3A_882, %dma_wait3A_883] : memref<10240x128xf32, #tpu.memory_space<vmem_shared>> -> memref<10240x128xf32, #tpu.memory_space<vmem_shared>>
      tpu.wait_indirect_dma semaphore(%arg12 : memref<!tpu.dma_semaphore, #tpu.memory_space<semaphore_mem>>) src(%dma_wait3A_878 : memref<128x128xf32, #tpu.memory_space<vmem>>) dst(%dma_wait3A_884 : memref<10240x128xf32, #tpu.memory_space<vmem_shared>>)
      %add3A_885 = arith.constant 6 : i32
      %add3A_886 = arith.addi %add3A_848, %add3A_885 : i32
      %mul3A_887 = arith.constant 128 : i32
      %mul3A_888 = arith.muli %add3A_886, %mul3A_887 : i32
      %add3A_889 = arith.addi %mul3A_4, %mul3A_888 : i32
      %dma_start3A_890 = arith.constant 3 : i32
      %dma_start3A_891 = arith.constant 0 : i32
      %dma_start3A_892 = tpu.memref_slice %arg6[%dma_start3A_890, %dma_start3A_891] : memref<6x128xi32, #tpu.memory_space<vmem>> -> memref<1x128xi32, #tpu.memory_space<vmem>>
      %dma_start3A_893 = tpu.memref_squeeze %dma_start3A_892 : memref<1x128xi32, #tpu.memory_space<vmem>> -> memref<128xi32, #tpu.memory_space<vmem>>
      %dma_start3A_894 = tpu.memref_slice %arg3[%add3A_889] : memref<320000xi32, #tpu.memory_space<hbm>> -> memref<128xi32, #tpu.memory_space<hbm>>
      %dma_start3A_895 = arith.constant 0 : i32
      %dma_start3A_896 = tpu.memref_slice %arg6[%dma_start3A_890, %dma_start3A_895] : memref<6x128xi32, #tpu.memory_space<vmem>> -> memref<1x128xi32, #tpu.memory_space<vmem>>
      %dma_start3A_897 = tpu.memref_squeeze %dma_start3A_896 : memref<1x128xi32, #tpu.memory_space<vmem>> -> memref<128xi32, #tpu.memory_space<vmem>>
      %dma_start3A_898 = tpu.memref_slice %arg3[%add3A_889] : memref<320000xi32, #tpu.memory_space<hbm>> -> memref<128xi32, #tpu.memory_space<hbm>>
      tpu.enqueue_dma source(%dma_start3A_898 : memref<128xi32, #tpu.memory_space<hbm>>) target(%dma_start3A_897 : memref<128xi32, #tpu.memory_space<vmem>>) target_semaphore(%arg16 : memref<!tpu.dma_semaphore, #tpu.memory_space<semaphore_mem>>)
      %dma_start3A_899 = arith.constant 3 : i32
      %dma_start3A_900 = arith.constant 0 : i32
      %dma_start3A_901 = tpu.memref_slice %arg7[%dma_start3A_899, %dma_start3A_900] : memref<6x128xi32, #tpu.memory_space<vmem>> -> memref<1x128xi32, #tpu.memory_space<vmem>>
      %dma_start3A_902 = tpu.memref_squeeze %dma_start3A_901 : memref<1x128xi32, #tpu.memory_space<vmem>> -> memref<128xi32, #tpu.memory_space<vmem>>
      %dma_start3A_903 = tpu.memref_slice %arg4[%add3A_889] : memref<320000xi32, #tpu.memory_space<hbm>> -> memref<128xi32, #tpu.memory_space<hbm>>
      %dma_start3A_904 = arith.constant 0 : i32
      %dma_start3A_905 = tpu.memref_slice %arg7[%dma_start3A_899, %dma_start3A_904] : memref<6x128xi32, #tpu.memory_space<vmem>> -> memref<1x128xi32, #tpu.memory_space<vmem>>
      %dma_start3A_906 = tpu.memref_squeeze %dma_start3A_905 : memref<1x128xi32, #tpu.memory_space<vmem>> -> memref<128xi32, #tpu.memory_space<vmem>>
      %dma_start3A_907 = tpu.memref_slice %arg4[%add3A_889] : memref<320000xi32, #tpu.memory_space<hbm>> -> memref<128xi32, #tpu.memory_space<hbm>>
      tpu.enqueue_dma source(%dma_start3A_907 : memref<128xi32, #tpu.memory_space<hbm>>) target(%dma_start3A_906 : memref<128xi32, #tpu.memory_space<vmem>>) target_semaphore(%arg16 : memref<!tpu.dma_semaphore, #tpu.memory_space<semaphore_mem>>)
      %dma_wait3A_908 = arith.constant 5 : i32
      %dma_wait3A_909 = arith.constant 0 : i32
      %dma_wait3A_910 = tpu.memref_slice %arg6[%dma_wait3A_908, %dma_wait3A_909] : memref<6x128xi32, #tpu.memory_space<vmem>> -> memref<1x128xi32, #tpu.memory_space<vmem>>
      %dma_wait3A_911 = tpu.memref_squeeze %dma_wait3A_910 : memref<1x128xi32, #tpu.memory_space<vmem>> -> memref<128xi32, #tpu.memory_space<vmem>>
      %dma_wait3A_912 = arith.constant 0 : i32
      %dma_wait3A_913 = tpu.memref_slice %arg3[%dma_wait3A_912] : memref<320000xi32, #tpu.memory_space<hbm>> -> memref<128xi32, #tpu.memory_space<hbm>>
      %dma_wait3A_914 = arith.constant 0 : i32
      %dma_wait3A_915 = tpu.memref_slice %arg6[%dma_wait3A_908, %dma_wait3A_914] : memref<6x128xi32, #tpu.memory_space<vmem>> -> memref<1x128xi32, #tpu.memory_space<vmem>>
      %dma_wait3A_916 = tpu.memref_squeeze %dma_wait3A_915 : memref<1x128xi32, #tpu.memory_space<vmem>> -> memref<128xi32, #tpu.memory_space<vmem>>
      %dma_wait3A_917 = arith.constant 0 : i32
      %dma_wait3A_918 = tpu.memref_slice %arg3[%dma_wait3A_917] : memref<320000xi32, #tpu.memory_space<hbm>> -> memref<128xi32, #tpu.memory_space<hbm>>
      tpu.wait_dma2 semaphore(%arg18 : memref<!tpu.dma_semaphore, #tpu.memory_space<semaphore_mem>>) src(%dma_wait3A_918 : memref<128xi32, #tpu.memory_space<hbm>>) dst(%dma_wait3A_916 : memref<128xi32, #tpu.memory_space<vmem>>)
      %dma_wait3A_919 = arith.constant 5 : i32
      %dma_wait3A_920 = arith.constant 0 : i32
      %dma_wait3A_921 = tpu.memref_slice %arg7[%dma_wait3A_919, %dma_wait3A_920] : memref<6x128xi32, #tpu.memory_space<vmem>> -> memref<1x128xi32, #tpu.memory_space<vmem>>
      %dma_wait3A_922 = tpu.memref_squeeze %dma_wait3A_921 : memref<1x128xi32, #tpu.memory_space<vmem>> -> memref<128xi32, #tpu.memory_space<vmem>>
      %dma_wait3A_923 = arith.constant 0 : i32
      %dma_wait3A_924 = tpu.memref_slice %arg4[%dma_wait3A_923] : memref<320000xi32, #tpu.memory_space<hbm>> -> memref<128xi32, #tpu.memory_space<hbm>>
      %dma_wait3A_925 = arith.constant 0 : i32
      %dma_wait3A_926 = tpu.memref_slice %arg7[%dma_wait3A_919, %dma_wait3A_925] : memref<6x128xi32, #tpu.memory_space<vmem>> -> memref<1x128xi32, #tpu.memory_space<vmem>>
      %dma_wait3A_927 = tpu.memref_squeeze %dma_wait3A_926 : memref<1x128xi32, #tpu.memory_space<vmem>> -> memref<128xi32, #tpu.memory_space<vmem>>
      %dma_wait3A_928 = arith.constant 0 : i32
      %dma_wait3A_929 = tpu.memref_slice %arg4[%dma_wait3A_928] : memref<320000xi32, #tpu.memory_space<hbm>> -> memref<128xi32, #tpu.memory_space<hbm>>
      tpu.wait_dma2 semaphore(%arg18 : memref<!tpu.dma_semaphore, #tpu.memory_space<semaphore_mem>>) src(%dma_wait3A_929 : memref<128xi32, #tpu.memory_space<hbm>>) dst(%dma_wait3A_927 : memref<128xi32, #tpu.memory_space<vmem>>)
      %dma_start3A_930 = arith.constant 5 : i32
      %dma_start3A_931 = arith.constant 1 : i32
      %dma_start3A_932 = arith.constant 0 : i32
      %dma_start3A_933 = arith.constant 0 : i32
      %dma_start3A_934 = tpu.memref_slice %arg8[%dma_start3A_931, %dma_start3A_932, %dma_start3A_933] : memref<2x128x128xf32, #tpu.memory_space<vmem>> -> memref<1x128x128xf32, #tpu.memory_space<vmem>>
      %dma_start3A_935 = tpu.memref_squeeze %dma_start3A_934 : memref<1x128x128xf32, #tpu.memory_space<vmem>> -> memref<128x128xf32, #tpu.memory_space<vmem>>
      %dma_start3A_936 = arith.constant 0 : i32
      %dma_start3A_937 = tpu.memref_slice %arg6[%dma_start3A_930, %dma_start3A_936] : memref<6x128xi32, #tpu.memory_space<vmem>> -> memref<1x128xi32, #tpu.memory_space<vmem>>
      %dma_start3A_938 = tpu.memref_squeeze %dma_start3A_937 : memref<1x128xi32, #tpu.memory_space<vmem>> -> memref<128xi32, #tpu.memory_space<vmem>>
      %dma_start3A_939 = arith.constant 0 : i32
      %dma_start3A_940 = arith.constant 0 : i32
      %dma_start3A_941 = tpu.memref_slice %arg2[%dma_start3A_939, %dma_start3A_940] : memref<10240x128xf32, #tpu.memory_space<hbm>> -> memref<10240x128xf32, #tpu.memory_space<hbm>>
      tpu.enqueue_indirect_dma source(%dma_start3A_941 : memref<10240x128xf32, #tpu.memory_space<hbm>>) target(%dma_start3A_935 : memref<128x128xf32, #tpu.memory_space<vmem>>) offsets(%dma_start3A_938 : memref<128xi32, #tpu.memory_space<vmem>>) semaphore(%arg10 : memref<!tpu.dma_semaphore, #tpu.memory_space<semaphore_mem>>)
      %add3A_942 = arith.constant 4 : i32
      %add3A_943 = arith.addi %mul3A_561, %add3A_942 : i32
      %dma_wait3A_944 = arith.constant 0 : i32
      %dma_wait3A_945 = arith.constant 0 : i32
      %dma_wait3A_946 = arith.constant 0 : i32
      %dma_wait3A_947 = arith.constant 0 : i32
      %dma_wait3A_948 = tpu.memref_slice %arg8[%dma_wait3A_945, %dma_wait3A_946, %dma_wait3A_947] : memref<2x128x128xf32, #tpu.memory_space<vmem>> -> memref<1x128x128xf32, #tpu.memory_space<vmem>>
      %dma_wait3A_949 = tpu.memref_squeeze %dma_wait3A_948 : memref<1x128x128xf32, #tpu.memory_space<vmem>> -> memref<128x128xf32, #tpu.memory_space<vmem>>
      %dma_wait3A_950 = arith.constant 0 : i32
      %dma_wait3A_951 = tpu.memref_slice %arg6[%dma_wait3A_944, %dma_wait3A_950] : memref<6x128xi32, #tpu.memory_space<vmem>> -> memref<1x128xi32, #tpu.memory_space<vmem>>
      %dma_wait3A_952 = tpu.memref_squeeze %dma_wait3A_951 : memref<1x128xi32, #tpu.memory_space<vmem>> -> memref<128xi32, #tpu.memory_space<vmem>>
      %dma_wait3A_953 = arith.constant 0 : i32
      %dma_wait3A_954 = arith.constant 0 : i32
      %dma_wait3A_955 = tpu.memref_slice %arg2[%dma_wait3A_953, %dma_wait3A_954] : memref<10240x128xf32, #tpu.memory_space<hbm>> -> memref<10240x128xf32, #tpu.memory_space<hbm>>
      tpu.wait_indirect_dma semaphore(%arg9 : memref<!tpu.dma_semaphore, #tpu.memory_space<semaphore_mem>>) src(%dma_wait3A_955 : memref<10240x128xf32, #tpu.memory_space<hbm>>) dst(%dma_wait3A_949 : memref<128x128xf32, #tpu.memory_space<vmem>>)
      %dma_start3A_956 = arith.constant 0 : i32
      %dma_start3A_957 = arith.constant 4 : i32
      %dma_start3A_958 = arith.constant 0 : i32
      %dma_start3A_959 = arith.constant 0 : i32
      %dma_start3A_960 = tpu.memref_slice %arg8[%dma_start3A_956, %dma_start3A_958, %dma_start3A_959] : memref<2x128x128xf32, #tpu.memory_space<vmem>> -> memref<1x128x128xf32, #tpu.memory_space<vmem>>
      %dma_start3A_961 = tpu.memref_squeeze %dma_start3A_960 : memref<1x128x128xf32, #tpu.memory_space<vmem>> -> memref<128x128xf32, #tpu.memory_space<vmem>>
      %dma_start3A_962 = arith.constant 0 : i32
      %dma_start3A_963 = tpu.memref_slice %arg7[%dma_start3A_957, %dma_start3A_962] : memref<6x128xi32, #tpu.memory_space<vmem>> -> memref<1x128xi32, #tpu.memory_space<vmem>>
      %dma_start3A_964 = tpu.memref_squeeze %dma_start3A_963 : memref<1x128xi32, #tpu.memory_space<vmem>> -> memref<128xi32, #tpu.memory_space<vmem>>
      %dma_start3A_965 = arith.constant 0 : i32
      %dma_start3A_966 = arith.constant 0 : i32
      %dma_start3A_967 = tpu.memref_slice %arg19[%dma_start3A_965, %dma_start3A_966] : memref<10240x128xf32, #tpu.memory_space<vmem_shared>> -> memref<10240x128xf32, #tpu.memory_space<vmem_shared>>
      tpu.enqueue_indirect_dma source(%dma_start3A_961 : memref<128x128xf32, #tpu.memory_space<vmem>>) target(%dma_start3A_967 : memref<10240x128xf32, #tpu.memory_space<vmem_shared>>) offsets(%dma_start3A_964 : memref<128xi32, #tpu.memory_space<vmem>>) semaphore(%arg11 : memref<!tpu.dma_semaphore, #tpu.memory_space<semaphore_mem>>) {add = true}
      %dma_wait3A_968 = arith.constant 0 : i32
      %dma_wait3A_969 = arith.constant 0 : i32
      %dma_wait3A_970 = arith.constant 0 : i32
      %dma_wait3A_971 = arith.constant 0 : i32
      %dma_wait3A_972 = tpu.memref_slice %arg8[%dma_wait3A_968, %dma_wait3A_970, %dma_wait3A_971] : memref<2x128x128xf32, #tpu.memory_space<vmem>> -> memref<1x128x128xf32, #tpu.memory_space<vmem>>
      %dma_wait3A_973 = tpu.memref_squeeze %dma_wait3A_972 : memref<1x128x128xf32, #tpu.memory_space<vmem>> -> memref<128x128xf32, #tpu.memory_space<vmem>>
      %dma_wait3A_974 = arith.constant 0 : i32
      %dma_wait3A_975 = tpu.memref_slice %arg7[%dma_wait3A_969, %dma_wait3A_974] : memref<6x128xi32, #tpu.memory_space<vmem>> -> memref<1x128xi32, #tpu.memory_space<vmem>>
      %dma_wait3A_976 = tpu.memref_squeeze %dma_wait3A_975 : memref<1x128xi32, #tpu.memory_space<vmem>> -> memref<128xi32, #tpu.memory_space<vmem>>
      %dma_wait3A_977 = arith.constant 0 : i32
      %dma_wait3A_978 = arith.constant 0 : i32
      %dma_wait3A_979 = tpu.memref_slice %arg19[%dma_wait3A_977, %dma_wait3A_978] : memref<10240x128xf32, #tpu.memory_space<vmem_shared>> -> memref<10240x128xf32, #tpu.memory_space<vmem_shared>>
      tpu.wait_indirect_dma semaphore(%arg11 : memref<!tpu.dma_semaphore, #tpu.memory_space<semaphore_mem>>) src(%dma_wait3A_973 : memref<128x128xf32, #tpu.memory_space<vmem>>) dst(%dma_wait3A_979 : memref<10240x128xf32, #tpu.memory_space<vmem_shared>>)
      %add3A_980 = arith.constant 6 : i32
      %add3A_981 = arith.addi %add3A_943, %add3A_980 : i32
      %mul3A_982 = arith.constant 128 : i32
      %mul3A_983 = arith.muli %add3A_981, %mul3A_982 : i32
      %add3A_984 = arith.addi %mul3A_4, %mul3A_983 : i32
      %dma_start3A_985 = arith.constant 4 : i32
      %dma_start3A_986 = arith.constant 0 : i32
      %dma_start3A_987 = tpu.memref_slice %arg6[%dma_start3A_985, %dma_start3A_986] : memref<6x128xi32, #tpu.memory_space<vmem>> -> memref<1x128xi32, #tpu.memory_space<vmem>>
      %dma_start3A_988 = tpu.memref_squeeze %dma_start3A_987 : memref<1x128xi32, #tpu.memory_space<vmem>> -> memref<128xi32, #tpu.memory_space<vmem>>
      %dma_start3A_989 = tpu.memref_slice %arg3[%add3A_984] : memref<320000xi32, #tpu.memory_space<hbm>> -> memref<128xi32, #tpu.memory_space<hbm>>
      %dma_start3A_990 = arith.constant 0 : i32
      %dma_start3A_991 = tpu.memref_slice %arg6[%dma_start3A_985, %dma_start3A_990] : memref<6x128xi32, #tpu.memory_space<vmem>> -> memref<1x128xi32, #tpu.memory_space<vmem>>
      %dma_start3A_992 = tpu.memref_squeeze %dma_start3A_991 : memref<1x128xi32, #tpu.memory_space<vmem>> -> memref<128xi32, #tpu.memory_space<vmem>>
      %dma_start3A_993 = tpu.memref_slice %arg3[%add3A_984] : memref<320000xi32, #tpu.memory_space<hbm>> -> memref<128xi32, #tpu.memory_space<hbm>>
      tpu.enqueue_dma source(%dma_start3A_993 : memref<128xi32, #tpu.memory_space<hbm>>) target(%dma_start3A_992 : memref<128xi32, #tpu.memory_space<vmem>>) target_semaphore(%arg17 : memref<!tpu.dma_semaphore, #tpu.memory_space<semaphore_mem>>)
      %dma_start3A_994 = arith.constant 4 : i32
      %dma_start3A_995 = arith.constant 0 : i32
      %dma_start3A_996 = tpu.memref_slice %arg7[%dma_start3A_994, %dma_start3A_995] : memref<6x128xi32, #tpu.memory_space<vmem>> -> memref<1x128xi32, #tpu.memory_space<vmem>>
      %dma_start3A_997 = tpu.memref_squeeze %dma_start3A_996 : memref<1x128xi32, #tpu.memory_space<vmem>> -> memref<128xi32, #tpu.memory_space<vmem>>
      %dma_start3A_998 = tpu.memref_slice %arg4[%add3A_984] : memref<320000xi32, #tpu.memory_space<hbm>> -> memref<128xi32, #tpu.memory_space<hbm>>
      %dma_start3A_999 = arith.constant 0 : i32
      %dma_start3A_1000 = tpu.memref_slice %arg7[%dma_start3A_994, %dma_start3A_999] : memref<6x128xi32, #tpu.memory_space<vmem>> -> memref<1x128xi32, #tpu.memory_space<vmem>>
      %dma_start3A_1001 = tpu.memref_squeeze %dma_start3A_1000 : memref<1x128xi32, #tpu.memory_space<vmem>> -> memref<128xi32, #tpu.memory_space<vmem>>
      %dma_start3A_1002 = tpu.memref_slice %arg4[%add3A_984] : memref<320000xi32, #tpu.memory_space<hbm>> -> memref<128xi32, #tpu.memory_space<hbm>>
      tpu.enqueue_dma source(%dma_start3A_1002 : memref<128xi32, #tpu.memory_space<hbm>>) target(%dma_start3A_1001 : memref<128xi32, #tpu.memory_space<vmem>>) target_semaphore(%arg17 : memref<!tpu.dma_semaphore, #tpu.memory_space<semaphore_mem>>)
      %dma_wait3A_1003 = arith.constant 0 : i32
      %dma_wait3A_1004 = arith.constant 0 : i32
      %dma_wait3A_1005 = tpu.memref_slice %arg6[%dma_wait3A_1003, %dma_wait3A_1004] : memref<6x128xi32, #tpu.memory_space<vmem>> -> memref<1x128xi32, #tpu.memory_space<vmem>>
      %dma_wait3A_1006 = tpu.memref_squeeze %dma_wait3A_1005 : memref<1x128xi32, #tpu.memory_space<vmem>> -> memref<128xi32, #tpu.memory_space<vmem>>
      %dma_wait3A_1007 = arith.constant 0 : i32
      %dma_wait3A_1008 = tpu.memref_slice %arg3[%dma_wait3A_1007] : memref<320000xi32, #tpu.memory_space<hbm>> -> memref<128xi32, #tpu.memory_space<hbm>>
      %dma_wait3A_1009 = arith.constant 0 : i32
      %dma_wait3A_1010 = tpu.memref_slice %arg6[%dma_wait3A_1003, %dma_wait3A_1009] : memref<6x128xi32, #tpu.memory_space<vmem>> -> memref<1x128xi32, #tpu.memory_space<vmem>>
      %dma_wait3A_1011 = tpu.memref_squeeze %dma_wait3A_1010 : memref<1x128xi32, #tpu.memory_space<vmem>> -> memref<128xi32, #tpu.memory_space<vmem>>
      %dma_wait3A_1012 = arith.constant 0 : i32
      %dma_wait3A_1013 = tpu.memref_slice %arg3[%dma_wait3A_1012] : memref<320000xi32, #tpu.memory_space<hbm>> -> memref<128xi32, #tpu.memory_space<hbm>>
      tpu.wait_dma2 semaphore(%arg13 : memref<!tpu.dma_semaphore, #tpu.memory_space<semaphore_mem>>) src(%dma_wait3A_1013 : memref<128xi32, #tpu.memory_space<hbm>>) dst(%dma_wait3A_1011 : memref<128xi32, #tpu.memory_space<vmem>>)
      %dma_wait3A_1014 = arith.constant 0 : i32
      %dma_wait3A_1015 = arith.constant 0 : i32
      %dma_wait3A_1016 = tpu.memref_slice %arg7[%dma_wait3A_1014, %dma_wait3A_1015] : memref<6x128xi32, #tpu.memory_space<vmem>> -> memref<1x128xi32, #tpu.memory_space<vmem>>
      %dma_wait3A_1017 = tpu.memref_squeeze %dma_wait3A_1016 : memref<1x128xi32, #tpu.memory_space<vmem>> -> memref<128xi32, #tpu.memory_space<vmem>>
      %dma_wait3A_1018 = arith.constant 0 : i32
      %dma_wait3A_1019 = tpu.memref_slice %arg4[%dma_wait3A_1018] : memref<320000xi32, #tpu.memory_space<hbm>> -> memref<128xi32, #tpu.memory_space<hbm>>
      %dma_wait3A_1020 = arith.constant 0 : i32
      %dma_wait3A_1021 = tpu.memref_slice %arg7[%dma_wait3A_1014, %dma_wait3A_1020] : memref<6x128xi32, #tpu.memory_space<vmem>> -> memref<1x128xi32, #tpu.memory_space<vmem>>
      %dma_wait3A_1022 = tpu.memref_squeeze %dma_wait3A_1021 : memref<1x128xi32, #tpu.memory_space<vmem>> -> memref<128xi32, #tpu.memory_space<vmem>>
      %dma_wait3A_1023 = arith.constant 0 : i32
      %dma_wait3A_1024 = tpu.memref_slice %arg4[%dma_wait3A_1023] : memref<320000xi32, #tpu.memory_space<hbm>> -> memref<128xi32, #tpu.memory_space<hbm>>
      tpu.wait_dma2 semaphore(%arg13 : memref<!tpu.dma_semaphore, #tpu.memory_space<semaphore_mem>>) src(%dma_wait3A_1024 : memref<128xi32, #tpu.memory_space<hbm>>) dst(%dma_wait3A_1022 : memref<128xi32, #tpu.memory_space<vmem>>)
      %dma_start3A_1025 = arith.constant 0 : i32
      %dma_start3A_1026 = arith.constant 0 : i32
      %dma_start3A_1027 = arith.constant 0 : i32
      %dma_start3A_1028 = arith.constant 0 : i32
      %dma_start3A_1029 = tpu.memref_slice %arg8[%dma_start3A_1026, %dma_start3A_1027, %dma_start3A_1028] : memref<2x128x128xf32, #tpu.memory_space<vmem>> -> memref<1x128x128xf32, #tpu.memory_space<vmem>>
      %dma_start3A_1030 = tpu.memref_squeeze %dma_start3A_1029 : memref<1x128x128xf32, #tpu.memory_space<vmem>> -> memref<128x128xf32, #tpu.memory_space<vmem>>
      %dma_start3A_1031 = arith.constant 0 : i32
      %dma_start3A_1032 = tpu.memref_slice %arg6[%dma_start3A_1025, %dma_start3A_1031] : memref<6x128xi32, #tpu.memory_space<vmem>> -> memref<1x128xi32, #tpu.memory_space<vmem>>
      %dma_start3A_1033 = tpu.memref_squeeze %dma_start3A_1032 : memref<1x128xi32, #tpu.memory_space<vmem>> -> memref<128xi32, #tpu.memory_space<vmem>>
      %dma_start3A_1034 = arith.constant 0 : i32
      %dma_start3A_1035 = arith.constant 0 : i32
      %dma_start3A_1036 = tpu.memref_slice %arg2[%dma_start3A_1034, %dma_start3A_1035] : memref<10240x128xf32, #tpu.memory_space<hbm>> -> memref<10240x128xf32, #tpu.memory_space<hbm>>
      tpu.enqueue_indirect_dma source(%dma_start3A_1036 : memref<10240x128xf32, #tpu.memory_space<hbm>>) target(%dma_start3A_1030 : memref<128x128xf32, #tpu.memory_space<vmem>>) offsets(%dma_start3A_1033 : memref<128xi32, #tpu.memory_space<vmem>>) semaphore(%arg9 : memref<!tpu.dma_semaphore, #tpu.memory_space<semaphore_mem>>)
      %add3A_1037 = arith.constant 5 : i32
      %add3A_1038 = arith.addi %mul3A_561, %add3A_1037 : i32
      %dma_wait3A_1039 = arith.constant 0 : i32
      %dma_wait3A_1040 = arith.constant 1 : i32
      %dma_wait3A_1041 = arith.constant 0 : i32
      %dma_wait3A_1042 = arith.constant 0 : i32
      %dma_wait3A_1043 = tpu.memref_slice %arg8[%dma_wait3A_1040, %dma_wait3A_1041, %dma_wait3A_1042] : memref<2x128x128xf32, #tpu.memory_space<vmem>> -> memref<1x128x128xf32, #tpu.memory_space<vmem>>
      %dma_wait3A_1044 = tpu.memref_squeeze %dma_wait3A_1043 : memref<1x128x128xf32, #tpu.memory_space<vmem>> -> memref<128x128xf32, #tpu.memory_space<vmem>>
      %dma_wait3A_1045 = arith.constant 0 : i32
      %dma_wait3A_1046 = tpu.memref_slice %arg6[%dma_wait3A_1039, %dma_wait3A_1045] : memref<6x128xi32, #tpu.memory_space<vmem>> -> memref<1x128xi32, #tpu.memory_space<vmem>>
      %dma_wait3A_1047 = tpu.memref_squeeze %dma_wait3A_1046 : memref<1x128xi32, #tpu.memory_space<vmem>> -> memref<128xi32, #tpu.memory_space<vmem>>
      %dma_wait3A_1048 = arith.constant 0 : i32
      %dma_wait3A_1049 = arith.constant 0 : i32
      %dma_wait3A_1050 = tpu.memref_slice %arg2[%dma_wait3A_1048, %dma_wait3A_1049] : memref<10240x128xf32, #tpu.memory_space<hbm>> -> memref<10240x128xf32, #tpu.memory_space<hbm>>
      tpu.wait_indirect_dma semaphore(%arg10 : memref<!tpu.dma_semaphore, #tpu.memory_space<semaphore_mem>>) src(%dma_wait3A_1050 : memref<10240x128xf32, #tpu.memory_space<hbm>>) dst(%dma_wait3A_1044 : memref<128x128xf32, #tpu.memory_space<vmem>>)
      %dma_start3A_1051 = arith.constant 1 : i32
      %dma_start3A_1052 = arith.constant 5 : i32
      %dma_start3A_1053 = arith.constant 0 : i32
      %dma_start3A_1054 = arith.constant 0 : i32
      %dma_start3A_1055 = tpu.memref_slice %arg8[%dma_start3A_1051, %dma_start3A_1053, %dma_start3A_1054] : memref<2x128x128xf32, #tpu.memory_space<vmem>> -> memref<1x128x128xf32, #tpu.memory_space<vmem>>
      %dma_start3A_1056 = tpu.memref_squeeze %dma_start3A_1055 : memref<1x128x128xf32, #tpu.memory_space<vmem>> -> memref<128x128xf32, #tpu.memory_space<vmem>>
      %dma_start3A_1057 = arith.constant 0 : i32
      %dma_start3A_1058 = tpu.memref_slice %arg7[%dma_start3A_1052, %dma_start3A_1057] : memref<6x128xi32, #tpu.memory_space<vmem>> -> memref<1x128xi32, #tpu.memory_space<vmem>>
      %dma_start3A_1059 = tpu.memref_squeeze %dma_start3A_1058 : memref<1x128xi32, #tpu.memory_space<vmem>> -> memref<128xi32, #tpu.memory_space<vmem>>
      %dma_start3A_1060 = arith.constant 0 : i32
      %dma_start3A_1061 = arith.constant 0 : i32
      %dma_start3A_1062 = tpu.memref_slice %arg19[%dma_start3A_1060, %dma_start3A_1061] : memref<10240x128xf32, #tpu.memory_space<vmem_shared>> -> memref<10240x128xf32, #tpu.memory_space<vmem_shared>>
      tpu.enqueue_indirect_dma source(%dma_start3A_1056 : memref<128x128xf32, #tpu.memory_space<vmem>>) target(%dma_start3A_1062 : memref<10240x128xf32, #tpu.memory_space<vmem_shared>>) offsets(%dma_start3A_1059 : memref<128xi32, #tpu.memory_space<vmem>>) semaphore(%arg12 : memref<!tpu.dma_semaphore, #tpu.memory_space<semaphore_mem>>) {add = true}
      %dma_wait3A_1063 = arith.constant 1 : i32
      %dma_wait3A_1064 = arith.constant 0 : i32
      %dma_wait3A_1065 = arith.constant 0 : i32
      %dma_wait3A_1066 = arith.constant 0 : i32
      %dma_wait3A_1067 = tpu.memref_slice %arg8[%dma_wait3A_1063, %dma_wait3A_1065, %dma_wait3A_1066] : memref<2x128x128xf32, #tpu.memory_space<vmem>> -> memref<1x128x128xf32, #tpu.memory_space<vmem>>
      %dma_wait3A_1068 = tpu.memref_squeeze %dma_wait3A_1067 : memref<1x128x128xf32, #tpu.memory_space<vmem>> -> memref<128x128xf32, #tpu.memory_space<vmem>>
      %dma_wait3A_1069 = arith.constant 0 : i32
      %dma_wait3A_1070 = tpu.memref_slice %arg7[%dma_wait3A_1064, %dma_wait3A_1069] : memref<6x128xi32, #tpu.memory_space<vmem>> -> memref<1x128xi32, #tpu.memory_space<vmem>>
      %dma_wait3A_1071 = tpu.memref_squeeze %dma_wait3A_1070 : memref<1x128xi32, #tpu.memory_space<vmem>> -> memref<128xi32, #tpu.memory_space<vmem>>
      %dma_wait3A_1072 = arith.constant 0 : i32
      %dma_wait3A_1073 = arith.constant 0 : i32
      %dma_wait3A_1074 = tpu.memref_slice %arg19[%dma_wait3A_1072, %dma_wait3A_1073] : memref<10240x128xf32, #tpu.memory_space<vmem_shared>> -> memref<10240x128xf32, #tpu.memory_space<vmem_shared>>
      tpu.wait_indirect_dma semaphore(%arg12 : memref<!tpu.dma_semaphore, #tpu.memory_space<semaphore_mem>>) src(%dma_wait3A_1068 : memref<128x128xf32, #tpu.memory_space<vmem>>) dst(%dma_wait3A_1074 : memref<10240x128xf32, #tpu.memory_space<vmem_shared>>)
      %add3A_1075 = arith.constant 6 : i32
      %add3A_1076 = arith.addi %add3A_1038, %add3A_1075 : i32
      %mul3A_1077 = arith.constant 128 : i32
      %mul3A_1078 = arith.muli %add3A_1076, %mul3A_1077 : i32
      %add3A_1079 = arith.addi %mul3A_4, %mul3A_1078 : i32
      %dma_start3A_1080 = arith.constant 5 : i32
      %dma_start3A_1081 = arith.constant 0 : i32
      %dma_start3A_1082 = tpu.memref_slice %arg6[%dma_start3A_1080, %dma_start3A_1081] : memref<6x128xi32, #tpu.memory_space<vmem>> -> memref<1x128xi32, #tpu.memory_space<vmem>>
      %dma_start3A_1083 = tpu.memref_squeeze %dma_start3A_1082 : memref<1x128xi32, #tpu.memory_space<vmem>> -> memref<128xi32, #tpu.memory_space<vmem>>
      %dma_start3A_1084 = tpu.memref_slice %arg3[%add3A_1079] : memref<320000xi32, #tpu.memory_space<hbm>> -> memref<128xi32, #tpu.memory_space<hbm>>
      %dma_start3A_1085 = arith.constant 0 : i32
      %dma_start3A_1086 = tpu.memref_slice %arg6[%dma_start3A_1080, %dma_start3A_1085] : memref<6x128xi32, #tpu.memory_space<vmem>> -> memref<1x128xi32, #tpu.memory_space<vmem>>
      %dma_start3A_1087 = tpu.memref_squeeze %dma_start3A_1086 : memref<1x128xi32, #tpu.memory_space<vmem>> -> memref<128xi32, #tpu.memory_space<vmem>>
      %dma_start3A_1088 = tpu.memref_slice %arg3[%add3A_1079] : memref<320000xi32, #tpu.memory_space<hbm>> -> memref<128xi32, #tpu.memory_space<hbm>>
      tpu.enqueue_dma source(%dma_start3A_1088 : memref<128xi32, #tpu.memory_space<hbm>>) target(%dma_start3A_1087 : memref<128xi32, #tpu.memory_space<vmem>>) target_semaphore(%arg18 : memref<!tpu.dma_semaphore, #tpu.memory_space<semaphore_mem>>)
      %dma_start3A_1089 = arith.constant 5 : i32
      %dma_start3A_1090 = arith.constant 0 : i32
      %dma_start3A_1091 = tpu.memref_slice %arg7[%dma_start3A_1089, %dma_start3A_1090] : memref<6x128xi32, #tpu.memory_space<vmem>> -> memref<1x128xi32, #tpu.memory_space<vmem>>
      %dma_start3A_1092 = tpu.memref_squeeze %dma_start3A_1091 : memref<1x128xi32, #tpu.memory_space<vmem>> -> memref<128xi32, #tpu.memory_space<vmem>>
      %dma_start3A_1093 = tpu.memref_slice %arg4[%add3A_1079] : memref<320000xi32, #tpu.memory_space<hbm>> -> memref<128xi32, #tpu.memory_space<hbm>>
      %dma_start3A_1094 = arith.constant 0 : i32
      %dma_start3A_1095 = tpu.memref_slice %arg7[%dma_start3A_1089, %dma_start3A_1094] : memref<6x128xi32, #tpu.memory_space<vmem>> -> memref<1x128xi32, #tpu.memory_space<vmem>>
      %dma_start3A_1096 = tpu.memref_squeeze %dma_start3A_1095 : memref<1x128xi32, #tpu.memory_space<vmem>> -> memref<128xi32, #tpu.memory_space<vmem>>
      %dma_start3A_1097 = tpu.memref_slice %arg4[%add3A_1079] : memref<320000xi32, #tpu.memory_space<hbm>> -> memref<128xi32, #tpu.memory_space<hbm>>
      tpu.enqueue_dma source(%dma_start3A_1097 : memref<128xi32, #tpu.memory_space<hbm>>) target(%dma_start3A_1096 : memref<128xi32, #tpu.memory_space<vmem>>) target_semaphore(%arg18 : memref<!tpu.dma_semaphore, #tpu.memory_space<semaphore_mem>>)
      %dma_wait3A_1098 = arith.constant 1 : i32
      %dma_wait3A_1099 = arith.constant 0 : i32
      %dma_wait3A_1100 = tpu.memref_slice %arg6[%dma_wait3A_1098, %dma_wait3A_1099] : memref<6x128xi32, #tpu.memory_space<vmem>> -> memref<1x128xi32, #tpu.memory_space<vmem>>
      %dma_wait3A_1101 = tpu.memref_squeeze %dma_wait3A_1100 : memref<1x128xi32, #tpu.memory_space<vmem>> -> memref<128xi32, #tpu.memory_space<vmem>>
      %dma_wait3A_1102 = arith.constant 0 : i32
      %dma_wait3A_1103 = tpu.memref_slice %arg3[%dma_wait3A_1102] : memref<320000xi32, #tpu.memory_space<hbm>> -> memref<128xi32, #tpu.memory_space<hbm>>
      %dma_wait3A_1104 = arith.constant 0 : i32
      %dma_wait3A_1105 = tpu.memref_slice %arg6[%dma_wait3A_1098, %dma_wait3A_1104] : memref<6x128xi32, #tpu.memory_space<vmem>> -> memref<1x128xi32, #tpu.memory_space<vmem>>
      %dma_wait3A_1106 = tpu.memref_squeeze %dma_wait3A_1105 : memref<1x128xi32, #tpu.memory_space<vmem>> -> memref<128xi32, #tpu.memory_space<vmem>>
      %dma_wait3A_1107 = arith.constant 0 : i32
      %dma_wait3A_1108 = tpu.memref_slice %arg3[%dma_wait3A_1107] : memref<320000xi32, #tpu.memory_space<hbm>> -> memref<128xi32, #tpu.memory_space<hbm>>
      tpu.wait_dma2 semaphore(%arg14 : memref<!tpu.dma_semaphore, #tpu.memory_space<semaphore_mem>>) src(%dma_wait3A_1108 : memref<128xi32, #tpu.memory_space<hbm>>) dst(%dma_wait3A_1106 : memref<128xi32, #tpu.memory_space<vmem>>)
      %dma_wait3A_1109 = arith.constant 1 : i32
      %dma_wait3A_1110 = arith.constant 0 : i32
      %dma_wait3A_1111 = tpu.memref_slice %arg7[%dma_wait3A_1109, %dma_wait3A_1110] : memref<6x128xi32, #tpu.memory_space<vmem>> -> memref<1x128xi32, #tpu.memory_space<vmem>>
      %dma_wait3A_1112 = tpu.memref_squeeze %dma_wait3A_1111 : memref<1x128xi32, #tpu.memory_space<vmem>> -> memref<128xi32, #tpu.memory_space<vmem>>
      %dma_wait3A_1113 = arith.constant 0 : i32
      %dma_wait3A_1114 = tpu.memref_slice %arg4[%dma_wait3A_1113] : memref<320000xi32, #tpu.memory_space<hbm>> -> memref<128xi32, #tpu.memory_space<hbm>>
      %dma_wait3A_1115 = arith.constant 0 : i32
      %dma_wait3A_1116 = tpu.memref_slice %arg7[%dma_wait3A_1109, %dma_wait3A_1115] : memref<6x128xi32, #tpu.memory_space<vmem>> -> memref<1x128xi32, #tpu.memory_space<vmem>>
      %dma_wait3A_1117 = tpu.memref_squeeze %dma_wait3A_1116 : memref<1x128xi32, #tpu.memory_space<vmem>> -> memref<128xi32, #tpu.memory_space<vmem>>
      %dma_wait3A_1118 = arith.constant 0 : i32
      %dma_wait3A_1119 = tpu.memref_slice %arg4[%dma_wait3A_1118] : memref<320000xi32, #tpu.memory_space<hbm>> -> memref<128xi32, #tpu.memory_space<hbm>>
      tpu.wait_dma2 semaphore(%arg14 : memref<!tpu.dma_semaphore, #tpu.memory_space<semaphore_mem>>) src(%dma_wait3A_1119 : memref<128xi32, #tpu.memory_space<hbm>>) dst(%dma_wait3A_1117 : memref<128xi32, #tpu.memory_space<vmem>>)
      %dma_start3A_1120 = arith.constant 1 : i32
      %dma_start3A_1121 = arith.constant 1 : i32
      %dma_start3A_1122 = arith.constant 0 : i32
      %dma_start3A_1123 = arith.constant 0 : i32
      %dma_start3A_1124 = tpu.memref_slice %arg8[%dma_start3A_1121, %dma_start3A_1122, %dma_start3A_1123] : memref<2x128x128xf32, #tpu.memory_space<vmem>> -> memref<1x128x128xf32, #tpu.memory_space<vmem>>
      %dma_start3A_1125 = tpu.memref_squeeze %dma_start3A_1124 : memref<1x128x128xf32, #tpu.memory_space<vmem>> -> memref<128x128xf32, #tpu.memory_space<vmem>>
      %dma_start3A_1126 = arith.constant 0 : i32
      %dma_start3A_1127 = tpu.memref_slice %arg6[%dma_start3A_1120, %dma_start3A_1126] : memref<6x128xi32, #tpu.memory_space<vmem>> -> memref<1x128xi32, #tpu.memory_space<vmem>>
      %dma_start3A_1128 = tpu.memref_squeeze %dma_start3A_1127 : memref<1x128xi32, #tpu.memory_space<vmem>> -> memref<128xi32, #tpu.memory_space<vmem>>
      %dma_start3A_1129 = arith.constant 0 : i32
      %dma_start3A_1130 = arith.constant 0 : i32
      %dma_start3A_1131 = tpu.memref_slice %arg2[%dma_start3A_1129, %dma_start3A_1130] : memref<10240x128xf32, #tpu.memory_space<hbm>> -> memref<10240x128xf32, #tpu.memory_space<hbm>>
      tpu.enqueue_indirect_dma source(%dma_start3A_1131 : memref<10240x128xf32, #tpu.memory_space<hbm>>) target(%dma_start3A_1125 : memref<128x128xf32, #tpu.memory_space<vmem>>) offsets(%dma_start3A_1128 : memref<128xi32, #tpu.memory_space<vmem>>) semaphore(%arg10 : memref<!tpu.dma_semaphore, #tpu.memory_space<semaphore_mem>>)
    }
    %scan3A_199 = arith.constant 12 : i32
    %dma_wait3A_200 = arith.constant 0 : i32
    %dma_wait3A_201 = arith.constant 0 : i32
    %dma_wait3A_202 = arith.constant 0 : i32
    %dma_wait3A_203 = arith.constant 0 : i32
    %dma_wait3A_204 = tpu.memref_slice %arg8[%dma_wait3A_201, %dma_wait3A_202, %dma_wait3A_203] : memref<2x128x128xf32, #tpu.memory_space<vmem>> -> memref<1x128x128xf32, #tpu.memory_space<vmem>>
    %dma_wait3A_205 = tpu.memref_squeeze %dma_wait3A_204 : memref<1x128x128xf32, #tpu.memory_space<vmem>> -> memref<128x128xf32, #tpu.memory_space<vmem>>
    %dma_wait3A_206 = arith.constant 0 : i32
    %dma_wait3A_207 = tpu.memref_slice %arg6[%dma_wait3A_200, %dma_wait3A_206] : memref<6x128xi32, #tpu.memory_space<vmem>> -> memref<1x128xi32, #tpu.memory_space<vmem>>
    %dma_wait3A_208 = tpu.memref_squeeze %dma_wait3A_207 : memref<1x128xi32, #tpu.memory_space<vmem>> -> memref<128xi32, #tpu.memory_space<vmem>>
    %dma_wait3A_209 = arith.constant 0 : i32
    %dma_wait3A_210 = arith.constant 0 : i32
    %dma_wait3A_211 = tpu.memref_slice %arg2[%dma_wait3A_209, %dma_wait3A_210] : memref<10240x128xf32, #tpu.memory_space<hbm>> -> memref<10240x128xf32, #tpu.memory_space<hbm>>
    tpu.wait_indirect_dma semaphore(%arg9 : memref<!tpu.dma_semaphore, #tpu.memory_space<semaphore_mem>>) src(%dma_wait3A_211 : memref<10240x128xf32, #tpu.memory_space<hbm>>) dst(%dma_wait3A_205 : memref<128x128xf32, #tpu.memory_space<vmem>>)
    %dma_start3A_212 = arith.constant 0 : i32
    %dma_start3A_213 = arith.constant 0 : i32
    %dma_start3A_214 = arith.constant 0 : i32
    %dma_start3A_215 = arith.constant 0 : i32
    %dma_start3A_216 = tpu.memref_slice %arg8[%dma_start3A_212, %dma_start3A_214, %dma_start3A_215] : memref<2x128x128xf32, #tpu.memory_space<vmem>> -> memref<1x128x128xf32, #tpu.memory_space<vmem>>
    %dma_start3A_217 = tpu.memref_squeeze %dma_start3A_216 : memref<1x128x128xf32, #tpu.memory_space<vmem>> -> memref<128x128xf32, #tpu.memory_space<vmem>>
    %dma_start3A_218 = arith.constant 0 : i32
    %dma_start3A_219 = tpu.memref_slice %arg7[%dma_start3A_213, %dma_start3A_218] : memref<6x128xi32, #tpu.memory_space<vmem>> -> memref<1x128xi32, #tpu.memory_space<vmem>>
    %dma_start3A_220 = tpu.memref_squeeze %dma_start3A_219 : memref<1x128xi32, #tpu.memory_space<vmem>> -> memref<128xi32, #tpu.memory_space<vmem>>
    %dma_start3A_221 = arith.constant 0 : i32
    %dma_start3A_222 = arith.constant 0 : i32
    %dma_start3A_223 = tpu.memref_slice %arg19[%dma_start3A_221, %dma_start3A_222] : memref<10240x128xf32, #tpu.memory_space<vmem_shared>> -> memref<10240x128xf32, #tpu.memory_space<vmem_shared>>
    tpu.enqueue_indirect_dma source(%dma_start3A_217 : memref<128x128xf32, #tpu.memory_space<vmem>>) target(%dma_start3A_223 : memref<10240x128xf32, #tpu.memory_space<vmem_shared>>) offsets(%dma_start3A_220 : memref<128xi32, #tpu.memory_space<vmem>>) semaphore(%arg11 : memref<!tpu.dma_semaphore, #tpu.memory_space<semaphore_mem>>) {add = true}
    %dma_wait3A_224 = arith.constant 0 : i32
    %dma_wait3A_225 = arith.constant 0 : i32
    %dma_wait3A_226 = arith.constant 0 : i32
    %dma_wait3A_227 = arith.constant 0 : i32
    %dma_wait3A_228 = tpu.memref_slice %arg8[%dma_wait3A_224, %dma_wait3A_226, %dma_wait3A_227] : memref<2x128x128xf32, #tpu.memory_space<vmem>> -> memref<1x128x128xf32, #tpu.memory_space<vmem>>
    %dma_wait3A_229 = tpu.memref_squeeze %dma_wait3A_228 : memref<1x128x128xf32, #tpu.memory_space<vmem>> -> memref<128x128xf32, #tpu.memory_space<vmem>>
    %dma_wait3A_230 = arith.constant 0 : i32
    %dma_wait3A_231 = tpu.memref_slice %arg7[%dma_wait3A_225, %dma_wait3A_230] : memref<6x128xi32, #tpu.memory_space<vmem>> -> memref<1x128xi32, #tpu.memory_space<vmem>>
    %dma_wait3A_232 = tpu.memref_squeeze %dma_wait3A_231 : memref<1x128xi32, #tpu.memory_space<vmem>> -> memref<128xi32, #tpu.memory_space<vmem>>
    %dma_wait3A_233 = arith.constant 0 : i32
    %dma_wait3A_234 = arith.constant 0 : i32
    %dma_wait3A_235 = tpu.memref_slice %arg19[%dma_wait3A_233, %dma_wait3A_234] : memref<10240x128xf32, #tpu.memory_space<vmem_shared>> -> memref<10240x128xf32, #tpu.memory_space<vmem_shared>>
    tpu.wait_indirect_dma semaphore(%arg11 : memref<!tpu.dma_semaphore, #tpu.memory_space<semaphore_mem>>) src(%dma_wait3A_229 : memref<128x128xf32, #tpu.memory_space<vmem>>) dst(%dma_wait3A_235 : memref<10240x128xf32, #tpu.memory_space<vmem_shared>>)
    %dma_wait3A_236 = arith.constant 2 : i32
    %dma_wait3A_237 = arith.constant 0 : i32
    %dma_wait3A_238 = tpu.memref_slice %arg6[%dma_wait3A_236, %dma_wait3A_237] : memref<6x128xi32, #tpu.memory_space<vmem>> -> memref<1x128xi32, #tpu.memory_space<vmem>>
    %dma_wait3A_239 = tpu.memref_squeeze %dma_wait3A_238 : memref<1x128xi32, #tpu.memory_space<vmem>> -> memref<128xi32, #tpu.memory_space<vmem>>
    %dma_wait3A_240 = arith.constant 0 : i32
    %dma_wait3A_241 = tpu.memref_slice %arg3[%dma_wait3A_240] : memref<320000xi32, #tpu.memory_space<hbm>> -> memref<128xi32, #tpu.memory_space<hbm>>
    %dma_wait3A_242 = arith.constant 0 : i32
    %dma_wait3A_243 = tpu.memref_slice %arg6[%dma_wait3A_236, %dma_wait3A_242] : memref<6x128xi32, #tpu.memory_space<vmem>> -> memref<1x128xi32, #tpu.memory_space<vmem>>
    %dma_wait3A_244 = tpu.memref_squeeze %dma_wait3A_243 : memref<1x128xi32, #tpu.memory_space<vmem>> -> memref<128xi32, #tpu.memory_space<vmem>>
    %dma_wait3A_245 = arith.constant 0 : i32
    %dma_wait3A_246 = tpu.memref_slice %arg3[%dma_wait3A_245] : memref<320000xi32, #tpu.memory_space<hbm>> -> memref<128xi32, #tpu.memory_space<hbm>>
    tpu.wait_dma2 semaphore(%arg15 : memref<!tpu.dma_semaphore, #tpu.memory_space<semaphore_mem>>) src(%dma_wait3A_246 : memref<128xi32, #tpu.memory_space<hbm>>) dst(%dma_wait3A_244 : memref<128xi32, #tpu.memory_space<vmem>>)
    %dma_wait3A_247 = arith.constant 2 : i32
    %dma_wait3A_248 = arith.constant 0 : i32
    %dma_wait3A_249 = tpu.memref_slice %arg7[%dma_wait3A_247, %dma_wait3A_248] : memref<6x128xi32, #tpu.memory_space<vmem>> -> memref<1x128xi32, #tpu.memory_space<vmem>>
    %dma_wait3A_250 = tpu.memref_squeeze %dma_wait3A_249 : memref<1x128xi32, #tpu.memory_space<vmem>> -> memref<128xi32, #tpu.memory_space<vmem>>
    %dma_wait3A_251 = arith.constant 0 : i32
    %dma_wait3A_252 = tpu.memref_slice %arg4[%dma_wait3A_251] : memref<320000xi32, #tpu.memory_space<hbm>> -> memref<128xi32, #tpu.memory_space<hbm>>
    %dma_wait3A_253 = arith.constant 0 : i32
    %dma_wait3A_254 = tpu.memref_slice %arg7[%dma_wait3A_247, %dma_wait3A_253] : memref<6x128xi32, #tpu.memory_space<vmem>> -> memref<1x128xi32, #tpu.memory_space<vmem>>
    %dma_wait3A_255 = tpu.memref_squeeze %dma_wait3A_254 : memref<1x128xi32, #tpu.memory_space<vmem>> -> memref<128xi32, #tpu.memory_space<vmem>>
    %dma_wait3A_256 = arith.constant 0 : i32
    %dma_wait3A_257 = tpu.memref_slice %arg4[%dma_wait3A_256] : memref<320000xi32, #tpu.memory_space<hbm>> -> memref<128xi32, #tpu.memory_space<hbm>>
    tpu.wait_dma2 semaphore(%arg15 : memref<!tpu.dma_semaphore, #tpu.memory_space<semaphore_mem>>) src(%dma_wait3A_257 : memref<128xi32, #tpu.memory_space<hbm>>) dst(%dma_wait3A_255 : memref<128xi32, #tpu.memory_space<vmem>>)
    %dma_start3A_258 = arith.constant 2 : i32
    %dma_start3A_259 = arith.constant 0 : i32
    %dma_start3A_260 = arith.constant 0 : i32
    %dma_start3A_261 = arith.constant 0 : i32
    %dma_start3A_262 = tpu.memref_slice %arg8[%dma_start3A_259, %dma_start3A_260, %dma_start3A_261] : memref<2x128x128xf32, #tpu.memory_space<vmem>> -> memref<1x128x128xf32, #tpu.memory_space<vmem>>
    %dma_start3A_263 = tpu.memref_squeeze %dma_start3A_262 : memref<1x128x128xf32, #tpu.memory_space<vmem>> -> memref<128x128xf32, #tpu.memory_space<vmem>>
    %dma_start3A_264 = arith.constant 0 : i32
    %dma_start3A_265 = tpu.memref_slice %arg6[%dma_start3A_258, %dma_start3A_264] : memref<6x128xi32, #tpu.memory_space<vmem>> -> memref<1x128xi32, #tpu.memory_space<vmem>>
    %dma_start3A_266 = tpu.memref_squeeze %dma_start3A_265 : memref<1x128xi32, #tpu.memory_space<vmem>> -> memref<128xi32, #tpu.memory_space<vmem>>
    %dma_start3A_267 = arith.constant 0 : i32
    %dma_start3A_268 = arith.constant 0 : i32
    %dma_start3A_269 = tpu.memref_slice %arg2[%dma_start3A_267, %dma_start3A_268] : memref<10240x128xf32, #tpu.memory_space<hbm>> -> memref<10240x128xf32, #tpu.memory_space<hbm>>
    tpu.enqueue_indirect_dma source(%dma_start3A_269 : memref<10240x128xf32, #tpu.memory_space<hbm>>) target(%dma_start3A_263 : memref<128x128xf32, #tpu.memory_space<vmem>>) offsets(%dma_start3A_266 : memref<128xi32, #tpu.memory_space<vmem>>) semaphore(%arg9 : memref<!tpu.dma_semaphore, #tpu.memory_space<semaphore_mem>>)
    %dma_wait3A_270 = arith.constant 0 : i32
    %dma_wait3A_271 = arith.constant 1 : i32
    %dma_wait3A_272 = arith.constant 0 : i32
    %dma_wait3A_273 = arith.constant 0 : i32
    %dma_wait3A_274 = tpu.memref_slice %arg8[%dma_wait3A_271, %dma_wait3A_272, %dma_wait3A_273] : memref<2x128x128xf32, #tpu.memory_space<vmem>> -> memref<1x128x128xf32, #tpu.memory_space<vmem>>
    %dma_wait3A_275 = tpu.memref_squeeze %dma_wait3A_274 : memref<1x128x128xf32, #tpu.memory_space<vmem>> -> memref<128x128xf32, #tpu.memory_space<vmem>>
    %dma_wait3A_276 = arith.constant 0 : i32
    %dma_wait3A_277 = tpu.memref_slice %arg6[%dma_wait3A_270, %dma_wait3A_276] : memref<6x128xi32, #tpu.memory_space<vmem>> -> memref<1x128xi32, #tpu.memory_space<vmem>>
    %dma_wait3A_278 = tpu.memref_squeeze %dma_wait3A_277 : memref<1x128xi32, #tpu.memory_space<vmem>> -> memref<128xi32, #tpu.memory_space<vmem>>
    %dma_wait3A_279 = arith.constant 0 : i32
    %dma_wait3A_280 = arith.constant 0 : i32
    %dma_wait3A_281 = tpu.memref_slice %arg2[%dma_wait3A_279, %dma_wait3A_280] : memref<10240x128xf32, #tpu.memory_space<hbm>> -> memref<10240x128xf32, #tpu.memory_space<hbm>>
    tpu.wait_indirect_dma semaphore(%arg10 : memref<!tpu.dma_semaphore, #tpu.memory_space<semaphore_mem>>) src(%dma_wait3A_281 : memref<10240x128xf32, #tpu.memory_space<hbm>>) dst(%dma_wait3A_275 : memref<128x128xf32, #tpu.memory_space<vmem>>)
    %dma_start3A_282 = arith.constant 1 : i32
    %dma_start3A_283 = arith.constant 1 : i32
    %dma_start3A_284 = arith.constant 0 : i32
    %dma_start3A_285 = arith.constant 0 : i32
    %dma_start3A_286 = tpu.memref_slice %arg8[%dma_start3A_282, %dma_start3A_284, %dma_start3A_285] : memref<2x128x128xf32, #tpu.memory_space<vmem>> -> memref<1x128x128xf32, #tpu.memory_space<vmem>>
    %dma_start3A_287 = tpu.memref_squeeze %dma_start3A_286 : memref<1x128x128xf32, #tpu.memory_space<vmem>> -> memref<128x128xf32, #tpu.memory_space<vmem>>
    %dma_start3A_288 = arith.constant 0 : i32
    %dma_start3A_289 = tpu.memref_slice %arg7[%dma_start3A_283, %dma_start3A_288] : memref<6x128xi32, #tpu.memory_space<vmem>> -> memref<1x128xi32, #tpu.memory_space<vmem>>
    %dma_start3A_290 = tpu.memref_squeeze %dma_start3A_289 : memref<1x128xi32, #tpu.memory_space<vmem>> -> memref<128xi32, #tpu.memory_space<vmem>>
    %dma_start3A_291 = arith.constant 0 : i32
    %dma_start3A_292 = arith.constant 0 : i32
    %dma_start3A_293 = tpu.memref_slice %arg19[%dma_start3A_291, %dma_start3A_292] : memref<10240x128xf32, #tpu.memory_space<vmem_shared>> -> memref<10240x128xf32, #tpu.memory_space<vmem_shared>>
    tpu.enqueue_indirect_dma source(%dma_start3A_287 : memref<128x128xf32, #tpu.memory_space<vmem>>) target(%dma_start3A_293 : memref<10240x128xf32, #tpu.memory_space<vmem_shared>>) offsets(%dma_start3A_290 : memref<128xi32, #tpu.memory_space<vmem>>) semaphore(%arg12 : memref<!tpu.dma_semaphore, #tpu.memory_space<semaphore_mem>>) {add = true}
    %dma_wait3A_294 = arith.constant 1 : i32
    %dma_wait3A_295 = arith.constant 0 : i32
    %dma_wait3A_296 = arith.constant 0 : i32
    %dma_wait3A_297 = arith.constant 0 : i32
    %dma_wait3A_298 = tpu.memref_slice %arg8[%dma_wait3A_294, %dma_wait3A_296, %dma_wait3A_297] : memref<2x128x128xf32, #tpu.memory_space<vmem>> -> memref<1x128x128xf32, #tpu.memory_space<vmem>>
    %dma_wait3A_299 = tpu.memref_squeeze %dma_wait3A_298 : memref<1x128x128xf32, #tpu.memory_space<vmem>> -> memref<128x128xf32, #tpu.memory_space<vmem>>
    %dma_wait3A_300 = arith.constant 0 : i32
    %dma_wait3A_301 = tpu.memref_slice %arg7[%dma_wait3A_295, %dma_wait3A_300] : memref<6x128xi32, #tpu.memory_space<vmem>> -> memref<1x128xi32, #tpu.memory_space<vmem>>
    %dma_wait3A_302 = tpu.memref_squeeze %dma_wait3A_301 : memref<1x128xi32, #tpu.memory_space<vmem>> -> memref<128xi32, #tpu.memory_space<vmem>>
    %dma_wait3A_303 = arith.constant 0 : i32
    %dma_wait3A_304 = arith.constant 0 : i32
    %dma_wait3A_305 = tpu.memref_slice %arg19[%dma_wait3A_303, %dma_wait3A_304] : memref<10240x128xf32, #tpu.memory_space<vmem_shared>> -> memref<10240x128xf32, #tpu.memory_space<vmem_shared>>
    tpu.wait_indirect_dma semaphore(%arg12 : memref<!tpu.dma_semaphore, #tpu.memory_space<semaphore_mem>>) src(%dma_wait3A_299 : memref<128x128xf32, #tpu.memory_space<vmem>>) dst(%dma_wait3A_305 : memref<10240x128xf32, #tpu.memory_space<vmem_shared>>)
    %dma_wait3A_306 = arith.constant 3 : i32
    %dma_wait3A_307 = arith.constant 0 : i32
    %dma_wait3A_308 = tpu.memref_slice %arg6[%dma_wait3A_306, %dma_wait3A_307] : memref<6x128xi32, #tpu.memory_space<vmem>> -> memref<1x128xi32, #tpu.memory_space<vmem>>
    %dma_wait3A_309 = tpu.memref_squeeze %dma_wait3A_308 : memref<1x128xi32, #tpu.memory_space<vmem>> -> memref<128xi32, #tpu.memory_space<vmem>>
    %dma_wait3A_310 = arith.constant 0 : i32
    %dma_wait3A_311 = tpu.memref_slice %arg3[%dma_wait3A_310] : memref<320000xi32, #tpu.memory_space<hbm>> -> memref<128xi32, #tpu.memory_space<hbm>>
    %dma_wait3A_312 = arith.constant 0 : i32
    %dma_wait3A_313 = tpu.memref_slice %arg6[%dma_wait3A_306, %dma_wait3A_312] : memref<6x128xi32, #tpu.memory_space<vmem>> -> memref<1x128xi32, #tpu.memory_space<vmem>>
    %dma_wait3A_314 = tpu.memref_squeeze %dma_wait3A_313 : memref<1x128xi32, #tpu.memory_space<vmem>> -> memref<128xi32, #tpu.memory_space<vmem>>
    %dma_wait3A_315 = arith.constant 0 : i32
    %dma_wait3A_316 = tpu.memref_slice %arg3[%dma_wait3A_315] : memref<320000xi32, #tpu.memory_space<hbm>> -> memref<128xi32, #tpu.memory_space<hbm>>
    tpu.wait_dma2 semaphore(%arg16 : memref<!tpu.dma_semaphore, #tpu.memory_space<semaphore_mem>>) src(%dma_wait3A_316 : memref<128xi32, #tpu.memory_space<hbm>>) dst(%dma_wait3A_314 : memref<128xi32, #tpu.memory_space<vmem>>)
    %dma_wait3A_317 = arith.constant 3 : i32
    %dma_wait3A_318 = arith.constant 0 : i32
    %dma_wait3A_319 = tpu.memref_slice %arg7[%dma_wait3A_317, %dma_wait3A_318] : memref<6x128xi32, #tpu.memory_space<vmem>> -> memref<1x128xi32, #tpu.memory_space<vmem>>
    %dma_wait3A_320 = tpu.memref_squeeze %dma_wait3A_319 : memref<1x128xi32, #tpu.memory_space<vmem>> -> memref<128xi32, #tpu.memory_space<vmem>>
    %dma_wait3A_321 = arith.constant 0 : i32
    %dma_wait3A_322 = tpu.memref_slice %arg4[%dma_wait3A_321] : memref<320000xi32, #tpu.memory_space<hbm>> -> memref<128xi32, #tpu.memory_space<hbm>>
    %dma_wait3A_323 = arith.constant 0 : i32
    %dma_wait3A_324 = tpu.memref_slice %arg7[%dma_wait3A_317, %dma_wait3A_323] : memref<6x128xi32, #tpu.memory_space<vmem>> -> memref<1x128xi32, #tpu.memory_space<vmem>>
    %dma_wait3A_325 = tpu.memref_squeeze %dma_wait3A_324 : memref<1x128xi32, #tpu.memory_space<vmem>> -> memref<128xi32, #tpu.memory_space<vmem>>
    %dma_wait3A_326 = arith.constant 0 : i32
    %dma_wait3A_327 = tpu.memref_slice %arg4[%dma_wait3A_326] : memref<320000xi32, #tpu.memory_space<hbm>> -> memref<128xi32, #tpu.memory_space<hbm>>
    tpu.wait_dma2 semaphore(%arg16 : memref<!tpu.dma_semaphore, #tpu.memory_space<semaphore_mem>>) src(%dma_wait3A_327 : memref<128xi32, #tpu.memory_space<hbm>>) dst(%dma_wait3A_325 : memref<128xi32, #tpu.memory_space<vmem>>)
    %dma_start3A_328 = arith.constant 3 : i32
    %dma_start3A_329 = arith.constant 1 : i32
    %dma_start3A_330 = arith.constant 0 : i32
    %dma_start3A_331 = arith.constant 0 : i32
    %dma_start3A_332 = tpu.memref_slice %arg8[%dma_start3A_329, %dma_start3A_330, %dma_start3A_331] : memref<2x128x128xf32, #tpu.memory_space<vmem>> -> memref<1x128x128xf32, #tpu.memory_space<vmem>>
    %dma_start3A_333 = tpu.memref_squeeze %dma_start3A_332 : memref<1x128x128xf32, #tpu.memory_space<vmem>> -> memref<128x128xf32, #tpu.memory_space<vmem>>
    %dma_start3A_334 = arith.constant 0 : i32
    %dma_start3A_335 = tpu.memref_slice %arg6[%dma_start3A_328, %dma_start3A_334] : memref<6x128xi32, #tpu.memory_space<vmem>> -> memref<1x128xi32, #tpu.memory_space<vmem>>
    %dma_start3A_336 = tpu.memref_squeeze %dma_start3A_335 : memref<1x128xi32, #tpu.memory_space<vmem>> -> memref<128xi32, #tpu.memory_space<vmem>>
    %dma_start3A_337 = arith.constant 0 : i32
    %dma_start3A_338 = arith.constant 0 : i32
    %dma_start3A_339 = tpu.memref_slice %arg2[%dma_start3A_337, %dma_start3A_338] : memref<10240x128xf32, #tpu.memory_space<hbm>> -> memref<10240x128xf32, #tpu.memory_space<hbm>>
    tpu.enqueue_indirect_dma source(%dma_start3A_339 : memref<10240x128xf32, #tpu.memory_space<hbm>>) target(%dma_start3A_333 : memref<128x128xf32, #tpu.memory_space<vmem>>) offsets(%dma_start3A_336 : memref<128xi32, #tpu.memory_space<vmem>>) semaphore(%arg10 : memref<!tpu.dma_semaphore, #tpu.memory_space<semaphore_mem>>)
    %dma_wait3A_340 = arith.constant 0 : i32
    %dma_wait3A_341 = arith.constant 0 : i32
    %dma_wait3A_342 = arith.constant 0 : i32
    %dma_wait3A_343 = arith.constant 0 : i32
    %dma_wait3A_344 = tpu.memref_slice %arg8[%dma_wait3A_341, %dma_wait3A_342, %dma_wait3A_343] : memref<2x128x128xf32, #tpu.memory_space<vmem>> -> memref<1x128x128xf32, #tpu.memory_space<vmem>>
    %dma_wait3A_345 = tpu.memref_squeeze %dma_wait3A_344 : memref<1x128x128xf32, #tpu.memory_space<vmem>> -> memref<128x128xf32, #tpu.memory_space<vmem>>
    %dma_wait3A_346 = arith.constant 0 : i32
    %dma_wait3A_347 = tpu.memref_slice %arg6[%dma_wait3A_340, %dma_wait3A_346] : memref<6x128xi32, #tpu.memory_space<vmem>> -> memref<1x128xi32, #tpu.memory_space<vmem>>
    %dma_wait3A_348 = tpu.memref_squeeze %dma_wait3A_347 : memref<1x128xi32, #tpu.memory_space<vmem>> -> memref<128xi32, #tpu.memory_space<vmem>>
    %dma_wait3A_349 = arith.constant 0 : i32
    %dma_wait3A_350 = arith.constant 0 : i32
    %dma_wait3A_351 = tpu.memref_slice %arg2[%dma_wait3A_349, %dma_wait3A_350] : memref<10240x128xf32, #tpu.memory_space<hbm>> -> memref<10240x128xf32, #tpu.memory_space<hbm>>
    tpu.wait_indirect_dma semaphore(%arg9 : memref<!tpu.dma_semaphore, #tpu.memory_space<semaphore_mem>>) src(%dma_wait3A_351 : memref<10240x128xf32, #tpu.memory_space<hbm>>) dst(%dma_wait3A_345 : memref<128x128xf32, #tpu.memory_space<vmem>>)
    %dma_start3A_352 = arith.constant 0 : i32
    %dma_start3A_353 = arith.constant 2 : i32
    %dma_start3A_354 = arith.constant 0 : i32
    %dma_start3A_355 = arith.constant 0 : i32
    %dma_start3A_356 = tpu.memref_slice %arg8[%dma_start3A_352, %dma_start3A_354, %dma_start3A_355] : memref<2x128x128xf32, #tpu.memory_space<vmem>> -> memref<1x128x128xf32, #tpu.memory_space<vmem>>
    %dma_start3A_357 = tpu.memref_squeeze %dma_start3A_356 : memref<1x128x128xf32, #tpu.memory_space<vmem>> -> memref<128x128xf32, #tpu.memory_space<vmem>>
    %dma_start3A_358 = arith.constant 0 : i32
    %dma_start3A_359 = tpu.memref_slice %arg7[%dma_start3A_353, %dma_start3A_358] : memref<6x128xi32, #tpu.memory_space<vmem>> -> memref<1x128xi32, #tpu.memory_space<vmem>>
    %dma_start3A_360 = tpu.memref_squeeze %dma_start3A_359 : memref<1x128xi32, #tpu.memory_space<vmem>> -> memref<128xi32, #tpu.memory_space<vmem>>
    %dma_start3A_361 = arith.constant 0 : i32
    %dma_start3A_362 = arith.constant 0 : i32
    %dma_start3A_363 = tpu.memref_slice %arg19[%dma_start3A_361, %dma_start3A_362] : memref<10240x128xf32, #tpu.memory_space<vmem_shared>> -> memref<10240x128xf32, #tpu.memory_space<vmem_shared>>
    tpu.enqueue_indirect_dma source(%dma_start3A_357 : memref<128x128xf32, #tpu.memory_space<vmem>>) target(%dma_start3A_363 : memref<10240x128xf32, #tpu.memory_space<vmem_shared>>) offsets(%dma_start3A_360 : memref<128xi32, #tpu.memory_space<vmem>>) semaphore(%arg11 : memref<!tpu.dma_semaphore, #tpu.memory_space<semaphore_mem>>) {add = true}
    %dma_wait3A_364 = arith.constant 0 : i32
    %dma_wait3A_365 = arith.constant 0 : i32
    %dma_wait3A_366 = arith.constant 0 : i32
    %dma_wait3A_367 = arith.constant 0 : i32
    %dma_wait3A_368 = tpu.memref_slice %arg8[%dma_wait3A_364, %dma_wait3A_366, %dma_wait3A_367] : memref<2x128x128xf32, #tpu.memory_space<vmem>> -> memref<1x128x128xf32, #tpu.memory_space<vmem>>
    %dma_wait3A_369 = tpu.memref_squeeze %dma_wait3A_368 : memref<1x128x128xf32, #tpu.memory_space<vmem>> -> memref<128x128xf32, #tpu.memory_space<vmem>>
    %dma_wait3A_370 = arith.constant 0 : i32
    %dma_wait3A_371 = tpu.memref_slice %arg7[%dma_wait3A_365, %dma_wait3A_370] : memref<6x128xi32, #tpu.memory_space<vmem>> -> memref<1x128xi32, #tpu.memory_space<vmem>>
    %dma_wait3A_372 = tpu.memref_squeeze %dma_wait3A_371 : memref<1x128xi32, #tpu.memory_space<vmem>> -> memref<128xi32, #tpu.memory_space<vmem>>
    %dma_wait3A_373 = arith.constant 0 : i32
    %dma_wait3A_374 = arith.constant 0 : i32
    %dma_wait3A_375 = tpu.memref_slice %arg19[%dma_wait3A_373, %dma_wait3A_374] : memref<10240x128xf32, #tpu.memory_space<vmem_shared>> -> memref<10240x128xf32, #tpu.memory_space<vmem_shared>>
    tpu.wait_indirect_dma semaphore(%arg11 : memref<!tpu.dma_semaphore, #tpu.memory_space<semaphore_mem>>) src(%dma_wait3A_369 : memref<128x128xf32, #tpu.memory_space<vmem>>) dst(%dma_wait3A_375 : memref<10240x128xf32, #tpu.memory_space<vmem_shared>>)
    %dma_wait3A_376 = arith.constant 4 : i32
    %dma_wait3A_377 = arith.constant 0 : i32
    %dma_wait3A_378 = tpu.memref_slice %arg6[%dma_wait3A_376, %dma_wait3A_377] : memref<6x128xi32, #tpu.memory_space<vmem>> -> memref<1x128xi32, #tpu.memory_space<vmem>>
    %dma_wait3A_379 = tpu.memref_squeeze %dma_wait3A_378 : memref<1x128xi32, #tpu.memory_space<vmem>> -> memref<128xi32, #tpu.memory_space<vmem>>
    %dma_wait3A_380 = arith.constant 0 : i32
    %dma_wait3A_381 = tpu.memref_slice %arg3[%dma_wait3A_380] : memref<320000xi32, #tpu.memory_space<hbm>> -> memref<128xi32, #tpu.memory_space<hbm>>
    %dma_wait3A_382 = arith.constant 0 : i32
    %dma_wait3A_383 = tpu.memref_slice %arg6[%dma_wait3A_376, %dma_wait3A_382] : memref<6x128xi32, #tpu.memory_space<vmem>> -> memref<1x128xi32, #tpu.memory_space<vmem>>
    %dma_wait3A_384 = tpu.memref_squeeze %dma_wait3A_383 : memref<1x128xi32, #tpu.memory_space<vmem>> -> memref<128xi32, #tpu.memory_space<vmem>>
    %dma_wait3A_385 = arith.constant 0 : i32
    %dma_wait3A_386 = tpu.memref_slice %arg3[%dma_wait3A_385] : memref<320000xi32, #tpu.memory_space<hbm>> -> memref<128xi32, #tpu.memory_space<hbm>>
    tpu.wait_dma2 semaphore(%arg17 : memref<!tpu.dma_semaphore, #tpu.memory_space<semaphore_mem>>) src(%dma_wait3A_386 : memref<128xi32, #tpu.memory_space<hbm>>) dst(%dma_wait3A_384 : memref<128xi32, #tpu.memory_space<vmem>>)
    %dma_wait3A_387 = arith.constant 4 : i32
    %dma_wait3A_388 = arith.constant 0 : i32
    %dma_wait3A_389 = tpu.memref_slice %arg7[%dma_wait3A_387, %dma_wait3A_388] : memref<6x128xi32, #tpu.memory_space<vmem>> -> memref<1x128xi32, #tpu.memory_space<vmem>>
    %dma_wait3A_390 = tpu.memref_squeeze %dma_wait3A_389 : memref<1x128xi32, #tpu.memory_space<vmem>> -> memref<128xi32, #tpu.memory_space<vmem>>
    %dma_wait3A_391 = arith.constant 0 : i32
    %dma_wait3A_392 = tpu.memref_slice %arg4[%dma_wait3A_391] : memref<320000xi32, #tpu.memory_space<hbm>> -> memref<128xi32, #tpu.memory_space<hbm>>
    %dma_wait3A_393 = arith.constant 0 : i32
    %dma_wait3A_394 = tpu.memref_slice %arg7[%dma_wait3A_387, %dma_wait3A_393] : memref<6x128xi32, #tpu.memory_space<vmem>> -> memref<1x128xi32, #tpu.memory_space<vmem>>
    %dma_wait3A_395 = tpu.memref_squeeze %dma_wait3A_394 : memref<1x128xi32, #tpu.memory_space<vmem>> -> memref<128xi32, #tpu.memory_space<vmem>>
    %dma_wait3A_396 = arith.constant 0 : i32
    %dma_wait3A_397 = tpu.memref_slice %arg4[%dma_wait3A_396] : memref<320000xi32, #tpu.memory_space<hbm>> -> memref<128xi32, #tpu.memory_space<hbm>>
    tpu.wait_dma2 semaphore(%arg17 : memref<!tpu.dma_semaphore, #tpu.memory_space<semaphore_mem>>) src(%dma_wait3A_397 : memref<128xi32, #tpu.memory_space<hbm>>) dst(%dma_wait3A_395 : memref<128xi32, #tpu.memory_space<vmem>>)
    %dma_start3A_398 = arith.constant 4 : i32
    %dma_start3A_399 = arith.constant 0 : i32
    %dma_start3A_400 = arith.constant 0 : i32
    %dma_start3A_401 = arith.constant 0 : i32
    %dma_start3A_402 = tpu.memref_slice %arg8[%dma_start3A_399, %dma_start3A_400, %dma_start3A_401] : memref<2x128x128xf32, #tpu.memory_space<vmem>> -> memref<1x128x128xf32, #tpu.memory_space<vmem>>
    %dma_start3A_403 = tpu.memref_squeeze %dma_start3A_402 : memref<1x128x128xf32, #tpu.memory_space<vmem>> -> memref<128x128xf32, #tpu.memory_space<vmem>>
    %dma_start3A_404 = arith.constant 0 : i32
    %dma_start3A_405 = tpu.memref_slice %arg6[%dma_start3A_398, %dma_start3A_404] : memref<6x128xi32, #tpu.memory_space<vmem>> -> memref<1x128xi32, #tpu.memory_space<vmem>>
    %dma_start3A_406 = tpu.memref_squeeze %dma_start3A_405 : memref<1x128xi32, #tpu.memory_space<vmem>> -> memref<128xi32, #tpu.memory_space<vmem>>
    %dma_start3A_407 = arith.constant 0 : i32
    %dma_start3A_408 = arith.constant 0 : i32
    %dma_start3A_409 = tpu.memref_slice %arg2[%dma_start3A_407, %dma_start3A_408] : memref<10240x128xf32, #tpu.memory_space<hbm>> -> memref<10240x128xf32, #tpu.memory_space<hbm>>
    tpu.enqueue_indirect_dma source(%dma_start3A_409 : memref<10240x128xf32, #tpu.memory_space<hbm>>) target(%dma_start3A_403 : memref<128x128xf32, #tpu.memory_space<vmem>>) offsets(%dma_start3A_406 : memref<128xi32, #tpu.memory_space<vmem>>) semaphore(%arg9 : memref<!tpu.dma_semaphore, #tpu.memory_space<semaphore_mem>>)
    %dma_wait3A_410 = arith.constant 0 : i32
    %dma_wait3A_411 = arith.constant 1 : i32
    %dma_wait3A_412 = arith.constant 0 : i32
    %dma_wait3A_413 = arith.constant 0 : i32
    %dma_wait3A_414 = tpu.memref_slice %arg8[%dma_wait3A_411, %dma_wait3A_412, %dma_wait3A_413] : memref<2x128x128xf32, #tpu.memory_space<vmem>> -> memref<1x128x128xf32, #tpu.memory_space<vmem>>
    %dma_wait3A_415 = tpu.memref_squeeze %dma_wait3A_414 : memref<1x128x128xf32, #tpu.memory_space<vmem>> -> memref<128x128xf32, #tpu.memory_space<vmem>>
    %dma_wait3A_416 = arith.constant 0 : i32
    %dma_wait3A_417 = tpu.memref_slice %arg6[%dma_wait3A_410, %dma_wait3A_416] : memref<6x128xi32, #tpu.memory_space<vmem>> -> memref<1x128xi32, #tpu.memory_space<vmem>>
    %dma_wait3A_418 = tpu.memref_squeeze %dma_wait3A_417 : memref<1x128xi32, #tpu.memory_space<vmem>> -> memref<128xi32, #tpu.memory_space<vmem>>
    %dma_wait3A_419 = arith.constant 0 : i32
    %dma_wait3A_420 = arith.constant 0 : i32
    %dma_wait3A_421 = tpu.memref_slice %arg2[%dma_wait3A_419, %dma_wait3A_420] : memref<10240x128xf32, #tpu.memory_space<hbm>> -> memref<10240x128xf32, #tpu.memory_space<hbm>>
    tpu.wait_indirect_dma semaphore(%arg10 : memref<!tpu.dma_semaphore, #tpu.memory_space<semaphore_mem>>) src(%dma_wait3A_421 : memref<10240x128xf32, #tpu.memory_space<hbm>>) dst(%dma_wait3A_415 : memref<128x128xf32, #tpu.memory_space<vmem>>)
    %dma_start3A_422 = arith.constant 1 : i32
    %dma_start3A_423 = arith.constant 3 : i32
    %dma_start3A_424 = arith.constant 0 : i32
    %dma_start3A_425 = arith.constant 0 : i32
    %dma_start3A_426 = tpu.memref_slice %arg8[%dma_start3A_422, %dma_start3A_424, %dma_start3A_425] : memref<2x128x128xf32, #tpu.memory_space<vmem>> -> memref<1x128x128xf32, #tpu.memory_space<vmem>>
    %dma_start3A_427 = tpu.memref_squeeze %dma_start3A_426 : memref<1x128x128xf32, #tpu.memory_space<vmem>> -> memref<128x128xf32, #tpu.memory_space<vmem>>
    %dma_start3A_428 = arith.constant 0 : i32
    %dma_start3A_429 = tpu.memref_slice %arg7[%dma_start3A_423, %dma_start3A_428] : memref<6x128xi32, #tpu.memory_space<vmem>> -> memref<1x128xi32, #tpu.memory_space<vmem>>
    %dma_start3A_430 = tpu.memref_squeeze %dma_start3A_429 : memref<1x128xi32, #tpu.memory_space<vmem>> -> memref<128xi32, #tpu.memory_space<vmem>>
    %dma_start3A_431 = arith.constant 0 : i32
    %dma_start3A_432 = arith.constant 0 : i32
    %dma_start3A_433 = tpu.memref_slice %arg19[%dma_start3A_431, %dma_start3A_432] : memref<10240x128xf32, #tpu.memory_space<vmem_shared>> -> memref<10240x128xf32, #tpu.memory_space<vmem_shared>>
    tpu.enqueue_indirect_dma source(%dma_start3A_427 : memref<128x128xf32, #tpu.memory_space<vmem>>) target(%dma_start3A_433 : memref<10240x128xf32, #tpu.memory_space<vmem_shared>>) offsets(%dma_start3A_430 : memref<128xi32, #tpu.memory_space<vmem>>) semaphore(%arg12 : memref<!tpu.dma_semaphore, #tpu.memory_space<semaphore_mem>>) {add = true}
    %dma_wait3A_434 = arith.constant 1 : i32
    %dma_wait3A_435 = arith.constant 0 : i32
    %dma_wait3A_436 = arith.constant 0 : i32
    %dma_wait3A_437 = arith.constant 0 : i32
    %dma_wait3A_438 = tpu.memref_slice %arg8[%dma_wait3A_434, %dma_wait3A_436, %dma_wait3A_437] : memref<2x128x128xf32, #tpu.memory_space<vmem>> -> memref<1x128x128xf32, #tpu.memory_space<vmem>>
    %dma_wait3A_439 = tpu.memref_squeeze %dma_wait3A_438 : memref<1x128x128xf32, #tpu.memory_space<vmem>> -> memref<128x128xf32, #tpu.memory_space<vmem>>
    %dma_wait3A_440 = arith.constant 0 : i32
    %dma_wait3A_441 = tpu.memref_slice %arg7[%dma_wait3A_435, %dma_wait3A_440] : memref<6x128xi32, #tpu.memory_space<vmem>> -> memref<1x128xi32, #tpu.memory_space<vmem>>
    %dma_wait3A_442 = tpu.memref_squeeze %dma_wait3A_441 : memref<1x128xi32, #tpu.memory_space<vmem>> -> memref<128xi32, #tpu.memory_space<vmem>>
    %dma_wait3A_443 = arith.constant 0 : i32
    %dma_wait3A_444 = arith.constant 0 : i32
    %dma_wait3A_445 = tpu.memref_slice %arg19[%dma_wait3A_443, %dma_wait3A_444] : memref<10240x128xf32, #tpu.memory_space<vmem_shared>> -> memref<10240x128xf32, #tpu.memory_space<vmem_shared>>
    tpu.wait_indirect_dma semaphore(%arg12 : memref<!tpu.dma_semaphore, #tpu.memory_space<semaphore_mem>>) src(%dma_wait3A_439 : memref<128x128xf32, #tpu.memory_space<vmem>>) dst(%dma_wait3A_445 : memref<10240x128xf32, #tpu.memory_space<vmem_shared>>)
    %dma_wait3A_446 = arith.constant 5 : i32
    %dma_wait3A_447 = arith.constant 0 : i32
    %dma_wait3A_448 = tpu.memref_slice %arg6[%dma_wait3A_446, %dma_wait3A_447] : memref<6x128xi32, #tpu.memory_space<vmem>> -> memref<1x128xi32, #tpu.memory_space<vmem>>
    %dma_wait3A_449 = tpu.memref_squeeze %dma_wait3A_448 : memref<1x128xi32, #tpu.memory_space<vmem>> -> memref<128xi32, #tpu.memory_space<vmem>>
    %dma_wait3A_450 = arith.constant 0 : i32
    %dma_wait3A_451 = tpu.memref_slice %arg3[%dma_wait3A_450] : memref<320000xi32, #tpu.memory_space<hbm>> -> memref<128xi32, #tpu.memory_space<hbm>>
    %dma_wait3A_452 = arith.constant 0 : i32
    %dma_wait3A_453 = tpu.memref_slice %arg6[%dma_wait3A_446, %dma_wait3A_452] : memref<6x128xi32, #tpu.memory_space<vmem>> -> memref<1x128xi32, #tpu.memory_space<vmem>>
    %dma_wait3A_454 = tpu.memref_squeeze %dma_wait3A_453 : memref<1x128xi32, #tpu.memory_space<vmem>> -> memref<128xi32, #tpu.memory_space<vmem>>
    %dma_wait3A_455 = arith.constant 0 : i32
    %dma_wait3A_456 = tpu.memref_slice %arg3[%dma_wait3A_455] : memref<320000xi32, #tpu.memory_space<hbm>> -> memref<128xi32, #tpu.memory_space<hbm>>
    tpu.wait_dma2 semaphore(%arg18 : memref<!tpu.dma_semaphore, #tpu.memory_space<semaphore_mem>>) src(%dma_wait3A_456 : memref<128xi32, #tpu.memory_space<hbm>>) dst(%dma_wait3A_454 : memref<128xi32, #tpu.memory_space<vmem>>)
    %dma_wait3A_457 = arith.constant 5 : i32
    %dma_wait3A_458 = arith.constant 0 : i32
    %dma_wait3A_459 = tpu.memref_slice %arg7[%dma_wait3A_457, %dma_wait3A_458] : memref<6x128xi32, #tpu.memory_space<vmem>> -> memref<1x128xi32, #tpu.memory_space<vmem>>
    %dma_wait3A_460 = tpu.memref_squeeze %dma_wait3A_459 : memref<1x128xi32, #tpu.memory_space<vmem>> -> memref<128xi32, #tpu.memory_space<vmem>>
    %dma_wait3A_461 = arith.constant 0 : i32
    %dma_wait3A_462 = tpu.memref_slice %arg4[%dma_wait3A_461] : memref<320000xi32, #tpu.memory_space<hbm>> -> memref<128xi32, #tpu.memory_space<hbm>>
    %dma_wait3A_463 = arith.constant 0 : i32
    %dma_wait3A_464 = tpu.memref_slice %arg7[%dma_wait3A_457, %dma_wait3A_463] : memref<6x128xi32, #tpu.memory_space<vmem>> -> memref<1x128xi32, #tpu.memory_space<vmem>>
    %dma_wait3A_465 = tpu.memref_squeeze %dma_wait3A_464 : memref<1x128xi32, #tpu.memory_space<vmem>> -> memref<128xi32, #tpu.memory_space<vmem>>
    %dma_wait3A_466 = arith.constant 0 : i32
    %dma_wait3A_467 = tpu.memref_slice %arg4[%dma_wait3A_466] : memref<320000xi32, #tpu.memory_space<hbm>> -> memref<128xi32, #tpu.memory_space<hbm>>
    tpu.wait_dma2 semaphore(%arg18 : memref<!tpu.dma_semaphore, #tpu.memory_space<semaphore_mem>>) src(%dma_wait3A_467 : memref<128xi32, #tpu.memory_space<hbm>>) dst(%dma_wait3A_465 : memref<128xi32, #tpu.memory_space<vmem>>)
    %dma_start3A_468 = arith.constant 5 : i32
    %dma_start3A_469 = arith.constant 1 : i32
    %dma_start3A_470 = arith.constant 0 : i32
    %dma_start3A_471 = arith.constant 0 : i32
    %dma_start3A_472 = tpu.memref_slice %arg8[%dma_start3A_469, %dma_start3A_470, %dma_start3A_471] : memref<2x128x128xf32, #tpu.memory_space<vmem>> -> memref<1x128x128xf32, #tpu.memory_space<vmem>>
    %dma_start3A_473 = tpu.memref_squeeze %dma_start3A_472 : memref<1x128x128xf32, #tpu.memory_space<vmem>> -> memref<128x128xf32, #tpu.memory_space<vmem>>
    %dma_start3A_474 = arith.constant 0 : i32
    %dma_start3A_475 = tpu.memref_slice %arg6[%dma_start3A_468, %dma_start3A_474] : memref<6x128xi32, #tpu.memory_space<vmem>> -> memref<1x128xi32, #tpu.memory_space<vmem>>
    %dma_start3A_476 = tpu.memref_squeeze %dma_start3A_475 : memref<1x128xi32, #tpu.memory_space<vmem>> -> memref<128xi32, #tpu.memory_space<vmem>>
    %dma_start3A_477 = arith.constant 0 : i32
    %dma_start3A_478 = arith.constant 0 : i32
    %dma_start3A_479 = tpu.memref_slice %arg2[%dma_start3A_477, %dma_start3A_478] : memref<10240x128xf32, #tpu.memory_space<hbm>> -> memref<10240x128xf32, #tpu.memory_space<hbm>>
    tpu.enqueue_indirect_dma source(%dma_start3A_479 : memref<10240x128xf32, #tpu.memory_space<hbm>>) target(%dma_start3A_473 : memref<128x128xf32, #tpu.memory_space<vmem>>) offsets(%dma_start3A_476 : memref<128xi32, #tpu.memory_space<vmem>>) semaphore(%arg10 : memref<!tpu.dma_semaphore, #tpu.memory_space<semaphore_mem>>)
    %dma_wait3A_480 = arith.constant 0 : i32
    %dma_wait3A_481 = arith.constant 0 : i32
    %dma_wait3A_482 = arith.constant 0 : i32
    %dma_wait3A_483 = arith.constant 0 : i32
    %dma_wait3A_484 = tpu.memref_slice %arg8[%dma_wait3A_481, %dma_wait3A_482, %dma_wait3A_483] : memref<2x128x128xf32, #tpu.memory_space<vmem>> -> memref<1x128x128xf32, #tpu.memory_space<vmem>>
    %dma_wait3A_485 = tpu.memref_squeeze %dma_wait3A_484 : memref<1x128x128xf32, #tpu.memory_space<vmem>> -> memref<128x128xf32, #tpu.memory_space<vmem>>
    %dma_wait3A_486 = arith.constant 0 : i32
    %dma_wait3A_487 = tpu.memref_slice %arg6[%dma_wait3A_480, %dma_wait3A_486] : memref<6x128xi32, #tpu.memory_space<vmem>> -> memref<1x128xi32, #tpu.memory_space<vmem>>
    %dma_wait3A_488 = tpu.memref_squeeze %dma_wait3A_487 : memref<1x128xi32, #tpu.memory_space<vmem>> -> memref<128xi32, #tpu.memory_space<vmem>>
    %dma_wait3A_489 = arith.constant 0 : i32
    %dma_wait3A_490 = arith.constant 0 : i32
    %dma_wait3A_491 = tpu.memref_slice %arg2[%dma_wait3A_489, %dma_wait3A_490] : memref<10240x128xf32, #tpu.memory_space<hbm>> -> memref<10240x128xf32, #tpu.memory_space<hbm>>
    tpu.wait_indirect_dma semaphore(%arg9 : memref<!tpu.dma_semaphore, #tpu.memory_space<semaphore_mem>>) src(%dma_wait3A_491 : memref<10240x128xf32, #tpu.memory_space<hbm>>) dst(%dma_wait3A_485 : memref<128x128xf32, #tpu.memory_space<vmem>>)
    %dma_start3A_492 = arith.constant 0 : i32
    %dma_start3A_493 = arith.constant 4 : i32
    %dma_start3A_494 = arith.constant 0 : i32
    %dma_start3A_495 = arith.constant 0 : i32
    %dma_start3A_496 = tpu.memref_slice %arg8[%dma_start3A_492, %dma_start3A_494, %dma_start3A_495] : memref<2x128x128xf32, #tpu.memory_space<vmem>> -> memref<1x128x128xf32, #tpu.memory_space<vmem>>
    %dma_start3A_497 = tpu.memref_squeeze %dma_start3A_496 : memref<1x128x128xf32, #tpu.memory_space<vmem>> -> memref<128x128xf32, #tpu.memory_space<vmem>>
    %dma_start3A_498 = arith.constant 0 : i32
    %dma_start3A_499 = tpu.memref_slice %arg7[%dma_start3A_493, %dma_start3A_498] : memref<6x128xi32, #tpu.memory_space<vmem>> -> memref<1x128xi32, #tpu.memory_space<vmem>>
    %dma_start3A_500 = tpu.memref_squeeze %dma_start3A_499 : memref<1x128xi32, #tpu.memory_space<vmem>> -> memref<128xi32, #tpu.memory_space<vmem>>
    %dma_start3A_501 = arith.constant 0 : i32
    %dma_start3A_502 = arith.constant 0 : i32
    %dma_start3A_503 = tpu.memref_slice %arg19[%dma_start3A_501, %dma_start3A_502] : memref<10240x128xf32, #tpu.memory_space<vmem_shared>> -> memref<10240x128xf32, #tpu.memory_space<vmem_shared>>
    tpu.enqueue_indirect_dma source(%dma_start3A_497 : memref<128x128xf32, #tpu.memory_space<vmem>>) target(%dma_start3A_503 : memref<10240x128xf32, #tpu.memory_space<vmem_shared>>) offsets(%dma_start3A_500 : memref<128xi32, #tpu.memory_space<vmem>>) semaphore(%arg11 : memref<!tpu.dma_semaphore, #tpu.memory_space<semaphore_mem>>) {add = true}
    %dma_wait3A_504 = arith.constant 0 : i32
    %dma_wait3A_505 = arith.constant 0 : i32
    %dma_wait3A_506 = arith.constant 0 : i32
    %dma_wait3A_507 = arith.constant 0 : i32
    %dma_wait3A_508 = tpu.memref_slice %arg8[%dma_wait3A_504, %dma_wait3A_506, %dma_wait3A_507] : memref<2x128x128xf32, #tpu.memory_space<vmem>> -> memref<1x128x128xf32, #tpu.memory_space<vmem>>
    %dma_wait3A_509 = tpu.memref_squeeze %dma_wait3A_508 : memref<1x128x128xf32, #tpu.memory_space<vmem>> -> memref<128x128xf32, #tpu.memory_space<vmem>>
    %dma_wait3A_510 = arith.constant 0 : i32
    %dma_wait3A_511 = tpu.memref_slice %arg7[%dma_wait3A_505, %dma_wait3A_510] : memref<6x128xi32, #tpu.memory_space<vmem>> -> memref<1x128xi32, #tpu.memory_space<vmem>>
    %dma_wait3A_512 = tpu.memref_squeeze %dma_wait3A_511 : memref<1x128xi32, #tpu.memory_space<vmem>> -> memref<128xi32, #tpu.memory_space<vmem>>
    %dma_wait3A_513 = arith.constant 0 : i32
    %dma_wait3A_514 = arith.constant 0 : i32
    %dma_wait3A_515 = tpu.memref_slice %arg19[%dma_wait3A_513, %dma_wait3A_514] : memref<10240x128xf32, #tpu.memory_space<vmem_shared>> -> memref<10240x128xf32, #tpu.memory_space<vmem_shared>>
    tpu.wait_indirect_dma semaphore(%arg11 : memref<!tpu.dma_semaphore, #tpu.memory_space<semaphore_mem>>) src(%dma_wait3A_509 : memref<128x128xf32, #tpu.memory_space<vmem>>) dst(%dma_wait3A_515 : memref<10240x128xf32, #tpu.memory_space<vmem_shared>>)
    %dma_wait3A_516 = arith.constant 0 : i32
    %dma_wait3A_517 = arith.constant 1 : i32
    %dma_wait3A_518 = arith.constant 0 : i32
    %dma_wait3A_519 = arith.constant 0 : i32
    %dma_wait3A_520 = tpu.memref_slice %arg8[%dma_wait3A_517, %dma_wait3A_518, %dma_wait3A_519] : memref<2x128x128xf32, #tpu.memory_space<vmem>> -> memref<1x128x128xf32, #tpu.memory_space<vmem>>
    %dma_wait3A_521 = tpu.memref_squeeze %dma_wait3A_520 : memref<1x128x128xf32, #tpu.memory_space<vmem>> -> memref<128x128xf32, #tpu.memory_space<vmem>>
    %dma_wait3A_522 = arith.constant 0 : i32
    %dma_wait3A_523 = tpu.memref_slice %arg6[%dma_wait3A_516, %dma_wait3A_522] : memref<6x128xi32, #tpu.memory_space<vmem>> -> memref<1x128xi32, #tpu.memory_space<vmem>>
    %dma_wait3A_524 = tpu.memref_squeeze %dma_wait3A_523 : memref<1x128xi32, #tpu.memory_space<vmem>> -> memref<128xi32, #tpu.memory_space<vmem>>
    %dma_wait3A_525 = arith.constant 0 : i32
    %dma_wait3A_526 = arith.constant 0 : i32
    %dma_wait3A_527 = tpu.memref_slice %arg2[%dma_wait3A_525, %dma_wait3A_526] : memref<10240x128xf32, #tpu.memory_space<hbm>> -> memref<10240x128xf32, #tpu.memory_space<hbm>>
    tpu.wait_indirect_dma semaphore(%arg10 : memref<!tpu.dma_semaphore, #tpu.memory_space<semaphore_mem>>) src(%dma_wait3A_527 : memref<10240x128xf32, #tpu.memory_space<hbm>>) dst(%dma_wait3A_521 : memref<128x128xf32, #tpu.memory_space<vmem>>)
    %dma_start3A_528 = arith.constant 1 : i32
    %dma_start3A_529 = arith.constant 5 : i32
    %dma_start3A_530 = arith.constant 0 : i32
    %dma_start3A_531 = arith.constant 0 : i32
    %dma_start3A_532 = tpu.memref_slice %arg8[%dma_start3A_528, %dma_start3A_530, %dma_start3A_531] : memref<2x128x128xf32, #tpu.memory_space<vmem>> -> memref<1x128x128xf32, #tpu.memory_space<vmem>>
    %dma_start3A_533 = tpu.memref_squeeze %dma_start3A_532 : memref<1x128x128xf32, #tpu.memory_space<vmem>> -> memref<128x128xf32, #tpu.memory_space<vmem>>
    %dma_start3A_534 = arith.constant 0 : i32
    %dma_start3A_535 = tpu.memref_slice %arg7[%dma_start3A_529, %dma_start3A_534] : memref<6x128xi32, #tpu.memory_space<vmem>> -> memref<1x128xi32, #tpu.memory_space<vmem>>
    %dma_start3A_536 = tpu.memref_squeeze %dma_start3A_535 : memref<1x128xi32, #tpu.memory_space<vmem>> -> memref<128xi32, #tpu.memory_space<vmem>>
    %dma_start3A_537 = arith.constant 0 : i32
    %dma_start3A_538 = arith.constant 0 : i32
    %dma_start3A_539 = tpu.memref_slice %arg19[%dma_start3A_537, %dma_start3A_538] : memref<10240x128xf32, #tpu.memory_space<vmem_shared>> -> memref<10240x128xf32, #tpu.memory_space<vmem_shared>>
    tpu.enqueue_indirect_dma source(%dma_start3A_533 : memref<128x128xf32, #tpu.memory_space<vmem>>) target(%dma_start3A_539 : memref<10240x128xf32, #tpu.memory_space<vmem_shared>>) offsets(%dma_start3A_536 : memref<128xi32, #tpu.memory_space<vmem>>) semaphore(%arg12 : memref<!tpu.dma_semaphore, #tpu.memory_space<semaphore_mem>>) {add = true}
    %dma_wait3A_540 = arith.constant 1 : i32
    %dma_wait3A_541 = arith.constant 0 : i32
    %dma_wait3A_542 = arith.constant 0 : i32
    %dma_wait3A_543 = arith.constant 0 : i32
    %dma_wait3A_544 = tpu.memref_slice %arg8[%dma_wait3A_540, %dma_wait3A_542, %dma_wait3A_543] : memref<2x128x128xf32, #tpu.memory_space<vmem>> -> memref<1x128x128xf32, #tpu.memory_space<vmem>>
    %dma_wait3A_545 = tpu.memref_squeeze %dma_wait3A_544 : memref<1x128x128xf32, #tpu.memory_space<vmem>> -> memref<128x128xf32, #tpu.memory_space<vmem>>
    %dma_wait3A_546 = arith.constant 0 : i32
    %dma_wait3A_547 = tpu.memref_slice %arg7[%dma_wait3A_541, %dma_wait3A_546] : memref<6x128xi32, #tpu.memory_space<vmem>> -> memref<1x128xi32, #tpu.memory_space<vmem>>
    %dma_wait3A_548 = tpu.memref_squeeze %dma_wait3A_547 : memref<1x128xi32, #tpu.memory_space<vmem>> -> memref<128xi32, #tpu.memory_space<vmem>>
    %dma_wait3A_549 = arith.constant 0 : i32
    %dma_wait3A_550 = arith.constant 0 : i32
    %dma_wait3A_551 = tpu.memref_slice %arg19[%dma_wait3A_549, %dma_wait3A_550] : memref<10240x128xf32, #tpu.memory_space<vmem_shared>> -> memref<10240x128xf32, #tpu.memory_space<vmem_shared>>
    tpu.wait_indirect_dma semaphore(%arg12 : memref<!tpu.dma_semaphore, #tpu.memory_space<semaphore_mem>>) src(%dma_wait3A_545 : memref<128x128xf32, #tpu.memory_space<vmem>>) dst(%dma_wait3A_551 : memref<10240x128xf32, #tpu.memory_space<vmem_shared>>)
    %eq3A = arith.constant 0 : i32
    %eq3A_552 = arith.cmpi eq, %arg1, %eq3A : i32
    %convert_element_type3A = arith.extui %eq3A_552 : i1 to i32
    %cond3A = arith.constant 0 : i32
    %cond3A_553 = arith.cmpi ne, %convert_element_type3A, %cond3A : i32
    scf.if %cond3A_553 {
      %mul3A_559 = arith.constant 2 : i32
      %mul3A_560 = arith.muli %mul3A_559, %arg0 : i32
      %add3A_561 = arith.constant 2496 : i32
      %add3A_562 = arith.addi %add3A_561, %mul3A_560 : i32
      %add3A_563 = arith.constant 0 : i32
      %add3A_564 = arith.addi %add3A_562, %add3A_563 : i32
      %mul3A_565 = arith.constant 128 : i32
      %mul3A_566 = arith.muli %add3A_564, %mul3A_565 : i32
      %run_scoped3A = arith.constant 0 : i32
      "tpu.region"() ({
        %run_scoped3A_586 = tpu.sem_alloc : memref<!tpu.dma_semaphore, #tpu.memory_space<semaphore_mem>>
        %dma_start3A_587 = arith.constant 0 : i32
        %dma_start3A_588 = tpu.memref_slice %arg6[%run_scoped3A, %dma_start3A_587] : memref<6x128xi32, #tpu.memory_space<vmem>> -> memref<1x128xi32, #tpu.memory_space<vmem>>
        %dma_start3A_589 = tpu.memref_squeeze %dma_start3A_588 : memref<1x128xi32, #tpu.memory_space<vmem>> -> memref<128xi32, #tpu.memory_space<vmem>>
        %dma_start3A_590 = tpu.memref_slice %arg3[%mul3A_566] : memref<320000xi32, #tpu.memory_space<hbm>> -> memref<128xi32, #tpu.memory_space<hbm>>
        %dma_start3A_591 = arith.constant 0 : i32
        %dma_start3A_592 = tpu.memref_slice %arg6[%run_scoped3A, %dma_start3A_591] : memref<6x128xi32, #tpu.memory_space<vmem>> -> memref<1x128xi32, #tpu.memory_space<vmem>>
        %dma_start3A_593 = tpu.memref_squeeze %dma_start3A_592 : memref<1x128xi32, #tpu.memory_space<vmem>> -> memref<128xi32, #tpu.memory_space<vmem>>
        %dma_start3A_594 = tpu.memref_slice %arg3[%mul3A_566] : memref<320000xi32, #tpu.memory_space<hbm>> -> memref<128xi32, #tpu.memory_space<hbm>>
        tpu.enqueue_dma source(%dma_start3A_594 : memref<128xi32, #tpu.memory_space<hbm>>) target(%dma_start3A_593 : memref<128xi32, #tpu.memory_space<vmem>>) target_semaphore(%run_scoped3A_586 : memref<!tpu.dma_semaphore, #tpu.memory_space<semaphore_mem>>)
        %dma_wait3A_595 = arith.constant 0 : i32
        %dma_wait3A_596 = tpu.memref_slice %arg6[%run_scoped3A, %dma_wait3A_595] : memref<6x128xi32, #tpu.memory_space<vmem>> -> memref<1x128xi32, #tpu.memory_space<vmem>>
        %dma_wait3A_597 = tpu.memref_squeeze %dma_wait3A_596 : memref<1x128xi32, #tpu.memory_space<vmem>> -> memref<128xi32, #tpu.memory_space<vmem>>
        %dma_wait3A_598 = tpu.memref_slice %arg3[%mul3A_566] : memref<320000xi32, #tpu.memory_space<hbm>> -> memref<128xi32, #tpu.memory_space<hbm>>
        %dma_wait3A_599 = arith.constant 0 : i32
        %dma_wait3A_600 = tpu.memref_slice %arg6[%run_scoped3A, %dma_wait3A_599] : memref<6x128xi32, #tpu.memory_space<vmem>> -> memref<1x128xi32, #tpu.memory_space<vmem>>
        %dma_wait3A_601 = tpu.memref_squeeze %dma_wait3A_600 : memref<1x128xi32, #tpu.memory_space<vmem>> -> memref<128xi32, #tpu.memory_space<vmem>>
        %dma_wait3A_602 = tpu.memref_slice %arg3[%mul3A_566] : memref<320000xi32, #tpu.memory_space<hbm>> -> memref<128xi32, #tpu.memory_space<hbm>>
        tpu.wait_dma2 semaphore(%run_scoped3A_586 : memref<!tpu.dma_semaphore, #tpu.memory_space<semaphore_mem>>) src(%dma_wait3A_602 : memref<128xi32, #tpu.memory_space<hbm>>) dst(%dma_wait3A_601 : memref<128xi32, #tpu.memory_space<vmem>>)
        tpu.yield
      }) : () -> ()
      %run_scoped3A_567 = arith.constant 0 : i32
      "tpu.region"() ({
        %run_scoped3A_586 = tpu.sem_alloc : memref<!tpu.dma_semaphore, #tpu.memory_space<semaphore_mem>>
        %dma_start3A_587 = arith.constant 0 : i32
        %dma_start3A_588 = tpu.memref_slice %arg7[%run_scoped3A_567, %dma_start3A_587] : memref<6x128xi32, #tpu.memory_space<vmem>> -> memref<1x128xi32, #tpu.memory_space<vmem>>
        %dma_start3A_589 = tpu.memref_squeeze %dma_start3A_588 : memref<1x128xi32, #tpu.memory_space<vmem>> -> memref<128xi32, #tpu.memory_space<vmem>>
        %dma_start3A_590 = tpu.memref_slice %arg4[%mul3A_566] : memref<320000xi32, #tpu.memory_space<hbm>> -> memref<128xi32, #tpu.memory_space<hbm>>
        %dma_start3A_591 = arith.constant 0 : i32
        %dma_start3A_592 = tpu.memref_slice %arg7[%run_scoped3A_567, %dma_start3A_591] : memref<6x128xi32, #tpu.memory_space<vmem>> -> memref<1x128xi32, #tpu.memory_space<vmem>>
        %dma_start3A_593 = tpu.memref_squeeze %dma_start3A_592 : memref<1x128xi32, #tpu.memory_space<vmem>> -> memref<128xi32, #tpu.memory_space<vmem>>
        %dma_start3A_594 = tpu.memref_slice %arg4[%mul3A_566] : memref<320000xi32, #tpu.memory_space<hbm>> -> memref<128xi32, #tpu.memory_space<hbm>>
        tpu.enqueue_dma source(%dma_start3A_594 : memref<128xi32, #tpu.memory_space<hbm>>) target(%dma_start3A_593 : memref<128xi32, #tpu.memory_space<vmem>>) target_semaphore(%run_scoped3A_586 : memref<!tpu.dma_semaphore, #tpu.memory_space<semaphore_mem>>)
        %dma_wait3A_595 = arith.constant 0 : i32
        %dma_wait3A_596 = tpu.memref_slice %arg7[%run_scoped3A_567, %dma_wait3A_595] : memref<6x128xi32, #tpu.memory_space<vmem>> -> memref<1x128xi32, #tpu.memory_space<vmem>>
        %dma_wait3A_597 = tpu.memref_squeeze %dma_wait3A_596 : memref<1x128xi32, #tpu.memory_space<vmem>> -> memref<128xi32, #tpu.memory_space<vmem>>
        %dma_wait3A_598 = tpu.memref_slice %arg4[%mul3A_566] : memref<320000xi32, #tpu.memory_space<hbm>> -> memref<128xi32, #tpu.memory_space<hbm>>
        %dma_wait3A_599 = arith.constant 0 : i32
        %dma_wait3A_600 = tpu.memref_slice %arg7[%run_scoped3A_567, %dma_wait3A_599] : memref<6x128xi32, #tpu.memory_space<vmem>> -> memref<1x128xi32, #tpu.memory_space<vmem>>
        %dma_wait3A_601 = tpu.memref_squeeze %dma_wait3A_600 : memref<1x128xi32, #tpu.memory_space<vmem>> -> memref<128xi32, #tpu.memory_space<vmem>>
        %dma_wait3A_602 = tpu.memref_slice %arg4[%mul3A_566] : memref<320000xi32, #tpu.memory_space<hbm>> -> memref<128xi32, #tpu.memory_space<hbm>>
        tpu.wait_dma2 semaphore(%run_scoped3A_586 : memref<!tpu.dma_semaphore, #tpu.memory_space<semaphore_mem>>) src(%dma_wait3A_602 : memref<128xi32, #tpu.memory_space<hbm>>) dst(%dma_wait3A_601 : memref<128xi32, #tpu.memory_space<vmem>>)
        tpu.yield
      }) : () -> ()
      %run_scoped3A_568 = arith.constant 0 : i32
      %run_scoped3A_569 = arith.constant 0 : i32
      "tpu.region"() ({
        %run_scoped3A_586 = tpu.sem_alloc : memref<!tpu.dma_semaphore, #tpu.memory_space<semaphore_mem>>
        %dma_start3A_587 = arith.constant 0 : i32
        %dma_start3A_588 = arith.constant 0 : i32
        %dma_start3A_589 = tpu.memref_slice %arg8[%run_scoped3A_569, %dma_start3A_587, %dma_start3A_588] : memref<2x128x128xf32, #tpu.memory_space<vmem>> -> memref<1x128x128xf32, #tpu.memory_space<vmem>>
        %dma_start3A_590 = tpu.memref_squeeze %dma_start3A_589 : memref<1x128x128xf32, #tpu.memory_space<vmem>> -> memref<128x128xf32, #tpu.memory_space<vmem>>
        %dma_start3A_591 = arith.constant 0 : i32
        %dma_start3A_592 = tpu.memref_slice %arg6[%run_scoped3A_568, %dma_start3A_591] : memref<6x128xi32, #tpu.memory_space<vmem>> -> memref<1x128xi32, #tpu.memory_space<vmem>>
        %dma_start3A_593 = tpu.memref_squeeze %dma_start3A_592 : memref<1x128xi32, #tpu.memory_space<vmem>> -> memref<128xi32, #tpu.memory_space<vmem>>
        %dma_start3A_594 = arith.constant 0 : i32
        %dma_start3A_595 = arith.constant 0 : i32
        %dma_start3A_596 = tpu.memref_slice %arg2[%dma_start3A_594, %dma_start3A_595] : memref<10240x128xf32, #tpu.memory_space<hbm>> -> memref<10240x128xf32, #tpu.memory_space<hbm>>
        tpu.enqueue_indirect_dma source(%dma_start3A_596 : memref<10240x128xf32, #tpu.memory_space<hbm>>) target(%dma_start3A_590 : memref<128x128xf32, #tpu.memory_space<vmem>>) offsets(%dma_start3A_593 : memref<128xi32, #tpu.memory_space<vmem>>) semaphore(%run_scoped3A_586 : memref<!tpu.dma_semaphore, #tpu.memory_space<semaphore_mem>>)
        %dma_wait3A_597 = arith.constant 0 : i32
        %dma_wait3A_598 = arith.constant 0 : i32
        %dma_wait3A_599 = tpu.memref_slice %arg8[%run_scoped3A_569, %dma_wait3A_597, %dma_wait3A_598] : memref<2x128x128xf32, #tpu.memory_space<vmem>> -> memref<1x128x128xf32, #tpu.memory_space<vmem>>
        %dma_wait3A_600 = tpu.memref_squeeze %dma_wait3A_599 : memref<1x128x128xf32, #tpu.memory_space<vmem>> -> memref<128x128xf32, #tpu.memory_space<vmem>>
        %dma_wait3A_601 = arith.constant 0 : i32
        %dma_wait3A_602 = tpu.memref_slice %arg6[%run_scoped3A_568, %dma_wait3A_601] : memref<6x128xi32, #tpu.memory_space<vmem>> -> memref<1x128xi32, #tpu.memory_space<vmem>>
        %dma_wait3A_603 = tpu.memref_squeeze %dma_wait3A_602 : memref<1x128xi32, #tpu.memory_space<vmem>> -> memref<128xi32, #tpu.memory_space<vmem>>
        %dma_wait3A_604 = arith.constant 0 : i32
        %dma_wait3A_605 = arith.constant 0 : i32
        %dma_wait3A_606 = tpu.memref_slice %arg2[%dma_wait3A_604, %dma_wait3A_605] : memref<10240x128xf32, #tpu.memory_space<hbm>> -> memref<10240x128xf32, #tpu.memory_space<hbm>>
        tpu.wait_indirect_dma semaphore(%run_scoped3A_586 : memref<!tpu.dma_semaphore, #tpu.memory_space<semaphore_mem>>) src(%dma_wait3A_606 : memref<10240x128xf32, #tpu.memory_space<hbm>>) dst(%dma_wait3A_600 : memref<128x128xf32, #tpu.memory_space<vmem>>)
        tpu.yield
      }) : () -> ()
      %run_scoped3A_570 = arith.constant 0 : i32
      %run_scoped3A_571 = arith.constant 0 : i32
      "tpu.region"() ({
        %run_scoped3A_586 = tpu.sem_alloc : memref<!tpu.dma_semaphore, #tpu.memory_space<semaphore_mem>>
        %dma_start3A_587 = arith.constant 0 : i32
        %dma_start3A_588 = arith.constant 0 : i32
        %dma_start3A_589 = tpu.memref_slice %arg8[%run_scoped3A_570, %dma_start3A_587, %dma_start3A_588] : memref<2x128x128xf32, #tpu.memory_space<vmem>> -> memref<1x128x128xf32, #tpu.memory_space<vmem>>
        %dma_start3A_590 = tpu.memref_squeeze %dma_start3A_589 : memref<1x128x128xf32, #tpu.memory_space<vmem>> -> memref<128x128xf32, #tpu.memory_space<vmem>>
        %dma_start3A_591 = arith.constant 0 : i32
        %dma_start3A_592 = tpu.memref_slice %arg7[%run_scoped3A_571, %dma_start3A_591] : memref<6x128xi32, #tpu.memory_space<vmem>> -> memref<1x128xi32, #tpu.memory_space<vmem>>
        %dma_start3A_593 = tpu.memref_squeeze %dma_start3A_592 : memref<1x128xi32, #tpu.memory_space<vmem>> -> memref<128xi32, #tpu.memory_space<vmem>>
        %dma_start3A_594 = arith.constant 0 : i32
        %dma_start3A_595 = arith.constant 0 : i32
        %dma_start3A_596 = tpu.memref_slice %arg19[%dma_start3A_594, %dma_start3A_595] : memref<10240x128xf32, #tpu.memory_space<vmem_shared>> -> memref<10240x128xf32, #tpu.memory_space<vmem_shared>>
        tpu.enqueue_indirect_dma source(%dma_start3A_590 : memref<128x128xf32, #tpu.memory_space<vmem>>) target(%dma_start3A_596 : memref<10240x128xf32, #tpu.memory_space<vmem_shared>>) offsets(%dma_start3A_593 : memref<128xi32, #tpu.memory_space<vmem>>) semaphore(%run_scoped3A_586 : memref<!tpu.dma_semaphore, #tpu.memory_space<semaphore_mem>>) {add = true}
        %dma_wait3A_597 = arith.constant 0 : i32
        %dma_wait3A_598 = arith.constant 0 : i32
        %dma_wait3A_599 = tpu.memref_slice %arg8[%run_scoped3A_570, %dma_wait3A_597, %dma_wait3A_598] : memref<2x128x128xf32, #tpu.memory_space<vmem>> -> memref<1x128x128xf32, #tpu.memory_space<vmem>>
        %dma_wait3A_600 = tpu.memref_squeeze %dma_wait3A_599 : memref<1x128x128xf32, #tpu.memory_space<vmem>> -> memref<128x128xf32, #tpu.memory_space<vmem>>
        %dma_wait3A_601 = arith.constant 0 : i32
        %dma_wait3A_602 = tpu.memref_slice %arg7[%run_scoped3A_571, %dma_wait3A_601] : memref<6x128xi32, #tpu.memory_space<vmem>> -> memref<1x128xi32, #tpu.memory_space<vmem>>
        %dma_wait3A_603 = tpu.memref_squeeze %dma_wait3A_602 : memref<1x128xi32, #tpu.memory_space<vmem>> -> memref<128xi32, #tpu.memory_space<vmem>>
        %dma_wait3A_604 = arith.constant 0 : i32
        %dma_wait3A_605 = arith.constant 0 : i32
        %dma_wait3A_606 = tpu.memref_slice %arg19[%dma_wait3A_604, %dma_wait3A_605] : memref<10240x128xf32, #tpu.memory_space<vmem_shared>> -> memref<10240x128xf32, #tpu.memory_space<vmem_shared>>
        tpu.wait_indirect_dma semaphore(%run_scoped3A_586 : memref<!tpu.dma_semaphore, #tpu.memory_space<semaphore_mem>>) src(%dma_wait3A_600 : memref<128x128xf32, #tpu.memory_space<vmem>>) dst(%dma_wait3A_606 : memref<10240x128xf32, #tpu.memory_space<vmem_shared>>)
        tpu.yield
      }) : () -> ()
      %mul3A_572 = arith.constant 2 : i32
      %mul3A_573 = arith.muli %mul3A_572, %arg0 : i32
      %add3A_574 = arith.constant 2496 : i32
      %add3A_575 = arith.addi %add3A_574, %mul3A_573 : i32
      %add3A_576 = arith.constant 1 : i32
      %add3A_577 = arith.addi %add3A_575, %add3A_576 : i32
      %mul3A_578 = arith.constant 128 : i32
      %mul3A_579 = arith.muli %add3A_577, %mul3A_578 : i32
      %run_scoped3A_580 = arith.constant 0 : i32
      "tpu.region"() ({
        %run_scoped3A_586 = tpu.sem_alloc : memref<!tpu.dma_semaphore, #tpu.memory_space<semaphore_mem>>
        %dma_start3A_587 = arith.constant 0 : i32
        %dma_start3A_588 = tpu.memref_slice %arg6[%run_scoped3A_580, %dma_start3A_587] : memref<6x128xi32, #tpu.memory_space<vmem>> -> memref<1x128xi32, #tpu.memory_space<vmem>>
        %dma_start3A_589 = tpu.memref_squeeze %dma_start3A_588 : memref<1x128xi32, #tpu.memory_space<vmem>> -> memref<128xi32, #tpu.memory_space<vmem>>
        %dma_start3A_590 = tpu.memref_slice %arg3[%mul3A_579] : memref<320000xi32, #tpu.memory_space<hbm>> -> memref<128xi32, #tpu.memory_space<hbm>>
        %dma_start3A_591 = arith.constant 0 : i32
        %dma_start3A_592 = tpu.memref_slice %arg6[%run_scoped3A_580, %dma_start3A_591] : memref<6x128xi32, #tpu.memory_space<vmem>> -> memref<1x128xi32, #tpu.memory_space<vmem>>
        %dma_start3A_593 = tpu.memref_squeeze %dma_start3A_592 : memref<1x128xi32, #tpu.memory_space<vmem>> -> memref<128xi32, #tpu.memory_space<vmem>>
        %dma_start3A_594 = tpu.memref_slice %arg3[%mul3A_579] : memref<320000xi32, #tpu.memory_space<hbm>> -> memref<128xi32, #tpu.memory_space<hbm>>
        tpu.enqueue_dma source(%dma_start3A_594 : memref<128xi32, #tpu.memory_space<hbm>>) target(%dma_start3A_593 : memref<128xi32, #tpu.memory_space<vmem>>) target_semaphore(%run_scoped3A_586 : memref<!tpu.dma_semaphore, #tpu.memory_space<semaphore_mem>>)
        %dma_wait3A_595 = arith.constant 0 : i32
        %dma_wait3A_596 = tpu.memref_slice %arg6[%run_scoped3A_580, %dma_wait3A_595] : memref<6x128xi32, #tpu.memory_space<vmem>> -> memref<1x128xi32, #tpu.memory_space<vmem>>
        %dma_wait3A_597 = tpu.memref_squeeze %dma_wait3A_596 : memref<1x128xi32, #tpu.memory_space<vmem>> -> memref<128xi32, #tpu.memory_space<vmem>>
        %dma_wait3A_598 = tpu.memref_slice %arg3[%mul3A_579] : memref<320000xi32, #tpu.memory_space<hbm>> -> memref<128xi32, #tpu.memory_space<hbm>>
        %dma_wait3A_599 = arith.constant 0 : i32
        %dma_wait3A_600 = tpu.memref_slice %arg6[%run_scoped3A_580, %dma_wait3A_599] : memref<6x128xi32, #tpu.memory_space<vmem>> -> memref<1x128xi32, #tpu.memory_space<vmem>>
        %dma_wait3A_601 = tpu.memref_squeeze %dma_wait3A_600 : memref<1x128xi32, #tpu.memory_space<vmem>> -> memref<128xi32, #tpu.memory_space<vmem>>
        %dma_wait3A_602 = tpu.memref_slice %arg3[%mul3A_579] : memref<320000xi32, #tpu.memory_space<hbm>> -> memref<128xi32, #tpu.memory_space<hbm>>
        tpu.wait_dma2 semaphore(%run_scoped3A_586 : memref<!tpu.dma_semaphore, #tpu.memory_space<semaphore_mem>>) src(%dma_wait3A_602 : memref<128xi32, #tpu.memory_space<hbm>>) dst(%dma_wait3A_601 : memref<128xi32, #tpu.memory_space<vmem>>)
        tpu.yield
      }) : () -> ()
      %run_scoped3A_581 = arith.constant 0 : i32
      "tpu.region"() ({
        %run_scoped3A_586 = tpu.sem_alloc : memref<!tpu.dma_semaphore, #tpu.memory_space<semaphore_mem>>
        %dma_start3A_587 = arith.constant 0 : i32
        %dma_start3A_588 = tpu.memref_slice %arg7[%run_scoped3A_581, %dma_start3A_587] : memref<6x128xi32, #tpu.memory_space<vmem>> -> memref<1x128xi32, #tpu.memory_space<vmem>>
        %dma_start3A_589 = tpu.memref_squeeze %dma_start3A_588 : memref<1x128xi32, #tpu.memory_space<vmem>> -> memref<128xi32, #tpu.memory_space<vmem>>
        %dma_start3A_590 = tpu.memref_slice %arg4[%mul3A_579] : memref<320000xi32, #tpu.memory_space<hbm>> -> memref<128xi32, #tpu.memory_space<hbm>>
        %dma_start3A_591 = arith.constant 0 : i32
        %dma_start3A_592 = tpu.memref_slice %arg7[%run_scoped3A_581, %dma_start3A_591] : memref<6x128xi32, #tpu.memory_space<vmem>> -> memref<1x128xi32, #tpu.memory_space<vmem>>
        %dma_start3A_593 = tpu.memref_squeeze %dma_start3A_592 : memref<1x128xi32, #tpu.memory_space<vmem>> -> memref<128xi32, #tpu.memory_space<vmem>>
        %dma_start3A_594 = tpu.memref_slice %arg4[%mul3A_579] : memref<320000xi32, #tpu.memory_space<hbm>> -> memref<128xi32, #tpu.memory_space<hbm>>
        tpu.enqueue_dma source(%dma_start3A_594 : memref<128xi32, #tpu.memory_space<hbm>>) target(%dma_start3A_593 : memref<128xi32, #tpu.memory_space<vmem>>) target_semaphore(%run_scoped3A_586 : memref<!tpu.dma_semaphore, #tpu.memory_space<semaphore_mem>>)
        %dma_wait3A_595 = arith.constant 0 : i32
        %dma_wait3A_596 = tpu.memref_slice %arg7[%run_scoped3A_581, %dma_wait3A_595] : memref<6x128xi32, #tpu.memory_space<vmem>> -> memref<1x128xi32, #tpu.memory_space<vmem>>
        %dma_wait3A_597 = tpu.memref_squeeze %dma_wait3A_596 : memref<1x128xi32, #tpu.memory_space<vmem>> -> memref<128xi32, #tpu.memory_space<vmem>>
        %dma_wait3A_598 = tpu.memref_slice %arg4[%mul3A_579] : memref<320000xi32, #tpu.memory_space<hbm>> -> memref<128xi32, #tpu.memory_space<hbm>>
        %dma_wait3A_599 = arith.constant 0 : i32
        %dma_wait3A_600 = tpu.memref_slice %arg7[%run_scoped3A_581, %dma_wait3A_599] : memref<6x128xi32, #tpu.memory_space<vmem>> -> memref<1x128xi32, #tpu.memory_space<vmem>>
        %dma_wait3A_601 = tpu.memref_squeeze %dma_wait3A_600 : memref<1x128xi32, #tpu.memory_space<vmem>> -> memref<128xi32, #tpu.memory_space<vmem>>
        %dma_wait3A_602 = tpu.memref_slice %arg4[%mul3A_579] : memref<320000xi32, #tpu.memory_space<hbm>> -> memref<128xi32, #tpu.memory_space<hbm>>
        tpu.wait_dma2 semaphore(%run_scoped3A_586 : memref<!tpu.dma_semaphore, #tpu.memory_space<semaphore_mem>>) src(%dma_wait3A_602 : memref<128xi32, #tpu.memory_space<hbm>>) dst(%dma_wait3A_601 : memref<128xi32, #tpu.memory_space<vmem>>)
        tpu.yield
      }) : () -> ()
      %run_scoped3A_582 = arith.constant 0 : i32
      %run_scoped3A_583 = arith.constant 0 : i32
      "tpu.region"() ({
        %run_scoped3A_586 = tpu.sem_alloc : memref<!tpu.dma_semaphore, #tpu.memory_space<semaphore_mem>>
        %dma_start3A_587 = arith.constant 0 : i32
        %dma_start3A_588 = arith.constant 0 : i32
        %dma_start3A_589 = tpu.memref_slice %arg8[%run_scoped3A_583, %dma_start3A_587, %dma_start3A_588] : memref<2x128x128xf32, #tpu.memory_space<vmem>> -> memref<1x128x128xf32, #tpu.memory_space<vmem>>
        %dma_start3A_590 = tpu.memref_squeeze %dma_start3A_589 : memref<1x128x128xf32, #tpu.memory_space<vmem>> -> memref<128x128xf32, #tpu.memory_space<vmem>>
        %dma_start3A_591 = arith.constant 0 : i32
        %dma_start3A_592 = tpu.memref_slice %arg6[%run_scoped3A_582, %dma_start3A_591] : memref<6x128xi32, #tpu.memory_space<vmem>> -> memref<1x128xi32, #tpu.memory_space<vmem>>
        %dma_start3A_593 = tpu.memref_squeeze %dma_start3A_592 : memref<1x128xi32, #tpu.memory_space<vmem>> -> memref<128xi32, #tpu.memory_space<vmem>>
        %dma_start3A_594 = arith.constant 0 : i32
        %dma_start3A_595 = arith.constant 0 : i32
        %dma_start3A_596 = tpu.memref_slice %arg2[%dma_start3A_594, %dma_start3A_595] : memref<10240x128xf32, #tpu.memory_space<hbm>> -> memref<10240x128xf32, #tpu.memory_space<hbm>>
        tpu.enqueue_indirect_dma source(%dma_start3A_596 : memref<10240x128xf32, #tpu.memory_space<hbm>>) target(%dma_start3A_590 : memref<128x128xf32, #tpu.memory_space<vmem>>) offsets(%dma_start3A_593 : memref<128xi32, #tpu.memory_space<vmem>>) semaphore(%run_scoped3A_586 : memref<!tpu.dma_semaphore, #tpu.memory_space<semaphore_mem>>)
        %dma_wait3A_597 = arith.constant 0 : i32
        %dma_wait3A_598 = arith.constant 0 : i32
        %dma_wait3A_599 = tpu.memref_slice %arg8[%run_scoped3A_583, %dma_wait3A_597, %dma_wait3A_598] : memref<2x128x128xf32, #tpu.memory_space<vmem>> -> memref<1x128x128xf32, #tpu.memory_space<vmem>>
        %dma_wait3A_600 = tpu.memref_squeeze %dma_wait3A_599 : memref<1x128x128xf32, #tpu.memory_space<vmem>> -> memref<128x128xf32, #tpu.memory_space<vmem>>
        %dma_wait3A_601 = arith.constant 0 : i32
        %dma_wait3A_602 = tpu.memref_slice %arg6[%run_scoped3A_582, %dma_wait3A_601] : memref<6x128xi32, #tpu.memory_space<vmem>> -> memref<1x128xi32, #tpu.memory_space<vmem>>
        %dma_wait3A_603 = tpu.memref_squeeze %dma_wait3A_602 : memref<1x128xi32, #tpu.memory_space<vmem>> -> memref<128xi32, #tpu.memory_space<vmem>>
        %dma_wait3A_604 = arith.constant 0 : i32
        %dma_wait3A_605 = arith.constant 0 : i32
        %dma_wait3A_606 = tpu.memref_slice %arg2[%dma_wait3A_604, %dma_wait3A_605] : memref<10240x128xf32, #tpu.memory_space<hbm>> -> memref<10240x128xf32, #tpu.memory_space<hbm>>
        tpu.wait_indirect_dma semaphore(%run_scoped3A_586 : memref<!tpu.dma_semaphore, #tpu.memory_space<semaphore_mem>>) src(%dma_wait3A_606 : memref<10240x128xf32, #tpu.memory_space<hbm>>) dst(%dma_wait3A_600 : memref<128x128xf32, #tpu.memory_space<vmem>>)
        tpu.yield
      }) : () -> ()
      %run_scoped3A_584 = arith.constant 0 : i32
      %run_scoped3A_585 = arith.constant 0 : i32
      "tpu.region"() ({
        %run_scoped3A_586 = tpu.sem_alloc : memref<!tpu.dma_semaphore, #tpu.memory_space<semaphore_mem>>
        %dma_start3A_587 = arith.constant 0 : i32
        %dma_start3A_588 = arith.constant 0 : i32
        %dma_start3A_589 = tpu.memref_slice %arg8[%run_scoped3A_584, %dma_start3A_587, %dma_start3A_588] : memref<2x128x128xf32, #tpu.memory_space<vmem>> -> memref<1x128x128xf32, #tpu.memory_space<vmem>>
        %dma_start3A_590 = tpu.memref_squeeze %dma_start3A_589 : memref<1x128x128xf32, #tpu.memory_space<vmem>> -> memref<128x128xf32, #tpu.memory_space<vmem>>
        %dma_start3A_591 = arith.constant 0 : i32
        %dma_start3A_592 = tpu.memref_slice %arg7[%run_scoped3A_585, %dma_start3A_591] : memref<6x128xi32, #tpu.memory_space<vmem>> -> memref<1x128xi32, #tpu.memory_space<vmem>>
        %dma_start3A_593 = tpu.memref_squeeze %dma_start3A_592 : memref<1x128xi32, #tpu.memory_space<vmem>> -> memref<128xi32, #tpu.memory_space<vmem>>
        %dma_start3A_594 = arith.constant 0 : i32
        %dma_start3A_595 = arith.constant 0 : i32
        %dma_start3A_596 = tpu.memref_slice %arg19[%dma_start3A_594, %dma_start3A_595] : memref<10240x128xf32, #tpu.memory_space<vmem_shared>> -> memref<10240x128xf32, #tpu.memory_space<vmem_shared>>
        tpu.enqueue_indirect_dma source(%dma_start3A_590 : memref<128x128xf32, #tpu.memory_space<vmem>>) target(%dma_start3A_596 : memref<10240x128xf32, #tpu.memory_space<vmem_shared>>) offsets(%dma_start3A_593 : memref<128xi32, #tpu.memory_space<vmem>>) semaphore(%run_scoped3A_586 : memref<!tpu.dma_semaphore, #tpu.memory_space<semaphore_mem>>) {add = true}
        %dma_wait3A_597 = arith.constant 0 : i32
        %dma_wait3A_598 = arith.constant 0 : i32
        %dma_wait3A_599 = tpu.memref_slice %arg8[%run_scoped3A_584, %dma_wait3A_597, %dma_wait3A_598] : memref<2x128x128xf32, #tpu.memory_space<vmem>> -> memref<1x128x128xf32, #tpu.memory_space<vmem>>
        %dma_wait3A_600 = tpu.memref_squeeze %dma_wait3A_599 : memref<1x128x128xf32, #tpu.memory_space<vmem>> -> memref<128x128xf32, #tpu.memory_space<vmem>>
        %dma_wait3A_601 = arith.constant 0 : i32
        %dma_wait3A_602 = tpu.memref_slice %arg7[%run_scoped3A_585, %dma_wait3A_601] : memref<6x128xi32, #tpu.memory_space<vmem>> -> memref<1x128xi32, #tpu.memory_space<vmem>>
        %dma_wait3A_603 = tpu.memref_squeeze %dma_wait3A_602 : memref<1x128xi32, #tpu.memory_space<vmem>> -> memref<128xi32, #tpu.memory_space<vmem>>
        %dma_wait3A_604 = arith.constant 0 : i32
        %dma_wait3A_605 = arith.constant 0 : i32
        %dma_wait3A_606 = tpu.memref_slice %arg19[%dma_wait3A_604, %dma_wait3A_605] : memref<10240x128xf32, #tpu.memory_space<vmem_shared>> -> memref<10240x128xf32, #tpu.memory_space<vmem_shared>>
        tpu.wait_indirect_dma semaphore(%run_scoped3A_586 : memref<!tpu.dma_semaphore, #tpu.memory_space<semaphore_mem>>) src(%dma_wait3A_600 : memref<128x128xf32, #tpu.memory_space<vmem>>) dst(%dma_wait3A_606 : memref<10240x128xf32, #tpu.memory_space<vmem_shared>>)
        tpu.yield
      }) : () -> ()
    } else {
    }
    %barrier3A_554 = arith.constant 0 : index
    tpu.barrier barrier_id(%barrier3A_554)
    %mul3A_555 = arith.constant 640 : i32
    %mul3A_556 = arith.muli %arg1, %mul3A_555 : i32
    %mul3A_557 = arith.constant 640 : i32
    %mul3A_558 = arith.muli %arg1, %mul3A_557 : i32
    "tpu.region"() ({
      %run_scoped3A = tpu.sem_alloc : memref<!tpu.dma_semaphore, #tpu.memory_space<semaphore_mem>>
      %dma_start3A_559 = arith.constant 0 : i32
      %dma_start3A_560 = arith.constant 0 : i32
      %dma_start3A_561 = tpu.memref_slice %arg5[%arg0, %dma_start3A_559, %dma_start3A_560] : memref<2x10240x128xf32, #tpu.memory_space<hbm>> -> memref<1x10240x128xf32, #tpu.memory_space<hbm>>
      %dma_start3A_562 = tpu.memref_squeeze %dma_start3A_561 : memref<1x10240x128xf32, #tpu.memory_space<hbm>> -> memref<10240x128xf32, #tpu.memory_space<hbm>>
      %dma_start3A_563 = arith.constant 0 : i32
      %dma_start3A_564 = tpu.memref_slice %dma_start3A_562[%mul3A_558, %dma_start3A_563] : memref<10240x128xf32, #tpu.memory_space<hbm>> -> memref<640x128xf32, #tpu.memory_space<hbm>>
      %dma_start3A_565 = arith.constant 0 : i32
      %dma_start3A_566 = tpu.memref_slice %arg19[%mul3A_556, %dma_start3A_565] : memref<10240x128xf32, #tpu.memory_space<vmem_shared>> -> memref<640x128xf32, #tpu.memory_space<vmem_shared>>
      tpu.enqueue_dma source(%dma_start3A_566 : memref<640x128xf32, #tpu.memory_space<vmem_shared>>) target(%dma_start3A_564 : memref<640x128xf32, #tpu.memory_space<hbm>>) target_semaphore(%run_scoped3A : memref<!tpu.dma_semaphore, #tpu.memory_space<semaphore_mem>>)
      %dma_wait3A_567 = arith.constant 0 : i32
      %dma_wait3A_568 = arith.constant 0 : i32
      %dma_wait3A_569 = tpu.memref_slice %arg5[%arg0, %dma_wait3A_567, %dma_wait3A_568] : memref<2x10240x128xf32, #tpu.memory_space<hbm>> -> memref<1x10240x128xf32, #tpu.memory_space<hbm>>
      %dma_wait3A_570 = tpu.memref_squeeze %dma_wait3A_569 : memref<1x10240x128xf32, #tpu.memory_space<hbm>> -> memref<10240x128xf32, #tpu.memory_space<hbm>>
      %dma_wait3A_571 = arith.constant 0 : i32
      %dma_wait3A_572 = tpu.memref_slice %dma_wait3A_570[%mul3A_558, %dma_wait3A_571] : memref<10240x128xf32, #tpu.memory_space<hbm>> -> memref<640x128xf32, #tpu.memory_space<hbm>>
      %dma_wait3A_573 = arith.constant 0 : i32
      %dma_wait3A_574 = tpu.memref_slice %arg19[%mul3A_556, %dma_wait3A_573] : memref<10240x128xf32, #tpu.memory_space<vmem_shared>> -> memref<640x128xf32, #tpu.memory_space<vmem_shared>>
      tpu.wait_dma2 semaphore(%run_scoped3A : memref<!tpu.dma_semaphore, #tpu.memory_space<semaphore_mem>>) src(%dma_wait3A_574 : memref<640x128xf32, #tpu.memory_space<vmem_shared>>) dst(%dma_wait3A_572 : memref<640x128xf32, #tpu.memory_space<hbm>>)
      tpu.yield
    }) : () -> ()
    return
  }
}

module attributes {stable_mosaic.version = 14 : i64} {
  func.func @_split_body(%arg0: i32, %arg1: memref<2x32768xi32, #tpu.memory_space<vmem>>, %arg2: memref<32768xi32, #tpu.memory_space<vmem>>, %arg3: memref<32768xi32, #tpu.memory_space<vmem>>) attributes {dimension_semantics = [#tpu.dimension_semantics<arbitrary>], iteration_bounds = array<i64: 10>, scalar_prefetch = 0 : i64, scratch_operands = 0 : i64, tpu.core_type = #tpu.core_type<tc>, window_params = [{transform_indices = @transform_0, window_bounds = array<i64: 2, 32768>}, {transform_indices = @transform_1, window_bounds = array<i64: 32768>}, {transform_indices = @transform_2, window_bounds = array<i64: 32768>}]} {
    %get3A = arith.constant 0 : index
    %get3A_0 = arith.constant 0 : index
    %get3A_1 = vector.load %arg1[%get3A, %get3A_0] : memref<2x32768xi32, #tpu.memory_space<vmem>>, vector<1x32768xi32>
    %get3A_2 = vector.shape_cast %get3A_1 : vector<1x32768xi32> to vector<32768xi32>
    %swap3A = arith.constant 0 : index
    %swap3A_3 = vector.load %arg2[%swap3A] : memref<32768xi32, #tpu.memory_space<vmem>>, vector<32768xi32>
    tpu.vector_store %arg2[%swap3A], %get3A_2 {strides = array<i32>} : memref<32768xi32, #tpu.memory_space<vmem>>, vector<32768xi32>,
    %get3A_4 = arith.constant 1 : index
    %get3A_5 = arith.constant 0 : index
    %get3A_6 = vector.load %arg1[%get3A_4, %get3A_5] : memref<2x32768xi32, #tpu.memory_space<vmem>>, vector<1x32768xi32>
    %get3A_7 = vector.shape_cast %get3A_6 : vector<1x32768xi32> to vector<32768xi32>
    %swap3A_8 = arith.constant 0 : index
    %swap3A_9 = vector.load %arg3[%swap3A_8] : memref<32768xi32, #tpu.memory_space<vmem>>, vector<32768xi32>
    tpu.vector_store %arg3[%swap3A_8], %get3A_7 {strides = array<i32>} : memref<32768xi32, #tpu.memory_space<vmem>>, vector<32768xi32>,
    return
  }
  func.func @transform_0(%arg0: i32) -> (i32, i32) {
    %c0_i32 = arith.constant 0 : i32
    %c0_i32_0 = arith.constant 0 : i32
    return %c0_i32, %arg0 : i32, i32
  }
  func.func @transform_1(%arg0: i32) -> i32 {
    %c0_i32 = arith.constant 0 : i32
    return %arg0 : i32
  }
  func.func @transform_2(%arg0: i32) -> i32 {
    %c0_i32 = arith.constant 0 : i32
    return %arg0 : i32
  }
}

module attributes {stable_mosaic.version = 14 : i64} {
  func.func @_fin_body(%arg0: i32, %arg1: memref<2x2000x128xf32, #tpu.memory_space<vmem>>, %arg2: memref<2000x128xf32, #tpu.memory_space<vmem>>, %arg3: memref<2000x1xf32, #tpu.memory_space<vmem>>, %arg4: memref<1x128xf32, #tpu.memory_space<vmem>>, %arg5: memref<2000x128xf32, #tpu.memory_space<vmem>>) attributes {dimension_semantics = [#tpu.dimension_semantics<arbitrary>], iteration_bounds = array<i64: 5>, scalar_prefetch = 0 : i64, scratch_operands = 0 : i64, tpu.core_type = #tpu.core_type<tc>, window_params = [{transform_indices = @transform_0, window_bounds = array<i64: 2, 2000, 128>}, {transform_indices = @transform_1, window_bounds = array<i64: 2000, 128>}, {transform_indices = @transform_2, window_bounds = array<i64: 2000, 1>}, {pipeline_mode = #tpu.pipeline_mode<synchronous>, transform_indices = @transform_3, window_bounds = array<i64: 1, 128>}, {transform_indices = @transform_4, window_bounds = array<i64: 2000, 128>}]} {
    %get3A = arith.constant 0 : index
    %get3A_0 = arith.constant 0 : index
    %get3A_1 = arith.constant 0 : index
    %get3A_2 = vector.load %arg1[%get3A, %get3A_0, %get3A_1] : memref<2x2000x128xf32, #tpu.memory_space<vmem>>, vector<1x2000x128xf32>
    %get3A_3 = vector.shape_cast %get3A_2 : vector<1x2000x128xf32> to vector<2000x128xf32>
    %get3A_4 = arith.constant 1 : index
    %get3A_5 = arith.constant 0 : index
    %get3A_6 = arith.constant 0 : index
    %get3A_7 = vector.load %arg1[%get3A_4, %get3A_5, %get3A_6] : memref<2x2000x128xf32, #tpu.memory_space<vmem>>, vector<1x2000x128xf32>
    %get3A_8 = vector.shape_cast %get3A_7 : vector<1x2000x128xf32> to vector<2000x128xf32>
    %add3A = arith.addf %get3A_3, %get3A_8 : vector<2000x128xf32>
    %get3A_9 = arith.constant 0 : index
    %get3A_10 = arith.constant 0 : index
    %get3A_11 = vector.load %arg2[%get3A_9, %get3A_10] : memref<2000x128xf32, #tpu.memory_space<vmem>>, vector<2000x128xf32>
    %sub3A = arith.subf %add3A, %get3A_11 : vector<2000x128xf32>
    %get3A_12 = arith.constant 0 : index
    %get3A_13 = arith.constant 0 : index
    %get3A_14 = vector.load %arg3[%get3A_12, %get3A_13] : memref<2000x1xf32, #tpu.memory_space<vmem>>, vector<2000x1xf32>
    %mul3A = vector.broadcast %get3A_14 : vector<2000x1xf32> to vector<2000x128xf32>
    %mul3A_15 = arith.mulf %sub3A, %mul3A : vector<2000x128xf32>
    %get3A_16 = arith.constant 0 : index
    %get3A_17 = arith.constant 0 : index
    %get3A_18 = vector.load %arg4[%get3A_16, %get3A_17] : memref<1x128xf32, #tpu.memory_space<vmem>>, vector<1x128xf32>
    %add3A_19 = vector.broadcast %get3A_18 : vector<1x128xf32> to vector<2000x128xf32>
    %add3A_20 = arith.addf %mul3A_15, %add3A_19 : vector<2000x128xf32>
    %max3A = arith.constant 0.000000e+00 : f32
    %max3A_21 = vector.broadcast %max3A : f32 to vector<2000x128xf32>
    %max3A_22 = arith.maximumf %add3A_20, %max3A_21 : vector<2000x128xf32>
    %swap3A = arith.constant 0 : index
    %swap3A_23 = arith.constant 0 : index
    %swap3A_24 = vector.load %arg5[%swap3A, %swap3A_23] : memref<2000x128xf32, #tpu.memory_space<vmem>>, vector<2000x128xf32>
    tpu.vector_store %arg5[%swap3A, %swap3A_23], %max3A_22 {strides = array<i32>} : memref<2000x128xf32, #tpu.memory_space<vmem>>, vector<2000x128xf32>,
    return
  }
  func.func @transform_0(%arg0: i32) -> (i32, i32, i32) {
    %c0_i32 = arith.constant 0 : i32
    %c0_i32_0 = arith.constant 0 : i32
    %c0_i32_1 = arith.constant 0 : i32
    return %c0_i32, %arg0, %c0_i32_0 : i32, i32, i32
  }
  func.func @transform_1(%arg0: i32) -> (i32, i32) {
    %c0_i32 = arith.constant 0 : i32
    %c0_i32_0 = arith.constant 0 : i32
    return %arg0, %c0_i32 : i32, i32
  }
  func.func @transform_2(%arg0: i32) -> (i32, i32) {
    %c0_i32 = arith.constant 0 : i32
    %c0_i32_0 = arith.constant 0 : i32
    return %arg0, %c0_i32 : i32, i32
  }
  func.func @transform_3(%arg0: i32) -> (i32, i32) {
    %c0_i32 = arith.constant 0 : i32
    %c0_i32_0 = arith.constant 0 : i32
    %c0_i32_1 = arith.constant 0 : i32
    return %c0_i32, %c0_i32_0 : i32, i32
  }
  func.func @transform_4(%arg0: i32) -> (i32, i32) {
    %c0_i32 = arith.constant 0 : i32
    %c0_i32_0 = arith.constant 0 : i32
    return %arg0, %c0_i32 : i32, i32
  }
}

module attributes {stable_mosaic.version = 14 : i64} {
  func.func @_scale_body(%arg0: i32, %arg1: memref<1280x128xf32, #tpu.memory_space<vmem>>, %arg2: memref<2x1280xf32, #tpu.memory_space<vmem>>, %arg3: memref<1280x128xf32, #tpu.memory_space<vmem>>, %arg4: memref<1280x1xf32, #tpu.memory_space<vmem>>) attributes {dimension_semantics = [#tpu.dimension_semantics<arbitrary>], iteration_bounds = array<i64: 8>, scalar_prefetch = 0 : i64, scratch_operands = 0 : i64, tpu.core_type = #tpu.core_type<tc>, window_params = [{transform_indices = @transform_0, window_bounds = array<i64: 1280, 128>}, {transform_indices = @transform_1, window_bounds = array<i64: 2, 1280>}, {transform_indices = @transform_2, window_bounds = array<i64: 1280, 128>}, {transform_indices = @transform_3, window_bounds = array<i64: 1280, 1>}]} {
    %get3A = arith.constant 0 : index
    %get3A_0 = arith.constant 0 : index
    %get3A_1 = vector.load %arg2[%get3A, %get3A_0] : memref<2x1280xf32, #tpu.memory_space<vmem>>, vector<1x1280xf32>
    %get3A_2 = vector.shape_cast %get3A_1 : vector<1x1280xf32> to vector<1280xf32>
    %get3A_3 = arith.constant 1 : index
    %get3A_4 = arith.constant 0 : index
    %get3A_5 = vector.load %arg2[%get3A_3, %get3A_4] : memref<2x1280xf32, #tpu.memory_space<vmem>>, vector<1x1280xf32>
    %get3A_6 = vector.shape_cast %get3A_5 : vector<1x1280xf32> to vector<1280xf32>
    %add3A = arith.addf %get3A_2, %get3A_6 : vector<1280xf32>
    %add3A_7 = arith.constant 1.000000e+00 : f32
    %add3A_8 = vector.broadcast %add3A_7 : f32 to vector<1280xf32>
    %add3A_9 = arith.addf %add3A, %add3A_8 : vector<1280xf32>
    %rsqrt3A = math.rsqrt %add3A_9 : vector<1280xf32>
    %broadcast_in_dim3A = vector.shape_cast %rsqrt3A : vector<1280xf32> to vector<1280x1xf32>
    %get3A_10 = arith.constant 0 : index
    %get3A_11 = arith.constant 0 : index
    %get3A_12 = vector.load %arg1[%get3A_10, %get3A_11] : memref<1280x128xf32, #tpu.memory_space<vmem>>, vector<1280x128xf32>
    %mul3A = vector.broadcast %broadcast_in_dim3A : vector<1280x1xf32> to vector<1280x128xf32>
    %mul3A_13 = arith.mulf %get3A_12, %mul3A : vector<1280x128xf32>
    %swap3A = arith.constant 0 : index
    %swap3A_14 = arith.constant 0 : index
    %swap3A_15 = vector.load %arg3[%swap3A, %swap3A_14] : memref<1280x128xf32, #tpu.memory_space<vmem>>, vector<1280x128xf32>
    tpu.vector_store %arg3[%swap3A, %swap3A_14], %mul3A_13 {strides = array<i32>} : memref<1280x128xf32, #tpu.memory_space<vmem>>, vector<1280x128xf32>,
    %swap3A_16 = arith.constant 0 : index
    %swap3A_17 = arith.constant 0 : index
    %swap3A_18 = vector.load %arg4[%swap3A_16, %swap3A_17] : memref<1280x1xf32, #tpu.memory_space<vmem>>, vector<1280x1xf32>
    tpu.vector_store %arg4[%swap3A_16, %swap3A_17], %broadcast_in_dim3A {strides = array<i32>} : memref<1280x1xf32, #tpu.memory_space<vmem>>, vector<1280x1xf32>,
    return
  }
  func.func @transform_0(%arg0: i32) -> (i32, i32) {
    %c0_i32 = arith.constant 0 : i32
    %c0_i32_0 = arith.constant 0 : i32
    return %arg0, %c0_i32 : i32, i32
  }
  func.func @transform_1(%arg0: i32) -> (i32, i32) {
    %c0_i32 = arith.constant 0 : i32
    %c0_i32_0 = arith.constant 0 : i32
    return %c0_i32, %arg0 : i32, i32
  }
  func.func @transform_2(%arg0: i32) -> (i32, i32) {
    %c0_i32 = arith.constant 0 : i32
    %c0_i32_0 = arith.constant 0 : i32
    return %arg0, %c0_i32 : i32, i32
  }
  func.func @transform_3(%arg0: i32) -> (i32, i32) {
    %c0_i32 = arith.constant 0 : i32
    %c0_i32_0 = arith.constant 0 : i32
    return %arg0, %c0_i32 : i32, i32
  }
}

module attributes {stable_mosaic.version = 14 : i64} {
  func.func @_xw_body(%arg0: i32, %arg1: memref<1280x128xf32, #tpu.memory_space<vmem>>, %arg2: memref<128x128xf32, #tpu.memory_space<vmem>>, %arg3: memref<1280x128xf32, #tpu.memory_space<vmem>>) attributes {dimension_semantics = [#tpu.dimension_semantics<arbitrary>], iteration_bounds = array<i64: 8>, scalar_prefetch = 0 : i64, scratch_operands = 0 : i64, tpu.core_type = #tpu.core_type<tc>, window_params = [{transform_indices = @transform_0, window_bounds = array<i64: 1280, 128>}, {pipeline_mode = #tpu.pipeline_mode<synchronous>, transform_indices = @transform_1, window_bounds = array<i64: 128, 128>}, {transform_indices = @transform_2, window_bounds = array<i64: 1280, 128>}]} {
    %get3A = arith.constant 0 : index
    %get3A_0 = arith.constant 0 : index
    %get3A_1 = vector.load %arg1[%get3A, %get3A_0] : memref<1280x128xf32, #tpu.memory_space<vmem>>, vector<1280x128xf32>
    %get3A_2 = arith.constant 0 : index
    %get3A_3 = arith.constant 0 : index
    %get3A_4 = vector.load %arg2[%get3A_2, %get3A_3] : memref<128x128xf32, #tpu.memory_space<vmem>>, vector<128x128xf32>
    %dot_general3A = arith.constant dense<0.000000e+00> : vector<1280x128xf32>
    %dot_general3A_5 = tpu.matmul %get3A_1, %get3A_4, %dot_general3A {dimension_numbers = #tpu.dot_dimension_numbers<[1], [0], [0], [1], [0, 0, 1, 1], [], []>, transpose_lhs_hint = false} : vector<1280x128xf32>, vector<128x128xf32>, vector<1280x128xf32> -> vector<1280x128xf32>
    %swap3A = arith.constant 0 : index
    %swap3A_6 = arith.constant 0 : index
    %swap3A_7 = vector.load %arg3[%swap3A, %swap3A_6] : memref<1280x128xf32, #tpu.memory_space<vmem>>, vector<1280x128xf32>
    tpu.vector_store %arg3[%swap3A, %swap3A_6], %dot_general3A_5 {strides = array<i32>} : memref<1280x128xf32, #tpu.memory_space<vmem>>, vector<1280x128xf32>,
    return
  }
  func.func @transform_0(%arg0: i32) -> (i32, i32) {
    %c0_i32 = arith.constant 0 : i32
    %c0_i32_0 = arith.constant 0 : i32
    return %arg0, %c0_i32 : i32, i32
  }
  func.func @transform_1(%arg0: i32) -> (i32, i32) {
    %c0_i32 = arith.constant 0 : i32
    %c0_i32_0 = arith.constant 0 : i32
    %c0_i32_1 = arith.constant 0 : i32
    return %c0_i32, %c0_i32_0 : i32, i32
  }
  func.func @transform_2(%arg0: i32) -> (i32, i32) {
    %c0_i32 = arith.constant 0 : i32
    %c0_i32_0 = arith.constant 0 : i32
    return %arg0, %c0_i32 : i32, i32
  }
}

</mosaic_0001>

<sc_bundles>
// kernel: kernel.11.cloned.1.call-start
scs
__scs_entry_jumppad:
0x0: {  	(pc) =	sbr.rel $0x88, $3  }
0x1: {  	(tag) =	ssettag $0x0;
	lr =	simm.s32 $0x1  }
0x2: {  	[smem:$0x3F9D] =	sst lr;
	_ =	strace $0xD0000000  }
0x3: {  	_ = 	snop  }
0x4: {  	_ = 	snop  }
0x5: {  	_ = 	snop  }
0x6: {  	_ = 	snop  }
0x7: {  	_ = 	snop  }
__scs_overlays_trampoline_lowered:
0x8: {  	[smem:$0x3FAC] =	sst s0  }
0x9: {  	[smem:$0x3FAD] =	sst s1  }
0xa: {  	[smem:$0x3FAE] =	sst s2  }
0xb: {  	[smem:$0x3FAF] =	sst s3  }
0xc: {  	[smem:$0x3FB0] =	sst s4  }
0xd: {  	[smem:$0x3FB1] =	sst s5  }
0xe: {  	[smem:$0x3FB2] =	sst s6  }
0xf: {  	[smem:$0x3FB3] =	sst s7  }
0x10: {  	[smem:$0x3FB4] =	sst s8  }
0x11: {  	[smem:$0x3FB5] =	sst s9;
	s0 =	simm.s32 @!p0 $0x0  }
0x12: {  	s1 =	sld [smem:$0x3F9B];
	s0 =	simm.s32 @p0 $0x1  }
0x13: {  	[smem:$0x3FB6] =	sst s0;
	s0 =	simm.s32 @!p1 $0x0  }
0x14: {  	s2 =	sld [smem:$0x3F9A];
	s0 =	simm.s32 @p1 $0x1  }
0x15: {  	[smem:$0x3FB7] =	sst s0;
	s0 =	simm.s32 @!p2 $0x0  }
0x16: {  	s3 =	sld [smem:$0x3FDB];
	s0 =	simm.s32 @p2 $0x1  }
0x17: {  	s4 =	simm.s32 $0x1BF5;
	[smem:$0x3FB9] =	sst s0  }
0x18: {  	s0 =	sld [smem:$0x3F9C];
	_ =	swait.ge [sflag:s4], $0x0  }
0x19: {  	s7 =	sld [smem:$0x3F9D]  }
0x1a: {  	s8 =	sadd.s32 $0xFFFFE003, lr  }
0x1b: {  	s9 =	sadd.s32 $0xFFFFFEF7, lr;
	s5 =	simm.s32 $0xFFFFFFFF;
	p2 =	slt.u32 s8, $0xFFFFF086  }
0x1c: {  	p1 =	slt.u32 s9, $0xF7A;
	s5 =	simm.s32 @!p2 $0x0  }
0x1d: {  	s5 =	simm.s32 @p1 $0x1;
	p0 =	seq.s32 s7, s2  }
0x1e: {  	s7 =	smul.u32 @!p0 $0xF7A, s2;
	p2 =	seq.s32 @!p0 s5, $0x0  }
0x1f: {  	s9 =	smul.u32 $0xF7A, s1;
	s8 =	simm.s32 @!p0 $0x1BF5;
	p2 =	por !p2, p0  }
0x20: {  	[sflag:s8] =	ssyncset.s32 @!p0 $0xFFFFF086;
	s6 =	sadd.s32 @!p0 s3, s7;
	s7 =	simm.s32 @!p0 $0x108  }
0x21: {  	s3 =	sadd.s32 s3, s9;
	s6 =	sadd.s32 @!p0 $0x88, s6;
	s7 =	simm.s32 @p2 $0x1082  }
0x22: {  	[simem:s7], [sflag:s8] =	dma.local @!p0 [hbm:s6], $0xF7A  }
0x23: {  	s9 =	sor.u32 $0xD0000000, s2;
	s6 =	simm.s32 $0x108;
	_ =	swait.ge @!p0 [sflag:s8], $0x0  }
0x24: {  	s3 =	sadd.s32 $0x88, s3;
	s6 =	simm.s32 @!p1 $0x1082;
	[sflag:s4] =	ssyncset.s32 $0xFFFFF086  }
0x25: {  	[simem:s6], [sflag:s4] =	dma.local [hbm:s3], $0xF7A  }
0x26: {  	[smem:$0x3F9D] =	sst s1;
	(tag) =	ssettag s2;
	_ =	strace s9  }
0x27: {  	s1 =	sld [smem:$0x3FAD]  }
0x28: {  	s2 =	sld [smem:$0x3FAE]  }
0x29: {  	s4 =	sld [smem:$0x3FB0]  }
0x2a: {  	p0 =	seq.s32 s5, $0x0;
	s5 =	sld [smem:$0x3FB1]  }
0x2b: {  	s6 =	sld [smem:$0x3FB2]  }
0x2c: {  	s7 =	sld [smem:$0x3FB3]  }
0x2d: {  	s3 =	simm.s32 $0x108;
	s8 =	sld [smem:$0x3FB4]  }
0x2e: {  	s3 =	simm.s32 @!p0 $0x1082;
	s9 =	sld [smem:$0x3FB5]  }
0x2f: {  	lr =	sadd.s32 s0, s3;
	s0 =	sld [smem:$0x3FAC]  }
0x30: {  	s3 =	sld [smem:$0x3FAF]  }
0x31: {  	[smem:$0x3FB8] =	sst s10  }
0x32: {  	s10 =	sld [smem:$0x3FB6];
	_ =	sdelay $0x3  }
0x33: {  	p0 =	seq.s32 s10, $0x1;
	s10 =	sld [smem:$0x3FB8];
	_ =	sdelay $0x3  }
0x34: {  	[smem:$0x3FB8] =	sst s10  }
0x35: {  	s10 =	sld [smem:$0x3FB7];
	_ =	sdelay $0x3  }
0x36: {  	p1 =	seq.s32 s10, $0x1;
	s10 =	sld [smem:$0x3FB8];
	_ =	sdelay $0x3  }
0x37: {  	[smem:$0x3FB8] =	sst s10  }
0x38: {  	s10 =	sld [smem:$0x3FB9]  }
0x39: {  	_ = 	snop;
	(pc) =	sbr.ind lr, $3  }
0x3a: {  	_ = 	snop  }
0x3b: {  	_ = 	snop  }
0x3c: {  	p2 =	seq.s32 s10, $0x1;
	s10 =	sld [smem:$0x3FB8]  }
0x3d: {  	_ =	shalt  }
0x3e: {  	_ =	shalt  }
0x3f: {  	_ =	shalt  }
0x40: {  	_ =	shalt  }
0x41: {  	_ =	shalt  }
0x42: {  	_ =	shalt  }
0x43: {  	_ =	shalt  }
0x44: {  	_ =	shalt  }
0x45: {  	_ =	shalt  }
0x46: {  	_ =	shalt  }
0x47: {  	_ =	shalt  }
0x48: {  	_ =	shalt  }
0x49: {  	_ =	shalt  }
0x4a: {  	_ =	shalt  }
0x4b: {  	_ =	shalt  }
0x4c: {  	_ =	shalt  }
0x4d: {  	_ =	shalt  }
0x4e: {  	_ =	shalt  }
0x4f: {  	_ =	shalt  }
0x50: {  	_ =	shalt  }
0x51: {  	_ =	shalt  }
0x52: {  	_ =	shalt  }
0x53: {  	_ =	shalt  }
0x54: {  	_ =	shalt  }
0x55: {  	_ =	shalt  }
0x56: {  	_ =	shalt  }
0x57: {  	_ =	shalt  }
0x58: {  	_ =	shalt  }
0x59: {  	_ =	shalt  }
0x5a: {  	_ =	shalt  }
0x5b: {  	_ =	shalt  }
0x5c: {  	_ =	shalt  }
0x5d: {  	_ =	shalt  }
0x5e: {  	_ =	shalt  }
0x5f: {  	_ =	shalt  }
0x60: {  	_ =	shalt  }
0x61: {  	_ =	shalt  }
0x62: {  	_ =	shalt  }
0x63: {  	_ =	shalt  }
0x64: {  	_ =	shalt  }
0x65: {  	_ =	shalt  }
0x66: {  	_ =	shalt  }
0x67: {  	_ =	shalt  }
0x68: {  	_ =	shalt  }
0x69: {  	_ =	shalt  }
0x6a: {  	_ =	shalt  }
0x6b: {  	_ =	shalt  }
0x6c: {  	_ =	shalt  }
0x6d: {  	_ =	shalt  }
0x6e: {  	_ =	shalt  }
0x6f: {  	_ =	shalt  }
0x70: {  	_ =	shalt  }
0x71: {  	_ =	shalt  }
0x72: {  	_ =	shalt  }
0x73: {  	_ =	shalt  }
0x74: {  	_ =	shalt  }
0x75: {  	_ =	shalt  }
0x76: {  	_ =	shalt  }
0x77: {  	_ =	shalt  }
0x78: {  	_ =	shalt  }
0x79: {  	_ =	shalt  }
0x7a: {  	_ =	shalt  }
0x7b: {  	_ =	shalt  }
0x7c: {  	_ =	shalt  }
0x7d: {  	_ =	shalt  }
0x7e: {  	_ =	shalt  }
0x7f: {  	_ =	shalt  }
0x80: {  	_ =	shalt  }
0x81: {  	_ =	shalt  }
0x82: {  	_ =	shalt  }
0x83: {  	_ =	shalt  }
0x84: {  	_ =	shalt  }
0x85: {  	_ =	shalt  }
0x86: {  	_ =	shalt  }
0x87: {  	_ =	shalt  }
.Lfunc_end0:
.L_simem_size_0:
called_computation.1_lowered:
.L_overlay_start_0:
0x88: {  	s2 =	sld [smem:$0x3FD9]  }
0x89: {  	s3 =	sld [smem:$0x3FFE];
	_ =	sdelay $0x1  }
0x8a: {  	s1 =	srdreg.scid  }
0x8b: {  	s0 =	sand.u32 $0x1, s1  }
0x8c: {  	s17 =	sshll.u32 s0, $0xA;
	s2 =	sadd.s32 s3, s2  }
0x8d: {  	s2 =	sadd.s32 s2, s17  }
0x8e: {  	[smem:$0x3FC4] =	sst s2  }
0x8f: {  	_ = 	snop  }
0x90: {  	s2 =	sld [smem:$0x3FD0];
	(tm) =	ssettm $0x1  }
0x91: {  	s18 =	sld [smem:$0x3FFB];
	_ =	sdelay $0x3  }
0x92: {  	_ =	strace s18  }
0x93: {  	s3 =	sld [smem:$0x3FFC];
	_ =	sdelay $0x3  }
0x94: {  	_ =	strace s3  }
0x95: {  	s3 =	sld [smem:$0x3FFD];
	_ =	sdelay $0x3  }
0x96: {  	_ =	strace s3  }
0x97: {  	_ =	strace $0x8FFFFFFF  }
0x98: {  	s19 =	sld [smem:$0x3FDB];
	_ =	sdelay $0x1  }
0x99: {  	s4 =	simm.s32 $_scs_section_size  }
0x9a: {  	s5 =	simm.s32 $_size__tile_overlayer_lowered;
	s6 =	simm.s32 $_tile_overlayer_lowered  }
0x9b: {  	s22 =	simm.s32 $0x1BFF;
	s21 =	sshll.u32 s6, $0x1;
	s3 =	sadd.s32 s4, s19  }
0x9c: {  	s7 =	simm.s32 $0x0;
	s20 =	sshll.u32 s5, $0x1;
	s5 =	sadd.s32 s21, s3  }
0x9d: {  	[timem:s7], [sflag:s22] =	dma.local [hbm:s5], s20  }
0x9e: {  	_ =	swait.ge [sflag:s22], s20  }
0x9f: {  	s4 =	ssub.s32 $0x0, s20;
	[sflag:s22] =	ssyncset.done $0x0  }
0xa0: {  	[sflag:s22] =	ssyncadd.s32 s4;
	_ =	sdelay $0x1  }
0xa1: {  	s23 =	simm.s32 $0x1B8B  }
0xa2: {  	_ =	swait.ge [sflag:s23], $0x1  }
0xa3: {  	[sflag:s23] =	ssyncset.done $0x0  }
0xa4: {  	s25 =	simm.s32 $0x1B8E;
	s24 =	sld [smem:$0x3FFE];
	[sflag:s23] =	ssyncadd.s32 $0xFFFFFFFF  }
0xa5: {  	s26 =	simm.s32 $execute0_lowered;
	[smem:$0x3FD2] =	sst s25  }
0xa6: {  	s5 =	sshll.u32 s26, $0x1;
	_ =	strace $0x80000049;
	[dreg:$0x1] =	wrdreg $0xFFFFFFFF  }
0xa7: {  	s28 =	simm.s32 $_size_execute0_lowered;
	s3 =	sadd.s32 s3, s5;
	[dreg:$0x0] =	wrdreg $0x0  }
0xa8: {  	s5 =	sshll.u32 s28, $0x1;
	[dreg:$0x2] =	wrdreg s3  }
0xa9: {  	[dreg:$0x3] =	wrdreg s5  }
0xaa: {  	[dreg:$0x4] =	wrdreg $0xC0  }
0xab: {  	_ =	task [dreg:s7], $0x5FFFF  }
0xac: {  	[dreg:$0x1] =	wrdreg $0xFFFFFFFF  }
0xad: {  	[dreg:$0x0] =	wrdreg $0x60  }
0xae: {  	[dreg:$0x2] =	wrdreg s24  }
0xaf: {  	[dreg:$0x3] =	wrdreg s2  }
0xb0: {  	[dreg:$0x4] =	wrdreg $0x88000  }
0xb1: {  	[dreg:$0x5] =	wrdreg $0x9  }
0xb2: {  	_ =	task.clear_ibuf [dreg:s7], $0x6FFFF;
	_ =	strace $0x90000049  }
0xb3: {  	s29 =	simm.s32 $0x9;
	_ =	strace $0x8000004B  }
0xb4: {  	_ =	swait.ge [sflag:s29], $0x1  }
0xb5: {  	[sflag:s29] =	ssyncadd.s32 $0xFFFFFFFF  }
0xb6: {  	_ =	strace $0x9000004B  }
0xb7: {  	_ =	sfence  }
0xb8: {  	s30 =	sld [smem:$0x0];
	_ =	sdelay $0x2  }
0xb9: {  	s31 =	sshll.u32 s1, $0xD;
	s1 =	sshrl.u32 s1, $0x2  }
0xba: {  	s3 =	sand.u32 $0x4000, s31;
	s1 =	sadd.s32 s1, s30  }
0xbb: {  	s0 =	sor.u32 s3, s0;
	s1 =	sshll.u32 s1, $0x11  }
0xbc: {  	s0 =	sor.u32 s1, s0  }
0xbd: {  	s0 =	sadd.s32 $0x8F2B, s0  }
0xbe: {  	[sflag:s0] =	ssyncadd.remote.s32 $0x1  }
0xbf: {  	_ =	sfence.sel $0xFFFF  }
0xc0: {  	[dreg:$0x0] =	wrdreg $0xFFFFFFFF;
	(pc) =	sbr.abs _section_cstart, $3  }
0xc1: {  	[dreg:$0x1] =	wrdreg $0xFFFFFFFF  }
0xc2: {  	_ =	task.clear_ibuf [dreg:s7], $0x2FFFF;
	_ =	strace $0x9FFFFFFF  }
0xc3: {  	(tm) =	ssettm $0x7FFFFFFF  }
tec
execute0_lowered:
.L_overlay_start_1:
0x0: {  	(tag) =	ssettag $0x1  }
0x1: {  	s7 =	rddreg [dreg:$0x0]  }
0x2: {  	s2 =	rddreg [dreg:$0x1]  }
0x3: {  	s5 =	rddreg [dreg:$0x2];
	s0 =	srdreg.scid  }
0x4: {  	s3 =	simm.s32 $0x0;
	s31 =	simm.s32 $0x80;
	s6 =	sand.u32 $0x1, s0  }
0x5: {  	s30 =	simm.s32 $0x5;
	s0 =	stileid.u32;
	s8 =	smul.u32 $0x28000, s6  }
0x6: {  	[smem:$0x7FF] =	sst s3;
	s4 =	sadd.s32 $0xBE00, s7;
	s10 =	smul.u32 $0x50000, s0  }
0x7: {  	s1 =	sadd.s32 $0x2000, s7;
	_ =	strace $0x8000004A;
	s12 =	smul.u32 $0x2800, s0  }
0x8: {  	s9 =	sshll.u32 s0, $0x1;
	s16 =	ssub.s32 $0x2, s6;
	s17 =	smul.u32 $0x4E00, s0  }
0x9: {  	s18 =	sshll.u32 s0, $0x6;
	s13 =	smul.u32 $0x2700, s6;
	[dreg:$0xe] =	wrdreg s1  }
0xa: {  	s9 =	sor.u32 s6, s9;
	s11 =	sshrl.u32 s16, $0x1;
	s8 =	sadd.s32 s8, s7  }
0xb: {  	s9 =	smul.u32 $0x2700, s9;
	s10 =	sshrl.u32 s10, $0x2;
	s19 =	sadd.s32 s4, s12  }
0xc: {  	s7 =	ssub.s32 s16, s11;
	s5 =	sadd.s32 s10, s5;
	[dreg:$0x10] =	wrdreg s19  }
0xd: {  	[dreg:$0xf] =	wrdreg s5;
	s9 =	sshrl.u32 s9, $0x3;
	s5 =	sor.u32 $0x1C0B, s18  }
0xe: {  	s10 =	sadd.s32 s13, s17;
	s20 =	sadd.s32 s1, s9;
	[dreg:$0x11] =	wrdreg s5  }
0xf: {  	s21 =	sadd.s32 s2, s9;
	s22 =	sor.u32 $0x10, s9;
	[dreg:$0x12] =	wrdreg s20  }
0x10: {  	s14 =	sadd.s32 $0x580, s10;
	[dreg:$0x13] =	wrdreg s21;
	s23 =	sadd.s32 s1, s22  }
0x11: {  	s24 =	sadd.s32 $0x20, s9;
	s11 =	sadd.s32 s2, s22;
	[dreg:$0x14] =	wrdreg s23  }
0x12: {  	s29 =	sadd.s32 $0x500, s10;
	s25 =	sadd.s32 s1, s24;
	[dreg:$0x15] =	wrdreg s11  }
0x13: {  	s26 =	sshrl.u32 s14, $0x3;
	s13 =	sadd.s32 s2, s24;
	[dreg:$0x16] =	wrdreg s25  }
0x14: {  	s14 =	sshrl.u32 s29, $0x3;
	s28 =	sadd.s32 s26, s2;
	[dreg:$0x17] =	wrdreg s13  }
0x15: {  	s16 =	sadd.s32 $0x480, s10;
	s15 =	sadd.s32 s14, s2;
	[dreg:$0x4] =	wrdreg s28  }
0x16: {  	s18 =	sshrl.u32 s16, $0x3;
	s17 =	sadd.s32 s14, s1;
	[dreg:$0x6] =	wrdreg s15  }
0x17: {  	p0 =	sne.s32 s0, $0x0;
	s19 =	sadd.s32 s18, s2;
	[dreg:$0x7] =	wrdreg s17  }
0x18: {  	s8 =	sadd.s32 $0x33E00, s8;
	s21 =	sadd.s32 s18, s1;
	[dreg:$0x8] =	wrdreg s19  }
0x19: {  	s20 =	sadd.s32 $0x400, s10;
	s11 =	sadd.s32 s26, s1;
	[dreg:$0x9] =	wrdreg s21  }
0x1a: {  	s22 =	sshrl.u32 s20, $0x3;
	s21 =	sadd.s32 s12, s8;
	[dreg:$0x5] =	wrdreg s11  }
0x1b: {  	s24 =	sadd.s32 $0x380, s10;
	s23 =	sadd.s32 s22, s2;
	[dreg:$0x1d] =	wrdreg s21  }
0x1c: {  	s28 =	sadd.s32 $0x30, s9;
	s25 =	sadd.s32 s22, s1;
	[dreg:$0xa] =	wrdreg s23  }
0x1d: {  	s26 =	sshrl.u32 s24, $0x3;
	s15 =	sadd.s32 s1, s28;
	[dreg:$0xb] =	wrdreg s25  }
0x1e: {  	s6 =	sshll.u32 s6, $0x5;
	s29 =	sadd.s32 s26, s2;
	[dreg:$0x18] =	wrdreg s15  }
0x1f: {  	s17 =	sadd.s32 $0x40, s9;
	s16 =	sadd.s32 s2, s28;
	[dreg:$0xc] =	wrdreg s29  }
0x20: {  	s9 =	sadd.s32 $0x50, s9;
	s18 =	sadd.s32 s1, s17;
	[dreg:$0x19] =	wrdreg s16  }
0x21: {  	s8 =	simm.s32 $0xB;
	s19 =	sadd.s32 s2, s17;
	[dreg:$0x1a] =	wrdreg s18  }
0x22: {  	s20 =	sadd.s32 s1, s9;
	s22 =	sor.u32 $0x9C00, s6;
	[dreg:$0x1b] =	wrdreg s19  }
0x23: {  	s6 =	sor.u32 $0x9C10, s6;
	s28 =	smax.u32 s7, $0x1;
	[dreg:$0x1c] =	wrdreg s20  }
0x24: {  	s17 =	simm.s32 $0x6;
	s15 =	sadd.s32 s26, s1;
	[smem:$0x7FC] =	sst s28  }
0x25: {  	s21 =	simm.s32 $0x7;
	s23 =	sadd.s32 s2, s9;
	[dreg:$0xd] =	wrdreg s15  }
0x26: {  	s24 =	sadd.s32 s1, s22;
	s0 =	sadd.s32 s2, s22;
	[dreg:$0x1e] =	wrdreg s23  }
0x27: {  	s25 =	sadd.s32 s1, s6;
	s26 =	sadd.s32 s2, s6;
	[dreg:$0x1f] =	wrdreg s24  }
0x28: {  	s29 =	sadd.s32 $0x300, s10;
	s16 =	simm.s32 $0x800;
	[smem:$0x7F9] =	sst s0  }
0x29: {  	s18 =	simm.s32 $0x4800;
	s19 =	simm.s32 $0x1;
	[smem:$0x7FA] =	sst s25  }
0x2a: {  	s20 =	simm.s32 $0x3;
	s22 =	simm.s32 $0x2;
	[smem:$0x7FB] =	sst s26  }
0x2b: {  	[smem:$0x7FD] =	sst s29;
	s23 =	simm.s32 $0x4;
	s24 =	simm.s32 $0x8  }
0x2c: {  	s25 =	simm.s32 $0x9;
	s26 =	simm.s32 $0xA;
	s0 =	simm.s32 $0x0  }
.LBB2_1:
0x2d: {  	[smem:$0x7F7] =	sst s0  }
0x2e: {  	s14 =	rddreg [dreg:$0xf]  }
0x2f: {  	s15 =	rddreg [dreg:$0x10];
	s6 =	sshrl.u32 s14, $0x3  }
0x30: {  	[smem:$0x7F8] =	sst s6  }
0x31: {  	[spmem:s6], [sflag:s5] =	dma.local [hbm:s15], $0x2800  }
0x32: {  	_ =	swait.ge [sflag:s8], $0x2800  }
0x33: {  	[sflag:s8] =	ssyncset.done $0x0  }
0x34: {  	[sflag:s8] =	ssyncadd.s32 $0xFFFFD800  }
0x35: {  	[bflag:$0x0] =	sbarrier.arrive $0xFFFF  }
0x36: {  	s6 =	rddreg [dreg:$0x12]  }
0x37: {  	[tilespmem:s3], [sflag:$0x5] =	stream.linear.gather [hbm4b:s6+s3], $0x80, $0x38;
	[tilespmem:$0x1C800] =	vst v63  }
0x38: {  	s5 =	simm.s32 $0x400;
	s7 =	rddreg [dreg:$0x13]  }
0x39: {  	[tilespmem:s5], [sflag:$0x5] =	stream.linear.gather [hbm4b:s7+s3], $0x80, $0x38;
	[tilespmem:$0x1C800] =	vst v63  }
0x3a: {  	s8 =	rddreg [dreg:$0x14]  }
0x3b: {  	[tilespmem:s31], [sflag:$0x6] =	stream.linear.gather [hbm4b:s8+s3], $0x80, $0x38;
	[tilespmem:$0x1C800] =	vst v63  }
0x3c: {  	s9 =	rddreg [dreg:$0x15];
	s6 =	simm.s32 $0x480  }
0x3d: {  	[tilespmem:s6], [sflag:$0x6] =	stream.linear.gather [hbm4b:s9+s3], $0x80, $0x38;
	[tilespmem:$0x1C800] =	vst v63  }
0x3e: {  	s10 =	rddreg [dreg:$0x16];
	s7 =	simm.s32 $0x100  }
0x3f: {  	[tilespmem:s7], [sflag:$0x7] =	stream.linear.gather [hbm4b:s10+s3], $0x80, $0x38;
	[tilespmem:$0x1C800] =	vst v63  }
0x40: {  	s11 =	rddreg [dreg:$0x17];
	s9 =	simm.s32 $0x500  }
0x41: {  	[tilespmem:s9], [sflag:$0x7] =	stream.linear.gather [hbm4b:s11+s3], $0x80, $0x38;
	[tilespmem:$0x1C800] =	vst v63  }
0x42: {  	s12 =	rddreg [dreg:$0x18];
	s10 =	simm.s32 $0x180  }
0x43: {  	[tilespmem:s10], [sflag:$0x8] =	stream.linear.gather [hbm4b:s12+s3], $0x80, $0x38;
	[tilespmem:$0x1C800] =	vst v63  }
0x44: {  	s13 =	rddreg [dreg:$0x19];
	s11 =	simm.s32 $0x580  }
0x45: {  	[tilespmem:s11], [sflag:$0x8] =	stream.linear.gather [hbm4b:s13+s3], $0x80, $0x38;
	[tilespmem:$0x1C800] =	vst v63  }
0x46: {  	s14 =	rddreg [dreg:$0x1a];
	s12 =	simm.s32 $0x200  }
0x47: {  	[tilespmem:s12], [sflag:$0x9] =	stream.linear.gather [hbm4b:s14+s3], $0x80, $0x38;
	[tilespmem:$0x1C800] =	vst v63  }
0x48: {  	s15 =	rddreg [dreg:$0x1b];
	s13 =	simm.s32 $0x600  }
0x49: {  	[tilespmem:s13], [sflag:$0x9] =	stream.linear.gather [hbm4b:s15+s3], $0x80, $0x38;
	[tilespmem:$0x1C800] =	vst v63  }
0x4a: {  	s8 =	rddreg [dreg:$0x1c];
	s14 =	simm.s32 $0x280  }
0x4b: {  	[tilespmem:s14], [sflag:$0xA] =	stream.linear.gather [hbm4b:s8+s3], $0x80, $0x38;
	[tilespmem:$0x1C800] =	vst v63  }
0x4c: {  	s29 =	simm.s32 $0x680;
	s15 =	rddreg [dreg:$0x1e]  }
0x4d: {  	[tilespmem:s29], [sflag:$0xA] =	stream.linear.gather [hbm4b:s15+s3], $0x80, $0x38;
	[tilespmem:$0x1C800] =	vst v63  }
0x4e: {  	_ =	swait.ge [sflag:s30], $0x80  }
0x4f: {  	[sflag:s30] =	ssyncset.done $0x0  }
0x50: {  	[sflag:s30] =	ssyncadd.s32 $0xFFFFFF80  }
0x51: {  	_ =	swait.ge [sflag:s30], $0x80  }
0x52: {  	[sflag:s30] =	ssyncset.done $0x0  }
0x53: {  	[sflag:s30] =	ssyncadd.s32 $0xFFFFFF80  }
0x54: {  	[tilespmem:s16], [sflag:$0x1] =	stream.indirect.gather [hbm4b:s4+s31], $0x80, s3, s31, $0xb8;
	[tilespmem:$0x1C800] =	vst v63  }
0x55: {  	_ =	swait.ge [sflag:s17], $0x80  }
0x56: {  	[sflag:s17] =	ssyncset.done $0x0  }
0x57: {  	[sflag:s17] =	ssyncadd.s32 $0xFFFFFF80  }
0x58: {  	_ =	swait.ge [sflag:s17], $0x80  }
0x59: {  	[sflag:s17] =	ssyncset.done $0x0  }
0x5a: {  	[sflag:s17] =	ssyncadd.s32 $0xFFFFFF80  }
0x5b: {  	[tilespmem:s18], [sflag:$0x2] =	stream.indirect.gather [hbm4b:s4+s31], $0x80, s31, s31, $0xb8;
	[tilespmem:$0x1C800] =	vst v63  }
0x5c: {  	_ =	swait.ge [sflag:s19], $0x4000  }
0x5d: {  	[sflag:s19] =	ssyncset.done $0x0  }
0x5e: {  	[sflag:s19] =	ssyncadd.s32 $0xFFFFC000  }
0x5f: {  	s15 =	rddreg [dreg:$0x2]  }
0x60: {  	[spmem:s15] =	stream.indirect.scatter.add.f32 [tilespmem:s16], [sflag:$0x3], $0x80, s5, s31, $0xb8;
	[tilespmem:$0x1C800] =	vst v63  }
0x61: {  	_ =	swait.ge [sflag:s20], $0x4000  }
0x62: {  	s0 =	sld [smem:$0x7FD];
	_ =	sdelay $0x2  }
0x63: {  	[sflag:s20] =	ssyncset.done $0x0;
	s8 =	sshrl.u32 s0, $0x3  }
0x64: {  	[sflag:s20] =	ssyncadd.s32 $0xFFFFC000;
	s28 =	sadd.s32 s1, s8  }
0x65: {  	[tilespmem:s3], [sflag:$0x5] =	stream.linear.gather [hbm4b:s28+s3], $0x80, $0x38;
	[tilespmem:$0x1C800] =	vst v63  }
0x66: {  	s8 =	sadd.s32 s2, s8  }
0x67: {  	[tilespmem:s5], [sflag:$0x5] =	stream.linear.gather [hbm4b:s8+s3], $0x80, $0x38;
	[tilespmem:$0x1C800] =	vst v63  }
0x68: {  	_ =	swait.ge [sflag:s21], $0x80  }
0x69: {  	[sflag:s21] =	ssyncset.done $0x0  }
0x6a: {  	[sflag:s21] =	ssyncadd.s32 $0xFFFFFF80  }
0x6b: {  	_ =	swait.ge [sflag:s21], $0x80  }
0x6c: {  	[sflag:s21] =	ssyncset.done $0x0  }
0x6d: {  	[sflag:s21] =	ssyncadd.s32 $0xFFFFFF80  }
0x6e: {  	[tilespmem:s16], [sflag:$0x1] =	stream.indirect.gather [hbm4b:s4+s31], $0x80, s7, s31, $0xb8;
	[tilespmem:$0x1C800] =	vst v63  }
0x6f: {  	_ =	swait.ge [sflag:s22], $0x4000  }
0x70: {  	[sflag:s22] =	ssyncset.done $0x0  }
0x71: {  	[sflag:s22] =	ssyncadd.s32 $0xFFFFC000  }
0x72: {  	[spmem:s15] =	stream.indirect.scatter.add.f32 [tilespmem:s18], [sflag:$0x4], $0x80, s6, s31, $0xb8;
	[tilespmem:$0x1C800] =	vst v63  }
0x73: {  	_ =	swait.ge [sflag:s23], $0x4000  }
0x74: {  	s2 =	rddreg [dreg:$0xd];
	[sflag:s23] =	ssyncset.done $0x0  }
0x75: {  	s28 =	rddreg [dreg:$0xc];
	[sflag:s23] =	ssyncadd.s32 $0xFFFFC000;
	s8 =	sadd.s32 $0x0, s2  }
0x76: {  	[tilespmem:s31], [sflag:$0x6] =	stream.linear.gather [hbm4b:s8+s3], $0x80, $0x38;
	[tilespmem:$0x1C800] =	vst v63  }
0x77: {  	s5 =	sadd.s32 $0x0, s28  }
0x78: {  	[tilespmem:s6], [sflag:$0x6] =	stream.linear.gather [hbm4b:s5+s3], $0x80, $0x38;
	[tilespmem:$0x1C800] =	vst v63  }
0x79: {  	_ =	swait.ge [sflag:s24], $0x80  }
0x7a: {  	[sflag:s24] =	ssyncset.done $0x0  }
0x7b: {  	[sflag:s24] =	ssyncadd.s32 $0xFFFFFF80  }
0x7c: {  	_ =	swait.ge [sflag:s24], $0x80  }
0x7d: {  	[sflag:s24] =	ssyncset.done $0x0  }
0x7e: {  	[sflag:s24] =	ssyncadd.s32 $0xFFFFFF80  }
0x7f: {  	[tilespmem:s18], [sflag:$0x2] =	stream.indirect.gather [hbm4b:s4+s31], $0x80, s10, s31, $0xb8;
	[tilespmem:$0x1C800] =	vst v63  }
0x80: {  	_ =	swait.ge [sflag:s19], $0x4000  }
0x81: {  	[sflag:s19] =	ssyncset.done $0x0  }
0x82: {  	[sflag:s19] =	ssyncadd.s32 $0xFFFFC000  }
0x83: {  	[spmem:s15] =	stream.indirect.scatter.add.f32 [tilespmem:s16], [sflag:$0x3], $0x80, s9, s31, $0xb8;
	[tilespmem:$0x1C800] =	vst v63  }
0x84: {  	_ =	swait.ge [sflag:s20], $0x4000  }
0x85: {  	s6 =	rddreg [dreg:$0xb];
	[sflag:s20] =	ssyncset.done $0x0  }
0x86: {  	s28 =	rddreg [dreg:$0xa];
	[sflag:s20] =	ssyncadd.s32 $0xFFFFC000;
	s8 =	sadd.s32 $0x0, s6  }
0x87: {  	[tilespmem:s7], [sflag:$0x7] =	stream.linear.gather [hbm4b:s8+s3], $0x80, $0x38;
	[tilespmem:$0x1C800] =	vst v63  }
0x88: {  	s7 =	sadd.s32 $0x0, s28  }
0x89: {  	[tilespmem:s9], [sflag:$0x7] =	stream.linear.gather [hbm4b:s7+s3], $0x80, $0x38;
	[tilespmem:$0x1C800] =	vst v63  }
0x8a: {  	_ =	swait.ge [sflag:s25], $0x80  }
0x8b: {  	[sflag:s25] =	ssyncset.done $0x0  }
0x8c: {  	[sflag:s25] =	ssyncadd.s32 $0xFFFFFF80  }
0x8d: {  	_ =	swait.ge [sflag:s25], $0x80  }
0x8e: {  	[sflag:s25] =	ssyncset.done $0x0  }
0x8f: {  	[sflag:s25] =	ssyncadd.s32 $0xFFFFFF80  }
0x90: {  	[tilespmem:s16], [sflag:$0x1] =	stream.indirect.gather [hbm4b:s4+s31], $0x80, s12, s31, $0xb8;
	[tilespmem:$0x1C800] =	vst v63  }
0x91: {  	_ =	swait.ge [sflag:s22], $0x4000  }
0x92: {  	[sflag:s22] =	ssyncset.done $0x0  }
0x93: {  	[sflag:s22] =	ssyncadd.s32 $0xFFFFC000  }
0x94: {  	[spmem:s15] =	stream.indirect.scatter.add.f32 [tilespmem:s18], [sflag:$0x4], $0x80, s11, s31, $0xb8;
	[tilespmem:$0x1C800] =	vst v63  }
0x95: {  	_ =	swait.ge [sflag:s23], $0x4000  }
0x96: {  	s9 =	rddreg [dreg:$0x9];
	[sflag:s23] =	ssyncset.done $0x0  }
0x97: {  	s28 =	rddreg [dreg:$0x8];
	[sflag:s23] =	ssyncadd.s32 $0xFFFFC000;
	s8 =	sadd.s32 $0x0, s9  }
0x98: {  	[tilespmem:s10], [sflag:$0x8] =	stream.linear.gather [hbm4b:s8+s3], $0x80, $0x38;
	[tilespmem:$0x1C800] =	vst v63  }
0x99: {  	s10 =	sadd.s32 $0x0, s28  }
0x9a: {  	[tilespmem:s11], [sflag:$0x8] =	stream.linear.gather [hbm4b:s10+s3], $0x80, $0x38;
	[tilespmem:$0x1C800] =	vst v63  }
0x9b: {  	_ =	swait.ge [sflag:s26], $0x80  }
0x9c: {  	[sflag:s26] =	ssyncset.done $0x0  }
0x9d: {  	[sflag:s26] =	ssyncadd.s32 $0xFFFFFF80  }
0x9e: {  	_ =	swait.ge [sflag:s26], $0x80  }
0x9f: {  	[sflag:s26] =	ssyncset.done $0x0  }
0xa0: {  	[sflag:s26] =	ssyncadd.s32 $0xFFFFFF80  }
0xa1: {  	[tilespmem:s18], [sflag:$0x2] =	stream.indirect.gather [hbm4b:s4+s31], $0x80, s14, s31, $0xb8;
	[tilespmem:$0x1C800] =	vst v63  }
0xa2: {  	_ =	swait.ge [sflag:s19], $0x4000  }
0xa3: {  	[sflag:s19] =	ssyncset.done $0x0  }
0xa4: {  	[sflag:s19] =	ssyncadd.s32 $0xFFFFC000  }
0xa5: {  	[spmem:s15] =	stream.indirect.scatter.add.f32 [tilespmem:s16], [sflag:$0x3], $0x80, s13, s31, $0xb8;
	[tilespmem:$0x1C800] =	vst v63  }
0xa6: {  	_ =	swait.ge [sflag:s20], $0x4000  }
0xa7: {  	s11 =	rddreg [dreg:$0x7];
	[sflag:s20] =	ssyncset.done $0x0  }
0xa8: {  	s28 =	rddreg [dreg:$0x6];
	[sflag:s20] =	ssyncadd.s32 $0xFFFFC000;
	s8 =	sadd.s32 $0x0, s11  }
0xa9: {  	[tilespmem:s12], [sflag:$0x9] =	stream.linear.gather [hbm4b:s8+s3], $0x80, $0x38;
	[tilespmem:$0x1C800] =	vst v63  }
0xaa: {  	s12 =	sadd.s32 $0x0, s28  }
0xab: {  	[tilespmem:s13], [sflag:$0x9] =	stream.linear.gather [hbm4b:s12+s3], $0x80, $0x38;
	[tilespmem:$0x1C800] =	vst v63  }
0xac: {  	_ =	swait.ge [sflag:s30], $0x80  }
0xad: {  	[sflag:s30] =	ssyncset.done $0x0  }
0xae: {  	[sflag:s30] =	ssyncadd.s32 $0xFFFFFF80  }
0xaf: {  	_ =	swait.ge [sflag:s30], $0x80  }
0xb0: {  	[sflag:s30] =	ssyncset.done $0x0  }
0xb1: {  	[sflag:s30] =	ssyncadd.s32 $0xFFFFFF80  }
0xb2: {  	[tilespmem:s16], [sflag:$0x1] =	stream.indirect.gather [hbm4b:s4+s31], $0x80, s3, s31, $0xb8;
	[tilespmem:$0x1C800] =	vst v63  }
0xb3: {  	_ =	swait.ge [sflag:s22], $0x4000  }
0xb4: {  	[sflag:s22] =	ssyncset.done $0x0  }
0xb5: {  	[sflag:s22] =	ssyncadd.s32 $0xFFFFC000  }
0xb6: {  	[spmem:s15] =	stream.indirect.scatter.add.f32 [tilespmem:s18], [sflag:$0x4], $0x80, s29, s31, $0xb8;
	[tilespmem:$0x1C800] =	vst v63  }
0xb7: {  	_ =	swait.ge [sflag:s23], $0x4000  }
0xb8: {  	s13 =	rddreg [dreg:$0x5];
	[sflag:s23] =	ssyncset.done $0x0  }
0xb9: {  	s28 =	rddreg [dreg:$0x4];
	[sflag:s23] =	ssyncadd.s32 $0xFFFFC000;
	s8 =	sadd.s32 $0x0, s13  }
0xba: {  	[tilespmem:s14], [sflag:$0xA] =	stream.linear.gather [hbm4b:s8+s3], $0x80, $0x38;
	[tilespmem:$0x1C800] =	vst v63  }
0xbb: {  	s15 =	sadd.s32 $0x0, s28  }
0xbc: {  	[tilespmem:s29], [sflag:$0xA] =	stream.linear.gather [hbm4b:s15+s3], $0x80, $0x38;
	[tilespmem:$0x1C800] =	vst v63  }
0xbd: {  	_ =	swait.ge [sflag:s17], $0x80  }
0xbe: {  	[sflag:s17] =	ssyncset.done $0x0  }
0xbf: {  	[sflag:s17] =	ssyncadd.s32 $0xFFFFFF80  }
0xc0: {  	_ =	swait.ge [sflag:s17], $0x80  }
0xc1: {  	[sflag:s17] =	ssyncset.done $0x0  }
0xc2: {  	s28 =	sadd.s32 $0x300, s0;
	s29 =	simm.s32 $0x60;
	[sflag:s17] =	ssyncadd.s32 $0xFFFFFF80  }
.LBB2_2:
0xc3: {  	[tilespmem:s18], [sflag:$0x2] =	stream.indirect.gather [hbm4b:s4+s31], $0x80, s31, s31, $0xb8;
	[tilespmem:$0x1C800] =	vst v63  }
0xc4: {  	_ =	swait.ge [sflag:s19], $0x4000  }
0xc5: {  	[sflag:s19] =	ssyncset.done $0x0  }
0xc6: {  	[sflag:s19] =	ssyncadd.s32 $0xFFFFC000  }
0xc7: {  	s7 =	simm.s32 $0x400;
	s15 =	rddreg [dreg:$0x2]  }
0xc8: {  	[spmem:s15] =	stream.indirect.scatter.add.f32 [tilespmem:s16], [sflag:$0x3], $0x80, s7, s31, $0xb8;
	[tilespmem:$0x1C800] =	vst v63  }
0xc9: {  	_ =	swait.ge [sflag:s20], $0x4000  }
0xca: {  	s1 =	sshrl.u32 s28, $0x3;
	[sflag:s20] =	ssyncset.done $0x0;
	s0 =	rddreg [dreg:$0xe]  }
0xcb: {  	[sflag:s20] =	ssyncadd.s32 $0xFFFFC000;
	s5 =	sadd.s32 s0, s1  }
0xcc: {  	[tilespmem:s3], [sflag:$0x5] =	stream.linear.gather [hbm4b:s5+s3], $0x80, $0x38;
	[tilespmem:$0x1C800] =	vst v63  }
0xcd: {  	s14 =	rddreg [dreg:$0x1]  }
0xce: {  	s1 =	sadd.s32 s14, s1  }
0xcf: {  	[tilespmem:s7], [sflag:$0x5] =	stream.linear.gather [hbm4b:s1+s3], $0x80, $0x38;
	[tilespmem:$0x1C800] =	vst v63  }
0xd0: {  	_ =	swait.ge [sflag:s21], $0x80  }
0xd1: {  	[sflag:s21] =	ssyncset.done $0x0  }
0xd2: {  	[sflag:s21] =	ssyncadd.s32 $0xFFFFFF80  }
0xd3: {  	_ =	swait.ge [sflag:s21], $0x80  }
0xd4: {  	[sflag:s21] =	ssyncset.done $0x0  }
0xd5: {  	s10 =	simm.s32 $0x100;
	[sflag:s21] =	ssyncadd.s32 $0xFFFFFF80  }
0xd6: {  	[tilespmem:s16], [sflag:$0x1] =	stream.indirect.gather [hbm4b:s4+s31], $0x80, s10, s31, $0xb8;
	[tilespmem:$0x1C800] =	vst v63  }
0xd7: {  	_ =	swait.ge [sflag:s22], $0x4000  }
0xd8: {  	[sflag:s22] =	ssyncset.done $0x0  }
0xd9: {  	s9 =	simm.s32 $0x480;
	[sflag:s22] =	ssyncadd.s32 $0xFFFFC000  }
0xda: {  	[spmem:s15] =	stream.indirect.scatter.add.f32 [tilespmem:s18], [sflag:$0x4], $0x80, s9, s31, $0xb8;
	[tilespmem:$0x1C800] =	vst v63  }
0xdb: {  	_ =	swait.ge [sflag:s23], $0x4000  }
0xdc: {  	s8 =	smov.u32 s29;
	s0 =	rddreg [dreg:$0xd];
	[sflag:s23] =	ssyncset.done $0x0  }
0xdd: {  	s2 =	rddreg [dreg:$0xc];
	[sflag:s23] =	ssyncadd.s32 $0xFFFFC000;
	s1 =	sadd.s32 s8, s0  }
0xde: {  	[tilespmem:s31], [sflag:$0x6] =	stream.linear.gather [hbm4b:s1+s3], $0x80, $0x38;
	[tilespmem:$0x1C800] =	vst v63  }
0xdf: {  	s5 =	sadd.s32 s8, s2  }
0xe0: {  	[tilespmem:s9], [sflag:$0x6] =	stream.linear.gather [hbm4b:s5+s3], $0x80, $0x38;
	[tilespmem:$0x1C800] =	vst v63  }
0xe1: {  	_ =	swait.ge [sflag:s24], $0x80  }
0xe2: {  	[sflag:s24] =	ssyncset.done $0x0  }
0xe3: {  	[sflag:s24] =	ssyncadd.s32 $0xFFFFFF80  }
0xe4: {  	_ =	swait.ge [sflag:s24], $0x80  }
0xe5: {  	[sflag:s24] =	ssyncset.done $0x0  }
0xe6: {  	s12 =	simm.s32 $0x180;
	[sflag:s24] =	ssyncadd.s32 $0xFFFFFF80  }
0xe7: {  	[tilespmem:s18], [sflag:$0x2] =	stream.indirect.gather [hbm4b:s4+s31], $0x80, s12, s31, $0xb8;
	[tilespmem:$0x1C800] =	vst v63  }
0xe8: {  	_ =	swait.ge [sflag:s19], $0x4000  }
0xe9: {  	[sflag:s19] =	ssyncset.done $0x0  }
0xea: {  	s11 =	simm.s32 $0x500;
	[sflag:s19] =	ssyncadd.s32 $0xFFFFC000  }
0xeb: {  	[spmem:s15] =	stream.indirect.scatter.add.f32 [tilespmem:s16], [sflag:$0x3], $0x80, s11, s31, $0xb8;
	[tilespmem:$0x1C800] =	vst v63  }
0xec: {  	_ =	swait.ge [sflag:s20], $0x4000  }
0xed: {  	s9 =	rddreg [dreg:$0xb];
	[sflag:s20] =	ssyncset.done $0x0  }
0xee: {  	s13 =	rddreg [dreg:$0xa];
	[sflag:s20] =	ssyncadd.s32 $0xFFFFC000;
	s1 =	sadd.s32 s8, s9  }
0xef: {  	[tilespmem:s10], [sflag:$0x7] =	stream.linear.gather [hbm4b:s1+s3], $0x80, $0x38;
	[tilespmem:$0x1C800] =	vst v63  }
0xf0: {  	s14 =	sadd.s32 s8, s13  }
0xf1: {  	[tilespmem:s11], [sflag:$0x7] =	stream.linear.gather [hbm4b:s14+s3], $0x80, $0x38;
	[tilespmem:$0x1C800] =	vst v63  }
0xf2: {  	_ =	swait.ge [sflag:s25], $0x80  }
0xf3: {  	[sflag:s25] =	ssyncset.done $0x0  }
0xf4: {  	[sflag:s25] =	ssyncadd.s32 $0xFFFFFF80  }
0xf5: {  	_ =	swait.ge [sflag:s25], $0x80  }
0xf6: {  	[sflag:s25] =	ssyncset.done $0x0  }
0xf7: {  	s14 =	simm.s32 $0x200;
	[sflag:s25] =	ssyncadd.s32 $0xFFFFFF80  }
0xf8: {  	[tilespmem:s16], [sflag:$0x1] =	stream.indirect.gather [hbm4b:s4+s31], $0x80, s14, s31, $0xb8;
	[tilespmem:$0x1C800] =	vst v63  }
0xf9: {  	_ =	swait.ge [sflag:s22], $0x4000  }
0xfa: {  	[sflag:s22] =	ssyncset.done $0x0  }
0xfb: {  	s13 =	simm.s32 $0x580;
	[sflag:s22] =	ssyncadd.s32 $0xFFFFC000  }
0xfc: {  	[spmem:s15] =	stream.indirect.scatter.add.f32 [tilespmem:s18], [sflag:$0x4], $0x80, s13, s31, $0xb8;
	[tilespmem:$0x1C800] =	vst v63  }
0xfd: {  	_ =	swait.ge [sflag:s23], $0x4000  }
0xfe: {  	s0 =	rddreg [dreg:$0x9];
	[sflag:s23] =	ssyncset.done $0x0  }
0xff: {  	s2 =	rddreg [dreg:$0x8];
	[sflag:s23] =	ssyncadd.s32 $0xFFFFC000;
	s1 =	sadd.s32 s8, s0  }
0x100: {  	[tilespmem:s12], [sflag:$0x8] =	stream.linear.gather [hbm4b:s1+s3], $0x80, $0x38;
	[tilespmem:$0x1C800] =	vst v63  }
0x101: {  	s5 =	sadd.s32 s8, s2  }
0x102: {  	[tilespmem:s13], [sflag:$0x8] =	stream.linear.gather [hbm4b:s5+s3], $0x80, $0x38;
	[tilespmem:$0x1C800] =	vst v63  }
0x103: {  	_ =	swait.ge [sflag:s26], $0x80  }
0x104: {  	[sflag:s26] =	ssyncset.done $0x0  }
0x105: {  	[sflag:s26] =	ssyncadd.s32 $0xFFFFFF80  }
0x106: {  	_ =	swait.ge [sflag:s26], $0x80  }
0x107: {  	[sflag:s26] =	ssyncset.done $0x0  }
0x108: {  	s2 =	simm.s32 $0x280;
	[sflag:s26] =	ssyncadd.s32 $0xFFFFFF80  }
0x109: {  	[tilespmem:s18], [sflag:$0x2] =	stream.indirect.gather [hbm4b:s4+s31], $0x80, s2, s31, $0xb8;
	[tilespmem:$0x1C800] =	vst v63  }
0x10a: {  	_ =	swait.ge [sflag:s19], $0x4000  }
0x10b: {  	[sflag:s19] =	ssyncset.done $0x0  }
0x10c: {  	s0 =	simm.s32 $0x600;
	[sflag:s19] =	ssyncadd.s32 $0xFFFFC000  }
0x10d: {  	[spmem:s15] =	stream.indirect.scatter.add.f32 [tilespmem:s16], [sflag:$0x3], $0x80, s0, s31, $0xb8;
	[tilespmem:$0x1C800] =	vst v63  }
0x10e: {  	_ =	swait.ge [sflag:s20], $0x4000  }
0x10f: {  	s13 =	rddreg [dreg:$0x7];
	[sflag:s20] =	ssyncset.done $0x0  }
0x110: {  	s5 =	rddreg [dreg:$0x6];
	[sflag:s20] =	ssyncadd.s32 $0xFFFFC000;
	s1 =	sadd.s32 s8, s13  }
0x111: {  	[tilespmem:s14], [sflag:$0x9] =	stream.linear.gather [hbm4b:s1+s3], $0x80, $0x38;
	[tilespmem:$0x1C800] =	vst v63  }
0x112: {  	s5 =	sadd.s32 s8, s5  }
0x113: {  	[tilespmem:s0], [sflag:$0x9] =	stream.linear.gather [hbm4b:s5+s3], $0x80, $0x38;
	[tilespmem:$0x1C800] =	vst v63  }
0x114: {  	_ =	swait.ge [sflag:s30], $0x80  }
0x115: {  	[sflag:s30] =	ssyncset.done $0x0  }
0x116: {  	[sflag:s30] =	ssyncadd.s32 $0xFFFFFF80  }
0x117: {  	_ =	swait.ge [sflag:s30], $0x80  }
0x118: {  	[sflag:s30] =	ssyncset.done $0x0  }
0x119: {  	[sflag:s30] =	ssyncadd.s32 $0xFFFFFF80  }
0x11a: {  	[tilespmem:s16], [sflag:$0x1] =	stream.indirect.gather [hbm4b:s4+s31], $0x80, s3, s31, $0xb8;
	[tilespmem:$0x1C800] =	vst v63  }
0x11b: {  	_ =	swait.ge [sflag:s22], $0x4000  }
0x11c: {  	[sflag:s22] =	ssyncset.done $0x0  }
0x11d: {  	s30 =	simm.s32 $0x680;
	[sflag:s22] =	ssyncadd.s32 $0xFFFFC000  }
0x11e: {  	[spmem:s15] =	stream.indirect.scatter.add.f32 [tilespmem:s18], [sflag:$0x4], $0x80, s30, s31, $0xb8;
	[tilespmem:$0x1C800] =	vst v63  }
0x11f: {  	_ =	swait.ge [sflag:s23], $0x4000  }
0x120: {  	p1 =	sne.s32 s29, $0x420;
	s5 =	rddreg [dreg:$0x5];
	[sflag:s23] =	ssyncset.done $0x0  }
0x121: {  	s15 =	rddreg [dreg:$0x4];
	[sflag:s23] =	ssyncadd.s32 $0xFFFFC000;
	s1 =	sadd.s32 s8, s5  }
0x122: {  	[tilespmem:s2], [sflag:$0xA] =	stream.linear.gather [hbm4b:s1+s3], $0x80, $0x38;
	[tilespmem:$0x1C800] =	vst v63  }
0x123: {  	s29 =	sadd.s32 $0x60, s29;
	s6 =	simm.s32 $0x400;
	s15 =	sadd.s32 s8, s15  }
0x124: {  	[tilespmem:s30], [sflag:$0xA] =	stream.linear.gather [hbm4b:s15+s3], $0x80, $0x38;
	[tilespmem:$0x1C800] =	vst v63  }
0x125: {  	s28 =	sadd.s32 $0x300, s28;
	s7 =	simm.s32 $0x480;
	_ =	swait.ge [sflag:s17], $0x80  }
.Ltmp0:
0x126: {  	s9 =	simm.s32 $0x100;
	[sflag:s17] =	ssyncset.done $0x0;
	(pc) =	sbr.rel @p1 .LBB2_2-.Ltmp0, $4  }
0x127: {  	s10 =	simm.s32 $0x500;
	s11 =	simm.s32 $0x180;
	[sflag:s17] =	ssyncadd.s32 $0xFFFFFF80  }
0x128: {  	s12 =	simm.s32 $0x580;
	s13 =	simm.s32 $0x200;
	_ =	swait.ge [sflag:s17], $0x80  }
0x129: {  	s14 =	simm.s32 $0x600;
	s0 =	simm.s32 $0x280;
	[sflag:s17] =	ssyncset.done $0x0  }
0x12a: {  	s2 =	simm.s32 $0x680;
	s30 =	simm.s32 $0x5;
	[sflag:s17] =	ssyncadd.s32 $0xFFFFFF80  }
0x12b: {  	[tilespmem:s18], [sflag:$0x2] =	stream.indirect.gather [hbm4b:s4+s31], $0x80, s31, s31, $0xb8;
	[tilespmem:$0x1C800] =	vst v63  }
0x12c: {  	_ =	swait.ge [sflag:s19], $0x4000  }
0x12d: {  	[sflag:s19] =	ssyncset.done $0x0  }
0x12e: {  	[sflag:s19] =	ssyncadd.s32 $0xFFFFC000  }
0x12f: {  	s15 =	rddreg [dreg:$0x2]  }
0x130: {  	[spmem:s15] =	stream.indirect.scatter.add.f32 [tilespmem:s16], [sflag:$0x3], $0x80, s6, s31, $0xb8;
	[tilespmem:$0x1C800] =	vst v63  }
0x131: {  	_ =	swait.ge [sflag:s20], $0x4000  }
0x132: {  	[sflag:s20] =	ssyncset.done $0x0  }
0x133: {  	[sflag:s20] =	ssyncadd.s32 $0xFFFFC000  }
0x134: {  	_ =	swait.ge [sflag:s21], $0x80  }
0x135: {  	[sflag:s21] =	ssyncset.done $0x0  }
0x136: {  	[sflag:s21] =	ssyncadd.s32 $0xFFFFFF80  }
0x137: {  	_ =	swait.ge [sflag:s21], $0x80  }
0x138: {  	[sflag:s21] =	ssyncset.done $0x0  }
0x139: {  	[sflag:s21] =	ssyncadd.s32 $0xFFFFFF80  }
0x13a: {  	[tilespmem:s16], [sflag:$0x1] =	stream.indirect.gather [hbm4b:s4+s31], $0x80, s9, s31, $0xb8;
	[tilespmem:$0x1C800] =	vst v63  }
0x13b: {  	_ =	swait.ge [sflag:s22], $0x4000  }
0x13c: {  	[sflag:s22] =	ssyncset.done $0x0  }
0x13d: {  	[sflag:s22] =	ssyncadd.s32 $0xFFFFC000  }
0x13e: {  	[spmem:s15] =	stream.indirect.scatter.add.f32 [tilespmem:s18], [sflag:$0x4], $0x80, s7, s31, $0xb8;
	[tilespmem:$0x1C800] =	vst v63  }
0x13f: {  	_ =	swait.ge [sflag:s23], $0x4000  }
0x140: {  	[sflag:s23] =	ssyncset.done $0x0  }
0x141: {  	[sflag:s23] =	ssyncadd.s32 $0xFFFFC000  }
0x142: {  	_ =	swait.ge [sflag:s24], $0x80  }
0x143: {  	[sflag:s24] =	ssyncset.done $0x0  }
0x144: {  	[sflag:s24] =	ssyncadd.s32 $0xFFFFFF80  }
0x145: {  	_ =	swait.ge [sflag:s24], $0x80  }
0x146: {  	[sflag:s24] =	ssyncset.done $0x0  }
0x147: {  	[sflag:s24] =	ssyncadd.s32 $0xFFFFFF80  }
0x148: {  	[tilespmem:s18], [sflag:$0x2] =	stream.indirect.gather [hbm4b:s4+s31], $0x80, s11, s31, $0xb8;
	[tilespmem:$0x1C800] =	vst v63  }
0x149: {  	_ =	swait.ge [sflag:s19], $0x4000  }
0x14a: {  	[sflag:s19] =	ssyncset.done $0x0  }
0x14b: {  	[sflag:s19] =	ssyncadd.s32 $0xFFFFC000  }
0x14c: {  	[spmem:s15] =	stream.indirect.scatter.add.f32 [tilespmem:s16], [sflag:$0x3], $0x80, s10, s31, $0xb8;
	[tilespmem:$0x1C800] =	vst v63  }
0x14d: {  	_ =	swait.ge [sflag:s20], $0x4000  }
0x14e: {  	[sflag:s20] =	ssyncset.done $0x0  }
0x14f: {  	[sflag:s20] =	ssyncadd.s32 $0xFFFFC000  }
0x150: {  	_ =	swait.ge [sflag:s25], $0x80  }
0x151: {  	[sflag:s25] =	ssyncset.done $0x0  }
0x152: {  	[sflag:s25] =	ssyncadd.s32 $0xFFFFFF80  }
0x153: {  	_ =	swait.ge [sflag:s25], $0x80  }
0x154: {  	[sflag:s25] =	ssyncset.done $0x0  }
0x155: {  	[sflag:s25] =	ssyncadd.s32 $0xFFFFFF80  }
0x156: {  	[tilespmem:s16], [sflag:$0x1] =	stream.indirect.gather [hbm4b:s4+s31], $0x80, s13, s31, $0xb8;
	[tilespmem:$0x1C800] =	vst v63  }
0x157: {  	_ =	swait.ge [sflag:s22], $0x4000  }
0x158: {  	[sflag:s22] =	ssyncset.done $0x0  }
0x159: {  	[sflag:s22] =	ssyncadd.s32 $0xFFFFC000  }
0x15a: {  	[spmem:s15] =	stream.indirect.scatter.add.f32 [tilespmem:s18], [sflag:$0x4], $0x80, s12, s31, $0xb8;
	[tilespmem:$0x1C800] =	vst v63  }
0x15b: {  	_ =	swait.ge [sflag:s23], $0x4000  }
0x15c: {  	[sflag:s23] =	ssyncset.done $0x0  }
0x15d: {  	[sflag:s23] =	ssyncadd.s32 $0xFFFFC000  }
0x15e: {  	_ =	swait.ge [sflag:s26], $0x80  }
0x15f: {  	[sflag:s26] =	ssyncset.done $0x0  }
0x160: {  	[sflag:s26] =	ssyncadd.s32 $0xFFFFFF80  }
0x161: {  	_ =	swait.ge [sflag:s26], $0x80  }
0x162: {  	[sflag:s26] =	ssyncset.done $0x0  }
0x163: {  	[sflag:s26] =	ssyncadd.s32 $0xFFFFFF80  }
0x164: {  	[tilespmem:s18], [sflag:$0x2] =	stream.indirect.gather [hbm4b:s4+s31], $0x80, s0, s31, $0xb8;
	[tilespmem:$0x1C800] =	vst v63  }
0x165: {  	_ =	swait.ge [sflag:s19], $0x4000  }
0x166: {  	[sflag:s19] =	ssyncset.done $0x0  }
0x167: {  	[sflag:s19] =	ssyncadd.s32 $0xFFFFC000  }
0x168: {  	[spmem:s15] =	stream.indirect.scatter.add.f32 [tilespmem:s16], [sflag:$0x3], $0x80, s14, s31, $0xb8;
	[tilespmem:$0x1C800] =	vst v63  }
0x169: {  	_ =	swait.ge [sflag:s20], $0x4000  }
0x16a: {  	[sflag:s20] =	ssyncset.done $0x0  }
0x16b: {  	[sflag:s20] =	ssyncadd.s32 $0xFFFFC000  }
0x16c: {  	_ =	swait.ge [sflag:s22], $0x4000  }
0x16d: {  	[sflag:s22] =	ssyncset.done $0x0  }
0x16e: {  	[sflag:s22] =	ssyncadd.s32 $0xFFFFC000  }
0x16f: {  	[spmem:s15] =	stream.indirect.scatter.add.f32 [tilespmem:s18], [sflag:$0x4], $0x80, s2, s31, $0xb8;
	[tilespmem:$0x1C800] =	vst v63  }
0x170: {  	_ =	swait.ge [sflag:s23], $0x4000  }
0x171: {  	[sflag:s23] =	ssyncset.done $0x0  }
0x172: {  	s1 =	simm.s32 @!p0 $0x0;
	s5 =	rddreg [dreg:$0x1f];
	[sflag:s23] =	ssyncadd.s32 $0xFFFFC000  }
0x173: {  	[tilespmem:s1], [sflag:$0xB] =	stream.linear.gather @!p0 [hbm4b:s5+s1], $0x80, $0x38;
	[tilespmem:$0x1C800] =	vst v63  }
0x174: {  	s5 =	simm.s32 @!p0 $0xB  }
0x175: {  	_ =	swait.ge @!p0 [sflag:s5], $0x80  }
0x176: {  	s28 =	sld [smem:$0x7F9]  }
0x177: {  	[sflag:s5] =	ssyncset.done @!p0 $0x0  }
0x178: {  	s0 =	simm.s32 @!p0 $0x400;
	[sflag:s5] =	ssyncadd.s32 @!p0 $0xFFFFFF80  }
0x179: {  	[tilespmem:s0], [sflag:$0xB] =	stream.linear.gather @!p0 [hbm4b:s28+s1], $0x80, $0x38;
	[tilespmem:$0x1C800] =	vst v63  }
0x17a: {  	_ =	swait.ge @!p0 [sflag:s5], $0x80  }
0x17b: {  	[sflag:s5] =	ssyncset.done @!p0 $0x0  }
0x17c: {  	s29 =	simm.s32 @!p0 $0x800;
	s28 =	simm.s32 @!p0 $0x80;
	[sflag:s5] =	ssyncadd.s32 @!p0 $0xFFFFFF80  }
0x17d: {  	[tilespmem:s29], [sflag:$0xB] =	stream.indirect.gather @!p0 [hbm4b:s4+s28], $0x80, s1, s28, $0xb8;
	[tilespmem:$0x1C800] =	vst v63  }
0x17e: {  	_ =	swait.ge @!p0 [sflag:s5], $0x4000  }
0x17f: {  	[sflag:s5] =	ssyncset.done @!p0 $0x0  }
0x180: {  	[sflag:s5] =	ssyncadd.s32 @!p0 $0xFFFFC000  }
0x181: {  	[spmem:s15] =	stream.indirect.scatter.add.f32 @!p0 [tilespmem:s29], [sflag:$0xB], $0x80, s0, s28, $0xb8;
	[tilespmem:$0x1C800] =	vst v63  }
0x182: {  	_ =	swait.ge @!p0 [sflag:s5], $0x4000  }
0x183: {  	s8 =	sld [smem:$0x7FA]  }
0x184: {  	[sflag:s5] =	ssyncset.done @!p0 $0x0  }
0x185: {  	[sflag:s5] =	ssyncadd.s32 @!p0 $0xFFFFC000  }
0x186: {  	[tilespmem:s1], [sflag:$0xB] =	stream.linear.gather @!p0 [hbm4b:s8+s1], $0x80, $0x38;
	[tilespmem:$0x1C800] =	vst v63  }
0x187: {  	_ =	swait.ge @!p0 [sflag:s5], $0x80  }
0x188: {  	s8 =	sld [smem:$0x7FB]  }
0x189: {  	[sflag:s5] =	ssyncset.done @!p0 $0x0  }
0x18a: {  	[sflag:s5] =	ssyncadd.s32 @!p0 $0xFFFFFF80  }
0x18b: {  	[tilespmem:s0], [sflag:$0xB] =	stream.linear.gather @!p0 [hbm4b:s8+s1], $0x80, $0x38;
	[tilespmem:$0x1C800] =	vst v63  }
0x18c: {  	_ =	swait.ge @!p0 [sflag:s5], $0x80  }
0x18d: {  	[sflag:s5] =	ssyncset.done @!p0 $0x0  }
0x18e: {  	[sflag:s5] =	ssyncadd.s32 @!p0 $0xFFFFFF80  }
0x18f: {  	[tilespmem:s29], [sflag:$0xB] =	stream.indirect.gather @!p0 [hbm4b:s4+s28], $0x80, s1, s28, $0xb8;
	[tilespmem:$0x1C800] =	vst v63  }
0x190: {  	_ =	swait.ge @!p0 [sflag:s5], $0x4000  }
0x191: {  	[sflag:s5] =	ssyncset.done @!p0 $0x0  }
0x192: {  	[sflag:s5] =	ssyncadd.s32 @!p0 $0xFFFFC000  }
0x193: {  	[spmem:s15] =	stream.indirect.scatter.add.f32 @!p0 [tilespmem:s29], [sflag:$0xB], $0x80, s0, s28, $0xb8;
	[tilespmem:$0x1C800] =	vst v63  }
0x194: {  	_ =	swait.ge @!p0 [sflag:s5], $0x4000  }
0x195: {  	[sflag:s5] =	ssyncset.done @!p0 $0x0  }
0x196: {  	[sflag:s5] =	ssyncadd.s32 @!p0 $0xFFFFC000  }
0x197: {  	[bflag:$0x0] =	sbarrier.arrive $0xFFFF  }
0x198: {  	s15 =	sld [smem:$0x7F8]  }
0x199: {  	s5 =	rddreg [dreg:$0x11]  }
0x19a: {  	s8 =	simm.s32 $0xB;
	s14 =	rddreg [dreg:$0x1d]  }
0x19b: {  	[hbm:s14], [sflag:s5] =	dma.local [spmem:s15], $0x2800  }
0x19c: {  	_ =	swait.ge [sflag:s8], $0x2800  }
0x19d: {  	s28 =	sld [smem:$0x7F7]  }
0x19e: {  	s29 =	sld [smem:$0x7FC];
	_ =	sdelay $0x1  }
0x19f: {  	s0 =	sadd.s32 $0x1, s28  }
0x1a0: {  	p1 =	sne.s32 s0, s29  }
.Ltmp1:
0x1a1: {  	_ = 	snop;
	(pc) =	sbr.rel @p1 .LBB2_1-.Ltmp1, $4  }
0x1a2: {  	_ = 	snop  }
0x1a3: {  	[sflag:s8] =	ssyncset.done $0x0  }
0x1a4: {  	s1 =	rddreg [dreg:$0xe];
	[sflag:s8] =	ssyncadd.s32 $0xFFFFD800  }
0x1a5: {  	s2 =	rddreg [dreg:$0x1]  }
0x1a6: {  	_ =	sfence.sel $0x180000  }
0x1a7: {  	[bflag:$0x0] =	sbarrier.arrive $0xFFFF  }
0x1a8: {  	_ =	strace $0x9000004A  }
0x1a9: {  	[bflag:$0x2] =	sbarrier.arrive $0xFFFF  }
0x1aa: {  	s0 =	rddreg [dreg:$0x3]  }
0x1ab: {  	s0 =	sadd.s32 @!p0 $0x100000, s0  }
0x1ac: {  	[sflag:s0] =	ssyncadd.tile.s32 @!p0 $0x1;
	_ =	shalt  }
.Lfunc_end2:
_tile_overlayer_lowered:
.L_overlay_start_2:
0x1ad: {  	(tag) =	ssettag $0x2  }
0x1ae: {  	s0 =	rddreg [dreg:$0x0];
	s2 =	stileid.u32  }
0x1af: {  	s1 =	rddreg [dreg:$0x1];
	p0 =	sne.s32 s2, $0x0  }
0x1b0: {  	s3 =	rddreg [dreg:$0x2];
	[bflag:$0x3] =	sbarrier.arrive $0xFFFF;
	s2 =	simm.s32 @!p0 $0x1C0B  }
0x1b1: {  	[timem:s3], [sflag:s2] =	dma.local @!p0 [hbm:s0], s1  }
0x1b2: {  	s0 =	simm.s32 @!p0 $0xB  }
0x1b3: {  	_ =	swait.ge @!p0 [sflag:s0], s1  }
0x1b4: {  	s1 =	ssub.s32 @!p0 $0x0, s1;
	[sflag:s0] =	ssyncset.done @!p0 $0x0  }
0x1b5: {  	[sflag:s0] =	ssyncadd.s32 @!p0 s1  }
0x1b6: {  	[bflag:$0x3] =	sbarrier.arrive $0xFFFF  }
0x1b7: {  	_ =	shalt  }

// kernel: kernel.8.cloned.1.call-start
scs
__scs_entry_jumppad:
0x0: {  	(pc) =	sbr.rel $0x88, $3  }
0x1: {  	(tag) =	ssettag $0x0;
	lr =	simm.s32 $0x1  }
0x2: {  	[smem:$0x3F9D] =	sst lr;
	_ =	strace $0xD0000000  }
0x3: {  	_ = 	snop  }
0x4: {  	_ = 	snop  }
0x5: {  	_ = 	snop  }
0x6: {  	_ = 	snop  }
0x7: {  	_ = 	snop  }
__scs_overlays_trampoline_lowered:
0x8: {  	[smem:$0x3FAC] =	sst s0  }
0x9: {  	[smem:$0x3FAD] =	sst s1  }
0xa: {  	[smem:$0x3FAE] =	sst s2  }
0xb: {  	[smem:$0x3FAF] =	sst s3  }
0xc: {  	[smem:$0x3FB0] =	sst s4  }
0xd: {  	[smem:$0x3FB1] =	sst s5  }
0xe: {  	[smem:$0x3FB2] =	sst s6  }
0xf: {  	[smem:$0x3FB3] =	sst s7  }
0x10: {  	[smem:$0x3FB4] =	sst s8  }
0x11: {  	[smem:$0x3FB5] =	sst s9;
	s0 =	simm.s32 @!p0 $0x0  }
0x12: {  	s1 =	sld [smem:$0x3F9B];
	s0 =	simm.s32 @p0 $0x1  }
0x13: {  	[smem:$0x3FB6] =	sst s0;
	s0 =	simm.s32 @!p1 $0x0  }
0x14: {  	s2 =	sld [smem:$0x3F9A];
	s0 =	simm.s32 @p1 $0x1  }
0x15: {  	[smem:$0x3FB7] =	sst s0;
	s0 =	simm.s32 @!p2 $0x0  }
0x16: {  	s3 =	sld [smem:$0x3FDB];
	s0 =	simm.s32 @p2 $0x1  }
0x17: {  	s4 =	simm.s32 $0x1BF5;
	[smem:$0x3FB9] =	sst s0  }
0x18: {  	s0 =	sld [smem:$0x3F9C];
	_ =	swait.ge [sflag:s4], $0x0  }
0x19: {  	s7 =	sld [smem:$0x3F9D]  }
0x1a: {  	s8 =	sadd.s32 $0xFFFFE003, lr  }
0x1b: {  	s9 =	sadd.s32 $0xFFFFFEF7, lr;
	s5 =	simm.s32 $0xFFFFFFFF;
	p2 =	slt.u32 s8, $0xFFFFF086  }
0x1c: {  	p1 =	slt.u32 s9, $0xF7A;
	s5 =	simm.s32 @!p2 $0x0  }
0x1d: {  	s5 =	simm.s32 @p1 $0x1;
	p0 =	seq.s32 s7, s2  }
0x1e: {  	s7 =	smul.u32 @!p0 $0xF7A, s2;
	p2 =	seq.s32 @!p0 s5, $0x0  }
0x1f: {  	s9 =	smul.u32 $0xF7A, s1;
	s8 =	simm.s32 @!p0 $0x1BF5;
	p2 =	por !p2, p0  }
0x20: {  	[sflag:s8] =	ssyncset.s32 @!p0 $0xFFFFF086;
	s6 =	sadd.s32 @!p0 s3, s7;
	s7 =	simm.s32 @!p0 $0x108  }
0x21: {  	s3 =	sadd.s32 s3, s9;
	s6 =	sadd.s32 @!p0 $0x88, s6;
	s7 =	simm.s32 @p2 $0x1082  }
0x22: {  	[simem:s7], [sflag:s8] =	dma.local @!p0 [hbm:s6], $0xF7A  }
0x23: {  	s9 =	sor.u32 $0xD0000000, s2;
	s6 =	simm.s32 $0x108;
	_ =	swait.ge @!p0 [sflag:s8], $0x0  }
0x24: {  	s3 =	sadd.s32 $0x88, s3;
	s6 =	simm.s32 @!p1 $0x1082;
	[sflag:s4] =	ssyncset.s32 $0xFFFFF086  }
0x25: {  	[simem:s6], [sflag:s4] =	dma.local [hbm:s3], $0xF7A  }
0x26: {  	[smem:$0x3F9D] =	sst s1;
	(tag) =	ssettag s2;
	_ =	strace s9  }
0x27: {  	s1 =	sld [smem:$0x3FAD]  }
0x28: {  	s2 =	sld [smem:$0x3FAE]  }
0x29: {  	s4 =	sld [smem:$0x3FB0]  }
0x2a: {  	p0 =	seq.s32 s5, $0x0;
	s5 =	sld [smem:$0x3FB1]  }
0x2b: {  	s6 =	sld [smem:$0x3FB2]  }
0x2c: {  	s7 =	sld [smem:$0x3FB3]  }
0x2d: {  	s3 =	simm.s32 $0x108;
	s8 =	sld [smem:$0x3FB4]  }
0x2e: {  	s3 =	simm.s32 @!p0 $0x1082;
	s9 =	sld [smem:$0x3FB5]  }
0x2f: {  	lr =	sadd.s32 s0, s3;
	s0 =	sld [smem:$0x3FAC]  }
0x30: {  	s3 =	sld [smem:$0x3FAF]  }
0x31: {  	[smem:$0x3FB8] =	sst s10  }
0x32: {  	s10 =	sld [smem:$0x3FB6];
	_ =	sdelay $0x3  }
0x33: {  	p0 =	seq.s32 s10, $0x1;
	s10 =	sld [smem:$0x3FB8];
	_ =	sdelay $0x3  }
0x34: {  	[smem:$0x3FB8] =	sst s10  }
0x35: {  	s10 =	sld [smem:$0x3FB7];
	_ =	sdelay $0x3  }
0x36: {  	p1 =	seq.s32 s10, $0x1;
	s10 =	sld [smem:$0x3FB8];
	_ =	sdelay $0x3  }
0x37: {  	[smem:$0x3FB8] =	sst s10  }
0x38: {  	s10 =	sld [smem:$0x3FB9]  }
0x39: {  	_ = 	snop;
	(pc) =	sbr.ind lr, $3  }
0x3a: {  	_ = 	snop  }
0x3b: {  	_ = 	snop  }
0x3c: {  	p2 =	seq.s32 s10, $0x1;
	s10 =	sld [smem:$0x3FB8]  }
0x3d: {  	_ =	shalt  }
0x3e: {  	_ =	shalt  }
0x3f: {  	_ =	shalt  }
0x40: {  	_ =	shalt  }
0x41: {  	_ =	shalt  }
0x42: {  	_ =	shalt  }
0x43: {  	_ =	shalt  }
0x44: {  	_ =	shalt  }
0x45: {  	_ =	shalt  }
0x46: {  	_ =	shalt  }
0x47: {  	_ =	shalt  }
0x48: {  	_ =	shalt  }
0x49: {  	_ =	shalt  }
0x4a: {  	_ =	shalt  }
0x4b: {  	_ =	shalt  }
0x4c: {  	_ =	shalt  }
0x4d: {  	_ =	shalt  }
0x4e: {  	_ =	shalt  }
0x4f: {  	_ =	shalt  }
0x50: {  	_ =	shalt  }
0x51: {  	_ =	shalt  }
0x52: {  	_ =	shalt  }
0x53: {  	_ =	shalt  }
0x54: {  	_ =	shalt  }
0x55: {  	_ =	shalt  }
0x56: {  	_ =	shalt  }
0x57: {  	_ =	shalt  }
0x58: {  	_ =	shalt  }
0x59: {  	_ =	shalt  }
0x5a: {  	_ =	shalt  }
0x5b: {  	_ =	shalt  }
0x5c: {  	_ =	shalt  }
0x5d: {  	_ =	shalt  }
0x5e: {  	_ =	shalt  }
0x5f: {  	_ =	shalt  }
0x60: {  	_ =	shalt  }
0x61: {  	_ =	shalt  }
0x62: {  	_ =	shalt  }
0x63: {  	_ =	shalt  }
0x64: {  	_ =	shalt  }
0x65: {  	_ =	shalt  }
0x66: {  	_ =	shalt  }
0x67: {  	_ =	shalt  }
0x68: {  	_ =	shalt  }
0x69: {  	_ =	shalt  }
0x6a: {  	_ =	shalt  }
0x6b: {  	_ =	shalt  }
0x6c: {  	_ =	shalt  }
0x6d: {  	_ =	shalt  }
0x6e: {  	_ =	shalt  }
0x6f: {  	_ =	shalt  }
0x70: {  	_ =	shalt  }
0x71: {  	_ =	shalt  }
0x72: {  	_ =	shalt  }
0x73: {  	_ =	shalt  }
0x74: {  	_ =	shalt  }
0x75: {  	_ =	shalt  }
0x76: {  	_ =	shalt  }
0x77: {  	_ =	shalt  }
0x78: {  	_ =	shalt  }
0x79: {  	_ =	shalt  }
0x7a: {  	_ =	shalt  }
0x7b: {  	_ =	shalt  }
0x7c: {  	_ =	shalt  }
0x7d: {  	_ =	shalt  }
0x7e: {  	_ =	shalt  }
0x7f: {  	_ =	shalt  }
0x80: {  	_ =	shalt  }
0x81: {  	_ =	shalt  }
0x82: {  	_ =	shalt  }
0x83: {  	_ =	shalt  }
0x84: {  	_ =	shalt  }
0x85: {  	_ =	shalt  }
0x86: {  	_ =	shalt  }
0x87: {  	_ =	shalt  }
.Lfunc_end0:
.L_simem_size_0:
called_computation_lowered:
.L_overlay_start_0:
0x88: {  	s2 =	sld [smem:$0x3FD9]  }
0x89: {  	s3 =	sld [smem:$0x3FFE];
	_ =	sdelay $0x1  }
0x8a: {  	s1 =	srdreg.scid  }
0x8b: {  	s0 =	sand.u32 $0x1, s1  }
0x8c: {  	s17 =	sshll.u32 s0, $0xA;
	s2 =	sadd.s32 s3, s2  }
0x8d: {  	s2 =	sadd.s32 s2, s17  }
0x8e: {  	[smem:$0x3FC4] =	sst s2  }
0x8f: {  	_ = 	snop  }
0x90: {  	s2 =	sld [smem:$0x3FD0];
	(tm) =	ssettm $0x1  }
0x91: {  	s18 =	sld [smem:$0x3FFB];
	_ =	sdelay $0x3  }
0x92: {  	_ =	strace s18  }
0x93: {  	s3 =	sld [smem:$0x3FFC];
	_ =	sdelay $0x3  }
0x94: {  	_ =	strace s3  }
0x95: {  	s3 =	sld [smem:$0x3FFD];
	_ =	sdelay $0x3  }
0x96: {  	_ =	strace s3  }
0x97: {  	_ =	strace $0x8FFFFFFF  }
0x98: {  	s19 =	sld [smem:$0x3FDB];
	_ =	sdelay $0x1  }
0x99: {  	s4 =	simm.s32 $_scs_section_size  }
0x9a: {  	s5 =	simm.s32 $_size__tile_overlayer_lowered;
	s6 =	simm.s32 $_tile_overlayer_lowered  }
0x9b: {  	s22 =	simm.s32 $0x1BFF;
	s21 =	sshll.u32 s6, $0x1;
	s3 =	sadd.s32 s4, s19  }
0x9c: {  	s7 =	simm.s32 $0x0;
	s20 =	sshll.u32 s5, $0x1;
	s5 =	sadd.s32 s21, s3  }
0x9d: {  	[timem:s7], [sflag:s22] =	dma.local [hbm:s5], s20  }
0x9e: {  	_ =	swait.ge [sflag:s22], s20  }
0x9f: {  	s4 =	ssub.s32 $0x0, s20;
	[sflag:s22] =	ssyncset.done $0x0  }
0xa0: {  	[sflag:s22] =	ssyncadd.s32 s4;
	_ =	sdelay $0x1  }
0xa1: {  	s23 =	simm.s32 $0x1B8B  }
0xa2: {  	_ =	swait.ge [sflag:s23], $0x1  }
0xa3: {  	[sflag:s23] =	ssyncset.done $0x0  }
0xa4: {  	s25 =	simm.s32 $0x1B8E;
	s24 =	sld [smem:$0x3FFE];
	[sflag:s23] =	ssyncadd.s32 $0xFFFFFFFF  }
0xa5: {  	s26 =	simm.s32 $execute0_lowered;
	[smem:$0x3FD2] =	sst s25  }
0xa6: {  	s5 =	sshll.u32 s26, $0x1;
	_ =	strace $0x80000046;
	[dreg:$0x1] =	wrdreg $0xFFFFFFFF  }
0xa7: {  	s28 =	simm.s32 $_size_execute0_lowered;
	s3 =	sadd.s32 s3, s5;
	[dreg:$0x0] =	wrdreg $0x0  }
0xa8: {  	s5 =	sshll.u32 s28, $0x1;
	[dreg:$0x2] =	wrdreg s3  }
0xa9: {  	[dreg:$0x3] =	wrdreg s5  }
0xaa: {  	[dreg:$0x4] =	wrdreg $0xC0  }
0xab: {  	_ =	task [dreg:s7], $0x5FFFF  }
0xac: {  	[dreg:$0x1] =	wrdreg $0xFFFFFFFF  }
0xad: {  	[dreg:$0x0] =	wrdreg $0x60  }
0xae: {  	[dreg:$0x2] =	wrdreg s2  }
0xaf: {  	[dreg:$0x3] =	wrdreg s24  }
0xb0: {  	[dreg:$0x4] =	wrdreg $0x7800  }
0xb1: {  	[dreg:$0x5] =	wrdreg $0x9  }
0xb2: {  	_ =	task.clear_ibuf [dreg:s7], $0x6FFFF;
	_ =	strace $0x90000046  }
0xb3: {  	s29 =	simm.s32 $0x9;
	_ =	strace $0x80000048  }
0xb4: {  	_ =	swait.ge [sflag:s29], $0x1  }
0xb5: {  	[sflag:s29] =	ssyncadd.s32 $0xFFFFFFFF  }
0xb6: {  	_ =	strace $0x90000048  }
0xb7: {  	_ =	sfence  }
0xb8: {  	s30 =	sld [smem:$0x0];
	_ =	sdelay $0x2  }
0xb9: {  	s31 =	sshll.u32 s1, $0xD;
	s1 =	sshrl.u32 s1, $0x2  }
0xba: {  	s3 =	sand.u32 $0x4000, s31;
	s1 =	sadd.s32 s1, s30  }
0xbb: {  	s0 =	sor.u32 s3, s0;
	s1 =	sshll.u32 s1, $0x11  }
0xbc: {  	s0 =	sor.u32 s1, s0  }
0xbd: {  	s0 =	sadd.s32 $0x8F2B, s0  }
0xbe: {  	[sflag:s0] =	ssyncadd.remote.s32 $0x1  }
0xbf: {  	_ =	sfence.sel $0xFFFF  }
0xc0: {  	[dreg:$0x0] =	wrdreg $0xFFFFFFFF;
	(pc) =	sbr.abs _section_cstart, $3  }
0xc1: {  	[dreg:$0x1] =	wrdreg $0xFFFFFFFF  }
0xc2: {  	_ =	task.clear_ibuf [dreg:s7], $0x2FFFF;
	_ =	strace $0x9FFFFFFF  }
0xc3: {  	(tm) =	ssettm $0x7FFFFFFF  }
tec
execute0_lowered:
.L_overlay_start_1:
0x0: {  	(tag) =	ssettag $0x1  }
0x1: {  	s1 =	rddreg [dreg:$0x0]  }
0x2: {  	s0 =	rddreg [dreg:$0x1]  }
0x3: {  	s2 =	rddreg [dreg:$0x2]  }
0x4: {  	s3 =	srdreg.scid;
	s11 =	stileid.u32;
	s4 =	simm.s32 $0x0  }
0x5: {  	s28 =	simm.s32 $0x280;
	s29 =	simm.s32 $0x1;
	s30 =	simm.s32 $0x480  }
0x6: {  	s31 =	simm.s32 $0x2;
	s3 =	sand.u32 $0x1, s3;
	s9 =	smul.u32 $0xA00, s11  }
0x7: {  	s5 =	sshll.u32 s11, $0x1;
	[smem:$0x7FF] =	sst s4;
	s26 =	smul.u32 $0x4E00, s11  }
0x8: {  	s20 =	smul.u32 $0xA0, s11;
	p0 =	sne.s32 s11, $0x0;
	s5 =	sor.u32 s3, s5  }
0x9: {  	_ =	strace $0x80000047;
	s6 =	ssub.s32 $0x2, s3;
	s13 =	smul.u32 $0x2700, s3  }
0xa: {  	s7 =	sshll.u32 s3, $0x4;
	s3 =	sshll.u32 s3, $0x5;
	s5 =	smul.u32 $0x2700, s5  }
0xb: {  	s8 =	sshrl.u32 s6, $0x1;
	s0 =	sadd.s32 s7, s0;
	s25 =	sshrl.u32 s9, $0x2  }
0xc: {  	s3 =	sadd.s32 s3, s1;
	s24 =	ssub.s32 s6, s8;
	s6 =	sadd.s32 s25, s2  }
0xd: {  	s8 =	sadd.s32 s13, s26;
	s17 =	sadd.s32 $0x9C00, s3;
	s3 =	sadd.s32 $0x9C10, s3  }
0xe: {  	s0 =	sadd.s32 $0xBE00, s0;
	s5 =	sshrl.u32 s5, $0x3;
	[dreg:$0xa] =	wrdreg s17  }
0xf: {  	s18 =	sadd.s32 $0x580, s8;
	[dreg:$0xb] =	wrdreg s3;
	s21 =	sadd.s32 $0x500, s8  }
0x10: {  	s7 =	smax.u32 s24, $0x1;
	s23 =	sadd.s32 $0x480, s8;
	s24 =	sadd.s32 $0x400, s8  }
0x11: {  	s25 =	sadd.s32 $0x380, s8;
	s5 =	sadd.s32 s1, s5;
	s19 =	sshrl.u32 s18, $0x3  }
0x12: {  	[dreg:$0xc] =	wrdreg s7;
	s22 =	sshrl.u32 s21, $0x3;
	s7 =	sshrl.u32 s24, $0x3  }
0x13: {  	s26 =	sshrl.u32 s25, $0x3;
	s21 =	simm.s32 $0x7;
	s24 =	sadd.s32 s20, s0  }
0x14: {  	s25 =	simm.s32 $0x180;
	s0 =	simm.s32 $0x3;
	s12 =	sadd.s32 $0x10, s5  }
0x15: {  	s20 =	simm.s32 $0x4;
	s10 =	sadd.s32 $0x20, s5;
	[dreg:$0x5] =	wrdreg s12  }
0x16: {  	s14 =	sadd.s32 $0x30, s5;
	s15 =	sadd.s32 $0x40, s5;
	[dreg:$0x6] =	wrdreg s10  }
0x17: {  	s16 =	sadd.s32 $0x50, s5;
	s3 =	sadd.s32 s19, s1;
	[dreg:$0x7] =	wrdreg s14  }
0x18: {  	s17 =	sadd.s32 s7, s1;
	s18 =	sadd.s32 s26, s1;
	[dreg:$0x8] =	wrdreg s15  }
0x19: {  	s19 =	sadd.s32 $0x300, s8;
	s26 =	simm.s32 $0x200;
	[dreg:$0x9] =	wrdreg s16  }
0x1a: {  	s7 =	simm.s32 $0x6;
	s8 =	simm.s32 $0x0;
	[dreg:$0x4] =	wrdreg s3  }
0x1b: {  	s15 =	sadd.s32 s22, s1;
	s3 =	sshrl.u32 s23, $0x3;
	s22 =	simm.s32 $0x80  }
0x1c: {  	v0 =	vimm.f32 $0.0e+00;
	v1 =	vimm.f32 $1.000000000e+00;
	s23 =	simm.s32 $0x100;
	s16 =	sadd.s32 s3, s1;
	s3 =	simm.s32 $0x5  }
.LBB2_1:
0x1d: {  	[tilespmem:$0x500] =	vst v0  }
0x1e: {  	[tilespmem:$0x510] =	vst v0  }
0x1f: {  	[tilespmem:$0x520] =	vst v0  }
0x20: {  	[tilespmem:$0x530] =	vst v0  }
0x21: {  	[tilespmem:$0x540] =	vst v0  }
0x22: {  	[tilespmem:$0x550] =	vst v0  }
0x23: {  	[tilespmem:$0x560] =	vst v0  }
0x24: {  	[tilespmem:$0x570] =	vst v0  }
0x25: {  	[tilespmem:$0x580] =	vst v0  }
0x26: {  	[tilespmem:$0x590] =	vst v0  }
0x27: {  	[tilespmem:$0x5A0] =	vst v0  }
0x28: {  	[tilespmem:$0x5B0] =	vst v0  }
0x29: {  	[tilespmem:$0x5C0] =	vst v0  }
0x2a: {  	[tilespmem:$0x5D0] =	vst v0  }
0x2b: {  	[tilespmem:$0x5E0] =	vst v0  }
0x2c: {  	[tilespmem:$0x5F0] =	vst v0  }
0x2d: {  	[tilespmem:$0x600] =	vst v0  }
0x2e: {  	[tilespmem:$0x610] =	vst v0  }
0x2f: {  	[tilespmem:$0x620] =	vst v0  }
0x30: {  	[tilespmem:$0x630] =	vst v0  }
0x31: {  	[tilespmem:$0x640] =	vst v0  }
0x32: {  	[tilespmem:$0x650] =	vst v0  }
0x33: {  	[tilespmem:$0x660] =	vst v0  }
0x34: {  	[tilespmem:$0x670] =	vst v0  }
0x35: {  	[tilespmem:$0x680] =	vst v0  }
0x36: {  	[tilespmem:$0x690] =	vst v0  }
0x37: {  	[tilespmem:$0x6A0] =	vst v0  }
0x38: {  	[tilespmem:$0x6B0] =	vst v0  }
0x39: {  	[tilespmem:$0x6C0] =	vst v0  }
0x3a: {  	[tilespmem:$0x6D0] =	vst v0  }
0x3b: {  	[tilespmem:$0x6E0] =	vst v0  }
0x3c: {  	[tilespmem:$0x6F0] =	vst v0  }
0x3d: {  	[tilespmem:$0x700] =	vst v0  }
0x3e: {  	[tilespmem:$0x710] =	vst v0  }
0x3f: {  	[tilespmem:$0x720] =	vst v0  }
0x40: {  	[tilespmem:$0x730] =	vst v0  }
0x41: {  	[tilespmem:$0x740] =	vst v0  }
0x42: {  	[tilespmem:$0x750] =	vst v0  }
0x43: {  	[tilespmem:$0x760] =	vst v0  }
0x44: {  	[tilespmem:$0x770] =	vst v0;
	s9 =	simm.s32 $0x500  }
0x45: {  	[spmem:s6] =	stream.linear.scatter [tilespmem:s9], [sflag:$0x7], $0x280, $0x38;
	[tilespmem:$0xA00] =	vst v63  }
0x46: {  	_ =	swait.ge [sflag:s21], $0x280  }
0x47: {  	[sflag:s21] =	ssyncset.done $0x0  }
0x48: {  	[sflag:s21] =	ssyncadd.s32 $0xFFFFFD80  }
0x49: {  	[tilespmem:$0x480] =	vst v1  }
0x4a: {  	[tilespmem:$0x490] =	vst v1  }
0x4b: {  	[tilespmem:$0x4A0] =	vst v1  }
0x4c: {  	[tilespmem:$0x4B0] =	vst v1  }
0x4d: {  	[tilespmem:$0x4C0] =	vst v1  }
0x4e: {  	[tilespmem:$0x4D0] =	vst v1  }
0x4f: {  	[tilespmem:$0x4E0] =	vst v1  }
0x50: {  	[tilespmem:$0x4F0] =	vst v1  }
0x51: {  	[tilespmem:s4], [sflag:$0x1] =	stream.linear.gather [hbm4b:s5+s4], $0x80, $0x38;
	[tilespmem:$0xA00] =	vst v63  }
0x52: {  	s10 =	rddreg [dreg:$0x5]  }
0x53: {  	[tilespmem:s22], [sflag:$0x2] =	stream.linear.gather [hbm4b:s10+s4], $0x80, $0x38;
	[tilespmem:$0xA00] =	vst v63  }
0x54: {  	s11 =	rddreg [dreg:$0x6]  }
0x55: {  	[tilespmem:s23], [sflag:$0x3] =	stream.linear.gather [hbm4b:s11+s4], $0x80, $0x38;
	[tilespmem:$0xA00] =	vst v63  }
0x56: {  	s12 =	rddreg [dreg:$0x7]  }
0x57: {  	[tilespmem:s25], [sflag:$0x4] =	stream.linear.gather [hbm4b:s12+s4], $0x80, $0x38;
	[tilespmem:$0xA00] =	vst v63  }
0x58: {  	s13 =	rddreg [dreg:$0x8]  }
0x59: {  	[tilespmem:s26], [sflag:$0x5] =	stream.linear.gather [hbm4b:s13+s4], $0x80, $0x38;
	[tilespmem:$0xA00] =	vst v63  }
0x5a: {  	s14 =	rddreg [dreg:$0x9]  }
0x5b: {  	[tilespmem:s28], [sflag:$0x6] =	stream.linear.gather [hbm4b:s14+s4], $0x80, $0x38;
	[tilespmem:$0xA00] =	vst v63  }
0x5c: {  	[bflag:$0x0] =	sbarrier.arrive $0xFFFF  }
0x5d: {  	_ =	swait.ge [sflag:s29], $0x80  }
0x5e: {  	[sflag:s29] =	ssyncset.done $0x0  }
0x5f: {  	[sflag:s29] =	ssyncadd.s32 $0xFFFFFF80  }
0x60: {  	[spmem:s2] =	stream.indirect.scatter.add.f32 [tilespmem:s30], [sflag:$0x7], $0x1, s4, s22, $0xb8;
	[tilespmem:$0xA00] =	vst v63  }
0x61: {  	_ =	swait.ge [sflag:s21], $0x80  }
0x62: {  	s10 =	sshrl.u32 s19, $0x3;
	[sflag:s21] =	ssyncset.done $0x0  }
0x63: {  	s9 =	sadd.s32 s1, s10;
	[sflag:s21] =	ssyncadd.s32 $0xFFFFFF80  }
0x64: {  	[tilespmem:s4], [sflag:$0x1] =	stream.linear.gather [hbm4b:s9+s4], $0x80, $0x38;
	[tilespmem:$0xA00] =	vst v63  }
0x65: {  	_ =	swait.ge [sflag:s31], $0x80  }
0x66: {  	[sflag:s31] =	ssyncset.done $0x0  }
0x67: {  	[sflag:s31] =	ssyncadd.s32 $0xFFFFFF80  }
0x68: {  	[spmem:s2] =	stream.indirect.scatter.add.f32 [tilespmem:s30], [sflag:$0x7], $0x1, s22, s22, $0xb8;
	[tilespmem:$0xA00] =	vst v63  }
0x69: {  	_ =	swait.ge [sflag:s21], $0x80  }
0x6a: {  	[sflag:s21] =	ssyncset.done $0x0  }
0x6b: {  	s11 =	sadd.s32 $0x0, s18;
	[sflag:s21] =	ssyncadd.s32 $0xFFFFFF80  }
0x6c: {  	[tilespmem:s22], [sflag:$0x2] =	stream.linear.gather [hbm4b:s11+s4], $0x80, $0x38;
	[tilespmem:$0xA00] =	vst v63  }
0x6d: {  	_ =	swait.ge [sflag:s0], $0x80  }
0x6e: {  	[sflag:s0] =	ssyncset.done $0x0  }
0x6f: {  	[sflag:s0] =	ssyncadd.s32 $0xFFFFFF80  }
0x70: {  	[spmem:s2] =	stream.indirect.scatter.add.f32 [tilespmem:s30], [sflag:$0x7], $0x1, s23, s22, $0xb8;
	[tilespmem:$0xA00] =	vst v63  }
0x71: {  	_ =	swait.ge [sflag:s21], $0x80  }
0x72: {  	[sflag:s21] =	ssyncset.done $0x0  }
0x73: {  	s12 =	sadd.s32 $0x0, s17;
	[sflag:s21] =	ssyncadd.s32 $0xFFFFFF80  }
0x74: {  	[tilespmem:s23], [sflag:$0x3] =	stream.linear.gather [hbm4b:s12+s4], $0x80, $0x38;
	[tilespmem:$0xA00] =	vst v63  }
0x75: {  	_ =	swait.ge [sflag:s20], $0x80  }
0x76: {  	[sflag:s20] =	ssyncset.done $0x0  }
0x77: {  	[sflag:s20] =	ssyncadd.s32 $0xFFFFFF80  }
0x78: {  	[spmem:s2] =	stream.indirect.scatter.add.f32 [tilespmem:s30], [sflag:$0x7], $0x1, s25, s22, $0xb8;
	[tilespmem:$0xA00] =	vst v63  }
0x79: {  	_ =	swait.ge [sflag:s21], $0x80  }
0x7a: {  	[sflag:s21] =	ssyncset.done $0x0  }
0x7b: {  	s13 =	sadd.s32 $0x0, s16;
	[sflag:s21] =	ssyncadd.s32 $0xFFFFFF80  }
0x7c: {  	[tilespmem:s25], [sflag:$0x4] =	stream.linear.gather [hbm4b:s13+s4], $0x80, $0x38;
	[tilespmem:$0xA00] =	vst v63  }
0x7d: {  	_ =	swait.ge [sflag:s3], $0x80  }
0x7e: {  	[sflag:s3] =	ssyncset.done $0x0  }
0x7f: {  	[sflag:s3] =	ssyncadd.s32 $0xFFFFFF80  }
0x80: {  	[spmem:s2] =	stream.indirect.scatter.add.f32 [tilespmem:s30], [sflag:$0x7], $0x1, s26, s22, $0xb8;
	[tilespmem:$0xA00] =	vst v63  }
0x81: {  	_ =	swait.ge [sflag:s21], $0x80  }
0x82: {  	[sflag:s21] =	ssyncset.done $0x0  }
0x83: {  	s14 =	sadd.s32 $0x0, s15;
	[sflag:s21] =	ssyncadd.s32 $0xFFFFFF80  }
0x84: {  	[tilespmem:s26], [sflag:$0x5] =	stream.linear.gather [hbm4b:s14+s4], $0x80, $0x38;
	[tilespmem:$0xA00] =	vst v63  }
0x85: {  	_ =	swait.ge [sflag:s7], $0x80  }
0x86: {  	[sflag:s7] =	ssyncset.done $0x0  }
0x87: {  	[sflag:s7] =	ssyncadd.s32 $0xFFFFFF80  }
0x88: {  	[spmem:s2] =	stream.indirect.scatter.add.f32 [tilespmem:s30], [sflag:$0x7], $0x1, s28, s22, $0xb8;
	[tilespmem:$0xA00] =	vst v63  }
0x89: {  	_ =	swait.ge [sflag:s21], $0x80  }
0x8a: {  	s9 =	simm.s32 $0x60;
	s10 =	rddreg [dreg:$0x4];
	[sflag:s21] =	ssyncset.done $0x0  }
0x8b: {  	[sflag:s21] =	ssyncadd.s32 $0xFFFFFF80;
	s11 =	sadd.s32 $0x0, s10;
	s10 =	sadd.s32 $0x300, s19  }
.LBB2_2:
0x8c: {  	[tilespmem:s28], [sflag:$0x6] =	stream.linear.gather [hbm4b:s11+s4], $0x80, $0x38;
	[tilespmem:$0xA00] =	vst v63  }
0x8d: {  	_ =	swait.ge [sflag:s29], $0x80  }
0x8e: {  	[sflag:s29] =	ssyncset.done $0x0  }
0x8f: {  	[sflag:s29] =	ssyncadd.s32 $0xFFFFFF80  }
0x90: {  	[spmem:s2] =	stream.indirect.scatter.add.f32 [tilespmem:s30], [sflag:$0x7], $0x1, s4, s22, $0xb8;
	[tilespmem:$0xA00] =	vst v63  }
0x91: {  	_ =	swait.ge [sflag:s21], $0x80  }
0x92: {  	s12 =	sshrl.u32 s10, $0x3;
	[sflag:s21] =	ssyncset.done $0x0  }
0x93: {  	s12 =	sadd.s32 s1, s12;
	[sflag:s21] =	ssyncadd.s32 $0xFFFFFF80  }
0x94: {  	[tilespmem:s4], [sflag:$0x1] =	stream.linear.gather [hbm4b:s12+s4], $0x80, $0x38;
	[tilespmem:$0xA00] =	vst v63  }
0x95: {  	_ =	swait.ge [sflag:s31], $0x80  }
0x96: {  	[sflag:s31] =	ssyncset.done $0x0  }
0x97: {  	[sflag:s31] =	ssyncadd.s32 $0xFFFFFF80  }
0x98: {  	[spmem:s2] =	stream.indirect.scatter.add.f32 [tilespmem:s30], [sflag:$0x7], $0x1, s22, s22, $0xb8;
	[tilespmem:$0xA00] =	vst v63  }
0x99: {  	_ =	swait.ge [sflag:s21], $0x80  }
0x9a: {  	s11 =	smov.u32 s9;
	[sflag:s21] =	ssyncset.done $0x0  }
0x9b: {  	s14 =	sadd.s32 s11, s18;
	[sflag:s21] =	ssyncadd.s32 $0xFFFFFF80  }
0x9c: {  	[tilespmem:s22], [sflag:$0x2] =	stream.linear.gather [hbm4b:s14+s4], $0x80, $0x38;
	[tilespmem:$0xA00] =	vst v63  }
0x9d: {  	_ =	swait.ge [sflag:s0], $0x80  }
0x9e: {  	[sflag:s0] =	ssyncset.done $0x0  }
0x9f: {  	[sflag:s0] =	ssyncadd.s32 $0xFFFFFF80  }
0xa0: {  	[spmem:s2] =	stream.indirect.scatter.add.f32 [tilespmem:s30], [sflag:$0x7], $0x1, s23, s22, $0xb8;
	[tilespmem:$0xA00] =	vst v63  }
0xa1: {  	_ =	swait.ge [sflag:s21], $0x80  }
0xa2: {  	[sflag:s21] =	ssyncset.done $0x0  }
0xa3: {  	s13 =	sadd.s32 s11, s17;
	[sflag:s21] =	ssyncadd.s32 $0xFFFFFF80  }
0xa4: {  	[tilespmem:s23], [sflag:$0x3] =	stream.linear.gather [hbm4b:s13+s4], $0x80, $0x38;
	[tilespmem:$0xA00] =	vst v63  }
0xa5: {  	_ =	swait.ge [sflag:s20], $0x80  }
0xa6: {  	[sflag:s20] =	ssyncset.done $0x0  }
0xa7: {  	[sflag:s20] =	ssyncadd.s32 $0xFFFFFF80  }
0xa8: {  	[spmem:s2] =	stream.indirect.scatter.add.f32 [tilespmem:s30], [sflag:$0x7], $0x1, s25, s22, $0xb8;
	[tilespmem:$0xA00] =	vst v63  }
0xa9: {  	_ =	swait.ge [sflag:s21], $0x80  }
0xaa: {  	[sflag:s21] =	ssyncset.done $0x0  }
0xab: {  	s14 =	sadd.s32 s11, s16;
	[sflag:s21] =	ssyncadd.s32 $0xFFFFFF80  }
0xac: {  	[tilespmem:s25], [sflag:$0x4] =	stream.linear.gather [hbm4b:s14+s4], $0x80, $0x38;
	[tilespmem:$0xA00] =	vst v63  }
0xad: {  	_ =	swait.ge [sflag:s3], $0x80  }
0xae: {  	[sflag:s3] =	ssyncset.done $0x0  }
0xaf: {  	[sflag:s3] =	ssyncadd.s32 $0xFFFFFF80  }
0xb0: {  	[spmem:s2] =	stream.indirect.scatter.add.f32 [tilespmem:s30], [sflag:$0x7], $0x1, s26, s22, $0xb8;
	[tilespmem:$0xA00] =	vst v63  }
0xb1: {  	_ =	swait.ge [sflag:s21], $0x80  }
0xb2: {  	[sflag:s21] =	ssyncset.done $0x0  }
0xb3: {  	s13 =	sadd.s32 s11, s15;
	[sflag:s21] =	ssyncadd.s32 $0xFFFFFF80  }
0xb4: {  	[tilespmem:s26], [sflag:$0x5] =	stream.linear.gather [hbm4b:s13+s4], $0x80, $0x38;
	[tilespmem:$0xA00] =	vst v63  }
0xb5: {  	_ =	swait.ge [sflag:s7], $0x80  }
0xb6: {  	p1 =	sne.s32 s9, $0x420;
	[sflag:s7] =	ssyncset.done $0x0  }
.Ltmp0:
0xb7: {  	[sflag:s7] =	ssyncadd.s32 $0xFFFFFF80;
	(pc) =	sbr.rel @p1 .LBB2_2-.Ltmp0, $4  }
0xb8: {  	[spmem:s2] =	stream.indirect.scatter.add.f32 [tilespmem:s30], [sflag:$0x7], $0x1, s28, s22, $0xb8;
	[tilespmem:$0xA00] =	vst v63  }
0xb9: {  	_ =	swait.ge [sflag:s21], $0x80  }
0xba: {  	s9 =	sadd.s32 $0x60, s9;
	[sflag:s21] =	ssyncset.done $0x0;
	s14 =	rddreg [dreg:$0x4]  }
0xbb: {  	s10 =	sadd.s32 $0x300, s10;
	[sflag:s21] =	ssyncadd.s32 $0xFFFFFF80;
	s11 =	sadd.s32 s11, s14  }
0xbc: {  	[tilespmem:s28], [sflag:$0x6] =	stream.linear.gather [hbm4b:s11+s4], $0x80, $0x38;
	[tilespmem:$0xA00] =	vst v63  }
0xbd: {  	_ =	swait.ge [sflag:s29], $0x80  }
0xbe: {  	[sflag:s29] =	ssyncset.done $0x0  }
0xbf: {  	[sflag:s29] =	ssyncadd.s32 $0xFFFFFF80  }
0xc0: {  	[spmem:s2] =	stream.indirect.scatter.add.f32 [tilespmem:s30], [sflag:$0x7], $0x1, s4, s22, $0xb8;
	[tilespmem:$0xA00] =	vst v63  }
0xc1: {  	_ =	swait.ge [sflag:s21], $0x80  }
0xc2: {  	[sflag:s21] =	ssyncset.done $0x0  }
0xc3: {  	[sflag:s21] =	ssyncadd.s32 $0xFFFFFF80  }
0xc4: {  	_ =	swait.ge [sflag:s31], $0x80  }
0xc5: {  	[sflag:s31] =	ssyncset.done $0x0  }
0xc6: {  	[sflag:s31] =	ssyncadd.s32 $0xFFFFFF80  }
0xc7: {  	[spmem:s2] =	stream.indirect.scatter.add.f32 [tilespmem:s30], [sflag:$0x7], $0x1, s22, s22, $0xb8;
	[tilespmem:$0xA00] =	vst v63  }
0xc8: {  	_ =	swait.ge [sflag:s21], $0x80  }
0xc9: {  	[sflag:s21] =	ssyncset.done $0x0  }
0xca: {  	[sflag:s21] =	ssyncadd.s32 $0xFFFFFF80  }
0xcb: {  	_ =	swait.ge [sflag:s0], $0x80  }
0xcc: {  	[sflag:s0] =	ssyncset.done $0x0  }
0xcd: {  	[sflag:s0] =	ssyncadd.s32 $0xFFFFFF80  }
0xce: {  	[spmem:s2] =	stream.indirect.scatter.add.f32 [tilespmem:s30], [sflag:$0x7], $0x1, s23, s22, $0xb8;
	[tilespmem:$0xA00] =	vst v63  }
0xcf: {  	_ =	swait.ge [sflag:s21], $0x80  }
0xd0: {  	[sflag:s21] =	ssyncset.done $0x0  }
0xd1: {  	[sflag:s21] =	ssyncadd.s32 $0xFFFFFF80  }
0xd2: {  	_ =	swait.ge [sflag:s20], $0x80  }
0xd3: {  	[sflag:s20] =	ssyncset.done $0x0  }
0xd4: {  	[sflag:s20] =	ssyncadd.s32 $0xFFFFFF80  }
0xd5: {  	[spmem:s2] =	stream.indirect.scatter.add.f32 [tilespmem:s30], [sflag:$0x7], $0x1, s25, s22, $0xb8;
	[tilespmem:$0xA00] =	vst v63  }
0xd6: {  	_ =	swait.ge [sflag:s21], $0x80  }
0xd7: {  	[sflag:s21] =	ssyncset.done $0x0  }
0xd8: {  	[sflag:s21] =	ssyncadd.s32 $0xFFFFFF80  }
0xd9: {  	_ =	swait.ge [sflag:s3], $0x80  }
0xda: {  	[sflag:s3] =	ssyncset.done $0x0  }
0xdb: {  	[sflag:s3] =	ssyncadd.s32 $0xFFFFFF80  }
0xdc: {  	[spmem:s2] =	stream.indirect.scatter.add.f32 [tilespmem:s30], [sflag:$0x7], $0x1, s26, s22, $0xb8;
	[tilespmem:$0xA00] =	vst v63  }
0xdd: {  	_ =	swait.ge [sflag:s21], $0x80  }
0xde: {  	[sflag:s21] =	ssyncset.done $0x0  }
0xdf: {  	[sflag:s21] =	ssyncadd.s32 $0xFFFFFF80  }
0xe0: {  	_ =	swait.ge [sflag:s7], $0x80  }
0xe1: {  	[sflag:s7] =	ssyncset.done $0x0  }
0xe2: {  	[sflag:s7] =	ssyncadd.s32 $0xFFFFFF80  }
0xe3: {  	[spmem:s2] =	stream.indirect.scatter.add.f32 [tilespmem:s30], [sflag:$0x7], $0x1, s28, s22, $0xb8;
	[tilespmem:$0xA00] =	vst v63  }
0xe4: {  	_ =	swait.ge [sflag:s21], $0x80  }
0xe5: {  	s9 =	simm.s32 @!p0 $0x0;
	[sflag:s21] =	ssyncset.done $0x0  }
0xe6: {  	s10 =	simm.s32 @!p0 $0x400;
	s11 =	rddreg [dreg:$0xa];
	[sflag:s21] =	ssyncadd.s32 $0xFFFFFF80  }
0xe7: {  	[tilespmem:s10], [sflag:$0x7] =	stream.linear.gather @!p0 [hbm4b:s11+s9], $0x80, $0x38;
	[tilespmem:$0xA00] =	vst v63  }
0xe8: {  	s11 =	simm.s32 @!p0 $0x7  }
0xe9: {  	_ =	swait.ge @!p0 [sflag:s11], $0x80  }
0xea: {  	[sflag:s11] =	ssyncset.done @!p0 $0x0  }
0xeb: {  	s12 =	simm.s32 @!p0 $0x80;
	s13 =	simm.s32 @!p0 $0x480;
	[sflag:s11] =	ssyncadd.s32 @!p0 $0xFFFFFF80  }
0xec: {  	[spmem:s2] =	stream.indirect.scatter.add.f32 @!p0 [tilespmem:s13], [sflag:$0x7], $0x1, s10, s12, $0xb8;
	[tilespmem:$0xA00] =	vst v63  }
0xed: {  	_ =	swait.ge @!p0 [sflag:s11], $0x80  }
0xee: {  	[sflag:s11] =	ssyncset.done @!p0 $0x0  }
0xef: {  	s14 =	rddreg [dreg:$0xb];
	[sflag:s11] =	ssyncadd.s32 @!p0 $0xFFFFFF80  }
0xf0: {  	[tilespmem:s10], [sflag:$0x7] =	stream.linear.gather @!p0 [hbm4b:s14+s9], $0x80, $0x38;
	[tilespmem:$0xA00] =	vst v63  }
0xf1: {  	_ =	swait.ge @!p0 [sflag:s11], $0x80  }
0xf2: {  	[sflag:s11] =	ssyncset.done @!p0 $0x0  }
0xf3: {  	[sflag:s11] =	ssyncadd.s32 @!p0 $0xFFFFFF80  }
0xf4: {  	[spmem:s2] =	stream.indirect.scatter.add.f32 @!p0 [tilespmem:s13], [sflag:$0x7], $0x1, s10, s12, $0xb8;
	[tilespmem:$0xA00] =	vst v63  }
0xf5: {  	_ =	swait.ge @!p0 [sflag:s11], $0x80  }
0xf6: {  	s10 =	stileid.u32;
	s12 =	simm.s32 $0x20;
	[sflag:s11] =	ssyncset.done @!p0 $0x0  }
0xf7: {  	s13 =	simm.s32 $0x10;
	s9 =	sshll.u32 s10, $0x6;
	[sflag:s11] =	ssyncadd.s32 @!p0 $0xFFFFFF80  }
0xf8: {  	s9 =	sor.u32 $0x1C07, s9;
	s11 =	sshrl.u32 s6, $0x3;
	[bflag:$0x0] =	sbarrier.arrive $0xFFFF  }
0xf9: {  	[hbm:s24@s12], [sflag:s9] =	dma.strided [spmem:s11@s13], $0x50, s29, $0x10   }
0xfa: {  	_ =	swait.ge [sflag:s21], $0x50  }
0xfb: {  	s8 =	sadd.s32 $0x1, s8;
	s14 =	rddreg [dreg:$0xc]  }
0xfc: {  	p1 =	sne.s32 s8, s14  }
.Ltmp1:
0xfd: {  	_ = 	snop;
	(pc) =	sbr.rel @p1 .LBB2_1-.Ltmp1, $3  }
0xfe: {  	_ =	sdelay $0x1  }
0xff: {  	[sflag:s21] =	ssyncset.done $0x0  }
0x100: {  	[sflag:s21] =	ssyncadd.s32 $0xFFFFFFB0  }
0x101: {  	_ =	sfence.sel $0x180000  }
0x102: {  	[bflag:$0x0] =	sbarrier.arrive $0xFFFF  }
0x103: {  	_ =	strace $0x90000047  }
0x104: {  	[bflag:$0x2] =	sbarrier.arrive $0xFFFF  }
0x105: {  	s0 =	rddreg [dreg:$0x3]  }
0x106: {  	s0 =	sadd.s32 @!p0 $0x100000, s0  }
0x107: {  	[sflag:s0] =	ssyncadd.tile.s32 @!p0 $0x1;
	_ =	shalt  }
.Lfunc_end2:
_tile_overlayer_lowered:
.L_overlay_start_2:
0x108: {  	(tag) =	ssettag $0x2  }
0x109: {  	s0 =	rddreg [dreg:$0x0];
	s2 =	stileid.u32  }
0x10a: {  	s1 =	rddreg [dreg:$0x1];
	p0 =	sne.s32 s2, $0x0  }
0x10b: {  	s3 =	rddreg [dreg:$0x2];
	[bflag:$0x3] =	sbarrier.arrive $0xFFFF;
	s2 =	simm.s32 @!p0 $0x1C07  }
0x10c: {  	[timem:s3], [sflag:s2] =	dma.local @!p0 [hbm:s0], s1  }
0x10d: {  	s0 =	simm.s32 @!p0 $0x7  }
0x10e: {  	_ =	swait.ge @!p0 [sflag:s0], s1  }
0x10f: {  	s1 =	ssub.s32 @!p0 $0x0, s1;
	[sflag:s0] =	ssyncset.done @!p0 $0x0  }
0x110: {  	[sflag:s0] =	ssyncadd.s32 @!p0 s1  }
0x111: {  	[bflag:$0x3] =	sbarrier.arrive $0xFFFF  }
0x112: {  	_ =	shalt  }

</sc_bundles>
